<compile_context>
chip_gen: v7x
topology: tpu7x:2x2x1
jax: 0.10.2.dev20260603
libtpu: 0.0.44.dev20260713+nightly
codegen_flags: <defaults>
</compile_context>

<pallas_src>
import jax
import jax.numpy as jnp
from jax import lax
from jax.experimental import pallas as pl
from jax.experimental.pallas import tpu as pltpu
from jax.experimental.pallas import tpu_sc as plsc

B = 4096
HIST = 50
D = 64
L = 16
NJ = D // L
NC, NS = 2, 16
NW = NC * NS
BW = B // NW
GRP = 2
ROWS = GRP * HIST
ND = BW // GRP
LG = BW // L
HGE = L // 2
DPH = HGE // GRP
NH = BW // HGE
AVG_RATING = 3.5
XN = 100000
FB = 2048
FG = 25
HALF = FG * FB


def _tc_fold_body(a_ref, b_ref, o_ref):
    o_ref[...] = jnp.concatenate([a_ref[...].T, b_ref[...].T], axis=1)


def _fold_pairs(t):
    tt = t.T
    return pl.pallas_call(
        _tc_fold_body,
        grid=(FG,),
        in_specs=[pl.BlockSpec((D, FB), lambda i: (0, i)),
                  pl.BlockSpec((D, FB),
                               lambda i: (0, jnp.minimum(i + FG, 48)))],
        out_specs=pl.BlockSpec((FB, 2 * D), lambda i: (i, 0)),
        out_shape=jax.ShapeDtypeStruct((HALF, 2 * D), jnp.float32),
    )(tt, tt)


def _sc_body(user_h, item_h, simt_h, ubias_h, ibias_h, q_h, x_h,
             lut_h, out_h, ubo_h, ibo_h,
             sim_v, simt_v, uidx_v, iidx_v, urow_v, irow_v, qrow_v, ubr_v,
             ibr_v,
             ub_v, ib_v, q_v, xl_v, zidx_v, x0r_v, n0f_v, scale_v, out_v,
             rows0, rows1, sem_m, sem0, sem1):
    wid = lax.axis_index("c") * NS + lax.axis_index("s")
    base = wid * BW

    pltpu.sync_copy(simt_h.at[:, pl.ds(base, BW)], simt_v)
    pltpu.sync_copy(user_h.at[pl.ds(base, BW)], uidx_v)
    pltpu.sync_copy(item_h.at[pl.ds(base, BW)], iidx_v)
    pltpu.sync_copy(lut_h, xl_v)
    zidx_v[...] = jnp.zeros((L,), jnp.int32)

    for lg in range(LG):
        sl = pl.ds(lg * L, L)
        urow_v[sl] = lax.shift_right_logical(uidx_v[sl], 4)
        irow_v[sl] = lax.shift_right_logical(iidx_v[sl], 4)
        iv = iidx_v[sl]
        hv = iv // HALF
        qrow_v[sl] = 2 * (iv - HALF * hv) + hv

    cp_ub = pltpu.async_copy(ubias_h.at[urow_v], ubr_v, sem_m)
    cp_ib = pltpu.async_copy(ibias_h.at[irow_v], ibr_v, sem_m)
    cp_q = pltpu.async_copy(q_h.at[qrow_v], q_v, sem_m)
    cp_x0 = pltpu.async_copy(x_h.at[zidx_v], x0r_v, sem_m)

    lanes0 = jnp.arange(L, dtype=jnp.int32)

    def build_body(c, _):
        f = c * L + lanes0
        b = f // HIST
        n = f - b * HIST
        v = plsc.load_gather(simt_v, [n, b])
        hv = v // HALF
        v = 2 * (v - HALF * hv) + hv
        plsc.store_scatter(sim_v, [f // ROWS, f % ROWS], v)
        return 0

    lax.fori_loop(0, (BW * HIST) // L, build_body, 0)

    def fire(h, rows_v, sem):
        for k in range(DPH):
            pltpu.async_copy(x_h.at[sim_v.at[h * DPH + k]],
                             rows_v.at[pl.ds(k * ROWS, ROWS)], sem)

    fire(0, rows0, sem0)
    fire(1, rows1, sem1)

    one = jnp.ones((L,), jnp.int32)

    def n0_body(lg, _):
        sl = pl.ds(lg * L, L)
        nnz = jnp.zeros((L,), jnp.int32)
        for n in range(HIST):
            nnz = nnz + jnp.minimum(simt_v[n, sl], one)
        n0f_v[sl] = (HIST - nnz).astype(jnp.float32)
        scale_v[sl] = plsc.load_gather(xl_v, [nnz])
        return 0

    lax.fori_loop(0, LG, n0_body, 0)

    cp_ub.wait()
    cp_ib.wait()
    cp_q.wait()
    cp_x0.wait()

    lanes = jnp.arange(L, dtype=jnp.int32)

    def do_half(lg, half, rows_v, sem, n0f16, x0, dotv):
        h = 2 * lg + half
        pltpu.make_async_copy(x_h.at[pl.ds(0, HGE * HIST)], rows_v, sem).wait()

        for p in range(DPH):
            def acc_body(n, a):
                r0 = p * ROWS + 2 * n
                r1 = r0 + HIST
                return tuple(
                    [a[j] + (rows_v[r0, pl.ds(j * L, L)]
                             + rows_v[r0 + 1, pl.ds(j * L, L)])
                     for j in range(NJ)]
                    + [a[NJ + j] + (rows_v[r1, pl.ds(j * L, L)]
                                    + rows_v[r1 + 1, pl.ds(j * L, L)])
                       for j in range(NJ)])

            zero = tuple(jnp.zeros((L,), jnp.float32) for _ in range(2 * NJ))
            a = lax.fori_loop(0, HIST // 2, acc_body, zero)

            for e2 in range(2):
                e = half * HGE + 2 * p + e2
                n0f = n0f16[e]
                s = jnp.zeros((L,), jnp.float32)
                for j in range(NJ):
                    t = a[e2 * NJ + j] - n0f * x0[j]
                    s = s + t * q_v[lg * L + e, pl.ds(j * L, L)]
                oneh = (1 - jnp.minimum(jnp.abs(lanes - e), 1)).astype(
                    jnp.float32)
                dotv = dotv + jnp.sum(s) * oneh

        @pl.when(h + 2 < NH)
        def _():
            fire(h + 2, rows_v, sem)

        return dotv

    def main_body(lg, _):
        sl16 = pl.ds(lg * L, L)
        n0f16 = n0f_v[sl16]
        x0 = [x0r_v[0, pl.ds(j * L, L)] for j in range(NJ)]
        dotv = jnp.zeros((L,), jnp.float32)
        dotv = do_half(lg, 0, rows0, sem0, n0f16, x0, dotv)
        dotv = do_half(lg, 1, rows1, sem1, n0f16, x0, dotv)

        bvec = lg * L + lanes
        ub16 = plsc.load_gather(ubr_v, [bvec, uidx_v[sl16] & 15])
        ib16 = plsc.load_gather(ibr_v, [bvec, iidx_v[sl16] & 15])
        ub_v[sl16] = ub16
        ib_v[sl16] = ib16
        out_v[sl16] = AVG_RATING + ub16 + ib16 + dotv * scale_v[sl16]
        return 0

    lax.fori_loop(0, LG, main_body, 0)

    pltpu.sync_copy(out_v, out_h.at[pl.ds(base, BW)])
    pltpu.sync_copy(ub_v, ubo_h.at[pl.ds(base, BW)])
    pltpu.sync_copy(ib_v, ibo_h.at[pl.ds(base, BW)])


@jax.jit
def kernel(user, item, similar_explicit, user_bias, item_bias, item_q, item_x):
    user = user.astype(jnp.int32)
    item = item.astype(jnp.int32)
    simt = similar_explicit.astype(jnp.int32).T
    lut = 1.0 / (jnp.sqrt(jnp.arange(D, dtype=jnp.float32)) + 1e-13)

    f32, i32 = jnp.float32, jnp.int32
    run = pl.kernel(
        _sc_body,
        out_type=(
            jax.ShapeDtypeStruct((B,), f32),
            jax.ShapeDtypeStruct((B,), f32),
            jax.ShapeDtypeStruct((B,), f32),
        ),
        mesh=plsc.VectorSubcoreMesh(core_axis_name="c", subcore_axis_name="s"),
        compiler_params=pltpu.CompilerParams(use_tc_tiling_on_sc=False,
                                             needs_layout_passes=False),
        scratch_types=(
            pltpu.VMEM((ND, ROWS), i32),
            pltpu.VMEM((HIST, BW), i32),
            pltpu.VMEM((BW,), i32),
            pltpu.VMEM((BW,), i32),
            pltpu.VMEM((BW,), i32),
            pltpu.VMEM((BW,), i32),
            pltpu.VMEM((BW,), i32),
            pltpu.VMEM((BW, L), f32),
            pltpu.VMEM((BW, L), f32),
            pltpu.VMEM((BW,), f32),
            pltpu.VMEM((BW,), f32),
            pltpu.VMEM((BW, D), f32),
            pltpu.VMEM((D,), f32),
            pltpu.VMEM((L,), i32),
            pltpu.VMEM((L, D), f32),
            pltpu.VMEM((BW,), f32),
            pltpu.VMEM((BW,), f32),
            pltpu.VMEM((BW,), f32),
            pltpu.VMEM((HGE * HIST, D), f32),
            pltpu.VMEM((HGE * HIST, D), f32),
            pltpu.SemaphoreType.DMA,
            pltpu.SemaphoreType.DMA,
            pltpu.SemaphoreType.DMA,
        ),
    )
    q_lin = _fold_pairs(item_q).reshape(2 * HALF, D)
    x_lin = _fold_pairs(item_x).reshape(2 * HALF, D)
    out, ub, ib = run(user, item, simt,
                      user_bias.reshape(-1, L), item_bias.reshape(-1, L),
                      q_lin, x_lin, lut)
    return (out, ub, ib)

# --- scband reference (transcript-rebuilt; emitter-appended) ---
"""Pipeline reference for scband-paterek-svd-49821620634216 (READ-ONLY COPY).

The authoritative reference and input builder live on the scoring server;
editing this copy changes nothing except your own understanding.
"""

import jax, jax.numpy as jnp
import numpy as np

NUM_USERS = 100000
NUM_ITEMS = 100000
EMBED_DIM = 64
BATCH = 4096
HIST = 50
AVG_RATING = 3.5
BIAS_INIT = (5.0 - 1.0) / 2.0  # (max_rating - min_rating) / 2


def setup_inputs(seed: int = 0) -> dict:
    key = jax.random.key(seed)
    k1, k2, k3, k4, k5 = jax.random.split(key, 5)
    user = jax.random.randint(k1, (BATCH,), 0, NUM_USERS)
    item = jax.random.randint(k2, (BATCH,), 0, NUM_ITEMS)
    similar_explicit = jax.random.randint(k3, (BATCH, HIST), 0, NUM_ITEMS)
    user_bias = jnp.full((NUM_USERS,), BIAS_INIT, dtype=jnp.float32)
    item_bias = jnp.full((NUM_ITEMS,), BIAS_INIT, dtype=jnp.float32)
    item_q = jax.random.normal(k4, (NUM_ITEMS, EMBED_DIM), dtype=jnp.float32) * 0.02
    item_x = jax.random.normal(k5, (NUM_ITEMS, EMBED_DIM), dtype=jnp.float32) * 0.02
    return {
        "user": user,
        "item": item,
        "similar_explicit": similar_explicit,
        "user_bias": user_bias,
        "item_bias": item_bias,
        "item_q": item_q,
        "item_x": item_x,
    }


def reference(user, item, similar_explicit, user_bias, item_bias, item_q, item_x):
    ub = jnp.take(user_bias, user, axis=0)                 # [B]
    ib = jnp.take(item_bias, item, axis=0)                 # [B]
    bias = AVG_RATING + ub + ib                            # [B]
    item_features = jnp.take(item_q, item, axis=0)         # [B, H]
    mask_item_x = (similar_explicit > 0).astype(jnp.float32)  # [B, N]
    ix = jnp.take(item_x, similar_explicit, axis=0)        # [B, N, H]
    scale = 1.0 / (jnp.sqrt(mask_item_x.sum(axis=-1)) + 1e-13)  # [B]
    user_features = jnp.einsum('bnh,bn,b->bh', ix, mask_item_x, scale)  # [B, H]
    output = bias + jnp.einsum('bh,bh->b', user_features, item_features)  # [B]
    return (output, ub, ib)

if __name__ == "__main__":
    import jax
    _d = setup_inputs()
    print(jax.jit(kernel)(*tuple(_d.values())))

</pallas_src>

<mosaic_0001>
#map = affine_map<(d0, d1) -> (0)>
#map1 = affine_map<(d0, d1) -> (0, 0)>
module attributes {stable_mosaic.version = 14 : i64} {
  func.func @_sc_body(%arg0: i32, %arg1: i32, %arg2: memref<4096xi32, #tpu.memory_space<hbm>>, %arg3: memref<4096xi32, #tpu.memory_space<hbm>>, %arg4: memref<50x4096xi32, #tpu.memory_space<hbm>>, %arg5: memref<6250x16xf32, #tpu.memory_space<hbm>>, %arg6: memref<6250x16xf32, #tpu.memory_space<hbm>>, %arg7: memref<102400x64xf32, #tpu.memory_space<hbm>>, %arg8: memref<102400x64xf32, #tpu.memory_space<hbm>>, %arg9: memref<64xf32, #tpu.memory_space<hbm>>, %arg10: memref<4096xf32, #tpu.memory_space<hbm>>, %arg11: memref<4096xf32, #tpu.memory_space<hbm>>, %arg12: memref<4096xf32, #tpu.memory_space<hbm>>, %arg13: memref<64x100xi32, #tpu.memory_space<vmem>>, %arg14: memref<50x128xi32, #tpu.memory_space<vmem>>, %arg15: memref<128xi32, #tpu.memory_space<vmem>>, %arg16: memref<128xi32, #tpu.memory_space<vmem>>, %arg17: memref<128xi32, #tpu.memory_space<vmem>>, %arg18: memref<128xi32, #tpu.memory_space<vmem>>, %arg19: memref<128xi32, #tpu.memory_space<vmem>>, %arg20: memref<128x16xf32, #tpu.memory_space<vmem>>, %arg21: memref<128x16xf32, #tpu.memory_space<vmem>>, %arg22: memref<128xf32, #tpu.memory_space<vmem>>, %arg23: memref<128xf32, #tpu.memory_space<vmem>>, %arg24: memref<128x64xf32, #tpu.memory_space<vmem>>, %arg25: memref<64xf32, #tpu.memory_space<vmem>>, %arg26: memref<16xi32, #tpu.memory_space<vmem>>, %arg27: memref<16x64xf32, #tpu.memory_space<vmem>>, %arg28: memref<128xf32, #tpu.memory_space<vmem>>, %arg29: memref<128xf32, #tpu.memory_space<vmem>>, %arg30: memref<128xf32, #tpu.memory_space<vmem>>, %arg31: memref<400x64xf32, #tpu.memory_space<vmem>>, %arg32: memref<400x64xf32, #tpu.memory_space<vmem>>, %arg33: memref<!tpu.dma_semaphore, #tpu.memory_space<semaphore_mem>>, %arg34: memref<!tpu.dma_semaphore, #tpu.memory_space<semaphore_mem>>, %arg35: memref<!tpu.dma_semaphore, #tpu.memory_space<semaphore_mem>>) attributes {dimension_semantics = [#tpu.dimension_semantics<core_parallel>, #tpu.dimension_semantics<subcore_parallel>], iteration_bounds = array<i64: 2, 16>, scalar_prefetch = 0 : i64, scratch_operands = 23 : i64, tpu.core_type = #tpu.core_type<sc_vector_subcore>, window_params = [{transform_indices = #map}, {transform_indices = #map}, {transform_indices = #map1}, {transform_indices = #map1}, {transform_indices = #map1}, {transform_indices = #map1}, {transform_indices = #map1}, {transform_indices = #map}, {transform_indices = #map}, {transform_indices = #map}, {transform_indices = #map}]} {
    %mul3A = arith.constant 16 : i32
    %mul3A_0 = arith.muli %arg0, %mul3A : i32
    %add3A = arith.addi %mul3A_0, %arg1 : i32
    %mul3A_1 = arith.constant 128 : i32
    %mul3A_2 = arith.muli %add3A, %mul3A_1 : i32
    "tpu.region"() ({
      %run_scoped3A = tpu.sem_alloc : memref<!tpu.dma_semaphore, #tpu.memory_space<semaphore_mem>>
      %dma_start3A_576 = arith.constant 0 : i32
      %dma_start3A_577 = tpu.memref_slice %arg4[%dma_start3A_576, %mul3A_2] : memref<50x4096xi32, #tpu.memory_space<hbm>> -> memref<50x128xi32, #tpu.memory_space<hbm>>
      %dma_start3A_578 = arith.constant 0 : i32
      %dma_start3A_579 = tpu.memref_slice %arg4[%dma_start3A_578, %mul3A_2] : memref<50x4096xi32, #tpu.memory_space<hbm>> -> memref<50x128xi32, #tpu.memory_space<hbm>>
      tpu.enqueue_dma source(%dma_start3A_579 : memref<50x128xi32, #tpu.memory_space<hbm>>) target(%arg14 : memref<50x128xi32, #tpu.memory_space<vmem>>) target_semaphore(%run_scoped3A : memref<!tpu.dma_semaphore, #tpu.memory_space<semaphore_mem>>)
      %dma_wait3A_580 = arith.constant 0 : i32
      %dma_wait3A_581 = tpu.memref_slice %arg4[%dma_wait3A_580, %mul3A_2] : memref<50x4096xi32, #tpu.memory_space<hbm>> -> memref<50x128xi32, #tpu.memory_space<hbm>>
      %dma_wait3A_582 = arith.constant 0 : i32
      %dma_wait3A_583 = tpu.memref_slice %arg4[%dma_wait3A_582, %mul3A_2] : memref<50x4096xi32, #tpu.memory_space<hbm>> -> memref<50x128xi32, #tpu.memory_space<hbm>>
      tpu.wait_dma2 semaphore(%run_scoped3A : memref<!tpu.dma_semaphore, #tpu.memory_space<semaphore_mem>>) src(%dma_wait3A_583 : memref<50x128xi32, #tpu.memory_space<hbm>>) dst(%arg14 : memref<50x128xi32, #tpu.memory_space<vmem>>)
      tpu.yield
    }) : () -> ()
    "tpu.region"() ({
      %run_scoped3A = tpu.sem_alloc : memref<!tpu.dma_semaphore, #tpu.memory_space<semaphore_mem>>
      %dma_start3A_576 = tpu.memref_slice %arg2[%mul3A_2] : memref<4096xi32, #tpu.memory_space<hbm>> -> memref<128xi32, #tpu.memory_space<hbm>>
      %dma_start3A_577 = tpu.memref_slice %arg2[%mul3A_2] : memref<4096xi32, #tpu.memory_space<hbm>> -> memref<128xi32, #tpu.memory_space<hbm>>
      tpu.enqueue_dma source(%dma_start3A_577 : memref<128xi32, #tpu.memory_space<hbm>>) target(%arg15 : memref<128xi32, #tpu.memory_space<vmem>>) target_semaphore(%run_scoped3A : memref<!tpu.dma_semaphore, #tpu.memory_space<semaphore_mem>>)
      %dma_wait3A_578 = tpu.memref_slice %arg2[%mul3A_2] : memref<4096xi32, #tpu.memory_space<hbm>> -> memref<128xi32, #tpu.memory_space<hbm>>
      %dma_wait3A_579 = tpu.memref_slice %arg2[%mul3A_2] : memref<4096xi32, #tpu.memory_space<hbm>> -> memref<128xi32, #tpu.memory_space<hbm>>
      tpu.wait_dma2 semaphore(%run_scoped3A : memref<!tpu.dma_semaphore, #tpu.memory_space<semaphore_mem>>) src(%dma_wait3A_579 : memref<128xi32, #tpu.memory_space<hbm>>) dst(%arg15 : memref<128xi32, #tpu.memory_space<vmem>>)
      tpu.yield
    }) : () -> ()
    "tpu.region"() ({
      %run_scoped3A = tpu.sem_alloc : memref<!tpu.dma_semaphore, #tpu.memory_space<semaphore_mem>>
      %dma_start3A_576 = tpu.memref_slice %arg3[%mul3A_2] : memref<4096xi32, #tpu.memory_space<hbm>> -> memref<128xi32, #tpu.memory_space<hbm>>
      %dma_start3A_577 = tpu.memref_slice %arg3[%mul3A_2] : memref<4096xi32, #tpu.memory_space<hbm>> -> memref<128xi32, #tpu.memory_space<hbm>>
      tpu.enqueue_dma source(%dma_start3A_577 : memref<128xi32, #tpu.memory_space<hbm>>) target(%arg16 : memref<128xi32, #tpu.memory_space<vmem>>) target_semaphore(%run_scoped3A : memref<!tpu.dma_semaphore, #tpu.memory_space<semaphore_mem>>)
      %dma_wait3A_578 = tpu.memref_slice %arg3[%mul3A_2] : memref<4096xi32, #tpu.memory_space<hbm>> -> memref<128xi32, #tpu.memory_space<hbm>>
      %dma_wait3A_579 = tpu.memref_slice %arg3[%mul3A_2] : memref<4096xi32, #tpu.memory_space<hbm>> -> memref<128xi32, #tpu.memory_space<hbm>>
      tpu.wait_dma2 semaphore(%run_scoped3A : memref<!tpu.dma_semaphore, #tpu.memory_space<semaphore_mem>>) src(%dma_wait3A_579 : memref<128xi32, #tpu.memory_space<hbm>>) dst(%arg16 : memref<128xi32, #tpu.memory_space<vmem>>)
      tpu.yield
    }) : () -> ()
    "tpu.region"() ({
      %run_scoped3A = tpu.sem_alloc : memref<!tpu.dma_semaphore, #tpu.memory_space<semaphore_mem>>
      tpu.enqueue_dma source(%arg9 : memref<64xf32, #tpu.memory_space<hbm>>) target(%arg25 : memref<64xf32, #tpu.memory_space<vmem>>) target_semaphore(%run_scoped3A : memref<!tpu.dma_semaphore, #tpu.memory_space<semaphore_mem>>)
      tpu.wait_dma2 semaphore(%run_scoped3A : memref<!tpu.dma_semaphore, #tpu.memory_space<semaphore_mem>>) src(%arg9 : memref<64xf32, #tpu.memory_space<hbm>>) dst(%arg25 : memref<64xf32, #tpu.memory_space<vmem>>)
      tpu.yield
    }) : () -> ()
    %broadcast_in_dim3A = arith.constant 0 : i32
    %broadcast_in_dim3A_3 = vector.broadcast %broadcast_in_dim3A : i32 to vector<16xi32>
    %swap3A = arith.constant 0 : index
    %swap3A_4 = tpu.vector_load %arg26[%swap3A] {strides = array<i32>} : memref<16xi32, #tpu.memory_space<vmem>>, vector<16xi32>,
    tpu.vector_store %arg26[%swap3A], %broadcast_in_dim3A_3 {strides = array<i32>} : memref<16xi32, #tpu.memory_space<vmem>>, vector<16xi32>,
    %get3A = arith.constant 0 : index
    %get3A_5 = tpu.vector_load %arg15[%get3A] {strides = array<i32>} : memref<128xi32, #tpu.memory_space<vmem>>, vector<16xi32>,
    %shift_right_logical3A = arith.constant 4 : i32
    %shift_right_logical3A_6 = vector.broadcast %shift_right_logical3A : i32 to vector<16xi32>
    %shift_right_logical3A_7 = arith.shrui %get3A_5, %shift_right_logical3A_6 : vector<16xi32>
    %swap3A_8 = arith.constant 0 : index
    %swap3A_9 = tpu.vector_load %arg17[%swap3A_8] {strides = array<i32>} : memref<128xi32, #tpu.memory_space<vmem>>, vector<16xi32>,
    tpu.vector_store %arg17[%swap3A_8], %shift_right_logical3A_7 {strides = array<i32>} : memref<128xi32, #tpu.memory_space<vmem>>, vector<16xi32>,
    %get3A_10 = arith.constant 0 : index
    %get3A_11 = tpu.vector_load %arg16[%get3A_10] {strides = array<i32>} : memref<128xi32, #tpu.memory_space<vmem>>, vector<16xi32>,
    %shift_right_logical3A_12 = arith.constant 4 : i32
    %shift_right_logical3A_13 = vector.broadcast %shift_right_logical3A_12 : i32 to vector<16xi32>
    %shift_right_logical3A_14 = arith.shrui %get3A_11, %shift_right_logical3A_13 : vector<16xi32>
    %swap3A_15 = arith.constant 0 : index
    %swap3A_16 = tpu.vector_load %arg18[%swap3A_15] {strides = array<i32>} : memref<128xi32, #tpu.memory_space<vmem>>, vector<16xi32>,
    tpu.vector_store %arg18[%swap3A_15], %shift_right_logical3A_14 {strides = array<i32>} : memref<128xi32, #tpu.memory_space<vmem>>, vector<16xi32>,
    %get3A_17 = arith.constant 0 : index
    %get3A_18 = tpu.vector_load %arg16[%get3A_17] {strides = array<i32>} : memref<128xi32, #tpu.memory_space<vmem>>, vector<16xi32>,
    %jit3A = arith.constant 51200 : i32
    %div3A = vector.broadcast %jit3A : i32 to vector<16xi32>
    %div3A_19 = arith.divsi %get3A_18, %div3A : vector<16xi32>
    %sign3A = arith.constant 0 : i32
    %sign3A_20 = vector.broadcast %sign3A : i32 to vector<16xi32>
    %sign3A_21 = arith.cmpi sgt, %get3A_18, %sign3A_20 : vector<16xi32>
    %sign3A_22 = arith.extui %sign3A_21 : vector<16xi1> to vector<16xi32>
    %sign3A_23 = arith.constant 0 : i32
    %sign3A_24 = vector.broadcast %sign3A_23 : i32 to vector<16xi32>
    %sign3A_25 = arith.cmpi slt, %get3A_18, %sign3A_24 : vector<16xi32>
    %sign3A_26 = arith.extui %sign3A_25 : vector<16xi1> to vector<16xi32>
    %sign3A_27 = arith.subi %sign3A_22, %sign3A_26 : vector<16xi32>
    %sign3A_28 = arith.constant 0 : i32
    %sign3A_29 = arith.cmpi sgt, %jit3A, %sign3A_28 : i32
    %sign3A_30 = arith.extui %sign3A_29 : i1 to i32
    %sign3A_31 = arith.constant 0 : i32
    %sign3A_32 = arith.cmpi slt, %jit3A, %sign3A_31 : i32
    %sign3A_33 = arith.extui %sign3A_32 : i1 to i32
    %sign3A_34 = arith.subi %sign3A_30, %sign3A_33 : i32
    %ne3A = vector.broadcast %sign3A_34 : i32 to vector<16xi32>
    %ne3A_35 = arith.cmpi ne, %sign3A_27, %ne3A : vector<16xi32>
    %rem3A = vector.broadcast %jit3A : i32 to vector<16xi32>
    %rem3A_36 = arith.remsi %get3A_18, %rem3A : vector<16xi32>
    %ne3A_37 = arith.constant 0 : i32
    %ne3A_38 = vector.broadcast %ne3A_37 : i32 to vector<16xi32>
    %ne3A_39 = arith.cmpi ne, %rem3A_36, %ne3A_38 : vector<16xi32>
    %and3A = arith.andi %ne3A_35, %ne3A_39 : vector<16xi1>
    %sub3A = arith.constant 1 : i32
    %sub3A_40 = vector.broadcast %sub3A : i32 to vector<16xi32>
    %sub3A_41 = arith.subi %div3A_19, %sub3A_40 : vector<16xi32>
    %select_n3A = arith.select %and3A, %sub3A_41, %div3A_19 : vector<16xi1>, vector<16xi32>
    %mul3A_42 = arith.constant 51200 : i32
    %mul3A_43 = vector.broadcast %mul3A_42 : i32 to vector<16xi32>
    %mul3A_44 = arith.muli %mul3A_43, %select_n3A : vector<16xi32>
    %sub3A_45 = arith.subi %get3A_18, %mul3A_44 : vector<16xi32>
    %mul3A_46 = arith.constant 2 : i32
    %mul3A_47 = vector.broadcast %mul3A_46 : i32 to vector<16xi32>
    %mul3A_48 = arith.muli %mul3A_47, %sub3A_45 : vector<16xi32>
    %add3A_49 = arith.addi %mul3A_48, %select_n3A : vector<16xi32>
    %swap3A_50 = arith.constant 0 : index
    %swap3A_51 = tpu.vector_load %arg19[%swap3A_50] {strides = array<i32>} : memref<128xi32, #tpu.memory_space<vmem>>, vector<16xi32>,
    tpu.vector_store %arg19[%swap3A_50], %add3A_49 {strides = array<i32>} : memref<128xi32, #tpu.memory_space<vmem>>, vector<16xi32>,
    %get3A_52 = arith.constant 16 : index
    %get3A_53 = tpu.vector_load %arg15[%get3A_52] {strides = array<i32>} : memref<128xi32, #tpu.memory_space<vmem>>, vector<16xi32>,
    %shift_right_logical3A_54 = arith.constant 4 : i32
    %shift_right_logical3A_55 = vector.broadcast %shift_right_logical3A_54 : i32 to vector<16xi32>
    %shift_right_logical3A_56 = arith.shrui %get3A_53, %shift_right_logical3A_55 : vector<16xi32>
    %swap3A_57 = arith.constant 16 : index
    %swap3A_58 = tpu.vector_load %arg17[%swap3A_57] {strides = array<i32>} : memref<128xi32, #tpu.memory_space<vmem>>, vector<16xi32>,
    tpu.vector_store %arg17[%swap3A_57], %shift_right_logical3A_56 {strides = array<i32>} : memref<128xi32, #tpu.memory_space<vmem>>, vector<16xi32>,
    %get3A_59 = arith.constant 16 : index
    %get3A_60 = tpu.vector_load %arg16[%get3A_59] {strides = array<i32>} : memref<128xi32, #tpu.memory_space<vmem>>, vector<16xi32>,
    %shift_right_logical3A_61 = arith.constant 4 : i32
    %shift_right_logical3A_62 = vector.broadcast %shift_right_logical3A_61 : i32 to vector<16xi32>
    %shift_right_logical3A_63 = arith.shrui %get3A_60, %shift_right_logical3A_62 : vector<16xi32>
    %swap3A_64 = arith.constant 16 : index
    %swap3A_65 = tpu.vector_load %arg18[%swap3A_64] {strides = array<i32>} : memref<128xi32, #tpu.memory_space<vmem>>, vector<16xi32>,
    tpu.vector_store %arg18[%swap3A_64], %shift_right_logical3A_63 {strides = array<i32>} : memref<128xi32, #tpu.memory_space<vmem>>, vector<16xi32>,
    %get3A_66 = arith.constant 16 : index
    %get3A_67 = tpu.vector_load %arg16[%get3A_66] {strides = array<i32>} : memref<128xi32, #tpu.memory_space<vmem>>, vector<16xi32>,
    %jit3A_68 = arith.constant 51200 : i32
    %div3A_69 = vector.broadcast %jit3A_68 : i32 to vector<16xi32>
    %div3A_70 = arith.divsi %get3A_67, %div3A_69 : vector<16xi32>
    %sign3A_71 = arith.constant 0 : i32
    %sign3A_72 = vector.broadcast %sign3A_71 : i32 to vector<16xi32>
    %sign3A_73 = arith.cmpi sgt, %get3A_67, %sign3A_72 : vector<16xi32>
    %sign3A_74 = arith.extui %sign3A_73 : vector<16xi1> to vector<16xi32>
    %sign3A_75 = arith.constant 0 : i32
    %sign3A_76 = vector.broadcast %sign3A_75 : i32 to vector<16xi32>
    %sign3A_77 = arith.cmpi slt, %get3A_67, %sign3A_76 : vector<16xi32>
    %sign3A_78 = arith.extui %sign3A_77 : vector<16xi1> to vector<16xi32>
    %sign3A_79 = arith.subi %sign3A_74, %sign3A_78 : vector<16xi32>
    %sign3A_80 = arith.constant 0 : i32
    %sign3A_81 = arith.cmpi sgt, %jit3A_68, %sign3A_80 : i32
    %sign3A_82 = arith.extui %sign3A_81 : i1 to i32
    %sign3A_83 = arith.constant 0 : i32
    %sign3A_84 = arith.cmpi slt, %jit3A_68, %sign3A_83 : i32
    %sign3A_85 = arith.extui %sign3A_84 : i1 to i32
    %sign3A_86 = arith.subi %sign3A_82, %sign3A_85 : i32
    %ne3A_87 = vector.broadcast %sign3A_86 : i32 to vector<16xi32>
    %ne3A_88 = arith.cmpi ne, %sign3A_79, %ne3A_87 : vector<16xi32>
    %rem3A_89 = vector.broadcast %jit3A_68 : i32 to vector<16xi32>
    %rem3A_90 = arith.remsi %get3A_67, %rem3A_89 : vector<16xi32>
    %ne3A_91 = arith.constant 0 : i32
    %ne3A_92 = vector.broadcast %ne3A_91 : i32 to vector<16xi32>
    %ne3A_93 = arith.cmpi ne, %rem3A_90, %ne3A_92 : vector<16xi32>
    %and3A_94 = arith.andi %ne3A_88, %ne3A_93 : vector<16xi1>
    %sub3A_95 = arith.constant 1 : i32
    %sub3A_96 = vector.broadcast %sub3A_95 : i32 to vector<16xi32>
    %sub3A_97 = arith.subi %div3A_70, %sub3A_96 : vector<16xi32>
    %select_n3A_98 = arith.select %and3A_94, %sub3A_97, %div3A_70 : vector<16xi1>, vector<16xi32>
    %mul3A_99 = arith.constant 51200 : i32
    %mul3A_100 = vector.broadcast %mul3A_99 : i32 to vector<16xi32>
    %mul3A_101 = arith.muli %mul3A_100, %select_n3A_98 : vector<16xi32>
    %sub3A_102 = arith.subi %get3A_67, %mul3A_101 : vector<16xi32>
    %mul3A_103 = arith.constant 2 : i32
    %mul3A_104 = vector.broadcast %mul3A_103 : i32 to vector<16xi32>
    %mul3A_105 = arith.muli %mul3A_104, %sub3A_102 : vector<16xi32>
    %add3A_106 = arith.addi %mul3A_105, %select_n3A_98 : vector<16xi32>
    %swap3A_107 = arith.constant 16 : index
    %swap3A_108 = tpu.vector_load %arg19[%swap3A_107] {strides = array<i32>} : memref<128xi32, #tpu.memory_space<vmem>>, vector<16xi32>,
    tpu.vector_store %arg19[%swap3A_107], %add3A_106 {strides = array<i32>} : memref<128xi32, #tpu.memory_space<vmem>>, vector<16xi32>,
    %get3A_109 = arith.constant 32 : index
    %get3A_110 = tpu.vector_load %arg15[%get3A_109] {strides = array<i32>} : memref<128xi32, #tpu.memory_space<vmem>>, vector<16xi32>,
    %shift_right_logical3A_111 = arith.constant 4 : i32
    %shift_right_logical3A_112 = vector.broadcast %shift_right_logical3A_111 : i32 to vector<16xi32>
    %shift_right_logical3A_113 = arith.shrui %get3A_110, %shift_right_logical3A_112 : vector<16xi32>
    %swap3A_114 = arith.constant 32 : index
    %swap3A_115 = tpu.vector_load %arg17[%swap3A_114] {strides = array<i32>} : memref<128xi32, #tpu.memory_space<vmem>>, vector<16xi32>,
    tpu.vector_store %arg17[%swap3A_114], %shift_right_logical3A_113 {strides = array<i32>} : memref<128xi32, #tpu.memory_space<vmem>>, vector<16xi32>,
    %get3A_116 = arith.constant 32 : index
    %get3A_117 = tpu.vector_load %arg16[%get3A_116] {strides = array<i32>} : memref<128xi32, #tpu.memory_space<vmem>>, vector<16xi32>,
    %shift_right_logical3A_118 = arith.constant 4 : i32
    %shift_right_logical3A_119 = vector.broadcast %shift_right_logical3A_118 : i32 to vector<16xi32>
    %shift_right_logical3A_120 = arith.shrui %get3A_117, %shift_right_logical3A_119 : vector<16xi32>
    %swap3A_121 = arith.constant 32 : index
    %swap3A_122 = tpu.vector_load %arg18[%swap3A_121] {strides = array<i32>} : memref<128xi32, #tpu.memory_space<vmem>>, vector<16xi32>,
    tpu.vector_store %arg18[%swap3A_121], %shift_right_logical3A_120 {strides = array<i32>} : memref<128xi32, #tpu.memory_space<vmem>>, vector<16xi32>,
    %get3A_123 = arith.constant 32 : index
    %get3A_124 = tpu.vector_load %arg16[%get3A_123] {strides = array<i32>} : memref<128xi32, #tpu.memory_space<vmem>>, vector<16xi32>,
    %jit3A_125 = arith.constant 51200 : i32
    %div3A_126 = vector.broadcast %jit3A_125 : i32 to vector<16xi32>
    %div3A_127 = arith.divsi %get3A_124, %div3A_126 : vector<16xi32>
    %sign3A_128 = arith.constant 0 : i32
    %sign3A_129 = vector.broadcast %sign3A_128 : i32 to vector<16xi32>
    %sign3A_130 = arith.cmpi sgt, %get3A_124, %sign3A_129 : vector<16xi32>
    %sign3A_131 = arith.extui %sign3A_130 : vector<16xi1> to vector<16xi32>
    %sign3A_132 = arith.constant 0 : i32
    %sign3A_133 = vector.broadcast %sign3A_132 : i32 to vector<16xi32>
    %sign3A_134 = arith.cmpi slt, %get3A_124, %sign3A_133 : vector<16xi32>
    %sign3A_135 = arith.extui %sign3A_134 : vector<16xi1> to vector<16xi32>
    %sign3A_136 = arith.subi %sign3A_131, %sign3A_135 : vector<16xi32>
    %sign3A_137 = arith.constant 0 : i32
    %sign3A_138 = arith.cmpi sgt, %jit3A_125, %sign3A_137 : i32
    %sign3A_139 = arith.extui %sign3A_138 : i1 to i32
    %sign3A_140 = arith.constant 0 : i32
    %sign3A_141 = arith.cmpi slt, %jit3A_125, %sign3A_140 : i32
    %sign3A_142 = arith.extui %sign3A_141 : i1 to i32
    %sign3A_143 = arith.subi %sign3A_139, %sign3A_142 : i32
    %ne3A_144 = vector.broadcast %sign3A_143 : i32 to vector<16xi32>
    %ne3A_145 = arith.cmpi ne, %sign3A_136, %ne3A_144 : vector<16xi32>
    %rem3A_146 = vector.broadcast %jit3A_125 : i32 to vector<16xi32>
    %rem3A_147 = arith.remsi %get3A_124, %rem3A_146 : vector<16xi32>
    %ne3A_148 = arith.constant 0 : i32
    %ne3A_149 = vector.broadcast %ne3A_148 : i32 to vector<16xi32>
    %ne3A_150 = arith.cmpi ne, %rem3A_147, %ne3A_149 : vector<16xi32>
    %and3A_151 = arith.andi %ne3A_145, %ne3A_150 : vector<16xi1>
    %sub3A_152 = arith.constant 1 : i32
    %sub3A_153 = vector.broadcast %sub3A_152 : i32 to vector<16xi32>
    %sub3A_154 = arith.subi %div3A_127, %sub3A_153 : vector<16xi32>
    %select_n3A_155 = arith.select %and3A_151, %sub3A_154, %div3A_127 : vector<16xi1>, vector<16xi32>
    %mul3A_156 = arith.constant 51200 : i32
    %mul3A_157 = vector.broadcast %mul3A_156 : i32 to vector<16xi32>
    %mul3A_158 = arith.muli %mul3A_157, %select_n3A_155 : vector<16xi32>
    %sub3A_159 = arith.subi %get3A_124, %mul3A_158 : vector<16xi32>
    %mul3A_160 = arith.constant 2 : i32
    %mul3A_161 = vector.broadcast %mul3A_160 : i32 to vector<16xi32>
    %mul3A_162 = arith.muli %mul3A_161, %sub3A_159 : vector<16xi32>
    %add3A_163 = arith.addi %mul3A_162, %select_n3A_155 : vector<16xi32>
    %swap3A_164 = arith.constant 32 : index
    %swap3A_165 = tpu.vector_load %arg19[%swap3A_164] {strides = array<i32>} : memref<128xi32, #tpu.memory_space<vmem>>, vector<16xi32>,
    tpu.vector_store %arg19[%swap3A_164], %add3A_163 {strides = array<i32>} : memref<128xi32, #tpu.memory_space<vmem>>, vector<16xi32>,
    %get3A_166 = arith.constant 48 : index
    %get3A_167 = tpu.vector_load %arg15[%get3A_166] {strides = array<i32>} : memref<128xi32, #tpu.memory_space<vmem>>, vector<16xi32>,
    %shift_right_logical3A_168 = arith.constant 4 : i32
    %shift_right_logical3A_169 = vector.broadcast %shift_right_logical3A_168 : i32 to vector<16xi32>
    %shift_right_logical3A_170 = arith.shrui %get3A_167, %shift_right_logical3A_169 : vector<16xi32>
    %swap3A_171 = arith.constant 48 : index
    %swap3A_172 = tpu.vector_load %arg17[%swap3A_171] {strides = array<i32>} : memref<128xi32, #tpu.memory_space<vmem>>, vector<16xi32>,
    tpu.vector_store %arg17[%swap3A_171], %shift_right_logical3A_170 {strides = array<i32>} : memref<128xi32, #tpu.memory_space<vmem>>, vector<16xi32>,
    %get3A_173 = arith.constant 48 : index
    %get3A_174 = tpu.vector_load %arg16[%get3A_173] {strides = array<i32>} : memref<128xi32, #tpu.memory_space<vmem>>, vector<16xi32>,
    %shift_right_logical3A_175 = arith.constant 4 : i32
    %shift_right_logical3A_176 = vector.broadcast %shift_right_logical3A_175 : i32 to vector<16xi32>
    %shift_right_logical3A_177 = arith.shrui %get3A_174, %shift_right_logical3A_176 : vector<16xi32>
    %swap3A_178 = arith.constant 48 : index
    %swap3A_179 = tpu.vector_load %arg18[%swap3A_178] {strides = array<i32>} : memref<128xi32, #tpu.memory_space<vmem>>, vector<16xi32>,
    tpu.vector_store %arg18[%swap3A_178], %shift_right_logical3A_177 {strides = array<i32>} : memref<128xi32, #tpu.memory_space<vmem>>, vector<16xi32>,
    %get3A_180 = arith.constant 48 : index
    %get3A_181 = tpu.vector_load %arg16[%get3A_180] {strides = array<i32>} : memref<128xi32, #tpu.memory_space<vmem>>, vector<16xi32>,
    %jit3A_182 = arith.constant 51200 : i32
    %div3A_183 = vector.broadcast %jit3A_182 : i32 to vector<16xi32>
    %div3A_184 = arith.divsi %get3A_181, %div3A_183 : vector<16xi32>
    %sign3A_185 = arith.constant 0 : i32
    %sign3A_186 = vector.broadcast %sign3A_185 : i32 to vector<16xi32>
    %sign3A_187 = arith.cmpi sgt, %get3A_181, %sign3A_186 : vector<16xi32>
    %sign3A_188 = arith.extui %sign3A_187 : vector<16xi1> to vector<16xi32>
    %sign3A_189 = arith.constant 0 : i32
    %sign3A_190 = vector.broadcast %sign3A_189 : i32 to vector<16xi32>
    %sign3A_191 = arith.cmpi slt, %get3A_181, %sign3A_190 : vector<16xi32>
    %sign3A_192 = arith.extui %sign3A_191 : vector<16xi1> to vector<16xi32>
    %sign3A_193 = arith.subi %sign3A_188, %sign3A_192 : vector<16xi32>
    %sign3A_194 = arith.constant 0 : i32
    %sign3A_195 = arith.cmpi sgt, %jit3A_182, %sign3A_194 : i32
    %sign3A_196 = arith.extui %sign3A_195 : i1 to i32
    %sign3A_197 = arith.constant 0 : i32
    %sign3A_198 = arith.cmpi slt, %jit3A_182, %sign3A_197 : i32
    %sign3A_199 = arith.extui %sign3A_198 : i1 to i32
    %sign3A_200 = arith.subi %sign3A_196, %sign3A_199 : i32
    %ne3A_201 = vector.broadcast %sign3A_200 : i32 to vector<16xi32>
    %ne3A_202 = arith.cmpi ne, %sign3A_193, %ne3A_201 : vector<16xi32>
    %rem3A_203 = vector.broadcast %jit3A_182 : i32 to vector<16xi32>
    %rem3A_204 = arith.remsi %get3A_181, %rem3A_203 : vector<16xi32>
    %ne3A_205 = arith.constant 0 : i32
    %ne3A_206 = vector.broadcast %ne3A_205 : i32 to vector<16xi32>
    %ne3A_207 = arith.cmpi ne, %rem3A_204, %ne3A_206 : vector<16xi32>
    %and3A_208 = arith.andi %ne3A_202, %ne3A_207 : vector<16xi1>
    %sub3A_209 = arith.constant 1 : i32
    %sub3A_210 = vector.broadcast %sub3A_209 : i32 to vector<16xi32>
    %sub3A_211 = arith.subi %div3A_184, %sub3A_210 : vector<16xi32>
    %select_n3A_212 = arith.select %and3A_208, %sub3A_211, %div3A_184 : vector<16xi1>, vector<16xi32>
    %mul3A_213 = arith.constant 51200 : i32
    %mul3A_214 = vector.broadcast %mul3A_213 : i32 to vector<16xi32>
    %mul3A_215 = arith.muli %mul3A_214, %select_n3A_212 : vector<16xi32>
    %sub3A_216 = arith.subi %get3A_181, %mul3A_215 : vector<16xi32>
    %mul3A_217 = arith.constant 2 : i32
    %mul3A_218 = vector.broadcast %mul3A_217 : i32 to vector<16xi32>
    %mul3A_219 = arith.muli %mul3A_218, %sub3A_216 : vector<16xi32>
    %add3A_220 = arith.addi %mul3A_219, %select_n3A_212 : vector<16xi32>
    %swap3A_221 = arith.constant 48 : index
    %swap3A_222 = tpu.vector_load %arg19[%swap3A_221] {strides = array<i32>} : memref<128xi32, #tpu.memory_space<vmem>>, vector<16xi32>,
    tpu.vector_store %arg19[%swap3A_221], %add3A_220 {strides = array<i32>} : memref<128xi32, #tpu.memory_space<vmem>>, vector<16xi32>,
    %get3A_223 = arith.constant 64 : index
    %get3A_224 = tpu.vector_load %arg15[%get3A_223] {strides = array<i32>} : memref<128xi32, #tpu.memory_space<vmem>>, vector<16xi32>,
    %shift_right_logical3A_225 = arith.constant 4 : i32
    %shift_right_logical3A_226 = vector.broadcast %shift_right_logical3A_225 : i32 to vector<16xi32>
    %shift_right_logical3A_227 = arith.shrui %get3A_224, %shift_right_logical3A_226 : vector<16xi32>
    %swap3A_228 = arith.constant 64 : index
    %swap3A_229 = tpu.vector_load %arg17[%swap3A_228] {strides = array<i32>} : memref<128xi32, #tpu.memory_space<vmem>>, vector<16xi32>,
    tpu.vector_store %arg17[%swap3A_228], %shift_right_logical3A_227 {strides = array<i32>} : memref<128xi32, #tpu.memory_space<vmem>>, vector<16xi32>,
    %get3A_230 = arith.constant 64 : index
    %get3A_231 = tpu.vector_load %arg16[%get3A_230] {strides = array<i32>} : memref<128xi32, #tpu.memory_space<vmem>>, vector<16xi32>,
    %shift_right_logical3A_232 = arith.constant 4 : i32
    %shift_right_logical3A_233 = vector.broadcast %shift_right_logical3A_232 : i32 to vector<16xi32>
    %shift_right_logical3A_234 = arith.shrui %get3A_231, %shift_right_logical3A_233 : vector<16xi32>
    %swap3A_235 = arith.constant 64 : index
    %swap3A_236 = tpu.vector_load %arg18[%swap3A_235] {strides = array<i32>} : memref<128xi32, #tpu.memory_space<vmem>>, vector<16xi32>,
    tpu.vector_store %arg18[%swap3A_235], %shift_right_logical3A_234 {strides = array<i32>} : memref<128xi32, #tpu.memory_space<vmem>>, vector<16xi32>,
    %get3A_237 = arith.constant 64 : index
    %get3A_238 = tpu.vector_load %arg16[%get3A_237] {strides = array<i32>} : memref<128xi32, #tpu.memory_space<vmem>>, vector<16xi32>,
    %jit3A_239 = arith.constant 51200 : i32
    %div3A_240 = vector.broadcast %jit3A_239 : i32 to vector<16xi32>
    %div3A_241 = arith.divsi %get3A_238, %div3A_240 : vector<16xi32>
    %sign3A_242 = arith.constant 0 : i32
    %sign3A_243 = vector.broadcast %sign3A_242 : i32 to vector<16xi32>
    %sign3A_244 = arith.cmpi sgt, %get3A_238, %sign3A_243 : vector<16xi32>
    %sign3A_245 = arith.extui %sign3A_244 : vector<16xi1> to vector<16xi32>
    %sign3A_246 = arith.constant 0 : i32
    %sign3A_247 = vector.broadcast %sign3A_246 : i32 to vector<16xi32>
    %sign3A_248 = arith.cmpi slt, %get3A_238, %sign3A_247 : vector<16xi32>
    %sign3A_249 = arith.extui %sign3A_248 : vector<16xi1> to vector<16xi32>
    %sign3A_250 = arith.subi %sign3A_245, %sign3A_249 : vector<16xi32>
    %sign3A_251 = arith.constant 0 : i32
    %sign3A_252 = arith.cmpi sgt, %jit3A_239, %sign3A_251 : i32
    %sign3A_253 = arith.extui %sign3A_252 : i1 to i32
    %sign3A_254 = arith.constant 0 : i32
    %sign3A_255 = arith.cmpi slt, %jit3A_239, %sign3A_254 : i32
    %sign3A_256 = arith.extui %sign3A_255 : i1 to i32
    %sign3A_257 = arith.subi %sign3A_253, %sign3A_256 : i32
    %ne3A_258 = vector.broadcast %sign3A_257 : i32 to vector<16xi32>
    %ne3A_259 = arith.cmpi ne, %sign3A_250, %ne3A_258 : vector<16xi32>
    %rem3A_260 = vector.broadcast %jit3A_239 : i32 to vector<16xi32>
    %rem3A_261 = arith.remsi %get3A_238, %rem3A_260 : vector<16xi32>
    %ne3A_262 = arith.constant 0 : i32
    %ne3A_263 = vector.broadcast %ne3A_262 : i32 to vector<16xi32>
    %ne3A_264 = arith.cmpi ne, %rem3A_261, %ne3A_263 : vector<16xi32>
    %and3A_265 = arith.andi %ne3A_259, %ne3A_264 : vector<16xi1>
    %sub3A_266 = arith.constant 1 : i32
    %sub3A_267 = vector.broadcast %sub3A_266 : i32 to vector<16xi32>
    %sub3A_268 = arith.subi %div3A_241, %sub3A_267 : vector<16xi32>
    %select_n3A_269 = arith.select %and3A_265, %sub3A_268, %div3A_241 : vector<16xi1>, vector<16xi32>
    %mul3A_270 = arith.constant 51200 : i32
    %mul3A_271 = vector.broadcast %mul3A_270 : i32 to vector<16xi32>
    %mul3A_272 = arith.muli %mul3A_271, %select_n3A_269 : vector<16xi32>
    %sub3A_273 = arith.subi %get3A_238, %mul3A_272 : vector<16xi32>
    %mul3A_274 = arith.constant 2 : i32
    %mul3A_275 = vector.broadcast %mul3A_274 : i32 to vector<16xi32>
    %mul3A_276 = arith.muli %mul3A_275, %sub3A_273 : vector<16xi32>
    %add3A_277 = arith.addi %mul3A_276, %select_n3A_269 : vector<16xi32>
    %swap3A_278 = arith.constant 64 : index
    %swap3A_279 = tpu.vector_load %arg19[%swap3A_278] {strides = array<i32>} : memref<128xi32, #tpu.memory_space<vmem>>, vector<16xi32>,
    tpu.vector_store %arg19[%swap3A_278], %add3A_277 {strides = array<i32>} : memref<128xi32, #tpu.memory_space<vmem>>, vector<16xi32>,
    %get3A_280 = arith.constant 80 : index
    %get3A_281 = tpu.vector_load %arg15[%get3A_280] {strides = array<i32>} : memref<128xi32, #tpu.memory_space<vmem>>, vector<16xi32>,
    %shift_right_logical3A_282 = arith.constant 4 : i32
    %shift_right_logical3A_283 = vector.broadcast %shift_right_logical3A_282 : i32 to vector<16xi32>
    %shift_right_logical3A_284 = arith.shrui %get3A_281, %shift_right_logical3A_283 : vector<16xi32>
    %swap3A_285 = arith.constant 80 : index
    %swap3A_286 = tpu.vector_load %arg17[%swap3A_285] {strides = array<i32>} : memref<128xi32, #tpu.memory_space<vmem>>, vector<16xi32>,
    tpu.vector_store %arg17[%swap3A_285], %shift_right_logical3A_284 {strides = array<i32>} : memref<128xi32, #tpu.memory_space<vmem>>, vector<16xi32>,
    %get3A_287 = arith.constant 80 : index
    %get3A_288 = tpu.vector_load %arg16[%get3A_287] {strides = array<i32>} : memref<128xi32, #tpu.memory_space<vmem>>, vector<16xi32>,
    %shift_right_logical3A_289 = arith.constant 4 : i32
    %shift_right_logical3A_290 = vector.broadcast %shift_right_logical3A_289 : i32 to vector<16xi32>
    %shift_right_logical3A_291 = arith.shrui %get3A_288, %shift_right_logical3A_290 : vector<16xi32>
    %swap3A_292 = arith.constant 80 : index
    %swap3A_293 = tpu.vector_load %arg18[%swap3A_292] {strides = array<i32>} : memref<128xi32, #tpu.memory_space<vmem>>, vector<16xi32>,
    tpu.vector_store %arg18[%swap3A_292], %shift_right_logical3A_291 {strides = array<i32>} : memref<128xi32, #tpu.memory_space<vmem>>, vector<16xi32>,
    %get3A_294 = arith.constant 80 : index
    %get3A_295 = tpu.vector_load %arg16[%get3A_294] {strides = array<i32>} : memref<128xi32, #tpu.memory_space<vmem>>, vector<16xi32>,
    %jit3A_296 = arith.constant 51200 : i32
    %div3A_297 = vector.broadcast %jit3A_296 : i32 to vector<16xi32>
    %div3A_298 = arith.divsi %get3A_295, %div3A_297 : vector<16xi32>
    %sign3A_299 = arith.constant 0 : i32
    %sign3A_300 = vector.broadcast %sign3A_299 : i32 to vector<16xi32>
    %sign3A_301 = arith.cmpi sgt, %get3A_295, %sign3A_300 : vector<16xi32>
    %sign3A_302 = arith.extui %sign3A_301 : vector<16xi1> to vector<16xi32>
    %sign3A_303 = arith.constant 0 : i32
    %sign3A_304 = vector.broadcast %sign3A_303 : i32 to vector<16xi32>
    %sign3A_305 = arith.cmpi slt, %get3A_295, %sign3A_304 : vector<16xi32>
    %sign3A_306 = arith.extui %sign3A_305 : vector<16xi1> to vector<16xi32>
    %sign3A_307 = arith.subi %sign3A_302, %sign3A_306 : vector<16xi32>
    %sign3A_308 = arith.constant 0 : i32
    %sign3A_309 = arith.cmpi sgt, %jit3A_296, %sign3A_308 : i32
    %sign3A_310 = arith.extui %sign3A_309 : i1 to i32
    %sign3A_311 = arith.constant 0 : i32
    %sign3A_312 = arith.cmpi slt, %jit3A_296, %sign3A_311 : i32
    %sign3A_313 = arith.extui %sign3A_312 : i1 to i32
    %sign3A_314 = arith.subi %sign3A_310, %sign3A_313 : i32
    %ne3A_315 = vector.broadcast %sign3A_314 : i32 to vector<16xi32>
    %ne3A_316 = arith.cmpi ne, %sign3A_307, %ne3A_315 : vector<16xi32>
    %rem3A_317 = vector.broadcast %jit3A_296 : i32 to vector<16xi32>
    %rem3A_318 = arith.remsi %get3A_295, %rem3A_317 : vector<16xi32>
    %ne3A_319 = arith.constant 0 : i32
    %ne3A_320 = vector.broadcast %ne3A_319 : i32 to vector<16xi32>
    %ne3A_321 = arith.cmpi ne, %rem3A_318, %ne3A_320 : vector<16xi32>
    %and3A_322 = arith.andi %ne3A_316, %ne3A_321 : vector<16xi1>
    %sub3A_323 = arith.constant 1 : i32
    %sub3A_324 = vector.broadcast %sub3A_323 : i32 to vector<16xi32>
    %sub3A_325 = arith.subi %div3A_298, %sub3A_324 : vector<16xi32>
    %select_n3A_326 = arith.select %and3A_322, %sub3A_325, %div3A_298 : vector<16xi1>, vector<16xi32>
    %mul3A_327 = arith.constant 51200 : i32
    %mul3A_328 = vector.broadcast %mul3A_327 : i32 to vector<16xi32>
    %mul3A_329 = arith.muli %mul3A_328, %select_n3A_326 : vector<16xi32>
    %sub3A_330 = arith.subi %get3A_295, %mul3A_329 : vector<16xi32>
    %mul3A_331 = arith.constant 2 : i32
    %mul3A_332 = vector.broadcast %mul3A_331 : i32 to vector<16xi32>
    %mul3A_333 = arith.muli %mul3A_332, %sub3A_330 : vector<16xi32>
    %add3A_334 = arith.addi %mul3A_333, %select_n3A_326 : vector<16xi32>
    %swap3A_335 = arith.constant 80 : index
    %swap3A_336 = tpu.vector_load %arg19[%swap3A_335] {strides = array<i32>} : memref<128xi32, #tpu.memory_space<vmem>>, vector<16xi32>,
    tpu.vector_store %arg19[%swap3A_335], %add3A_334 {strides = array<i32>} : memref<128xi32, #tpu.memory_space<vmem>>, vector<16xi32>,
    %get3A_337 = arith.constant 96 : index
    %get3A_338 = tpu.vector_load %arg15[%get3A_337] {strides = array<i32>} : memref<128xi32, #tpu.memory_space<vmem>>, vector<16xi32>,
    %shift_right_logical3A_339 = arith.constant 4 : i32
    %shift_right_logical3A_340 = vector.broadcast %shift_right_logical3A_339 : i32 to vector<16xi32>
    %shift_right_logical3A_341 = arith.shrui %get3A_338, %shift_right_logical3A_340 : vector<16xi32>
    %swap3A_342 = arith.constant 96 : index
    %swap3A_343 = tpu.vector_load %arg17[%swap3A_342] {strides = array<i32>} : memref<128xi32, #tpu.memory_space<vmem>>, vector<16xi32>,
    tpu.vector_store %arg17[%swap3A_342], %shift_right_logical3A_341 {strides = array<i32>} : memref<128xi32, #tpu.memory_space<vmem>>, vector<16xi32>,
    %get3A_344 = arith.constant 96 : index
    %get3A_345 = tpu.vector_load %arg16[%get3A_344] {strides = array<i32>} : memref<128xi32, #tpu.memory_space<vmem>>, vector<16xi32>,
    %shift_right_logical3A_346 = arith.constant 4 : i32
    %shift_right_logical3A_347 = vector.broadcast %shift_right_logical3A_346 : i32 to vector<16xi32>
    %shift_right_logical3A_348 = arith.shrui %get3A_345, %shift_right_logical3A_347 : vector<16xi32>
    %swap3A_349 = arith.constant 96 : index
    %swap3A_350 = tpu.vector_load %arg18[%swap3A_349] {strides = array<i32>} : memref<128xi32, #tpu.memory_space<vmem>>, vector<16xi32>,
    tpu.vector_store %arg18[%swap3A_349], %shift_right_logical3A_348 {strides = array<i32>} : memref<128xi32, #tpu.memory_space<vmem>>, vector<16xi32>,
    %get3A_351 = arith.constant 96 : index
    %get3A_352 = tpu.vector_load %arg16[%get3A_351] {strides = array<i32>} : memref<128xi32, #tpu.memory_space<vmem>>, vector<16xi32>,
    %jit3A_353 = arith.constant 51200 : i32
    %div3A_354 = vector.broadcast %jit3A_353 : i32 to vector<16xi32>
    %div3A_355 = arith.divsi %get3A_352, %div3A_354 : vector<16xi32>
    %sign3A_356 = arith.constant 0 : i32
    %sign3A_357 = vector.broadcast %sign3A_356 : i32 to vector<16xi32>
    %sign3A_358 = arith.cmpi sgt, %get3A_352, %sign3A_357 : vector<16xi32>
    %sign3A_359 = arith.extui %sign3A_358 : vector<16xi1> to vector<16xi32>
    %sign3A_360 = arith.constant 0 : i32
    %sign3A_361 = vector.broadcast %sign3A_360 : i32 to vector<16xi32>
    %sign3A_362 = arith.cmpi slt, %get3A_352, %sign3A_361 : vector<16xi32>
    %sign3A_363 = arith.extui %sign3A_362 : vector<16xi1> to vector<16xi32>
    %sign3A_364 = arith.subi %sign3A_359, %sign3A_363 : vector<16xi32>
    %sign3A_365 = arith.constant 0 : i32
    %sign3A_366 = arith.cmpi sgt, %jit3A_353, %sign3A_365 : i32
    %sign3A_367 = arith.extui %sign3A_366 : i1 to i32
    %sign3A_368 = arith.constant 0 : i32
    %sign3A_369 = arith.cmpi slt, %jit3A_353, %sign3A_368 : i32
    %sign3A_370 = arith.extui %sign3A_369 : i1 to i32
    %sign3A_371 = arith.subi %sign3A_367, %sign3A_370 : i32
    %ne3A_372 = vector.broadcast %sign3A_371 : i32 to vector<16xi32>
    %ne3A_373 = arith.cmpi ne, %sign3A_364, %ne3A_372 : vector<16xi32>
    %rem3A_374 = vector.broadcast %jit3A_353 : i32 to vector<16xi32>
    %rem3A_375 = arith.remsi %get3A_352, %rem3A_374 : vector<16xi32>
    %ne3A_376 = arith.constant 0 : i32
    %ne3A_377 = vector.broadcast %ne3A_376 : i32 to vector<16xi32>
    %ne3A_378 = arith.cmpi ne, %rem3A_375, %ne3A_377 : vector<16xi32>
    %and3A_379 = arith.andi %ne3A_373, %ne3A_378 : vector<16xi1>
    %sub3A_380 = arith.constant 1 : i32
    %sub3A_381 = vector.broadcast %sub3A_380 : i32 to vector<16xi32>
    %sub3A_382 = arith.subi %div3A_355, %sub3A_381 : vector<16xi32>
    %select_n3A_383 = arith.select %and3A_379, %sub3A_382, %div3A_355 : vector<16xi1>, vector<16xi32>
    %mul3A_384 = arith.constant 51200 : i32
    %mul3A_385 = vector.broadcast %mul3A_384 : i32 to vector<16xi32>
    %mul3A_386 = arith.muli %mul3A_385, %select_n3A_383 : vector<16xi32>
    %sub3A_387 = arith.subi %get3A_352, %mul3A_386 : vector<16xi32>
    %mul3A_388 = arith.constant 2 : i32
    %mul3A_389 = vector.broadcast %mul3A_388 : i32 to vector<16xi32>
    %mul3A_390 = arith.muli %mul3A_389, %sub3A_387 : vector<16xi32>
    %add3A_391 = arith.addi %mul3A_390, %select_n3A_383 : vector<16xi32>
    %swap3A_392 = arith.constant 96 : index
    %swap3A_393 = tpu.vector_load %arg19[%swap3A_392] {strides = array<i32>} : memref<128xi32, #tpu.memory_space<vmem>>, vector<16xi32>,
    tpu.vector_store %arg19[%swap3A_392], %add3A_391 {strides = array<i32>} : memref<128xi32, #tpu.memory_space<vmem>>, vector<16xi32>,
    %get3A_394 = arith.constant 112 : index
    %get3A_395 = tpu.vector_load %arg15[%get3A_394] {strides = array<i32>} : memref<128xi32, #tpu.memory_space<vmem>>, vector<16xi32>,
    %shift_right_logical3A_396 = arith.constant 4 : i32
    %shift_right_logical3A_397 = vector.broadcast %shift_right_logical3A_396 : i32 to vector<16xi32>
    %shift_right_logical3A_398 = arith.shrui %get3A_395, %shift_right_logical3A_397 : vector<16xi32>
    %swap3A_399 = arith.constant 112 : index
    %swap3A_400 = tpu.vector_load %arg17[%swap3A_399] {strides = array<i32>} : memref<128xi32, #tpu.memory_space<vmem>>, vector<16xi32>,
    tpu.vector_store %arg17[%swap3A_399], %shift_right_logical3A_398 {strides = array<i32>} : memref<128xi32, #tpu.memory_space<vmem>>, vector<16xi32>,
    %get3A_401 = arith.constant 112 : index
    %get3A_402 = tpu.vector_load %arg16[%get3A_401] {strides = array<i32>} : memref<128xi32, #tpu.memory_space<vmem>>, vector<16xi32>,
    %shift_right_logical3A_403 = arith.constant 4 : i32
    %shift_right_logical3A_404 = vector.broadcast %shift_right_logical3A_403 : i32 to vector<16xi32>
    %shift_right_logical3A_405 = arith.shrui %get3A_402, %shift_right_logical3A_404 : vector<16xi32>
    %swap3A_406 = arith.constant 112 : index
    %swap3A_407 = tpu.vector_load %arg18[%swap3A_406] {strides = array<i32>} : memref<128xi32, #tpu.memory_space<vmem>>, vector<16xi32>,
    tpu.vector_store %arg18[%swap3A_406], %shift_right_logical3A_405 {strides = array<i32>} : memref<128xi32, #tpu.memory_space<vmem>>, vector<16xi32>,
    %get3A_408 = arith.constant 112 : index
    %get3A_409 = tpu.vector_load %arg16[%get3A_408] {strides = array<i32>} : memref<128xi32, #tpu.memory_space<vmem>>, vector<16xi32>,
    %jit3A_410 = arith.constant 51200 : i32
    %div3A_411 = vector.broadcast %jit3A_410 : i32 to vector<16xi32>
    %div3A_412 = arith.divsi %get3A_409, %div3A_411 : vector<16xi32>
    %sign3A_413 = arith.constant 0 : i32
    %sign3A_414 = vector.broadcast %sign3A_413 : i32 to vector<16xi32>
    %sign3A_415 = arith.cmpi sgt, %get3A_409, %sign3A_414 : vector<16xi32>
    %sign3A_416 = arith.extui %sign3A_415 : vector<16xi1> to vector<16xi32>
    %sign3A_417 = arith.constant 0 : i32
    %sign3A_418 = vector.broadcast %sign3A_417 : i32 to vector<16xi32>
    %sign3A_419 = arith.cmpi slt, %get3A_409, %sign3A_418 : vector<16xi32>
    %sign3A_420 = arith.extui %sign3A_419 : vector<16xi1> to vector<16xi32>
    %sign3A_421 = arith.subi %sign3A_416, %sign3A_420 : vector<16xi32>
    %sign3A_422 = arith.constant 0 : i32
    %sign3A_423 = arith.cmpi sgt, %jit3A_410, %sign3A_422 : i32
    %sign3A_424 = arith.extui %sign3A_423 : i1 to i32
    %sign3A_425 = arith.constant 0 : i32
    %sign3A_426 = arith.cmpi slt, %jit3A_410, %sign3A_425 : i32
    %sign3A_427 = arith.extui %sign3A_426 : i1 to i32
    %sign3A_428 = arith.subi %sign3A_424, %sign3A_427 : i32
    %ne3A_429 = vector.broadcast %sign3A_428 : i32 to vector<16xi32>
    %ne3A_430 = arith.cmpi ne, %sign3A_421, %ne3A_429 : vector<16xi32>
    %rem3A_431 = vector.broadcast %jit3A_410 : i32 to vector<16xi32>
    %rem3A_432 = arith.remsi %get3A_409, %rem3A_431 : vector<16xi32>
    %ne3A_433 = arith.constant 0 : i32
    %ne3A_434 = vector.broadcast %ne3A_433 : i32 to vector<16xi32>
    %ne3A_435 = arith.cmpi ne, %rem3A_432, %ne3A_434 : vector<16xi32>
    %and3A_436 = arith.andi %ne3A_430, %ne3A_435 : vector<16xi1>
    %sub3A_437 = arith.constant 1 : i32
    %sub3A_438 = vector.broadcast %sub3A_437 : i32 to vector<16xi32>
    %sub3A_439 = arith.subi %div3A_412, %sub3A_438 : vector<16xi32>
    %select_n3A_440 = arith.select %and3A_436, %sub3A_439, %div3A_412 : vector<16xi1>, vector<16xi32>
    %mul3A_441 = arith.constant 51200 : i32
    %mul3A_442 = vector.broadcast %mul3A_441 : i32 to vector<16xi32>
    %mul3A_443 = arith.muli %mul3A_442, %select_n3A_440 : vector<16xi32>
    %sub3A_444 = arith.subi %get3A_409, %mul3A_443 : vector<16xi32>
    %mul3A_445 = arith.constant 2 : i32
    %mul3A_446 = vector.broadcast %mul3A_445 : i32 to vector<16xi32>
    %mul3A_447 = arith.muli %mul3A_446, %sub3A_444 : vector<16xi32>
    %add3A_448 = arith.addi %mul3A_447, %select_n3A_440 : vector<16xi32>
    %swap3A_449 = arith.constant 112 : index
    %swap3A_450 = tpu.vector_load %arg19[%swap3A_449] {strides = array<i32>} : memref<128xi32, #tpu.memory_space<vmem>>, vector<16xi32>,
    tpu.vector_store %arg19[%swap3A_449], %add3A_448 {strides = array<i32>} : memref<128xi32, #tpu.memory_space<vmem>>, vector<16xi32>,
    %dma_start3A = arith.constant 0 : i32
    %dma_start3A_451 = arith.constant 0 : i32
    %dma_start3A_452 = tpu.memref_slice %arg5[%dma_start3A, %dma_start3A_451] : memref<6250x16xf32, #tpu.memory_space<hbm>> -> memref<6250x16xf32, #tpu.memory_space<hbm>>
    tpu.enqueue_indirect_dma source(%dma_start3A_452 : memref<6250x16xf32, #tpu.memory_space<hbm>>) target(%arg20 : memref<128x16xf32, #tpu.memory_space<vmem>>) offsets(%arg17 : memref<128xi32, #tpu.memory_space<vmem>>) semaphore(%arg33 : memref<!tpu.dma_semaphore, #tpu.memory_space<semaphore_mem>>)
    %dma_start3A_453 = arith.constant 0 : i32
    %dma_start3A_454 = arith.constant 0 : i32
    %dma_start3A_455 = tpu.memref_slice %arg6[%dma_start3A_453, %dma_start3A_454] : memref<6250x16xf32, #tpu.memory_space<hbm>> -> memref<6250x16xf32, #tpu.memory_space<hbm>>
    tpu.enqueue_indirect_dma source(%dma_start3A_455 : memref<6250x16xf32, #tpu.memory_space<hbm>>) target(%arg21 : memref<128x16xf32, #tpu.memory_space<vmem>>) offsets(%arg18 : memref<128xi32, #tpu.memory_space<vmem>>) semaphore(%arg33 : memref<!tpu.dma_semaphore, #tpu.memory_space<semaphore_mem>>)
    %dma_start3A_456 = arith.constant 0 : i32
    %dma_start3A_457 = arith.constant 0 : i32
    %dma_start3A_458 = tpu.memref_slice %arg7[%dma_start3A_456, %dma_start3A_457] : memref<102400x64xf32, #tpu.memory_space<hbm>> -> memref<102400x64xf32, #tpu.memory_space<hbm>>
    tpu.enqueue_indirect_dma source(%dma_start3A_458 : memref<102400x64xf32, #tpu.memory_space<hbm>>) target(%arg24 : memref<128x64xf32, #tpu.memory_space<vmem>>) offsets(%arg19 : memref<128xi32, #tpu.memory_space<vmem>>) semaphore(%arg33 : memref<!tpu.dma_semaphore, #tpu.memory_space<semaphore_mem>>)
    %dma_start3A_459 = arith.constant 0 : i32
    %dma_start3A_460 = arith.constant 0 : i32
    %dma_start3A_461 = tpu.memref_slice %arg8[%dma_start3A_459, %dma_start3A_460] : memref<102400x64xf32, #tpu.memory_space<hbm>> -> memref<102400x64xf32, #tpu.memory_space<hbm>>
    tpu.enqueue_indirect_dma source(%dma_start3A_461 : memref<102400x64xf32, #tpu.memory_space<hbm>>) target(%arg27 : memref<16x64xf32, #tpu.memory_space<vmem>>) offsets(%arg26 : memref<16xi32, #tpu.memory_space<vmem>>) semaphore(%arg33 : memref<!tpu.dma_semaphore, #tpu.memory_space<semaphore_mem>>)
    %iota3A = tpu.iota {dimensions = array<i32: 0>} : vector<16xi32>
    %scan3A = arith.constant 0 : i32
    %scan3A_462 = arith.constant 0 : i32
    %scan3A_463 = arith.constant 400 : i32
    %scan3A_464 = arith.addi %scan3A_462, %scan3A_463 : i32
    %scan3A_465 = arith.constant 1 : i32
    %scan3A_466 = scf.for %scan3A_576 = %scan3A_462 to %scan3A_464 step %scan3A_465 iter_args(%scan3A_577 = %scan3A) -> (i32)  : i32 {
      %mul3A_578 = arith.constant 16 : i32
      %mul3A_579 = arith.muli %scan3A_576, %mul3A_578 : i32
      %add3A_580 = vector.broadcast %mul3A_579 : i32 to vector<16xi32>
      %add3A_581 = arith.addi %add3A_580, %iota3A : vector<16xi32>
      %jit3A_582 = arith.constant 50 : i32
      %div3A_583 = vector.broadcast %jit3A_582 : i32 to vector<16xi32>
      %div3A_584 = arith.divsi %add3A_581, %div3A_583 : vector<16xi32>
      %sign3A_585 = arith.constant 0 : i32
      %sign3A_586 = vector.broadcast %sign3A_585 : i32 to vector<16xi32>
      %sign3A_587 = arith.cmpi sgt, %add3A_581, %sign3A_586 : vector<16xi32>
      %sign3A_588 = arith.extui %sign3A_587 : vector<16xi1> to vector<16xi32>
      %sign3A_589 = arith.constant 0 : i32
      %sign3A_590 = vector.broadcast %sign3A_589 : i32 to vector<16xi32>
      %sign3A_591 = arith.cmpi slt, %add3A_581, %sign3A_590 : vector<16xi32>
      %sign3A_592 = arith.extui %sign3A_591 : vector<16xi1> to vector<16xi32>
      %sign3A_593 = arith.subi %sign3A_588, %sign3A_592 : vector<16xi32>
      %sign3A_594 = arith.constant 0 : i32
      %sign3A_595 = arith.cmpi sgt, %jit3A_582, %sign3A_594 : i32
      %sign3A_596 = arith.extui %sign3A_595 : i1 to i32
      %sign3A_597 = arith.constant 0 : i32
      %sign3A_598 = arith.cmpi slt, %jit3A_582, %sign3A_597 : i32
      %sign3A_599 = arith.extui %sign3A_598 : i1 to i32
      %sign3A_600 = arith.subi %sign3A_596, %sign3A_599 : i32
      %ne3A_601 = vector.broadcast %sign3A_600 : i32 to vector<16xi32>
      %ne3A_602 = arith.cmpi ne, %sign3A_593, %ne3A_601 : vector<16xi32>
      %rem3A_603 = vector.broadcast %jit3A_582 : i32 to vector<16xi32>
      %rem3A_604 = arith.remsi %add3A_581, %rem3A_603 : vector<16xi32>
      %ne3A_605 = arith.constant 0 : i32
      %ne3A_606 = vector.broadcast %ne3A_605 : i32 to vector<16xi32>
      %ne3A_607 = arith.cmpi ne, %rem3A_604, %ne3A_606 : vector<16xi32>
      %and3A_608 = arith.andi %ne3A_602, %ne3A_607 : vector<16xi1>
      %sub3A_609 = arith.constant 1 : i32
      %sub3A_610 = vector.broadcast %sub3A_609 : i32 to vector<16xi32>
      %sub3A_611 = arith.subi %div3A_584, %sub3A_610 : vector<16xi32>
      %select_n3A_612 = arith.select %and3A_608, %sub3A_611, %div3A_584 : vector<16xi1>, vector<16xi32>
      %mul3A_613 = arith.constant 50 : i32
      %mul3A_614 = vector.broadcast %mul3A_613 : i32 to vector<16xi32>
      %mul3A_615 = arith.muli %select_n3A_612, %mul3A_614 : vector<16xi32>
      %sub3A_616 = arith.subi %add3A_581, %mul3A_615 : vector<16xi32>
      %gather3A = tpu.vector_load_idx %arg14[%sub3A_616, %select_n3A_612] : memref<50x128xi32, #tpu.memory_space<vmem>>[vector<16xi32>, vector<16xi32>], vector<16xi32>,
      %jit3A_617 = arith.constant 51200 : i32
      %div3A_618 = vector.broadcast %jit3A_617 : i32 to vector<16xi32>
      %div3A_619 = arith.divsi %gather3A, %div3A_618 : vector<16xi32>
      %sign3A_620 = arith.constant 0 : i32
      %sign3A_621 = vector.broadcast %sign3A_620 : i32 to vector<16xi32>
      %sign3A_622 = arith.cmpi sgt, %gather3A, %sign3A_621 : vector<16xi32>
      %sign3A_623 = arith.extui %sign3A_622 : vector<16xi1> to vector<16xi32>
      %sign3A_624 = arith.constant 0 : i32
      %sign3A_625 = vector.broadcast %sign3A_624 : i32 to vector<16xi32>
      %sign3A_626 = arith.cmpi slt, %gather3A, %sign3A_625 : vector<16xi32>
      %sign3A_627 = arith.extui %sign3A_626 : vector<16xi1> to vector<16xi32>
      %sign3A_628 = arith.subi %sign3A_623, %sign3A_627 : vector<16xi32>
      %sign3A_629 = arith.constant 0 : i32
      %sign3A_630 = arith.cmpi sgt, %jit3A_617, %sign3A_629 : i32
      %sign3A_631 = arith.extui %sign3A_630 : i1 to i32
      %sign3A_632 = arith.constant 0 : i32
      %sign3A_633 = arith.cmpi slt, %jit3A_617, %sign3A_632 : i32
      %sign3A_634 = arith.extui %sign3A_633 : i1 to i32
      %sign3A_635 = arith.subi %sign3A_631, %sign3A_634 : i32
      %ne3A_636 = vector.broadcast %sign3A_635 : i32 to vector<16xi32>
      %ne3A_637 = arith.cmpi ne, %sign3A_628, %ne3A_636 : vector<16xi32>
      %rem3A_638 = vector.broadcast %jit3A_617 : i32 to vector<16xi32>
      %rem3A_639 = arith.remsi %gather3A, %rem3A_638 : vector<16xi32>
      %ne3A_640 = arith.constant 0 : i32
      %ne3A_641 = vector.broadcast %ne3A_640 : i32 to vector<16xi32>
      %ne3A_642 = arith.cmpi ne, %rem3A_639, %ne3A_641 : vector<16xi32>
      %and3A_643 = arith.andi %ne3A_637, %ne3A_642 : vector<16xi1>
      %sub3A_644 = arith.constant 1 : i32
      %sub3A_645 = vector.broadcast %sub3A_644 : i32 to vector<16xi32>
      %sub3A_646 = arith.subi %div3A_619, %sub3A_645 : vector<16xi32>
      %select_n3A_647 = arith.select %and3A_643, %sub3A_646, %div3A_619 : vector<16xi1>, vector<16xi32>
      %mul3A_648 = arith.constant 51200 : i32
      %mul3A_649 = vector.broadcast %mul3A_648 : i32 to vector<16xi32>
      %mul3A_650 = arith.muli %mul3A_649, %select_n3A_647 : vector<16xi32>
      %sub3A_651 = arith.subi %gather3A, %mul3A_650 : vector<16xi32>
      %mul3A_652 = arith.constant 2 : i32
      %mul3A_653 = vector.broadcast %mul3A_652 : i32 to vector<16xi32>
      %mul3A_654 = arith.muli %mul3A_653, %sub3A_651 : vector<16xi32>
      %add3A_655 = arith.addi %mul3A_654, %select_n3A_647 : vector<16xi32>
      %jit3A_656 = arith.constant 100 : i32
      %div3A_657 = vector.broadcast %jit3A_656 : i32 to vector<16xi32>
      %div3A_658 = arith.divsi %add3A_581, %div3A_657 : vector<16xi32>
      %sign3A_659 = arith.constant 0 : i32
      %sign3A_660 = vector.broadcast %sign3A_659 : i32 to vector<16xi32>
      %sign3A_661 = arith.cmpi sgt, %add3A_581, %sign3A_660 : vector<16xi32>
      %sign3A_662 = arith.extui %sign3A_661 : vector<16xi1> to vector<16xi32>
      %sign3A_663 = arith.constant 0 : i32
      %sign3A_664 = vector.broadcast %sign3A_663 : i32 to vector<16xi32>
      %sign3A_665 = arith.cmpi slt, %add3A_581, %sign3A_664 : vector<16xi32>
      %sign3A_666 = arith.extui %sign3A_665 : vector<16xi1> to vector<16xi32>
      %sign3A_667 = arith.subi %sign3A_662, %sign3A_666 : vector<16xi32>
      %sign3A_668 = arith.constant 0 : i32
      %sign3A_669 = arith.cmpi sgt, %jit3A_656, %sign3A_668 : i32
      %sign3A_670 = arith.extui %sign3A_669 : i1 to i32
      %sign3A_671 = arith.constant 0 : i32
      %sign3A_672 = arith.cmpi slt, %jit3A_656, %sign3A_671 : i32
      %sign3A_673 = arith.extui %sign3A_672 : i1 to i32
      %sign3A_674 = arith.subi %sign3A_670, %sign3A_673 : i32
      %ne3A_675 = vector.broadcast %sign3A_674 : i32 to vector<16xi32>
      %ne3A_676 = arith.cmpi ne, %sign3A_667, %ne3A_675 : vector<16xi32>
      %rem3A_677 = vector.broadcast %jit3A_656 : i32 to vector<16xi32>
      %rem3A_678 = arith.remsi %add3A_581, %rem3A_677 : vector<16xi32>
      %ne3A_679 = arith.constant 0 : i32
      %ne3A_680 = vector.broadcast %ne3A_679 : i32 to vector<16xi32>
      %ne3A_681 = arith.cmpi ne, %rem3A_678, %ne3A_680 : vector<16xi32>
      %and3A_682 = arith.andi %ne3A_676, %ne3A_681 : vector<16xi1>
      %sub3A_683 = arith.constant 1 : i32
      %sub3A_684 = vector.broadcast %sub3A_683 : i32 to vector<16xi32>
      %sub3A_685 = arith.subi %div3A_658, %sub3A_684 : vector<16xi32>
      %select_n3A_686 = arith.select %and3A_682, %sub3A_685, %div3A_658 : vector<16xi1>, vector<16xi32>
      %jit3A_687 = arith.constant 100 : i32
      %eq3A = arith.constant 0 : i32
      %eq3A_688 = arith.cmpi eq, %jit3A_687, %eq3A : i32
      %jit3A_689 = arith.constant 1 : i32
      %select_n3A_690 = arith.select %eq3A_688, %jit3A_689, %jit3A_687 : i32
      %rem3A_691 = vector.broadcast %select_n3A_690 : i32 to vector<16xi32>
      %rem3A_692 = arith.remsi %add3A_581, %rem3A_691 : vector<16xi32>
      %ne3A_693 = arith.constant 0 : i32
      %ne3A_694 = vector.broadcast %ne3A_693 : i32 to vector<16xi32>
      %ne3A_695 = arith.cmpi ne, %rem3A_692, %ne3A_694 : vector<16xi32>
      %lt3A = arith.constant 0 : i32
      %lt3A_696 = vector.broadcast %lt3A : i32 to vector<16xi32>
      %lt3A_697 = arith.cmpi slt, %rem3A_692, %lt3A_696 : vector<16xi32>
      %lt3A_698 = arith.constant 0 : i32
      %lt3A_699 = arith.cmpi slt, %select_n3A_690, %lt3A_698 : i32
      %ne3A_700 = vector.broadcast %lt3A_699 : i1 to vector<16xi1>
      %ne3A_701 = vector.broadcast %ne3A_700 : vector<16xi1> to vector<16xi1>
      %ne3A_702 = arith.xori %lt3A_697, %ne3A_701 : vector<16xi1>
      %and3A_703 = arith.andi %ne3A_702, %ne3A_695 : vector<16xi1>
      %add3A_704 = vector.broadcast %select_n3A_690 : i32 to vector<16xi32>
      %add3A_705 = arith.addi %rem3A_692, %add3A_704 : vector<16xi32>
      %select_n3A_706 = arith.select %and3A_703, %add3A_705, %rem3A_692 : vector<16xi1>, vector<16xi32>
      tpu.vector_store_idx %arg13[%select_n3A_686, %select_n3A_706], %add3A_655 : memref<64x100xi32, #tpu.memory_space<vmem>>[vector<16xi32>, vector<16xi32>], vector<16xi32>,
      %scan3A_707 = arith.constant 0 : i32
      scf.yield %scan3A_707 : i32
    }
    %scan3A_467 = arith.constant 400 : i32
    %dma_start3A_468 = arith.constant 0 : i32
    %dma_start3A_469 = arith.constant 0 : i32
    %dma_start3A_470 = arith.constant 0 : i32
    %dma_start3A_471 = tpu.memref_slice %arg31[%dma_start3A_469, %dma_start3A_470] : memref<400x64xf32, #tpu.memory_space<vmem>> -> memref<100x64xf32, #tpu.memory_space<vmem>>
    %dma_start3A_472 = arith.constant 0 : i32
    %dma_start3A_473 = tpu.memref_slice %arg13[%dma_start3A_468, %dma_start3A_472] : memref<64x100xi32, #tpu.memory_space<vmem>> -> memref<1x100xi32, #tpu.memory_space<vmem>>
    %dma_start3A_474 = tpu.memref_squeeze %dma_start3A_473 : memref<1x100xi32, #tpu.memory_space<vmem>> -> memref<100xi32, #tpu.memory_space<vmem>>
    %dma_start3A_475 = arith.constant 0 : i32
    %dma_start3A_476 = arith.constant 0 : i32
    %dma_start3A_477 = tpu.memref_slice %arg8[%dma_start3A_475, %dma_start3A_476] : memref<102400x64xf32, #tpu.memory_space<hbm>> -> memref<102400x64xf32, #tpu.memory_space<hbm>>
    tpu.enqueue_indirect_dma source(%dma_start3A_477 : memref<102400x64xf32, #tpu.memory_space<hbm>>) target(%dma_start3A_471 : memref<100x64xf32, #tpu.memory_space<vmem>>) offsets(%dma_start3A_474 : memref<100xi32, #tpu.memory_space<vmem>>) semaphore(%arg34 : memref<!tpu.dma_semaphore, #tpu.memory_space<semaphore_mem>>)
    %dma_start3A_478 = arith.constant 1 : i32
    %dma_start3A_479 = arith.constant 100 : i32
    %dma_start3A_480 = arith.constant 0 : i32
    %dma_start3A_481 = tpu.memref_slice %arg31[%dma_start3A_479, %dma_start3A_480] : memref<400x64xf32, #tpu.memory_space<vmem>> -> memref<100x64xf32, #tpu.memory_space<vmem>>
    %dma_start3A_482 = arith.constant 0 : i32
    %dma_start3A_483 = tpu.memref_slice %arg13[%dma_start3A_478, %dma_start3A_482] : memref<64x100xi32, #tpu.memory_space<vmem>> -> memref<1x100xi32, #tpu.memory_space<vmem>>
    %dma_start3A_484 = tpu.memref_squeeze %dma_start3A_483 : memref<1x100xi32, #tpu.memory_space<vmem>> -> memref<100xi32, #tpu.memory_space<vmem>>
    %dma_start3A_485 = arith.constant 0 : i32
    %dma_start3A_486 = arith.constant 0 : i32
    %dma_start3A_487 = tpu.memref_slice %arg8[%dma_start3A_485, %dma_start3A_486] : memref<102400x64xf32, #tpu.memory_space<hbm>> -> memref<102400x64xf32, #tpu.memory_space<hbm>>
    tpu.enqueue_indirect_dma source(%dma_start3A_487 : memref<102400x64xf32, #tpu.memory_space<hbm>>) target(%dma_start3A_481 : memref<100x64xf32, #tpu.memory_space<vmem>>) offsets(%dma_start3A_484 : memref<100xi32, #tpu.memory_space<vmem>>) semaphore(%arg34 : memref<!tpu.dma_semaphore, #tpu.memory_space<semaphore_mem>>)
    %dma_start3A_488 = arith.constant 2 : i32
    %dma_start3A_489 = arith.constant 200 : i32
    %dma_start3A_490 = arith.constant 0 : i32
    %dma_start3A_491 = tpu.memref_slice %arg31[%dma_start3A_489, %dma_start3A_490] : memref<400x64xf32, #tpu.memory_space<vmem>> -> memref<100x64xf32, #tpu.memory_space<vmem>>
    %dma_start3A_492 = arith.constant 0 : i32
    %dma_start3A_493 = tpu.memref_slice %arg13[%dma_start3A_488, %dma_start3A_492] : memref<64x100xi32, #tpu.memory_space<vmem>> -> memref<1x100xi32, #tpu.memory_space<vmem>>
    %dma_start3A_494 = tpu.memref_squeeze %dma_start3A_493 : memref<1x100xi32, #tpu.memory_space<vmem>> -> memref<100xi32, #tpu.memory_space<vmem>>
    %dma_start3A_495 = arith.constant 0 : i32
    %dma_start3A_496 = arith.constant 0 : i32
    %dma_start3A_497 = tpu.memref_slice %arg8[%dma_start3A_495, %dma_start3A_496] : memref<102400x64xf32, #tpu.memory_space<hbm>> -> memref<102400x64xf32, #tpu.memory_space<hbm>>
    tpu.enqueue_indirect_dma source(%dma_start3A_497 : memref<102400x64xf32, #tpu.memory_space<hbm>>) target(%dma_start3A_491 : memref<100x64xf32, #tpu.memory_space<vmem>>) offsets(%dma_start3A_494 : memref<100xi32, #tpu.memory_space<vmem>>) semaphore(%arg34 : memref<!tpu.dma_semaphore, #tpu.memory_space<semaphore_mem>>)
    %dma_start3A_498 = arith.constant 3 : i32
    %dma_start3A_499 = arith.constant 300 : i32
    %dma_start3A_500 = arith.constant 0 : i32
    %dma_start3A_501 = tpu.memref_slice %arg31[%dma_start3A_499, %dma_start3A_500] : memref<400x64xf32, #tpu.memory_space<vmem>> -> memref<100x64xf32, #tpu.memory_space<vmem>>
    %dma_start3A_502 = arith.constant 0 : i32
    %dma_start3A_503 = tpu.memref_slice %arg13[%dma_start3A_498, %dma_start3A_502] : memref<64x100xi32, #tpu.memory_space<vmem>> -> memref<1x100xi32, #tpu.memory_space<vmem>>
    %dma_start3A_504 = tpu.memref_squeeze %dma_start3A_503 : memref<1x100xi32, #tpu.memory_space<vmem>> -> memref<100xi32, #tpu.memory_space<vmem>>
    %dma_start3A_505 = arith.constant 0 : i32
    %dma_start3A_506 = arith.constant 0 : i32
    %dma_start3A_507 = tpu.memref_slice %arg8[%dma_start3A_505, %dma_start3A_506] : memref<102400x64xf32, #tpu.memory_space<hbm>> -> memref<102400x64xf32, #tpu.memory_space<hbm>>
    tpu.enqueue_indirect_dma source(%dma_start3A_507 : memref<102400x64xf32, #tpu.memory_space<hbm>>) target(%dma_start3A_501 : memref<100x64xf32, #tpu.memory_space<vmem>>) offsets(%dma_start3A_504 : memref<100xi32, #tpu.memory_space<vmem>>) semaphore(%arg34 : memref<!tpu.dma_semaphore, #tpu.memory_space<semaphore_mem>>)
    %dma_start3A_508 = arith.constant 4 : i32
    %dma_start3A_509 = arith.constant 0 : i32
    %dma_start3A_510 = arith.constant 0 : i32
    %dma_start3A_511 = tpu.memref_slice %arg32[%dma_start3A_509, %dma_start3A_510] : memref<400x64xf32, #tpu.memory_space<vmem>> -> memref<100x64xf32, #tpu.memory_space<vmem>>
    %dma_start3A_512 = arith.constant 0 : i32
    %dma_start3A_513 = tpu.memref_slice %arg13[%dma_start3A_508, %dma_start3A_512] : memref<64x100xi32, #tpu.memory_space<vmem>> -> memref<1x100xi32, #tpu.memory_space<vmem>>
    %dma_start3A_514 = tpu.memref_squeeze %dma_start3A_513 : memref<1x100xi32, #tpu.memory_space<vmem>> -> memref<100xi32, #tpu.memory_space<vmem>>
    %dma_start3A_515 = arith.constant 0 : i32
    %dma_start3A_516 = arith.constant 0 : i32
    %dma_start3A_517 = tpu.memref_slice %arg8[%dma_start3A_515, %dma_start3A_516] : memref<102400x64xf32, #tpu.memory_space<hbm>> -> memref<102400x64xf32, #tpu.memory_space<hbm>>
    tpu.enqueue_indirect_dma source(%dma_start3A_517 : memref<102400x64xf32, #tpu.memory_space<hbm>>) target(%dma_start3A_511 : memref<100x64xf32, #tpu.memory_space<vmem>>) offsets(%dma_start3A_514 : memref<100xi32, #tpu.memory_space<vmem>>) semaphore(%arg35 : memref<!tpu.dma_semaphore, #tpu.memory_space<semaphore_mem>>)
    %dma_start3A_518 = arith.constant 5 : i32
    %dma_start3A_519 = arith.constant 100 : i32
    %dma_start3A_520 = arith.constant 0 : i32
    %dma_start3A_521 = tpu.memref_slice %arg32[%dma_start3A_519, %dma_start3A_520] : memref<400x64xf32, #tpu.memory_space<vmem>> -> memref<100x64xf32, #tpu.memory_space<vmem>>
    %dma_start3A_522 = arith.constant 0 : i32
    %dma_start3A_523 = tpu.memref_slice %arg13[%dma_start3A_518, %dma_start3A_522] : memref<64x100xi32, #tpu.memory_space<vmem>> -> memref<1x100xi32, #tpu.memory_space<vmem>>
    %dma_start3A_524 = tpu.memref_squeeze %dma_start3A_523 : memref<1x100xi32, #tpu.memory_space<vmem>> -> memref<100xi32, #tpu.memory_space<vmem>>
    %dma_start3A_525 = arith.constant 0 : i32
    %dma_start3A_526 = arith.constant 0 : i32
    %dma_start3A_527 = tpu.memref_slice %arg8[%dma_start3A_525, %dma_start3A_526] : memref<102400x64xf32, #tpu.memory_space<hbm>> -> memref<102400x64xf32, #tpu.memory_space<hbm>>
    tpu.enqueue_indirect_dma source(%dma_start3A_527 : memref<102400x64xf32, #tpu.memory_space<hbm>>) target(%dma_start3A_521 : memref<100x64xf32, #tpu.memory_space<vmem>>) offsets(%dma_start3A_524 : memref<100xi32, #tpu.memory_space<vmem>>) semaphore(%arg35 : memref<!tpu.dma_semaphore, #tpu.memory_space<semaphore_mem>>)
    %dma_start3A_528 = arith.constant 6 : i32
    %dma_start3A_529 = arith.constant 200 : i32
    %dma_start3A_530 = arith.constant 0 : i32
    %dma_start3A_531 = tpu.memref_slice %arg32[%dma_start3A_529, %dma_start3A_530] : memref<400x64xf32, #tpu.memory_space<vmem>> -> memref<100x64xf32, #tpu.memory_space<vmem>>
    %dma_start3A_532 = arith.constant 0 : i32
    %dma_start3A_533 = tpu.memref_slice %arg13[%dma_start3A_528, %dma_start3A_532] : memref<64x100xi32, #tpu.memory_space<vmem>> -> memref<1x100xi32, #tpu.memory_space<vmem>>
    %dma_start3A_534 = tpu.memref_squeeze %dma_start3A_533 : memref<1x100xi32, #tpu.memory_space<vmem>> -> memref<100xi32, #tpu.memory_space<vmem>>
    %dma_start3A_535 = arith.constant 0 : i32
    %dma_start3A_536 = arith.constant 0 : i32
    %dma_start3A_537 = tpu.memref_slice %arg8[%dma_start3A_535, %dma_start3A_536] : memref<102400x64xf32, #tpu.memory_space<hbm>> -> memref<102400x64xf32, #tpu.memory_space<hbm>>
    tpu.enqueue_indirect_dma source(%dma_start3A_537 : memref<102400x64xf32, #tpu.memory_space<hbm>>) target(%dma_start3A_531 : memref<100x64xf32, #tpu.memory_space<vmem>>) offsets(%dma_start3A_534 : memref<100xi32, #tpu.memory_space<vmem>>) semaphore(%arg35 : memref<!tpu.dma_semaphore, #tpu.memory_space<semaphore_mem>>)
    %dma_start3A_538 = arith.constant 7 : i32
    %dma_start3A_539 = arith.constant 300 : i32
    %dma_start3A_540 = arith.constant 0 : i32
    %dma_start3A_541 = tpu.memref_slice %arg32[%dma_start3A_539, %dma_start3A_540] : memref<400x64xf32, #tpu.memory_space<vmem>> -> memref<100x64xf32, #tpu.memory_space<vmem>>
    %dma_start3A_542 = arith.constant 0 : i32
    %dma_start3A_543 = tpu.memref_slice %arg13[%dma_start3A_538, %dma_start3A_542] : memref<64x100xi32, #tpu.memory_space<vmem>> -> memref<1x100xi32, #tpu.memory_space<vmem>>
    %dma_start3A_544 = tpu.memref_squeeze %dma_start3A_543 : memref<1x100xi32, #tpu.memory_space<vmem>> -> memref<100xi32, #tpu.memory_space<vmem>>
    %dma_start3A_545 = arith.constant 0 : i32
    %dma_start3A_546 = arith.constant 0 : i32
    %dma_start3A_547 = tpu.memref_slice %arg8[%dma_start3A_545, %dma_start3A_546] : memref<102400x64xf32, #tpu.memory_space<hbm>> -> memref<102400x64xf32, #tpu.memory_space<hbm>>
    tpu.enqueue_indirect_dma source(%dma_start3A_547 : memref<102400x64xf32, #tpu.memory_space<hbm>>) target(%dma_start3A_541 : memref<100x64xf32, #tpu.memory_space<vmem>>) offsets(%dma_start3A_544 : memref<100xi32, #tpu.memory_space<vmem>>) semaphore(%arg35 : memref<!tpu.dma_semaphore, #tpu.memory_space<semaphore_mem>>)
    %broadcast_in_dim3A_548 = arith.constant 1 : i32
    %broadcast_in_dim3A_549 = vector.broadcast %broadcast_in_dim3A_548 : i32 to vector<16xi32>
    %scan3A_550 = arith.constant 0 : i32
    %scan3A_551 = arith.constant 0 : i32
    %scan3A_552 = arith.constant 8 : i32
    %scan3A_553 = arith.addi %scan3A_551, %scan3A_552 : i32
    %scan3A_554 = arith.constant 1 : i32
    %scan3A_555 = scf.for %scan3A_576 = %scan3A_551 to %scan3A_553 step %scan3A_554 iter_args(%scan3A_577 = %scan3A_550) -> (i32)  : i32 {
      %mul3A_578 = arith.constant 16 : i32
      %mul3A_579 = arith.muli %scan3A_576, %mul3A_578 : i32
      %broadcast_in_dim3A_580 = arith.constant 0 : i32
      %broadcast_in_dim3A_581 = vector.broadcast %broadcast_in_dim3A_580 : i32 to vector<16xi32>
      %get3A_582 = arith.constant 0 : i32
      %get3A_583 = arith.index_cast %get3A_582 : i32 to index
      %get3A_584 = arith.index_cast %mul3A_579 : i32 to index
      %get3A_585 = tpu.vector_load %arg14[%get3A_583, %get3A_584] {strides = array<i32>} : memref<50x128xi32, #tpu.memory_space<vmem>>, vector<16xi32>,
      %min3A = arith.minsi %get3A_585, %broadcast_in_dim3A_549 : vector<16xi32>
      %add3A_586 = arith.addi %broadcast_in_dim3A_581, %min3A : vector<16xi32>
      %get3A_587 = arith.constant 1 : i32
      %get3A_588 = arith.index_cast %get3A_587 : i32 to index
      %get3A_589 = arith.index_cast %mul3A_579 : i32 to index
      %get3A_590 = tpu.vector_load %arg14[%get3A_588, %get3A_589] {strides = array<i32>} : memref<50x128xi32, #tpu.memory_space<vmem>>, vector<16xi32>,
      %min3A_591 = arith.minsi %get3A_590, %broadcast_in_dim3A_549 : vector<16xi32>
      %add3A_592 = arith.addi %add3A_586, %min3A_591 : vector<16xi32>
      %get3A_593 = arith.constant 2 : i32
      %get3A_594 = arith.index_cast %get3A_593 : i32 to index
      %get3A_595 = arith.index_cast %mul3A_579 : i32 to index
      %get3A_596 = tpu.vector_load %arg14[%get3A_594, %get3A_595] {strides = array<i32>} : memref<50x128xi32, #tpu.memory_space<vmem>>, vector<16xi32>,
      %min3A_597 = arith.minsi %get3A_596, %broadcast_in_dim3A_549 : vector<16xi32>
      %add3A_598 = arith.addi %add3A_592, %min3A_597 : vector<16xi32>
      %get3A_599 = arith.constant 3 : i32
      %get3A_600 = arith.index_cast %get3A_599 : i32 to index
      %get3A_601 = arith.index_cast %mul3A_579 : i32 to index
      %get3A_602 = tpu.vector_load %arg14[%get3A_600, %get3A_601] {strides = array<i32>} : memref<50x128xi32, #tpu.memory_space<vmem>>, vector<16xi32>,
      %min3A_603 = arith.minsi %get3A_602, %broadcast_in_dim3A_549 : vector<16xi32>
      %add3A_604 = arith.addi %add3A_598, %min3A_603 : vector<16xi32>
      %get3A_605 = arith.constant 4 : i32
      %get3A_606 = arith.index_cast %get3A_605 : i32 to index
      %get3A_607 = arith.index_cast %mul3A_579 : i32 to index
      %get3A_608 = tpu.vector_load %arg14[%get3A_606, %get3A_607] {strides = array<i32>} : memref<50x128xi32, #tpu.memory_space<vmem>>, vector<16xi32>,
      %min3A_609 = arith.minsi %get3A_608, %broadcast_in_dim3A_549 : vector<16xi32>
      %add3A_610 = arith.addi %add3A_604, %min3A_609 : vector<16xi32>
      %get3A_611 = arith.constant 5 : i32
      %get3A_612 = arith.index_cast %get3A_611 : i32 to index
      %get3A_613 = arith.index_cast %mul3A_579 : i32 to index
      %get3A_614 = tpu.vector_load %arg14[%get3A_612, %get3A_613] {strides = array<i32>} : memref<50x128xi32, #tpu.memory_space<vmem>>, vector<16xi32>,
      %min3A_615 = arith.minsi %get3A_614, %broadcast_in_dim3A_549 : vector<16xi32>
      %add3A_616 = arith.addi %add3A_610, %min3A_615 : vector<16xi32>
      %get3A_617 = arith.constant 6 : i32
      %get3A_618 = arith.index_cast %get3A_617 : i32 to index
      %get3A_619 = arith.index_cast %mul3A_579 : i32 to index
      %get3A_620 = tpu.vector_load %arg14[%get3A_618, %get3A_619] {strides = array<i32>} : memref<50x128xi32, #tpu.memory_space<vmem>>, vector<16xi32>,
      %min3A_621 = arith.minsi %get3A_620, %broadcast_in_dim3A_549 : vector<16xi32>
      %add3A_622 = arith.addi %add3A_616, %min3A_621 : vector<16xi32>
      %get3A_623 = arith.constant 7 : i32
      %get3A_624 = arith.index_cast %get3A_623 : i32 to index
      %get3A_625 = arith.index_cast %mul3A_579 : i32 to index
      %get3A_626 = tpu.vector_load %arg14[%get3A_624, %get3A_625] {strides = array<i32>} : memref<50x128xi32, #tpu.memory_space<vmem>>, vector<16xi32>,
      %min3A_627 = arith.minsi %get3A_626, %broadcast_in_dim3A_549 : vector<16xi32>
      %add3A_628 = arith.addi %add3A_622, %min3A_627 : vector<16xi32>
      %get3A_629 = arith.constant 8 : i32
      %get3A_630 = arith.index_cast %get3A_629 : i32 to index
      %get3A_631 = arith.index_cast %mul3A_579 : i32 to index
      %get3A_632 = tpu.vector_load %arg14[%get3A_630, %get3A_631] {strides = array<i32>} : memref<50x128xi32, #tpu.memory_space<vmem>>, vector<16xi32>,
      %min3A_633 = arith.minsi %get3A_632, %broadcast_in_dim3A_549 : vector<16xi32>
      %add3A_634 = arith.addi %add3A_628, %min3A_633 : vector<16xi32>
      %get3A_635 = arith.constant 9 : i32
      %get3A_636 = arith.index_cast %get3A_635 : i32 to index
      %get3A_637 = arith.index_cast %mul3A_579 : i32 to index
      %get3A_638 = tpu.vector_load %arg14[%get3A_636, %get3A_637] {strides = array<i32>} : memref<50x128xi32, #tpu.memory_space<vmem>>, vector<16xi32>,
      %min3A_639 = arith.minsi %get3A_638, %broadcast_in_dim3A_549 : vector<16xi32>
      %add3A_640 = arith.addi %add3A_634, %min3A_639 : vector<16xi32>
      %get3A_641 = arith.constant 10 : i32
      %get3A_642 = arith.index_cast %get3A_641 : i32 to index
      %get3A_643 = arith.index_cast %mul3A_579 : i32 to index
      %get3A_644 = tpu.vector_load %arg14[%get3A_642, %get3A_643] {strides = array<i32>} : memref<50x128xi32, #tpu.memory_space<vmem>>, vector<16xi32>,
      %min3A_645 = arith.minsi %get3A_644, %broadcast_in_dim3A_549 : vector<16xi32>
      %add3A_646 = arith.addi %add3A_640, %min3A_645 : vector<16xi32>
      %get3A_647 = arith.constant 11 : i32
      %get3A_648 = arith.index_cast %get3A_647 : i32 to index
      %get3A_649 = arith.index_cast %mul3A_579 : i32 to index
      %get3A_650 = tpu.vector_load %arg14[%get3A_648, %get3A_649] {strides = array<i32>} : memref<50x128xi32, #tpu.memory_space<vmem>>, vector<16xi32>,
      %min3A_651 = arith.minsi %get3A_650, %broadcast_in_dim3A_549 : vector<16xi32>
      %add3A_652 = arith.addi %add3A_646, %min3A_651 : vector<16xi32>
      %get3A_653 = arith.constant 12 : i32
      %get3A_654 = arith.index_cast %get3A_653 : i32 to index
      %get3A_655 = arith.index_cast %mul3A_579 : i32 to index
      %get3A_656 = tpu.vector_load %arg14[%get3A_654, %get3A_655] {strides = array<i32>} : memref<50x128xi32, #tpu.memory_space<vmem>>, vector<16xi32>,
      %min3A_657 = arith.minsi %get3A_656, %broadcast_in_dim3A_549 : vector<16xi32>
      %add3A_658 = arith.addi %add3A_652, %min3A_657 : vector<16xi32>
      %get3A_659 = arith.constant 13 : i32
      %get3A_660 = arith.index_cast %get3A_659 : i32 to index
      %get3A_661 = arith.index_cast %mul3A_579 : i32 to index
      %get3A_662 = tpu.vector_load %arg14[%get3A_660, %get3A_661] {strides = array<i32>} : memref<50x128xi32, #tpu.memory_space<vmem>>, vector<16xi32>,
      %min3A_663 = arith.minsi %get3A_662, %broadcast_in_dim3A_549 : vector<16xi32>
      %add3A_664 = arith.addi %add3A_658, %min3A_663 : vector<16xi32>
      %get3A_665 = arith.constant 14 : i32
      %get3A_666 = arith.index_cast %get3A_665 : i32 to index
      %get3A_667 = arith.index_cast %mul3A_579 : i32 to index
      %get3A_668 = tpu.vector_load %arg14[%get3A_666, %get3A_667] {strides = array<i32>} : memref<50x128xi32, #tpu.memory_space<vmem>>, vector<16xi32>,
      %min3A_669 = arith.minsi %get3A_668, %broadcast_in_dim3A_549 : vector<16xi32>
      %add3A_670 = arith.addi %add3A_664, %min3A_669 : vector<16xi32>
      %get3A_671 = arith.constant 15 : i32
      %get3A_672 = arith.index_cast %get3A_671 : i32 to index
      %get3A_673 = arith.index_cast %mul3A_579 : i32 to index
      %get3A_674 = tpu.vector_load %arg14[%get3A_672, %get3A_673] {strides = array<i32>} : memref<50x128xi32, #tpu.memory_space<vmem>>, vector<16xi32>,
      %min3A_675 = arith.minsi %get3A_674, %broadcast_in_dim3A_549 : vector<16xi32>
      %add3A_676 = arith.addi %add3A_670, %min3A_675 : vector<16xi32>
      %get3A_677 = arith.constant 16 : i32
      %get3A_678 = arith.index_cast %get3A_677 : i32 to index
      %get3A_679 = arith.index_cast %mul3A_579 : i32 to index
      %get3A_680 = tpu.vector_load %arg14[%get3A_678, %get3A_679] {strides = array<i32>} : memref<50x128xi32, #tpu.memory_space<vmem>>, vector<16xi32>,
      %min3A_681 = arith.minsi %get3A_680, %broadcast_in_dim3A_549 : vector<16xi32>
      %add3A_682 = arith.addi %add3A_676, %min3A_681 : vector<16xi32>
      %get3A_683 = arith.constant 17 : i32
      %get3A_684 = arith.index_cast %get3A_683 : i32 to index
      %get3A_685 = arith.index_cast %mul3A_579 : i32 to index
      %get3A_686 = tpu.vector_load %arg14[%get3A_684, %get3A_685] {strides = array<i32>} : memref<50x128xi32, #tpu.memory_space<vmem>>, vector<16xi32>,
      %min3A_687 = arith.minsi %get3A_686, %broadcast_in_dim3A_549 : vector<16xi32>
      %add3A_688 = arith.addi %add3A_682, %min3A_687 : vector<16xi32>
      %get3A_689 = arith.constant 18 : i32
      %get3A_690 = arith.index_cast %get3A_689 : i32 to index
      %get3A_691 = arith.index_cast %mul3A_579 : i32 to index
      %get3A_692 = tpu.vector_load %arg14[%get3A_690, %get3A_691] {strides = array<i32>} : memref<50x128xi32, #tpu.memory_space<vmem>>, vector<16xi32>,
      %min3A_693 = arith.minsi %get3A_692, %broadcast_in_dim3A_549 : vector<16xi32>
      %add3A_694 = arith.addi %add3A_688, %min3A_693 : vector<16xi32>
      %get3A_695 = arith.constant 19 : i32
      %get3A_696 = arith.index_cast %get3A_695 : i32 to index
      %get3A_697 = arith.index_cast %mul3A_579 : i32 to index
      %get3A_698 = tpu.vector_load %arg14[%get3A_696, %get3A_697] {strides = array<i32>} : memref<50x128xi32, #tpu.memory_space<vmem>>, vector<16xi32>,
      %min3A_699 = arith.minsi %get3A_698, %broadcast_in_dim3A_549 : vector<16xi32>
      %add3A_700 = arith.addi %add3A_694, %min3A_699 : vector<16xi32>
      %get3A_701 = arith.constant 20 : i32
      %get3A_702 = arith.index_cast %get3A_701 : i32 to index
      %get3A_703 = arith.index_cast %mul3A_579 : i32 to index
      %get3A_704 = tpu.vector_load %arg14[%get3A_702, %get3A_703] {strides = array<i32>} : memref<50x128xi32, #tpu.memory_space<vmem>>, vector<16xi32>,
      %min3A_705 = arith.minsi %get3A_704, %broadcast_in_dim3A_549 : vector<16xi32>
      %add3A_706 = arith.addi %add3A_700, %min3A_705 : vector<16xi32>
      %get3A_707 = arith.constant 21 : i32
      %get3A_708 = arith.index_cast %get3A_707 : i32 to index
      %get3A_709 = arith.index_cast %mul3A_579 : i32 to index
      %get3A_710 = tpu.vector_load %arg14[%get3A_708, %get3A_709] {strides = array<i32>} : memref<50x128xi32, #tpu.memory_space<vmem>>, vector<16xi32>,
      %min3A_711 = arith.minsi %get3A_710, %broadcast_in_dim3A_549 : vector<16xi32>
      %add3A_712 = arith.addi %add3A_706, %min3A_711 : vector<16xi32>
      %get3A_713 = arith.constant 22 : i32
      %get3A_714 = arith.index_cast %get3A_713 : i32 to index
      %get3A_715 = arith.index_cast %mul3A_579 : i32 to index
      %get3A_716 = tpu.vector_load %arg14[%get3A_714, %get3A_715] {strides = array<i32>} : memref<50x128xi32, #tpu.memory_space<vmem>>, vector<16xi32>,
      %min3A_717 = arith.minsi %get3A_716, %broadcast_in_dim3A_549 : vector<16xi32>
      %add3A_718 = arith.addi %add3A_712, %min3A_717 : vector<16xi32>
      %get3A_719 = arith.constant 23 : i32
      %get3A_720 = arith.index_cast %get3A_719 : i32 to index
      %get3A_721 = arith.index_cast %mul3A_579 : i32 to index
      %get3A_722 = tpu.vector_load %arg14[%get3A_720, %get3A_721] {strides = array<i32>} : memref<50x128xi32, #tpu.memory_space<vmem>>, vector<16xi32>,
      %min3A_723 = arith.minsi %get3A_722, %broadcast_in_dim3A_549 : vector<16xi32>
      %add3A_724 = arith.addi %add3A_718, %min3A_723 : vector<16xi32>
      %get3A_725 = arith.constant 24 : i32
      %get3A_726 = arith.index_cast %get3A_725 : i32 to index
      %get3A_727 = arith.index_cast %mul3A_579 : i32 to index
      %get3A_728 = tpu.vector_load %arg14[%get3A_726, %get3A_727] {strides = array<i32>} : memref<50x128xi32, #tpu.memory_space<vmem>>, vector<16xi32>,
      %min3A_729 = arith.minsi %get3A_728, %broadcast_in_dim3A_549 : vector<16xi32>
      %add3A_730 = arith.addi %add3A_724, %min3A_729 : vector<16xi32>
      %get3A_731 = arith.constant 25 : i32
      %get3A_732 = arith.index_cast %get3A_731 : i32 to index
      %get3A_733 = arith.index_cast %mul3A_579 : i32 to index
      %get3A_734 = tpu.vector_load %arg14[%get3A_732, %get3A_733] {strides = array<i32>} : memref<50x128xi32, #tpu.memory_space<vmem>>, vector<16xi32>,
      %min3A_735 = arith.minsi %get3A_734, %broadcast_in_dim3A_549 : vector<16xi32>
      %add3A_736 = arith.addi %add3A_730, %min3A_735 : vector<16xi32>
      %get3A_737 = arith.constant 26 : i32
      %get3A_738 = arith.index_cast %get3A_737 : i32 to index
      %get3A_739 = arith.index_cast %mul3A_579 : i32 to index
      %get3A_740 = tpu.vector_load %arg14[%get3A_738, %get3A_739] {strides = array<i32>} : memref<50x128xi32, #tpu.memory_space<vmem>>, vector<16xi32>,
      %min3A_741 = arith.minsi %get3A_740, %broadcast_in_dim3A_549 : vector<16xi32>
      %add3A_742 = arith.addi %add3A_736, %min3A_741 : vector<16xi32>
      %get3A_743 = arith.constant 27 : i32
      %get3A_744 = arith.index_cast %get3A_743 : i32 to index
      %get3A_745 = arith.index_cast %mul3A_579 : i32 to index
      %get3A_746 = tpu.vector_load %arg14[%get3A_744, %get3A_745] {strides = array<i32>} : memref<50x128xi32, #tpu.memory_space<vmem>>, vector<16xi32>,
      %min3A_747 = arith.minsi %get3A_746, %broadcast_in_dim3A_549 : vector<16xi32>
      %add3A_748 = arith.addi %add3A_742, %min3A_747 : vector<16xi32>
      %get3A_749 = arith.constant 28 : i32
      %get3A_750 = arith.index_cast %get3A_749 : i32 to index
      %get3A_751 = arith.index_cast %mul3A_579 : i32 to index
      %get3A_752 = tpu.vector_load %arg14[%get3A_750, %get3A_751] {strides = array<i32>} : memref<50x128xi32, #tpu.memory_space<vmem>>, vector<16xi32>,
      %min3A_753 = arith.minsi %get3A_752, %broadcast_in_dim3A_549 : vector<16xi32>
      %add3A_754 = arith.addi %add3A_748, %min3A_753 : vector<16xi32>
      %get3A_755 = arith.constant 29 : i32
      %get3A_756 = arith.index_cast %get3A_755 : i32 to index
      %get3A_757 = arith.index_cast %mul3A_579 : i32 to index
      %get3A_758 = tpu.vector_load %arg14[%get3A_756, %get3A_757] {strides = array<i32>} : memref<50x128xi32, #tpu.memory_space<vmem>>, vector<16xi32>,
      %min3A_759 = arith.minsi %get3A_758, %broadcast_in_dim3A_549 : vector<16xi32>
      %add3A_760 = arith.addi %add3A_754, %min3A_759 : vector<16xi32>
      %get3A_761 = arith.constant 30 : i32
      %get3A_762 = arith.index_cast %get3A_761 : i32 to index
      %get3A_763 = arith.index_cast %mul3A_579 : i32 to index
      %get3A_764 = tpu.vector_load %arg14[%get3A_762, %get3A_763] {strides = array<i32>} : memref<50x128xi32, #tpu.memory_space<vmem>>, vector<16xi32>,
      %min3A_765 = arith.minsi %get3A_764, %broadcast_in_dim3A_549 : vector<16xi32>
      %add3A_766 = arith.addi %add3A_760, %min3A_765 : vector<16xi32>
      %get3A_767 = arith.constant 31 : i32
      %get3A_768 = arith.index_cast %get3A_767 : i32 to index
      %get3A_769 = arith.index_cast %mul3A_579 : i32 to index
      %get3A_770 = tpu.vector_load %arg14[%get3A_768, %get3A_769] {strides = array<i32>} : memref<50x128xi32, #tpu.memory_space<vmem>>, vector<16xi32>,
      %min3A_771 = arith.minsi %get3A_770, %broadcast_in_dim3A_549 : vector<16xi32>
      %add3A_772 = arith.addi %add3A_766, %min3A_771 : vector<16xi32>
      %get3A_773 = arith.constant 32 : i32
      %get3A_774 = arith.index_cast %get3A_773 : i32 to index
      %get3A_775 = arith.index_cast %mul3A_579 : i32 to index
      %get3A_776 = tpu.vector_load %arg14[%get3A_774, %get3A_775] {strides = array<i32>} : memref<50x128xi32, #tpu.memory_space<vmem>>, vector<16xi32>,
      %min3A_777 = arith.minsi %get3A_776, %broadcast_in_dim3A_549 : vector<16xi32>
      %add3A_778 = arith.addi %add3A_772, %min3A_777 : vector<16xi32>
      %get3A_779 = arith.constant 33 : i32
      %get3A_780 = arith.index_cast %get3A_779 : i32 to index
      %get3A_781 = arith.index_cast %mul3A_579 : i32 to index
      %get3A_782 = tpu.vector_load %arg14[%get3A_780, %get3A_781] {strides = array<i32>} : memref<50x128xi32, #tpu.memory_space<vmem>>, vector<16xi32>,
      %min3A_783 = arith.minsi %get3A_782, %broadcast_in_dim3A_549 : vector<16xi32>
      %add3A_784 = arith.addi %add3A_778, %min3A_783 : vector<16xi32>
      %get3A_785 = arith.constant 34 : i32
      %get3A_786 = arith.index_cast %get3A_785 : i32 to index
      %get3A_787 = arith.index_cast %mul3A_579 : i32 to index
      %get3A_788 = tpu.vector_load %arg14[%get3A_786, %get3A_787] {strides = array<i32>} : memref<50x128xi32, #tpu.memory_space<vmem>>, vector<16xi32>,
      %min3A_789 = arith.minsi %get3A_788, %broadcast_in_dim3A_549 : vector<16xi32>
      %add3A_790 = arith.addi %add3A_784, %min3A_789 : vector<16xi32>
      %get3A_791 = arith.constant 35 : i32
      %get3A_792 = arith.index_cast %get3A_791 : i32 to index
      %get3A_793 = arith.index_cast %mul3A_579 : i32 to index
      %get3A_794 = tpu.vector_load %arg14[%get3A_792, %get3A_793] {strides = array<i32>} : memref<50x128xi32, #tpu.memory_space<vmem>>, vector<16xi32>,
      %min3A_795 = arith.minsi %get3A_794, %broadcast_in_dim3A_549 : vector<16xi32>
      %add3A_796 = arith.addi %add3A_790, %min3A_795 : vector<16xi32>
      %get3A_797 = arith.constant 36 : i32
      %get3A_798 = arith.index_cast %get3A_797 : i32 to index
      %get3A_799 = arith.index_cast %mul3A_579 : i32 to index
      %get3A_800 = tpu.vector_load %arg14[%get3A_798, %get3A_799] {strides = array<i32>} : memref<50x128xi32, #tpu.memory_space<vmem>>, vector<16xi32>,
      %min3A_801 = arith.minsi %get3A_800, %broadcast_in_dim3A_549 : vector<16xi32>
      %add3A_802 = arith.addi %add3A_796, %min3A_801 : vector<16xi32>
      %get3A_803 = arith.constant 37 : i32
      %get3A_804 = arith.index_cast %get3A_803 : i32 to index
      %get3A_805 = arith.index_cast %mul3A_579 : i32 to index
      %get3A_806 = tpu.vector_load %arg14[%get3A_804, %get3A_805] {strides = array<i32>} : memref<50x128xi32, #tpu.memory_space<vmem>>, vector<16xi32>,
      %min3A_807 = arith.minsi %get3A_806, %broadcast_in_dim3A_549 : vector<16xi32>
      %add3A_808 = arith.addi %add3A_802, %min3A_807 : vector<16xi32>
      %get3A_809 = arith.constant 38 : i32
      %get3A_810 = arith.index_cast %get3A_809 : i32 to index
      %get3A_811 = arith.index_cast %mul3A_579 : i32 to index
      %get3A_812 = tpu.vector_load %arg14[%get3A_810, %get3A_811] {strides = array<i32>} : memref<50x128xi32, #tpu.memory_space<vmem>>, vector<16xi32>,
      %min3A_813 = arith.minsi %get3A_812, %broadcast_in_dim3A_549 : vector<16xi32>
      %add3A_814 = arith.addi %add3A_808, %min3A_813 : vector<16xi32>
      %get3A_815 = arith.constant 39 : i32
      %get3A_816 = arith.index_cast %get3A_815 : i32 to index
      %get3A_817 = arith.index_cast %mul3A_579 : i32 to index
      %get3A_818 = tpu.vector_load %arg14[%get3A_816, %get3A_817] {strides = array<i32>} : memref<50x128xi32, #tpu.memory_space<vmem>>, vector<16xi32>,
      %min3A_819 = arith.minsi %get3A_818, %broadcast_in_dim3A_549 : vector<16xi32>
      %add3A_820 = arith.addi %add3A_814, %min3A_819 : vector<16xi32>
      %get3A_821 = arith.constant 40 : i32
      %get3A_822 = arith.index_cast %get3A_821 : i32 to index
      %get3A_823 = arith.index_cast %mul3A_579 : i32 to index
      %get3A_824 = tpu.vector_load %arg14[%get3A_822, %get3A_823] {strides = array<i32>} : memref<50x128xi32, #tpu.memory_space<vmem>>, vector<16xi32>,
      %min3A_825 = arith.minsi %get3A_824, %broadcast_in_dim3A_549 : vector<16xi32>
      %add3A_826 = arith.addi %add3A_820, %min3A_825 : vector<16xi32>
      %get3A_827 = arith.constant 41 : i32
      %get3A_828 = arith.index_cast %get3A_827 : i32 to index
      %get3A_829 = arith.index_cast %mul3A_579 : i32 to index
      %get3A_830 = tpu.vector_load %arg14[%get3A_828, %get3A_829] {strides = array<i32>} : memref<50x128xi32, #tpu.memory_space<vmem>>, vector<16xi32>,
      %min3A_831 = arith.minsi %get3A_830, %broadcast_in_dim3A_549 : vector<16xi32>
      %add3A_832 = arith.addi %add3A_826, %min3A_831 : vector<16xi32>
      %get3A_833 = arith.constant 42 : i32
      %get3A_834 = arith.index_cast %get3A_833 : i32 to index
      %get3A_835 = arith.index_cast %mul3A_579 : i32 to index
      %get3A_836 = tpu.vector_load %arg14[%get3A_834, %get3A_835] {strides = array<i32>} : memref<50x128xi32, #tpu.memory_space<vmem>>, vector<16xi32>,
      %min3A_837 = arith.minsi %get3A_836, %broadcast_in_dim3A_549 : vector<16xi32>
      %add3A_838 = arith.addi %add3A_832, %min3A_837 : vector<16xi32>
      %get3A_839 = arith.constant 43 : i32
      %get3A_840 = arith.index_cast %get3A_839 : i32 to index
      %get3A_841 = arith.index_cast %mul3A_579 : i32 to index
      %get3A_842 = tpu.vector_load %arg14[%get3A_840, %get3A_841] {strides = array<i32>} : memref<50x128xi32, #tpu.memory_space<vmem>>, vector<16xi32>,
      %min3A_843 = arith.minsi %get3A_842, %broadcast_in_dim3A_549 : vector<16xi32>
      %add3A_844 = arith.addi %add3A_838, %min3A_843 : vector<16xi32>
      %get3A_845 = arith.constant 44 : i32
      %get3A_846 = arith.index_cast %get3A_845 : i32 to index
      %get3A_847 = arith.index_cast %mul3A_579 : i32 to index
      %get3A_848 = tpu.vector_load %arg14[%get3A_846, %get3A_847] {strides = array<i32>} : memref<50x128xi32, #tpu.memory_space<vmem>>, vector<16xi32>,
      %min3A_849 = arith.minsi %get3A_848, %broadcast_in_dim3A_549 : vector<16xi32>
      %add3A_850 = arith.addi %add3A_844, %min3A_849 : vector<16xi32>
      %get3A_851 = arith.constant 45 : i32
      %get3A_852 = arith.index_cast %get3A_851 : i32 to index
      %get3A_853 = arith.index_cast %mul3A_579 : i32 to index
      %get3A_854 = tpu.vector_load %arg14[%get3A_852, %get3A_853] {strides = array<i32>} : memref<50x128xi32, #tpu.memory_space<vmem>>, vector<16xi32>,
      %min3A_855 = arith.minsi %get3A_854, %broadcast_in_dim3A_549 : vector<16xi32>
      %add3A_856 = arith.addi %add3A_850, %min3A_855 : vector<16xi32>
      %get3A_857 = arith.constant 46 : i32
      %get3A_858 = arith.index_cast %get3A_857 : i32 to index
      %get3A_859 = arith.index_cast %mul3A_579 : i32 to index
      %get3A_860 = tpu.vector_load %arg14[%get3A_858, %get3A_859] {strides = array<i32>} : memref<50x128xi32, #tpu.memory_space<vmem>>, vector<16xi32>,
      %min3A_861 = arith.minsi %get3A_860, %broadcast_in_dim3A_549 : vector<16xi32>
      %add3A_862 = arith.addi %add3A_856, %min3A_861 : vector<16xi32>
      %get3A_863 = arith.constant 47 : i32
      %get3A_864 = arith.index_cast %get3A_863 : i32 to index
      %get3A_865 = arith.index_cast %mul3A_579 : i32 to index
      %get3A_866 = tpu.vector_load %arg14[%get3A_864, %get3A_865] {strides = array<i32>} : memref<50x128xi32, #tpu.memory_space<vmem>>, vector<16xi32>,
      %min3A_867 = arith.minsi %get3A_866, %broadcast_in_dim3A_549 : vector<16xi32>
      %add3A_868 = arith.addi %add3A_862, %min3A_867 : vector<16xi32>
      %get3A_869 = arith.constant 48 : i32
      %get3A_870 = arith.index_cast %get3A_869 : i32 to index
      %get3A_871 = arith.index_cast %mul3A_579 : i32 to index
      %get3A_872 = tpu.vector_load %arg14[%get3A_870, %get3A_871] {strides = array<i32>} : memref<50x128xi32, #tpu.memory_space<vmem>>, vector<16xi32>,
      %min3A_873 = arith.minsi %get3A_872, %broadcast_in_dim3A_549 : vector<16xi32>
      %add3A_874 = arith.addi %add3A_868, %min3A_873 : vector<16xi32>
      %get3A_875 = arith.constant 49 : i32
      %get3A_876 = arith.index_cast %get3A_875 : i32 to index
      %get3A_877 = arith.index_cast %mul3A_579 : i32 to index
      %get3A_878 = tpu.vector_load %arg14[%get3A_876, %get3A_877] {strides = array<i32>} : memref<50x128xi32, #tpu.memory_space<vmem>>, vector<16xi32>,
      %min3A_879 = arith.minsi %get3A_878, %broadcast_in_dim3A_549 : vector<16xi32>
      %add3A_880 = arith.addi %add3A_874, %min3A_879 : vector<16xi32>
      %sub3A_881 = arith.constant 50 : i32
      %sub3A_882 = vector.broadcast %sub3A_881 : i32 to vector<16xi32>
      %sub3A_883 = arith.subi %sub3A_882, %add3A_880 : vector<16xi32>
      %convert_element_type3A = arith.sitofp %sub3A_883 : vector<16xi32> to vector<16xf32>
      %swap3A_884 = arith.index_cast %mul3A_579 : i32 to index
      %swap3A_885 = tpu.vector_load %arg28[%swap3A_884] {strides = array<i32>} : memref<128xf32, #tpu.memory_space<vmem>>, vector<16xf32>,
      tpu.vector_store %arg28[%swap3A_884], %convert_element_type3A {strides = array<i32>} : memref<128xf32, #tpu.memory_space<vmem>>, vector<16xf32>,
      %gather3A = tpu.vector_load_idx %arg25[%add3A_880] : memref<64xf32, #tpu.memory_space<vmem>>[vector<16xi32>], vector<16xf32>,
      %swap3A_886 = arith.index_cast %mul3A_579 : i32 to index
      %swap3A_887 = tpu.vector_load %arg29[%swap3A_886] {strides = array<i32>} : memref<128xf32, #tpu.memory_space<vmem>>, vector<16xf32>,
      tpu.vector_store %arg29[%swap3A_886], %gather3A {strides = array<i32>} : memref<128xf32, #tpu.memory_space<vmem>>, vector<16xf32>,
      %scan3A_888 = arith.constant 0 : i32
      scf.yield %scan3A_888 : i32
    }
    %scan3A_556 = arith.constant 8 : i32
    %dma_wait3A = arith.constant 0 : i32
    %dma_wait3A_557 = arith.constant 0 : i32
    %dma_wait3A_558 = tpu.memref_slice %arg5[%dma_wait3A, %dma_wait3A_557] : memref<6250x16xf32, #tpu.memory_space<hbm>> -> memref<6250x16xf32, #tpu.memory_space<hbm>>
    tpu.wait_indirect_dma semaphore(%arg33 : memref<!tpu.dma_semaphore, #tpu.memory_space<semaphore_mem>>) src(%dma_wait3A_558 : memref<6250x16xf32, #tpu.memory_space<hbm>>) dst(%arg20 : memref<128x16xf32, #tpu.memory_space<vmem>>)
    %dma_wait3A_559 = arith.constant 0 : i32
    %dma_wait3A_560 = arith.constant 0 : i32
    %dma_wait3A_561 = tpu.memref_slice %arg6[%dma_wait3A_559, %dma_wait3A_560] : memref<6250x16xf32, #tpu.memory_space<hbm>> -> memref<6250x16xf32, #tpu.memory_space<hbm>>
    tpu.wait_indirect_dma semaphore(%arg33 : memref<!tpu.dma_semaphore, #tpu.memory_space<semaphore_mem>>) src(%dma_wait3A_561 : memref<6250x16xf32, #tpu.memory_space<hbm>>) dst(%arg21 : memref<128x16xf32, #tpu.memory_space<vmem>>)
    %dma_wait3A_562 = arith.constant 0 : i32
    %dma_wait3A_563 = arith.constant 0 : i32
    %dma_wait3A_564 = tpu.memref_slice %arg7[%dma_wait3A_562, %dma_wait3A_563] : memref<102400x64xf32, #tpu.memory_space<hbm>> -> memref<102400x64xf32, #tpu.memory_space<hbm>>
    tpu.wait_indirect_dma semaphore(%arg33 : memref<!tpu.dma_semaphore, #tpu.memory_space<semaphore_mem>>) src(%dma_wait3A_564 : memref<102400x64xf32, #tpu.memory_space<hbm>>) dst(%arg24 : memref<128x64xf32, #tpu.memory_space<vmem>>)
    %dma_wait3A_565 = arith.constant 0 : i32
    %dma_wait3A_566 = arith.constant 0 : i32
    %dma_wait3A_567 = tpu.memref_slice %arg8[%dma_wait3A_565, %dma_wait3A_566] : memref<102400x64xf32, #tpu.memory_space<hbm>> -> memref<102400x64xf32, #tpu.memory_space<hbm>>
    tpu.wait_indirect_dma semaphore(%arg33 : memref<!tpu.dma_semaphore, #tpu.memory_space<semaphore_mem>>) src(%dma_wait3A_567 : memref<102400x64xf32, #tpu.memory_space<hbm>>) dst(%arg27 : memref<16x64xf32, #tpu.memory_space<vmem>>)
    %iota3A_568 = tpu.iota {dimensions = array<i32: 0>} : vector<16xi32>
    %scan3A_569 = arith.constant 0 : i32
    %scan3A_570 = arith.constant 0 : i32
    %scan3A_571 = arith.constant 8 : i32
    %scan3A_572 = arith.addi %scan3A_570, %scan3A_571 : i32
    %scan3A_573 = arith.constant 1 : i32
    %scan3A_574 = scf.for %scan3A_576 = %scan3A_570 to %scan3A_572 step %scan3A_573 iter_args(%scan3A_577 = %scan3A_569) -> (i32)  : i32 {
      %mul3A_578 = arith.constant 16 : i32
      %mul3A_579 = arith.muli %scan3A_576, %mul3A_578 : i32
      %get3A_580 = arith.index_cast %mul3A_579 : i32 to index
      %get3A_581 = tpu.vector_load %arg28[%get3A_580] {strides = array<i32>} : memref<128xf32, #tpu.memory_space<vmem>>, vector<16xf32>,
      %get3A_582 = arith.constant 0 : i32
      %get3A_583 = arith.index_cast %get3A_582 : i32 to index
      %get3A_584 = arith.constant 0 : index
      %get3A_585 = tpu.vector_load %arg27[%get3A_583, %get3A_584] {strides = array<i32>} : memref<16x64xf32, #tpu.memory_space<vmem>>, vector<16xf32>,
      %get3A_586 = arith.constant 0 : i32
      %get3A_587 = arith.index_cast %get3A_586 : i32 to index
      %get3A_588 = arith.constant 16 : index
      %get3A_589 = tpu.vector_load %arg27[%get3A_587, %get3A_588] {strides = array<i32>} : memref<16x64xf32, #tpu.memory_space<vmem>>, vector<16xf32>,
      %get3A_590 = arith.constant 0 : i32
      %get3A_591 = arith.index_cast %get3A_590 : i32 to index
      %get3A_592 = arith.constant 32 : index
      %get3A_593 = tpu.vector_load %arg27[%get3A_591, %get3A_592] {strides = array<i32>} : memref<16x64xf32, #tpu.memory_space<vmem>>, vector<16xf32>,
      %get3A_594 = arith.constant 0 : i32
      %get3A_595 = arith.index_cast %get3A_594 : i32 to index
      %get3A_596 = arith.constant 48 : index
      %get3A_597 = tpu.vector_load %arg27[%get3A_595, %get3A_596] {strides = array<i32>} : memref<16x64xf32, #tpu.memory_space<vmem>>, vector<16xf32>,
      %broadcast_in_dim3A_598 = arith.constant 0.000000e+00 : f32
      %broadcast_in_dim3A_599 = vector.broadcast %broadcast_in_dim3A_598 : f32 to vector<16xf32>
      %mul3A_600 = arith.constant 2 : i32
      %mul3A_601 = arith.muli %mul3A_600, %scan3A_576 : i32
      %add3A_602 = arith.constant 0 : i32
      %add3A_603 = arith.addi %mul3A_601, %add3A_602 : i32
      %dma_wait3A_604 = arith.constant 0 : i32
      %dma_wait3A_605 = arith.constant 0 : i32
      %dma_wait3A_606 = tpu.memref_slice %arg8[%dma_wait3A_604, %dma_wait3A_605] : memref<102400x64xf32, #tpu.memory_space<hbm>> -> memref<400x64xf32, #tpu.memory_space<hbm>>
      %dma_wait3A_607 = arith.constant 0 : i32
      %dma_wait3A_608 = arith.constant 0 : i32
      %dma_wait3A_609 = tpu.memref_slice %arg8[%dma_wait3A_607, %dma_wait3A_608] : memref<102400x64xf32, #tpu.memory_space<hbm>> -> memref<400x64xf32, #tpu.memory_space<hbm>>
      tpu.wait_dma2 semaphore(%arg34 : memref<!tpu.dma_semaphore, #tpu.memory_space<semaphore_mem>>) src(%dma_wait3A_609 : memref<400x64xf32, #tpu.memory_space<hbm>>) dst(%arg31 : memref<400x64xf32, #tpu.memory_space<vmem>>)
      %broadcast_in_dim3A_610 = arith.constant 0.000000e+00 : f32
      %broadcast_in_dim3A_611 = vector.broadcast %broadcast_in_dim3A_610 : f32 to vector<16xf32>
      %broadcast_in_dim3A_612 = arith.constant 0.000000e+00 : f32
      %broadcast_in_dim3A_613 = vector.broadcast %broadcast_in_dim3A_612 : f32 to vector<16xf32>
      %broadcast_in_dim3A_614 = arith.constant 0.000000e+00 : f32
      %broadcast_in_dim3A_615 = vector.broadcast %broadcast_in_dim3A_614 : f32 to vector<16xf32>
      %broadcast_in_dim3A_616 = arith.constant 0.000000e+00 : f32
      %broadcast_in_dim3A_617 = vector.broadcast %broadcast_in_dim3A_616 : f32 to vector<16xf32>
      %broadcast_in_dim3A_618 = arith.constant 0.000000e+00 : f32
      %broadcast_in_dim3A_619 = vector.broadcast %broadcast_in_dim3A_618 : f32 to vector<16xf32>
      %broadcast_in_dim3A_620 = arith.constant 0.000000e+00 : f32
      %broadcast_in_dim3A_621 = vector.broadcast %broadcast_in_dim3A_620 : f32 to vector<16xf32>
      %broadcast_in_dim3A_622 = arith.constant 0.000000e+00 : f32
      %broadcast_in_dim3A_623 = vector.broadcast %broadcast_in_dim3A_622 : f32 to vector<16xf32>
      %broadcast_in_dim3A_624 = arith.constant 0.000000e+00 : f32
      %broadcast_in_dim3A_625 = vector.broadcast %broadcast_in_dim3A_624 : f32 to vector<16xf32>
      %scan3A_626 = arith.constant 0 : i32
      %scan3A_627 = arith.constant 25 : i32
      %scan3A_628 = arith.addi %scan3A_626, %scan3A_627 : i32
      %scan3A_629 = arith.constant 1 : i32
      %scan3A_630:8 = scf.for %scan3A_1952 = %scan3A_626 to %scan3A_628 step %scan3A_629 iter_args(%scan3A_1953 = %broadcast_in_dim3A_611, %scan3A_1954 = %broadcast_in_dim3A_613, %scan3A_1955 = %broadcast_in_dim3A_615, %scan3A_1956 = %broadcast_in_dim3A_617, %scan3A_1957 = %broadcast_in_dim3A_619, %scan3A_1958 = %broadcast_in_dim3A_621, %scan3A_1959 = %broadcast_in_dim3A_623, %scan3A_1960 = %broadcast_in_dim3A_625) -> (vector<16xf32>, vector<16xf32>, vector<16xf32>, vector<16xf32>, vector<16xf32>, vector<16xf32>, vector<16xf32>, vector<16xf32>)  : i32 {
        %mul3A_1961 = arith.constant 2 : i32
        %mul3A_1962 = arith.muli %mul3A_1961, %scan3A_1952 : i32
        %add3A_1963 = arith.constant 0 : i32
        %add3A_1964 = arith.addi %add3A_1963, %mul3A_1962 : i32
        %add3A_1965 = arith.constant 50 : i32
        %add3A_1966 = arith.addi %add3A_1964, %add3A_1965 : i32
        %get3A_1967 = arith.index_cast %add3A_1964 : i32 to index
        %get3A_1968 = arith.constant 0 : index
        %get3A_1969 = tpu.vector_load %arg31[%get3A_1967, %get3A_1968] {strides = array<i32>} : memref<400x64xf32, #tpu.memory_space<vmem>>, vector<16xf32>,
        %add3A_1970 = arith.constant 1 : i32
        %add3A_1971 = arith.addi %add3A_1964, %add3A_1970 : i32
        %get3A_1972 = arith.index_cast %add3A_1971 : i32 to index
        %get3A_1973 = arith.constant 0 : index
        %get3A_1974 = tpu.vector_load %arg31[%get3A_1972, %get3A_1973] {strides = array<i32>} : memref<400x64xf32, #tpu.memory_space<vmem>>, vector<16xf32>,
        %add3A_1975 = arith.addf %get3A_1969, %get3A_1974 : vector<16xf32>
        %add3A_1976 = arith.addf %scan3A_1953, %add3A_1975 : vector<16xf32>
        %get3A_1977 = arith.index_cast %add3A_1964 : i32 to index
        %get3A_1978 = arith.constant 16 : index
        %get3A_1979 = tpu.vector_load %arg31[%get3A_1977, %get3A_1978] {strides = array<i32>} : memref<400x64xf32, #tpu.memory_space<vmem>>, vector<16xf32>,
        %add3A_1980 = arith.constant 1 : i32
        %add3A_1981 = arith.addi %add3A_1964, %add3A_1980 : i32
        %get3A_1982 = arith.index_cast %add3A_1981 : i32 to index
        %get3A_1983 = arith.constant 16 : index
        %get3A_1984 = tpu.vector_load %arg31[%get3A_1982, %get3A_1983] {strides = array<i32>} : memref<400x64xf32, #tpu.memory_space<vmem>>, vector<16xf32>,
        %add3A_1985 = arith.addf %get3A_1979, %get3A_1984 : vector<16xf32>
        %add3A_1986 = arith.addf %scan3A_1954, %add3A_1985 : vector<16xf32>
        %get3A_1987 = arith.index_cast %add3A_1964 : i32 to index
        %get3A_1988 = arith.constant 32 : index
        %get3A_1989 = tpu.vector_load %arg31[%get3A_1987, %get3A_1988] {strides = array<i32>} : memref<400x64xf32, #tpu.memory_space<vmem>>, vector<16xf32>,
        %add3A_1990 = arith.constant 1 : i32
        %add3A_1991 = arith.addi %add3A_1964, %add3A_1990 : i32
        %get3A_1992 = arith.index_cast %add3A_1991 : i32 to index
        %get3A_1993 = arith.constant 32 : index
        %get3A_1994 = tpu.vector_load %arg31[%get3A_1992, %get3A_1993] {strides = array<i32>} : memref<400x64xf32, #tpu.memory_space<vmem>>, vector<16xf32>,
        %add3A_1995 = arith.addf %get3A_1989, %get3A_1994 : vector<16xf32>
        %add3A_1996 = arith.addf %scan3A_1955, %add3A_1995 : vector<16xf32>
        %get3A_1997 = arith.index_cast %add3A_1964 : i32 to index
        %get3A_1998 = arith.constant 48 : index
        %get3A_1999 = tpu.vector_load %arg31[%get3A_1997, %get3A_1998] {strides = array<i32>} : memref<400x64xf32, #tpu.memory_space<vmem>>, vector<16xf32>,
        %add3A_2000 = arith.constant 1 : i32
        %add3A_2001 = arith.addi %add3A_1964, %add3A_2000 : i32
        %get3A_2002 = arith.index_cast %add3A_2001 : i32 to index
        %get3A_2003 = arith.constant 48 : index
        %get3A_2004 = tpu.vector_load %arg31[%get3A_2002, %get3A_2003] {strides = array<i32>} : memref<400x64xf32, #tpu.memory_space<vmem>>, vector<16xf32>,
        %add3A_2005 = arith.addf %get3A_1999, %get3A_2004 : vector<16xf32>
        %add3A_2006 = arith.addf %scan3A_1956, %add3A_2005 : vector<16xf32>
        %get3A_2007 = arith.index_cast %add3A_1966 : i32 to index
        %get3A_2008 = arith.constant 0 : index
        %get3A_2009 = tpu.vector_load %arg31[%get3A_2007, %get3A_2008] {strides = array<i32>} : memref<400x64xf32, #tpu.memory_space<vmem>>, vector<16xf32>,
        %add3A_2010 = arith.constant 1 : i32
        %add3A_2011 = arith.addi %add3A_1966, %add3A_2010 : i32
        %get3A_2012 = arith.index_cast %add3A_2011 : i32 to index
        %get3A_2013 = arith.constant 0 : index
        %get3A_2014 = tpu.vector_load %arg31[%get3A_2012, %get3A_2013] {strides = array<i32>} : memref<400x64xf32, #tpu.memory_space<vmem>>, vector<16xf32>,
        %add3A_2015 = arith.addf %get3A_2009, %get3A_2014 : vector<16xf32>
        %add3A_2016 = arith.addf %scan3A_1957, %add3A_2015 : vector<16xf32>
        %get3A_2017 = arith.index_cast %add3A_1966 : i32 to index
        %get3A_2018 = arith.constant 16 : index
        %get3A_2019 = tpu.vector_load %arg31[%get3A_2017, %get3A_2018] {strides = array<i32>} : memref<400x64xf32, #tpu.memory_space<vmem>>, vector<16xf32>,
        %add3A_2020 = arith.constant 1 : i32
        %add3A_2021 = arith.addi %add3A_1966, %add3A_2020 : i32
        %get3A_2022 = arith.index_cast %add3A_2021 : i32 to index
        %get3A_2023 = arith.constant 16 : index
        %get3A_2024 = tpu.vector_load %arg31[%get3A_2022, %get3A_2023] {strides = array<i32>} : memref<400x64xf32, #tpu.memory_space<vmem>>, vector<16xf32>,
        %add3A_2025 = arith.addf %get3A_2019, %get3A_2024 : vector<16xf32>
        %add3A_2026 = arith.addf %scan3A_1958, %add3A_2025 : vector<16xf32>
        %get3A_2027 = arith.index_cast %add3A_1966 : i32 to index
        %get3A_2028 = arith.constant 32 : index
        %get3A_2029 = tpu.vector_load %arg31[%get3A_2027, %get3A_2028] {strides = array<i32>} : memref<400x64xf32, #tpu.memory_space<vmem>>, vector<16xf32>,
        %add3A_2030 = arith.constant 1 : i32
        %add3A_2031 = arith.addi %add3A_1966, %add3A_2030 : i32
        %get3A_2032 = arith.index_cast %add3A_2031 : i32 to index
        %get3A_2033 = arith.constant 32 : index
        %get3A_2034 = tpu.vector_load %arg31[%get3A_2032, %get3A_2033] {strides = array<i32>} : memref<400x64xf32, #tpu.memory_space<vmem>>, vector<16xf32>,
        %add3A_2035 = arith.addf %get3A_2029, %get3A_2034 : vector<16xf32>
        %add3A_2036 = arith.addf %scan3A_1959, %add3A_2035 : vector<16xf32>
        %get3A_2037 = arith.index_cast %add3A_1966 : i32 to index
        %get3A_2038 = arith.constant 48 : index
        %get3A_2039 = tpu.vector_load %arg31[%get3A_2037, %get3A_2038] {strides = array<i32>} : memref<400x64xf32, #tpu.memory_space<vmem>>, vector<16xf32>,
        %add3A_2040 = arith.constant 1 : i32
        %add3A_2041 = arith.addi %add3A_1966, %add3A_2040 : i32
        %get3A_2042 = arith.index_cast %add3A_2041 : i32 to index
        %get3A_2043 = arith.constant 48 : index
        %get3A_2044 = tpu.vector_load %arg31[%get3A_2042, %get3A_2043] {strides = array<i32>} : memref<400x64xf32, #tpu.memory_space<vmem>>, vector<16xf32>,
        %add3A_2045 = arith.addf %get3A_2039, %get3A_2044 : vector<16xf32>
        %add3A_2046 = arith.addf %scan3A_1960, %add3A_2045 : vector<16xf32>
        scf.yield %add3A_1976, %add3A_1986, %add3A_1996, %add3A_2006, %add3A_2016, %add3A_2026, %add3A_2036, %add3A_2046 : vector<16xf32>, vector<16xf32>, vector<16xf32>, vector<16xf32>, vector<16xf32>, vector<16xf32>, vector<16xf32>, vector<16xf32>
      }
      %scan3A_631 = arith.constant 25 : i32
      %slice3A = vector.extract_strided_slice %get3A_581 {offsets = [0], sizes = [1], strides = [1]} : vector<16xf32> to vector<1xf32>
      %squeeze3A = vector.extract %slice3A[0] : f32 from vector<1xf32>
      %broadcast_in_dim3A_632 = arith.constant 0.000000e+00 : f32
      %broadcast_in_dim3A_633 = vector.broadcast %broadcast_in_dim3A_632 : f32 to vector<16xf32>
      %mul3A_634 = vector.broadcast %squeeze3A : f32 to vector<16xf32>
      %mul3A_635 = arith.mulf %mul3A_634, %get3A_585 : vector<16xf32>
      %sub3A_636 = arith.subf %scan3A_630#0, %mul3A_635 : vector<16xf32>
      %mul3A_637 = arith.constant 16 : i32
      %mul3A_638 = arith.muli %scan3A_576, %mul3A_637 : i32
      %add3A_639 = arith.constant 0 : i32
      %add3A_640 = arith.addi %mul3A_638, %add3A_639 : i32
      %get3A_641 = arith.index_cast %add3A_640 : i32 to index
      %get3A_642 = arith.constant 0 : index
      %get3A_643 = tpu.vector_load %arg24[%get3A_641, %get3A_642] {strides = array<i32>} : memref<128x64xf32, #tpu.memory_space<vmem>>, vector<16xf32>,
      %mul3A_644 = arith.mulf %sub3A_636, %get3A_643 : vector<16xf32>
      %add3A_645 = arith.addf %broadcast_in_dim3A_633, %mul3A_644 : vector<16xf32>
      %mul3A_646 = vector.broadcast %squeeze3A : f32 to vector<16xf32>
      %mul3A_647 = arith.mulf %mul3A_646, %get3A_589 : vector<16xf32>
      %sub3A_648 = arith.subf %scan3A_630#1, %mul3A_647 : vector<16xf32>
      %mul3A_649 = arith.constant 16 : i32
      %mul3A_650 = arith.muli %scan3A_576, %mul3A_649 : i32
      %add3A_651 = arith.constant 0 : i32
      %add3A_652 = arith.addi %mul3A_650, %add3A_651 : i32
      %get3A_653 = arith.index_cast %add3A_652 : i32 to index
      %get3A_654 = arith.constant 16 : index
      %get3A_655 = tpu.vector_load %arg24[%get3A_653, %get3A_654] {strides = array<i32>} : memref<128x64xf32, #tpu.memory_space<vmem>>, vector<16xf32>,
      %mul3A_656 = arith.mulf %sub3A_648, %get3A_655 : vector<16xf32>
      %add3A_657 = arith.addf %add3A_645, %mul3A_656 : vector<16xf32>
      %mul3A_658 = vector.broadcast %squeeze3A : f32 to vector<16xf32>
      %mul3A_659 = arith.mulf %mul3A_658, %get3A_593 : vector<16xf32>
      %sub3A_660 = arith.subf %scan3A_630#2, %mul3A_659 : vector<16xf32>
      %mul3A_661 = arith.constant 16 : i32
      %mul3A_662 = arith.muli %scan3A_576, %mul3A_661 : i32
      %add3A_663 = arith.constant 0 : i32
      %add3A_664 = arith.addi %mul3A_662, %add3A_663 : i32
      %get3A_665 = arith.index_cast %add3A_664 : i32 to index
      %get3A_666 = arith.constant 32 : index
      %get3A_667 = tpu.vector_load %arg24[%get3A_665, %get3A_666] {strides = array<i32>} : memref<128x64xf32, #tpu.memory_space<vmem>>, vector<16xf32>,
      %mul3A_668 = arith.mulf %sub3A_660, %get3A_667 : vector<16xf32>
      %add3A_669 = arith.addf %add3A_657, %mul3A_668 : vector<16xf32>
      %mul3A_670 = vector.broadcast %squeeze3A : f32 to vector<16xf32>
      %mul3A_671 = arith.mulf %mul3A_670, %get3A_597 : vector<16xf32>
      %sub3A_672 = arith.subf %scan3A_630#3, %mul3A_671 : vector<16xf32>
      %mul3A_673 = arith.constant 16 : i32
      %mul3A_674 = arith.muli %scan3A_576, %mul3A_673 : i32
      %add3A_675 = arith.constant 0 : i32
      %add3A_676 = arith.addi %mul3A_674, %add3A_675 : i32
      %get3A_677 = arith.index_cast %add3A_676 : i32 to index
      %get3A_678 = arith.constant 48 : index
      %get3A_679 = tpu.vector_load %arg24[%get3A_677, %get3A_678] {strides = array<i32>} : memref<128x64xf32, #tpu.memory_space<vmem>>, vector<16xf32>,
      %mul3A_680 = arith.mulf %sub3A_672, %get3A_679 : vector<16xf32>
      %add3A_681 = arith.addf %add3A_669, %mul3A_680 : vector<16xf32>
      %sub3A_682 = arith.constant 0 : i32
      %sub3A_683 = vector.broadcast %sub3A_682 : i32 to vector<16xi32>
      %sub3A_684 = arith.subi %iota3A_568, %sub3A_683 : vector<16xi32>
      %abs3A = math.absi %sub3A_684 : vector<16xi32>
      %min3A = arith.constant 1 : i32
      %min3A_685 = vector.broadcast %min3A : i32 to vector<16xi32>
      %min3A_686 = arith.minsi %abs3A, %min3A_685 : vector<16xi32>
      %sub3A_687 = arith.constant 1 : i32
      %sub3A_688 = vector.broadcast %sub3A_687 : i32 to vector<16xi32>
      %sub3A_689 = arith.subi %sub3A_688, %min3A_686 : vector<16xi32>
      %convert_element_type3A = arith.sitofp %sub3A_689 : vector<16xi32> to vector<16xf32>
      %reduce_sum3A = arith.constant true
      %reduce_sum3A_690 = vector.broadcast %reduce_sum3A : i1 to vector<16xi1>
      %reduce_sum3A_691 = tpu.scan <sum>, %add3A_681 masked %reduce_sum3A_690 : vector<16xf32>, vector<16xi1> -> vector<16xf32>
      %reduce_sum3A_692 = vector.extract %reduce_sum3A_691[15] : f32 from vector<16xf32>
      %mul3A_693 = vector.broadcast %reduce_sum3A_692 : f32 to vector<16xf32>
      %mul3A_694 = arith.mulf %mul3A_693, %convert_element_type3A : vector<16xf32>
      %add3A_695 = arith.addf %broadcast_in_dim3A_599, %mul3A_694 : vector<16xf32>
      %slice3A_696 = vector.extract_strided_slice %get3A_581 {offsets = [1], sizes = [1], strides = [1]} : vector<16xf32> to vector<1xf32>
      %squeeze3A_697 = vector.extract %slice3A_696[0] : f32 from vector<1xf32>
      %broadcast_in_dim3A_698 = arith.constant 0.000000e+00 : f32
      %broadcast_in_dim3A_699 = vector.broadcast %broadcast_in_dim3A_698 : f32 to vector<16xf32>
      %mul3A_700 = vector.broadcast %squeeze3A_697 : f32 to vector<16xf32>
      %mul3A_701 = arith.mulf %mul3A_700, %get3A_585 : vector<16xf32>
      %sub3A_702 = arith.subf %scan3A_630#4, %mul3A_701 : vector<16xf32>
      %mul3A_703 = arith.constant 16 : i32
      %mul3A_704 = arith.muli %scan3A_576, %mul3A_703 : i32
      %add3A_705 = arith.constant 1 : i32
      %add3A_706 = arith.addi %mul3A_704, %add3A_705 : i32
      %get3A_707 = arith.index_cast %add3A_706 : i32 to index
      %get3A_708 = arith.constant 0 : index
      %get3A_709 = tpu.vector_load %arg24[%get3A_707, %get3A_708] {strides = array<i32>} : memref<128x64xf32, #tpu.memory_space<vmem>>, vector<16xf32>,
      %mul3A_710 = arith.mulf %sub3A_702, %get3A_709 : vector<16xf32>
      %add3A_711 = arith.addf %broadcast_in_dim3A_699, %mul3A_710 : vector<16xf32>
      %mul3A_712 = vector.broadcast %squeeze3A_697 : f32 to vector<16xf32>
      %mul3A_713 = arith.mulf %mul3A_712, %get3A_589 : vector<16xf32>
      %sub3A_714 = arith.subf %scan3A_630#5, %mul3A_713 : vector<16xf32>
      %mul3A_715 = arith.constant 16 : i32
      %mul3A_716 = arith.muli %scan3A_576, %mul3A_715 : i32
      %add3A_717 = arith.constant 1 : i32
      %add3A_718 = arith.addi %mul3A_716, %add3A_717 : i32
      %get3A_719 = arith.index_cast %add3A_718 : i32 to index
      %get3A_720 = arith.constant 16 : index
      %get3A_721 = tpu.vector_load %arg24[%get3A_719, %get3A_720] {strides = array<i32>} : memref<128x64xf32, #tpu.memory_space<vmem>>, vector<16xf32>,
      %mul3A_722 = arith.mulf %sub3A_714, %get3A_721 : vector<16xf32>
      %add3A_723 = arith.addf %add3A_711, %mul3A_722 : vector<16xf32>
      %mul3A_724 = vector.broadcast %squeeze3A_697 : f32 to vector<16xf32>
      %mul3A_725 = arith.mulf %mul3A_724, %get3A_593 : vector<16xf32>
      %sub3A_726 = arith.subf %scan3A_630#6, %mul3A_725 : vector<16xf32>
      %mul3A_727 = arith.constant 16 : i32
      %mul3A_728 = arith.muli %scan3A_576, %mul3A_727 : i32
      %add3A_729 = arith.constant 1 : i32
      %add3A_730 = arith.addi %mul3A_728, %add3A_729 : i32
      %get3A_731 = arith.index_cast %add3A_730 : i32 to index
      %get3A_732 = arith.constant 32 : index
      %get3A_733 = tpu.vector_load %arg24[%get3A_731, %get3A_732] {strides = array<i32>} : memref<128x64xf32, #tpu.memory_space<vmem>>, vector<16xf32>,
      %mul3A_734 = arith.mulf %sub3A_726, %get3A_733 : vector<16xf32>
      %add3A_735 = arith.addf %add3A_723, %mul3A_734 : vector<16xf32>
      %mul3A_736 = vector.broadcast %squeeze3A_697 : f32 to vector<16xf32>
      %mul3A_737 = arith.mulf %mul3A_736, %get3A_597 : vector<16xf32>
      %sub3A_738 = arith.subf %scan3A_630#7, %mul3A_737 : vector<16xf32>
      %mul3A_739 = arith.constant 16 : i32
      %mul3A_740 = arith.muli %scan3A_576, %mul3A_739 : i32
      %add3A_741 = arith.constant 1 : i32
      %add3A_742 = arith.addi %mul3A_740, %add3A_741 : i32
      %get3A_743 = arith.index_cast %add3A_742 : i32 to index
      %get3A_744 = arith.constant 48 : index
      %get3A_745 = tpu.vector_load %arg24[%get3A_743, %get3A_744] {strides = array<i32>} : memref<128x64xf32, #tpu.memory_space<vmem>>, vector<16xf32>,
      %mul3A_746 = arith.mulf %sub3A_738, %get3A_745 : vector<16xf32>
      %add3A_747 = arith.addf %add3A_735, %mul3A_746 : vector<16xf32>
      %sub3A_748 = arith.constant 1 : i32
      %sub3A_749 = vector.broadcast %sub3A_748 : i32 to vector<16xi32>
      %sub3A_750 = arith.subi %iota3A_568, %sub3A_749 : vector<16xi32>
      %abs3A_751 = math.absi %sub3A_750 : vector<16xi32>
      %min3A_752 = arith.constant 1 : i32
      %min3A_753 = vector.broadcast %min3A_752 : i32 to vector<16xi32>
      %min3A_754 = arith.minsi %abs3A_751, %min3A_753 : vector<16xi32>
      %sub3A_755 = arith.constant 1 : i32
      %sub3A_756 = vector.broadcast %sub3A_755 : i32 to vector<16xi32>
      %sub3A_757 = arith.subi %sub3A_756, %min3A_754 : vector<16xi32>
      %convert_element_type3A_758 = arith.sitofp %sub3A_757 : vector<16xi32> to vector<16xf32>
      %reduce_sum3A_759 = arith.constant true
      %reduce_sum3A_760 = vector.broadcast %reduce_sum3A_759 : i1 to vector<16xi1>
      %reduce_sum3A_761 = tpu.scan <sum>, %add3A_747 masked %reduce_sum3A_760 : vector<16xf32>, vector<16xi1> -> vector<16xf32>
      %reduce_sum3A_762 = vector.extract %reduce_sum3A_761[15] : f32 from vector<16xf32>
      %mul3A_763 = vector.broadcast %reduce_sum3A_762 : f32 to vector<16xf32>
      %mul3A_764 = arith.mulf %mul3A_763, %convert_element_type3A_758 : vector<16xf32>
      %add3A_765 = arith.addf %add3A_695, %mul3A_764 : vector<16xf32>
      %broadcast_in_dim3A_766 = arith.constant 0.000000e+00 : f32
      %broadcast_in_dim3A_767 = vector.broadcast %broadcast_in_dim3A_766 : f32 to vector<16xf32>
      %broadcast_in_dim3A_768 = arith.constant 0.000000e+00 : f32
      %broadcast_in_dim3A_769 = vector.broadcast %broadcast_in_dim3A_768 : f32 to vector<16xf32>
      %broadcast_in_dim3A_770 = arith.constant 0.000000e+00 : f32
      %broadcast_in_dim3A_771 = vector.broadcast %broadcast_in_dim3A_770 : f32 to vector<16xf32>
      %broadcast_in_dim3A_772 = arith.constant 0.000000e+00 : f32
      %broadcast_in_dim3A_773 = vector.broadcast %broadcast_in_dim3A_772 : f32 to vector<16xf32>
      %broadcast_in_dim3A_774 = arith.constant 0.000000e+00 : f32
      %broadcast_in_dim3A_775 = vector.broadcast %broadcast_in_dim3A_774 : f32 to vector<16xf32>
      %broadcast_in_dim3A_776 = arith.constant 0.000000e+00 : f32
      %broadcast_in_dim3A_777 = vector.broadcast %broadcast_in_dim3A_776 : f32 to vector<16xf32>
      %broadcast_in_dim3A_778 = arith.constant 0.000000e+00 : f32
      %broadcast_in_dim3A_779 = vector.broadcast %broadcast_in_dim3A_778 : f32 to vector<16xf32>
      %broadcast_in_dim3A_780 = arith.constant 0.000000e+00 : f32
      %broadcast_in_dim3A_781 = vector.broadcast %broadcast_in_dim3A_780 : f32 to vector<16xf32>
      %scan3A_782 = arith.constant 0 : i32
      %scan3A_783 = arith.constant 25 : i32
      %scan3A_784 = arith.addi %scan3A_782, %scan3A_783 : i32
      %scan3A_785 = arith.constant 1 : i32
      %scan3A_786:8 = scf.for %scan3A_1952 = %scan3A_782 to %scan3A_784 step %scan3A_785 iter_args(%scan3A_1953 = %broadcast_in_dim3A_767, %scan3A_1954 = %broadcast_in_dim3A_769, %scan3A_1955 = %broadcast_in_dim3A_771, %scan3A_1956 = %broadcast_in_dim3A_773, %scan3A_1957 = %broadcast_in_dim3A_775, %scan3A_1958 = %broadcast_in_dim3A_777, %scan3A_1959 = %broadcast_in_dim3A_779, %scan3A_1960 = %broadcast_in_dim3A_781) -> (vector<16xf32>, vector<16xf32>, vector<16xf32>, vector<16xf32>, vector<16xf32>, vector<16xf32>, vector<16xf32>, vector<16xf32>)  : i32 {
        %mul3A_1961 = arith.constant 2 : i32
        %mul3A_1962 = arith.muli %mul3A_1961, %scan3A_1952 : i32
        %add3A_1963 = arith.constant 100 : i32
        %add3A_1964 = arith.addi %add3A_1963, %mul3A_1962 : i32
        %add3A_1965 = arith.constant 50 : i32
        %add3A_1966 = arith.addi %add3A_1964, %add3A_1965 : i32
        %get3A_1967 = arith.index_cast %add3A_1964 : i32 to index
        %get3A_1968 = arith.constant 0 : index
        %get3A_1969 = tpu.vector_load %arg31[%get3A_1967, %get3A_1968] {strides = array<i32>} : memref<400x64xf32, #tpu.memory_space<vmem>>, vector<16xf32>,
        %add3A_1970 = arith.constant 1 : i32
        %add3A_1971 = arith.addi %add3A_1964, %add3A_1970 : i32
        %get3A_1972 = arith.index_cast %add3A_1971 : i32 to index
        %get3A_1973 = arith.constant 0 : index
        %get3A_1974 = tpu.vector_load %arg31[%get3A_1972, %get3A_1973] {strides = array<i32>} : memref<400x64xf32, #tpu.memory_space<vmem>>, vector<16xf32>,
        %add3A_1975 = arith.addf %get3A_1969, %get3A_1974 : vector<16xf32>
        %add3A_1976 = arith.addf %scan3A_1953, %add3A_1975 : vector<16xf32>
        %get3A_1977 = arith.index_cast %add3A_1964 : i32 to index
        %get3A_1978 = arith.constant 16 : index
        %get3A_1979 = tpu.vector_load %arg31[%get3A_1977, %get3A_1978] {strides = array<i32>} : memref<400x64xf32, #tpu.memory_space<vmem>>, vector<16xf32>,
        %add3A_1980 = arith.constant 1 : i32
        %add3A_1981 = arith.addi %add3A_1964, %add3A_1980 : i32
        %get3A_1982 = arith.index_cast %add3A_1981 : i32 to index
        %get3A_1983 = arith.constant 16 : index
        %get3A_1984 = tpu.vector_load %arg31[%get3A_1982, %get3A_1983] {strides = array<i32>} : memref<400x64xf32, #tpu.memory_space<vmem>>, vector<16xf32>,
        %add3A_1985 = arith.addf %get3A_1979, %get3A_1984 : vector<16xf32>
        %add3A_1986 = arith.addf %scan3A_1954, %add3A_1985 : vector<16xf32>
        %get3A_1987 = arith.index_cast %add3A_1964 : i32 to index
        %get3A_1988 = arith.constant 32 : index
        %get3A_1989 = tpu.vector_load %arg31[%get3A_1987, %get3A_1988] {strides = array<i32>} : memref<400x64xf32, #tpu.memory_space<vmem>>, vector<16xf32>,
        %add3A_1990 = arith.constant 1 : i32
        %add3A_1991 = arith.addi %add3A_1964, %add3A_1990 : i32
        %get3A_1992 = arith.index_cast %add3A_1991 : i32 to index
        %get3A_1993 = arith.constant 32 : index
        %get3A_1994 = tpu.vector_load %arg31[%get3A_1992, %get3A_1993] {strides = array<i32>} : memref<400x64xf32, #tpu.memory_space<vmem>>, vector<16xf32>,
        %add3A_1995 = arith.addf %get3A_1989, %get3A_1994 : vector<16xf32>
        %add3A_1996 = arith.addf %scan3A_1955, %add3A_1995 : vector<16xf32>
        %get3A_1997 = arith.index_cast %add3A_1964 : i32 to index
        %get3A_1998 = arith.constant 48 : index
        %get3A_1999 = tpu.vector_load %arg31[%get3A_1997, %get3A_1998] {strides = array<i32>} : memref<400x64xf32, #tpu.memory_space<vmem>>, vector<16xf32>,
        %add3A_2000 = arith.constant 1 : i32
        %add3A_2001 = arith.addi %add3A_1964, %add3A_2000 : i32
        %get3A_2002 = arith.index_cast %add3A_2001 : i32 to index
        %get3A_2003 = arith.constant 48 : index
        %get3A_2004 = tpu.vector_load %arg31[%get3A_2002, %get3A_2003] {strides = array<i32>} : memref<400x64xf32, #tpu.memory_space<vmem>>, vector<16xf32>,
        %add3A_2005 = arith.addf %get3A_1999, %get3A_2004 : vector<16xf32>
        %add3A_2006 = arith.addf %scan3A_1956, %add3A_2005 : vector<16xf32>
        %get3A_2007 = arith.index_cast %add3A_1966 : i32 to index
        %get3A_2008 = arith.constant 0 : index
        %get3A_2009 = tpu.vector_load %arg31[%get3A_2007, %get3A_2008] {strides = array<i32>} : memref<400x64xf32, #tpu.memory_space<vmem>>, vector<16xf32>,
        %add3A_2010 = arith.constant 1 : i32
        %add3A_2011 = arith.addi %add3A_1966, %add3A_2010 : i32
        %get3A_2012 = arith.index_cast %add3A_2011 : i32 to index
        %get3A_2013 = arith.constant 0 : index
        %get3A_2014 = tpu.vector_load %arg31[%get3A_2012, %get3A_2013] {strides = array<i32>} : memref<400x64xf32, #tpu.memory_space<vmem>>, vector<16xf32>,
        %add3A_2015 = arith.addf %get3A_2009, %get3A_2014 : vector<16xf32>
        %add3A_2016 = arith.addf %scan3A_1957, %add3A_2015 : vector<16xf32>
        %get3A_2017 = arith.index_cast %add3A_1966 : i32 to index
        %get3A_2018 = arith.constant 16 : index
        %get3A_2019 = tpu.vector_load %arg31[%get3A_2017, %get3A_2018] {strides = array<i32>} : memref<400x64xf32, #tpu.memory_space<vmem>>, vector<16xf32>,
        %add3A_2020 = arith.constant 1 : i32
        %add3A_2021 = arith.addi %add3A_1966, %add3A_2020 : i32
        %get3A_2022 = arith.index_cast %add3A_2021 : i32 to index
        %get3A_2023 = arith.constant 16 : index
        %get3A_2024 = tpu.vector_load %arg31[%get3A_2022, %get3A_2023] {strides = array<i32>} : memref<400x64xf32, #tpu.memory_space<vmem>>, vector<16xf32>,
        %add3A_2025 = arith.addf %get3A_2019, %get3A_2024 : vector<16xf32>
        %add3A_2026 = arith.addf %scan3A_1958, %add3A_2025 : vector<16xf32>
        %get3A_2027 = arith.index_cast %add3A_1966 : i32 to index
        %get3A_2028 = arith.constant 32 : index
        %get3A_2029 = tpu.vector_load %arg31[%get3A_2027, %get3A_2028] {strides = array<i32>} : memref<400x64xf32, #tpu.memory_space<vmem>>, vector<16xf32>,
        %add3A_2030 = arith.constant 1 : i32
        %add3A_2031 = arith.addi %add3A_1966, %add3A_2030 : i32
        %get3A_2032 = arith.index_cast %add3A_2031 : i32 to index
        %get3A_2033 = arith.constant 32 : index
        %get3A_2034 = tpu.vector_load %arg31[%get3A_2032, %get3A_2033] {strides = array<i32>} : memref<400x64xf32, #tpu.memory_space<vmem>>, vector<16xf32>,
        %add3A_2035 = arith.addf %get3A_2029, %get3A_2034 : vector<16xf32>
        %add3A_2036 = arith.addf %scan3A_1959, %add3A_2035 : vector<16xf32>
        %get3A_2037 = arith.index_cast %add3A_1966 : i32 to index
        %get3A_2038 = arith.constant 48 : index
        %get3A_2039 = tpu.vector_load %arg31[%get3A_2037, %get3A_2038] {strides = array<i32>} : memref<400x64xf32, #tpu.memory_space<vmem>>, vector<16xf32>,
        %add3A_2040 = arith.constant 1 : i32
        %add3A_2041 = arith.addi %add3A_1966, %add3A_2040 : i32
        %get3A_2042 = arith.index_cast %add3A_2041 : i32 to index
        %get3A_2043 = arith.constant 48 : index
        %get3A_2044 = tpu.vector_load %arg31[%get3A_2042, %get3A_2043] {strides = array<i32>} : memref<400x64xf32, #tpu.memory_space<vmem>>, vector<16xf32>,
        %add3A_2045 = arith.addf %get3A_2039, %get3A_2044 : vector<16xf32>
        %add3A_2046 = arith.addf %scan3A_1960, %add3A_2045 : vector<16xf32>
        scf.yield %add3A_1976, %add3A_1986, %add3A_1996, %add3A_2006, %add3A_2016, %add3A_2026, %add3A_2036, %add3A_2046 : vector<16xf32>, vector<16xf32>, vector<16xf32>, vector<16xf32>, vector<16xf32>, vector<16xf32>, vector<16xf32>, vector<16xf32>
      }
      %scan3A_787 = arith.constant 25 : i32
      %slice3A_788 = vector.extract_strided_slice %get3A_581 {offsets = [2], sizes = [1], strides = [1]} : vector<16xf32> to vector<1xf32>
      %squeeze3A_789 = vector.extract %slice3A_788[0] : f32 from vector<1xf32>
      %broadcast_in_dim3A_790 = arith.constant 0.000000e+00 : f32
      %broadcast_in_dim3A_791 = vector.broadcast %broadcast_in_dim3A_790 : f32 to vector<16xf32>
      %mul3A_792 = vector.broadcast %squeeze3A_789 : f32 to vector<16xf32>
      %mul3A_793 = arith.mulf %mul3A_792, %get3A_585 : vector<16xf32>
      %sub3A_794 = arith.subf %scan3A_786#0, %mul3A_793 : vector<16xf32>
      %mul3A_795 = arith.constant 16 : i32
      %mul3A_796 = arith.muli %scan3A_576, %mul3A_795 : i32
      %add3A_797 = arith.constant 2 : i32
      %add3A_798 = arith.addi %mul3A_796, %add3A_797 : i32
      %get3A_799 = arith.index_cast %add3A_798 : i32 to index
      %get3A_800 = arith.constant 0 : index
      %get3A_801 = tpu.vector_load %arg24[%get3A_799, %get3A_800] {strides = array<i32>} : memref<128x64xf32, #tpu.memory_space<vmem>>, vector<16xf32>,
      %mul3A_802 = arith.mulf %sub3A_794, %get3A_801 : vector<16xf32>
      %add3A_803 = arith.addf %broadcast_in_dim3A_791, %mul3A_802 : vector<16xf32>
      %mul3A_804 = vector.broadcast %squeeze3A_789 : f32 to vector<16xf32>
      %mul3A_805 = arith.mulf %mul3A_804, %get3A_589 : vector<16xf32>
      %sub3A_806 = arith.subf %scan3A_786#1, %mul3A_805 : vector<16xf32>
      %mul3A_807 = arith.constant 16 : i32
      %mul3A_808 = arith.muli %scan3A_576, %mul3A_807 : i32
      %add3A_809 = arith.constant 2 : i32
      %add3A_810 = arith.addi %mul3A_808, %add3A_809 : i32
      %get3A_811 = arith.index_cast %add3A_810 : i32 to index
      %get3A_812 = arith.constant 16 : index
      %get3A_813 = tpu.vector_load %arg24[%get3A_811, %get3A_812] {strides = array<i32>} : memref<128x64xf32, #tpu.memory_space<vmem>>, vector<16xf32>,
      %mul3A_814 = arith.mulf %sub3A_806, %get3A_813 : vector<16xf32>
      %add3A_815 = arith.addf %add3A_803, %mul3A_814 : vector<16xf32>
      %mul3A_816 = vector.broadcast %squeeze3A_789 : f32 to vector<16xf32>
      %mul3A_817 = arith.mulf %mul3A_816, %get3A_593 : vector<16xf32>
      %sub3A_818 = arith.subf %scan3A_786#2, %mul3A_817 : vector<16xf32>
      %mul3A_819 = arith.constant 16 : i32
      %mul3A_820 = arith.muli %scan3A_576, %mul3A_819 : i32
      %add3A_821 = arith.constant 2 : i32
      %add3A_822 = arith.addi %mul3A_820, %add3A_821 : i32
      %get3A_823 = arith.index_cast %add3A_822 : i32 to index
      %get3A_824 = arith.constant 32 : index
      %get3A_825 = tpu.vector_load %arg24[%get3A_823, %get3A_824] {strides = array<i32>} : memref<128x64xf32, #tpu.memory_space<vmem>>, vector<16xf32>,
      %mul3A_826 = arith.mulf %sub3A_818, %get3A_825 : vector<16xf32>
      %add3A_827 = arith.addf %add3A_815, %mul3A_826 : vector<16xf32>
      %mul3A_828 = vector.broadcast %squeeze3A_789 : f32 to vector<16xf32>
      %mul3A_829 = arith.mulf %mul3A_828, %get3A_597 : vector<16xf32>
      %sub3A_830 = arith.subf %scan3A_786#3, %mul3A_829 : vector<16xf32>
      %mul3A_831 = arith.constant 16 : i32
      %mul3A_832 = arith.muli %scan3A_576, %mul3A_831 : i32
      %add3A_833 = arith.constant 2 : i32
      %add3A_834 = arith.addi %mul3A_832, %add3A_833 : i32
      %get3A_835 = arith.index_cast %add3A_834 : i32 to index
      %get3A_836 = arith.constant 48 : index
      %get3A_837 = tpu.vector_load %arg24[%get3A_835, %get3A_836] {strides = array<i32>} : memref<128x64xf32, #tpu.memory_space<vmem>>, vector<16xf32>,
      %mul3A_838 = arith.mulf %sub3A_830, %get3A_837 : vector<16xf32>
      %add3A_839 = arith.addf %add3A_827, %mul3A_838 : vector<16xf32>
      %sub3A_840 = arith.constant 2 : i32
      %sub3A_841 = vector.broadcast %sub3A_840 : i32 to vector<16xi32>
      %sub3A_842 = arith.subi %iota3A_568, %sub3A_841 : vector<16xi32>
      %abs3A_843 = math.absi %sub3A_842 : vector<16xi32>
      %min3A_844 = arith.constant 1 : i32
      %min3A_845 = vector.broadcast %min3A_844 : i32 to vector<16xi32>
      %min3A_846 = arith.minsi %abs3A_843, %min3A_845 : vector<16xi32>
      %sub3A_847 = arith.constant 1 : i32
      %sub3A_848 = vector.broadcast %sub3A_847 : i32 to vector<16xi32>
      %sub3A_849 = arith.subi %sub3A_848, %min3A_846 : vector<16xi32>
      %convert_element_type3A_850 = arith.sitofp %sub3A_849 : vector<16xi32> to vector<16xf32>
      %reduce_sum3A_851 = arith.constant true
      %reduce_sum3A_852 = vector.broadcast %reduce_sum3A_851 : i1 to vector<16xi1>
      %reduce_sum3A_853 = tpu.scan <sum>, %add3A_839 masked %reduce_sum3A_852 : vector<16xf32>, vector<16xi1> -> vector<16xf32>
      %reduce_sum3A_854 = vector.extract %reduce_sum3A_853[15] : f32 from vector<16xf32>
      %mul3A_855 = vector.broadcast %reduce_sum3A_854 : f32 to vector<16xf32>
      %mul3A_856 = arith.mulf %mul3A_855, %convert_element_type3A_850 : vector<16xf32>
      %add3A_857 = arith.addf %add3A_765, %mul3A_856 : vector<16xf32>
      %slice3A_858 = vector.extract_strided_slice %get3A_581 {offsets = [3], sizes = [1], strides = [1]} : vector<16xf32> to vector<1xf32>
      %squeeze3A_859 = vector.extract %slice3A_858[0] : f32 from vector<1xf32>
      %broadcast_in_dim3A_860 = arith.constant 0.000000e+00 : f32
      %broadcast_in_dim3A_861 = vector.broadcast %broadcast_in_dim3A_860 : f32 to vector<16xf32>
      %mul3A_862 = vector.broadcast %squeeze3A_859 : f32 to vector<16xf32>
      %mul3A_863 = arith.mulf %mul3A_862, %get3A_585 : vector<16xf32>
      %sub3A_864 = arith.subf %scan3A_786#4, %mul3A_863 : vector<16xf32>
      %mul3A_865 = arith.constant 16 : i32
      %mul3A_866 = arith.muli %scan3A_576, %mul3A_865 : i32
      %add3A_867 = arith.constant 3 : i32
      %add3A_868 = arith.addi %mul3A_866, %add3A_867 : i32
      %get3A_869 = arith.index_cast %add3A_868 : i32 to index
      %get3A_870 = arith.constant 0 : index
      %get3A_871 = tpu.vector_load %arg24[%get3A_869, %get3A_870] {strides = array<i32>} : memref<128x64xf32, #tpu.memory_space<vmem>>, vector<16xf32>,
      %mul3A_872 = arith.mulf %sub3A_864, %get3A_871 : vector<16xf32>
      %add3A_873 = arith.addf %broadcast_in_dim3A_861, %mul3A_872 : vector<16xf32>
      %mul3A_874 = vector.broadcast %squeeze3A_859 : f32 to vector<16xf32>
      %mul3A_875 = arith.mulf %mul3A_874, %get3A_589 : vector<16xf32>
      %sub3A_876 = arith.subf %scan3A_786#5, %mul3A_875 : vector<16xf32>
      %mul3A_877 = arith.constant 16 : i32
      %mul3A_878 = arith.muli %scan3A_576, %mul3A_877 : i32
      %add3A_879 = arith.constant 3 : i32
      %add3A_880 = arith.addi %mul3A_878, %add3A_879 : i32
      %get3A_881 = arith.index_cast %add3A_880 : i32 to index
      %get3A_882 = arith.constant 16 : index
      %get3A_883 = tpu.vector_load %arg24[%get3A_881, %get3A_882] {strides = array<i32>} : memref<128x64xf32, #tpu.memory_space<vmem>>, vector<16xf32>,
      %mul3A_884 = arith.mulf %sub3A_876, %get3A_883 : vector<16xf32>
      %add3A_885 = arith.addf %add3A_873, %mul3A_884 : vector<16xf32>
      %mul3A_886 = vector.broadcast %squeeze3A_859 : f32 to vector<16xf32>
      %mul3A_887 = arith.mulf %mul3A_886, %get3A_593 : vector<16xf32>
      %sub3A_888 = arith.subf %scan3A_786#6, %mul3A_887 : vector<16xf32>
      %mul3A_889 = arith.constant 16 : i32
      %mul3A_890 = arith.muli %scan3A_576, %mul3A_889 : i32
      %add3A_891 = arith.constant 3 : i32
      %add3A_892 = arith.addi %mul3A_890, %add3A_891 : i32
      %get3A_893 = arith.index_cast %add3A_892 : i32 to index
      %get3A_894 = arith.constant 32 : index
      %get3A_895 = tpu.vector_load %arg24[%get3A_893, %get3A_894] {strides = array<i32>} : memref<128x64xf32, #tpu.memory_space<vmem>>, vector<16xf32>,
      %mul3A_896 = arith.mulf %sub3A_888, %get3A_895 : vector<16xf32>
      %add3A_897 = arith.addf %add3A_885, %mul3A_896 : vector<16xf32>
      %mul3A_898 = vector.broadcast %squeeze3A_859 : f32 to vector<16xf32>
      %mul3A_899 = arith.mulf %mul3A_898, %get3A_597 : vector<16xf32>
      %sub3A_900 = arith.subf %scan3A_786#7, %mul3A_899 : vector<16xf32>
      %mul3A_901 = arith.constant 16 : i32
      %mul3A_902 = arith.muli %scan3A_576, %mul3A_901 : i32
      %add3A_903 = arith.constant 3 : i32
      %add3A_904 = arith.addi %mul3A_902, %add3A_903 : i32
      %get3A_905 = arith.index_cast %add3A_904 : i32 to index
      %get3A_906 = arith.constant 48 : index
      %get3A_907 = tpu.vector_load %arg24[%get3A_905, %get3A_906] {strides = array<i32>} : memref<128x64xf32, #tpu.memory_space<vmem>>, vector<16xf32>,
      %mul3A_908 = arith.mulf %sub3A_900, %get3A_907 : vector<16xf32>
      %add3A_909 = arith.addf %add3A_897, %mul3A_908 : vector<16xf32>
      %sub3A_910 = arith.constant 3 : i32
      %sub3A_911 = vector.broadcast %sub3A_910 : i32 to vector<16xi32>
      %sub3A_912 = arith.subi %iota3A_568, %sub3A_911 : vector<16xi32>
      %abs3A_913 = math.absi %sub3A_912 : vector<16xi32>
      %min3A_914 = arith.constant 1 : i32
      %min3A_915 = vector.broadcast %min3A_914 : i32 to vector<16xi32>
      %min3A_916 = arith.minsi %abs3A_913, %min3A_915 : vector<16xi32>
      %sub3A_917 = arith.constant 1 : i32
      %sub3A_918 = vector.broadcast %sub3A_917 : i32 to vector<16xi32>
      %sub3A_919 = arith.subi %sub3A_918, %min3A_916 : vector<16xi32>
      %convert_element_type3A_920 = arith.sitofp %sub3A_919 : vector<16xi32> to vector<16xf32>
      %reduce_sum3A_921 = arith.constant true
      %reduce_sum3A_922 = vector.broadcast %reduce_sum3A_921 : i1 to vector<16xi1>
      %reduce_sum3A_923 = tpu.scan <sum>, %add3A_909 masked %reduce_sum3A_922 : vector<16xf32>, vector<16xi1> -> vector<16xf32>
      %reduce_sum3A_924 = vector.extract %reduce_sum3A_923[15] : f32 from vector<16xf32>
      %mul3A_925 = vector.broadcast %reduce_sum3A_924 : f32 to vector<16xf32>
      %mul3A_926 = arith.mulf %mul3A_925, %convert_element_type3A_920 : vector<16xf32>
      %add3A_927 = arith.addf %add3A_857, %mul3A_926 : vector<16xf32>
      %broadcast_in_dim3A_928 = arith.constant 0.000000e+00 : f32
      %broadcast_in_dim3A_929 = vector.broadcast %broadcast_in_dim3A_928 : f32 to vector<16xf32>
      %broadcast_in_dim3A_930 = arith.constant 0.000000e+00 : f32
      %broadcast_in_dim3A_931 = vector.broadcast %broadcast_in_dim3A_930 : f32 to vector<16xf32>
      %broadcast_in_dim3A_932 = arith.constant 0.000000e+00 : f32
      %broadcast_in_dim3A_933 = vector.broadcast %broadcast_in_dim3A_932 : f32 to vector<16xf32>
      %broadcast_in_dim3A_934 = arith.constant 0.000000e+00 : f32
      %broadcast_in_dim3A_935 = vector.broadcast %broadcast_in_dim3A_934 : f32 to vector<16xf32>
      %broadcast_in_dim3A_936 = arith.constant 0.000000e+00 : f32
      %broadcast_in_dim3A_937 = vector.broadcast %broadcast_in_dim3A_936 : f32 to vector<16xf32>
      %broadcast_in_dim3A_938 = arith.constant 0.000000e+00 : f32
      %broadcast_in_dim3A_939 = vector.broadcast %broadcast_in_dim3A_938 : f32 to vector<16xf32>
      %broadcast_in_dim3A_940 = arith.constant 0.000000e+00 : f32
      %broadcast_in_dim3A_941 = vector.broadcast %broadcast_in_dim3A_940 : f32 to vector<16xf32>
      %broadcast_in_dim3A_942 = arith.constant 0.000000e+00 : f32
      %broadcast_in_dim3A_943 = vector.broadcast %broadcast_in_dim3A_942 : f32 to vector<16xf32>
      %scan3A_944 = arith.constant 0 : i32
      %scan3A_945 = arith.constant 25 : i32
      %scan3A_946 = arith.addi %scan3A_944, %scan3A_945 : i32
      %scan3A_947 = arith.constant 1 : i32
      %scan3A_948:8 = scf.for %scan3A_1952 = %scan3A_944 to %scan3A_946 step %scan3A_947 iter_args(%scan3A_1953 = %broadcast_in_dim3A_929, %scan3A_1954 = %broadcast_in_dim3A_931, %scan3A_1955 = %broadcast_in_dim3A_933, %scan3A_1956 = %broadcast_in_dim3A_935, %scan3A_1957 = %broadcast_in_dim3A_937, %scan3A_1958 = %broadcast_in_dim3A_939, %scan3A_1959 = %broadcast_in_dim3A_941, %scan3A_1960 = %broadcast_in_dim3A_943) -> (vector<16xf32>, vector<16xf32>, vector<16xf32>, vector<16xf32>, vector<16xf32>, vector<16xf32>, vector<16xf32>, vector<16xf32>)  : i32 {
        %mul3A_1961 = arith.constant 2 : i32
        %mul3A_1962 = arith.muli %mul3A_1961, %scan3A_1952 : i32
        %add3A_1963 = arith.constant 200 : i32
        %add3A_1964 = arith.addi %add3A_1963, %mul3A_1962 : i32
        %add3A_1965 = arith.constant 50 : i32
        %add3A_1966 = arith.addi %add3A_1964, %add3A_1965 : i32
        %get3A_1967 = arith.index_cast %add3A_1964 : i32 to index
        %get3A_1968 = arith.constant 0 : index
        %get3A_1969 = tpu.vector_load %arg31[%get3A_1967, %get3A_1968] {strides = array<i32>} : memref<400x64xf32, #tpu.memory_space<vmem>>, vector<16xf32>,
        %add3A_1970 = arith.constant 1 : i32
        %add3A_1971 = arith.addi %add3A_1964, %add3A_1970 : i32
        %get3A_1972 = arith.index_cast %add3A_1971 : i32 to index
        %get3A_1973 = arith.constant 0 : index
        %get3A_1974 = tpu.vector_load %arg31[%get3A_1972, %get3A_1973] {strides = array<i32>} : memref<400x64xf32, #tpu.memory_space<vmem>>, vector<16xf32>,
        %add3A_1975 = arith.addf %get3A_1969, %get3A_1974 : vector<16xf32>
        %add3A_1976 = arith.addf %scan3A_1953, %add3A_1975 : vector<16xf32>
        %get3A_1977 = arith.index_cast %add3A_1964 : i32 to index
        %get3A_1978 = arith.constant 16 : index
        %get3A_1979 = tpu.vector_load %arg31[%get3A_1977, %get3A_1978] {strides = array<i32>} : memref<400x64xf32, #tpu.memory_space<vmem>>, vector<16xf32>,
        %add3A_1980 = arith.constant 1 : i32
        %add3A_1981 = arith.addi %add3A_1964, %add3A_1980 : i32
        %get3A_1982 = arith.index_cast %add3A_1981 : i32 to index
        %get3A_1983 = arith.constant 16 : index
        %get3A_1984 = tpu.vector_load %arg31[%get3A_1982, %get3A_1983] {strides = array<i32>} : memref<400x64xf32, #tpu.memory_space<vmem>>, vector<16xf32>,
        %add3A_1985 = arith.addf %get3A_1979, %get3A_1984 : vector<16xf32>
        %add3A_1986 = arith.addf %scan3A_1954, %add3A_1985 : vector<16xf32>
        %get3A_1987 = arith.index_cast %add3A_1964 : i32 to index
        %get3A_1988 = arith.constant 32 : index
        %get3A_1989 = tpu.vector_load %arg31[%get3A_1987, %get3A_1988] {strides = array<i32>} : memref<400x64xf32, #tpu.memory_space<vmem>>, vector<16xf32>,
        %add3A_1990 = arith.constant 1 : i32
        %add3A_1991 = arith.addi %add3A_1964, %add3A_1990 : i32
        %get3A_1992 = arith.index_cast %add3A_1991 : i32 to index
        %get3A_1993 = arith.constant 32 : index
        %get3A_1994 = tpu.vector_load %arg31[%get3A_1992, %get3A_1993] {strides = array<i32>} : memref<400x64xf32, #tpu.memory_space<vmem>>, vector<16xf32>,
        %add3A_1995 = arith.addf %get3A_1989, %get3A_1994 : vector<16xf32>
        %add3A_1996 = arith.addf %scan3A_1955, %add3A_1995 : vector<16xf32>
        %get3A_1997 = arith.index_cast %add3A_1964 : i32 to index
        %get3A_1998 = arith.constant 48 : index
        %get3A_1999 = tpu.vector_load %arg31[%get3A_1997, %get3A_1998] {strides = array<i32>} : memref<400x64xf32, #tpu.memory_space<vmem>>, vector<16xf32>,
        %add3A_2000 = arith.constant 1 : i32
        %add3A_2001 = arith.addi %add3A_1964, %add3A_2000 : i32
        %get3A_2002 = arith.index_cast %add3A_2001 : i32 to index
        %get3A_2003 = arith.constant 48 : index
        %get3A_2004 = tpu.vector_load %arg31[%get3A_2002, %get3A_2003] {strides = array<i32>} : memref<400x64xf32, #tpu.memory_space<vmem>>, vector<16xf32>,
        %add3A_2005 = arith.addf %get3A_1999, %get3A_2004 : vector<16xf32>
        %add3A_2006 = arith.addf %scan3A_1956, %add3A_2005 : vector<16xf32>
        %get3A_2007 = arith.index_cast %add3A_1966 : i32 to index
        %get3A_2008 = arith.constant 0 : index
        %get3A_2009 = tpu.vector_load %arg31[%get3A_2007, %get3A_2008] {strides = array<i32>} : memref<400x64xf32, #tpu.memory_space<vmem>>, vector<16xf32>,
        %add3A_2010 = arith.constant 1 : i32
        %add3A_2011 = arith.addi %add3A_1966, %add3A_2010 : i32
        %get3A_2012 = arith.index_cast %add3A_2011 : i32 to index
        %get3A_2013 = arith.constant 0 : index
        %get3A_2014 = tpu.vector_load %arg31[%get3A_2012, %get3A_2013] {strides = array<i32>} : memref<400x64xf32, #tpu.memory_space<vmem>>, vector<16xf32>,
        %add3A_2015 = arith.addf %get3A_2009, %get3A_2014 : vector<16xf32>
        %add3A_2016 = arith.addf %scan3A_1957, %add3A_2015 : vector<16xf32>
        %get3A_2017 = arith.index_cast %add3A_1966 : i32 to index
        %get3A_2018 = arith.constant 16 : index
        %get3A_2019 = tpu.vector_load %arg31[%get3A_2017, %get3A_2018] {strides = array<i32>} : memref<400x64xf32, #tpu.memory_space<vmem>>, vector<16xf32>,
        %add3A_2020 = arith.constant 1 : i32
        %add3A_2021 = arith.addi %add3A_1966, %add3A_2020 : i32
        %get3A_2022 = arith.index_cast %add3A_2021 : i32 to index
        %get3A_2023 = arith.constant 16 : index
        %get3A_2024 = tpu.vector_load %arg31[%get3A_2022, %get3A_2023] {strides = array<i32>} : memref<400x64xf32, #tpu.memory_space<vmem>>, vector<16xf32>,
        %add3A_2025 = arith.addf %get3A_2019, %get3A_2024 : vector<16xf32>
        %add3A_2026 = arith.addf %scan3A_1958, %add3A_2025 : vector<16xf32>
        %get3A_2027 = arith.index_cast %add3A_1966 : i32 to index
        %get3A_2028 = arith.constant 32 : index
        %get3A_2029 = tpu.vector_load %arg31[%get3A_2027, %get3A_2028] {strides = array<i32>} : memref<400x64xf32, #tpu.memory_space<vmem>>, vector<16xf32>,
        %add3A_2030 = arith.constant 1 : i32
        %add3A_2031 = arith.addi %add3A_1966, %add3A_2030 : i32
        %get3A_2032 = arith.index_cast %add3A_2031 : i32 to index
        %get3A_2033 = arith.constant 32 : index
        %get3A_2034 = tpu.vector_load %arg31[%get3A_2032, %get3A_2033] {strides = array<i32>} : memref<400x64xf32, #tpu.memory_space<vmem>>, vector<16xf32>,
        %add3A_2035 = arith.addf %get3A_2029, %get3A_2034 : vector<16xf32>
        %add3A_2036 = arith.addf %scan3A_1959, %add3A_2035 : vector<16xf32>
        %get3A_2037 = arith.index_cast %add3A_1966 : i32 to index
        %get3A_2038 = arith.constant 48 : index
        %get3A_2039 = tpu.vector_load %arg31[%get3A_2037, %get3A_2038] {strides = array<i32>} : memref<400x64xf32, #tpu.memory_space<vmem>>, vector<16xf32>,
        %add3A_2040 = arith.constant 1 : i32
        %add3A_2041 = arith.addi %add3A_1966, %add3A_2040 : i32
        %get3A_2042 = arith.index_cast %add3A_2041 : i32 to index
        %get3A_2043 = arith.constant 48 : index
        %get3A_2044 = tpu.vector_load %arg31[%get3A_2042, %get3A_2043] {strides = array<i32>} : memref<400x64xf32, #tpu.memory_space<vmem>>, vector<16xf32>,
        %add3A_2045 = arith.addf %get3A_2039, %get3A_2044 : vector<16xf32>
        %add3A_2046 = arith.addf %scan3A_1960, %add3A_2045 : vector<16xf32>
        scf.yield %add3A_1976, %add3A_1986, %add3A_1996, %add3A_2006, %add3A_2016, %add3A_2026, %add3A_2036, %add3A_2046 : vector<16xf32>, vector<16xf32>, vector<16xf32>, vector<16xf32>, vector<16xf32>, vector<16xf32>, vector<16xf32>, vector<16xf32>
      }
      %scan3A_949 = arith.constant 25 : i32
      %slice3A_950 = vector.extract_strided_slice %get3A_581 {offsets = [4], sizes = [1], strides = [1]} : vector<16xf32> to vector<1xf32>
      %squeeze3A_951 = vector.extract %slice3A_950[0] : f32 from vector<1xf32>
      %broadcast_in_dim3A_952 = arith.constant 0.000000e+00 : f32
      %broadcast_in_dim3A_953 = vector.broadcast %broadcast_in_dim3A_952 : f32 to vector<16xf32>
      %mul3A_954 = vector.broadcast %squeeze3A_951 : f32 to vector<16xf32>
      %mul3A_955 = arith.mulf %mul3A_954, %get3A_585 : vector<16xf32>
      %sub3A_956 = arith.subf %scan3A_948#0, %mul3A_955 : vector<16xf32>
      %mul3A_957 = arith.constant 16 : i32
      %mul3A_958 = arith.muli %scan3A_576, %mul3A_957 : i32
      %add3A_959 = arith.constant 4 : i32
      %add3A_960 = arith.addi %mul3A_958, %add3A_959 : i32
      %get3A_961 = arith.index_cast %add3A_960 : i32 to index
      %get3A_962 = arith.constant 0 : index
      %get3A_963 = tpu.vector_load %arg24[%get3A_961, %get3A_962] {strides = array<i32>} : memref<128x64xf32, #tpu.memory_space<vmem>>, vector<16xf32>,
      %mul3A_964 = arith.mulf %sub3A_956, %get3A_963 : vector<16xf32>
      %add3A_965 = arith.addf %broadcast_in_dim3A_953, %mul3A_964 : vector<16xf32>
      %mul3A_966 = vector.broadcast %squeeze3A_951 : f32 to vector<16xf32>
      %mul3A_967 = arith.mulf %mul3A_966, %get3A_589 : vector<16xf32>
      %sub3A_968 = arith.subf %scan3A_948#1, %mul3A_967 : vector<16xf32>
      %mul3A_969 = arith.constant 16 : i32
      %mul3A_970 = arith.muli %scan3A_576, %mul3A_969 : i32
      %add3A_971 = arith.constant 4 : i32
      %add3A_972 = arith.addi %mul3A_970, %add3A_971 : i32
      %get3A_973 = arith.index_cast %add3A_972 : i32 to index
      %get3A_974 = arith.constant 16 : index
      %get3A_975 = tpu.vector_load %arg24[%get3A_973, %get3A_974] {strides = array<i32>} : memref<128x64xf32, #tpu.memory_space<vmem>>, vector<16xf32>,
      %mul3A_976 = arith.mulf %sub3A_968, %get3A_975 : vector<16xf32>
      %add3A_977 = arith.addf %add3A_965, %mul3A_976 : vector<16xf32>
      %mul3A_978 = vector.broadcast %squeeze3A_951 : f32 to vector<16xf32>
      %mul3A_979 = arith.mulf %mul3A_978, %get3A_593 : vector<16xf32>
      %sub3A_980 = arith.subf %scan3A_948#2, %mul3A_979 : vector<16xf32>
      %mul3A_981 = arith.constant 16 : i32
      %mul3A_982 = arith.muli %scan3A_576, %mul3A_981 : i32
      %add3A_983 = arith.constant 4 : i32
      %add3A_984 = arith.addi %mul3A_982, %add3A_983 : i32
      %get3A_985 = arith.index_cast %add3A_984 : i32 to index
      %get3A_986 = arith.constant 32 : index
      %get3A_987 = tpu.vector_load %arg24[%get3A_985, %get3A_986] {strides = array<i32>} : memref<128x64xf32, #tpu.memory_space<vmem>>, vector<16xf32>,
      %mul3A_988 = arith.mulf %sub3A_980, %get3A_987 : vector<16xf32>
      %add3A_989 = arith.addf %add3A_977, %mul3A_988 : vector<16xf32>
      %mul3A_990 = vector.broadcast %squeeze3A_951 : f32 to vector<16xf32>
      %mul3A_991 = arith.mulf %mul3A_990, %get3A_597 : vector<16xf32>
      %sub3A_992 = arith.subf %scan3A_948#3, %mul3A_991 : vector<16xf32>
      %mul3A_993 = arith.constant 16 : i32
      %mul3A_994 = arith.muli %scan3A_576, %mul3A_993 : i32
      %add3A_995 = arith.constant 4 : i32
      %add3A_996 = arith.addi %mul3A_994, %add3A_995 : i32
      %get3A_997 = arith.index_cast %add3A_996 : i32 to index
      %get3A_998 = arith.constant 48 : index
      %get3A_999 = tpu.vector_load %arg24[%get3A_997, %get3A_998] {strides = array<i32>} : memref<128x64xf32, #tpu.memory_space<vmem>>, vector<16xf32>,
      %mul3A_1000 = arith.mulf %sub3A_992, %get3A_999 : vector<16xf32>
      %add3A_1001 = arith.addf %add3A_989, %mul3A_1000 : vector<16xf32>
      %sub3A_1002 = arith.constant 4 : i32
      %sub3A_1003 = vector.broadcast %sub3A_1002 : i32 to vector<16xi32>
      %sub3A_1004 = arith.subi %iota3A_568, %sub3A_1003 : vector<16xi32>
      %abs3A_1005 = math.absi %sub3A_1004 : vector<16xi32>
      %min3A_1006 = arith.constant 1 : i32
      %min3A_1007 = vector.broadcast %min3A_1006 : i32 to vector<16xi32>
      %min3A_1008 = arith.minsi %abs3A_1005, %min3A_1007 : vector<16xi32>
      %sub3A_1009 = arith.constant 1 : i32
      %sub3A_1010 = vector.broadcast %sub3A_1009 : i32 to vector<16xi32>
      %sub3A_1011 = arith.subi %sub3A_1010, %min3A_1008 : vector<16xi32>
      %convert_element_type3A_1012 = arith.sitofp %sub3A_1011 : vector<16xi32> to vector<16xf32>
      %reduce_sum3A_1013 = arith.constant true
      %reduce_sum3A_1014 = vector.broadcast %reduce_sum3A_1013 : i1 to vector<16xi1>
      %reduce_sum3A_1015 = tpu.scan <sum>, %add3A_1001 masked %reduce_sum3A_1014 : vector<16xf32>, vector<16xi1> -> vector<16xf32>
      %reduce_sum3A_1016 = vector.extract %reduce_sum3A_1015[15] : f32 from vector<16xf32>
      %mul3A_1017 = vector.broadcast %reduce_sum3A_1016 : f32 to vector<16xf32>
      %mul3A_1018 = arith.mulf %mul3A_1017, %convert_element_type3A_1012 : vector<16xf32>
      %add3A_1019 = arith.addf %add3A_927, %mul3A_1018 : vector<16xf32>
      %slice3A_1020 = vector.extract_strided_slice %get3A_581 {offsets = [5], sizes = [1], strides = [1]} : vector<16xf32> to vector<1xf32>
      %squeeze3A_1021 = vector.extract %slice3A_1020[0] : f32 from vector<1xf32>
      %broadcast_in_dim3A_1022 = arith.constant 0.000000e+00 : f32
      %broadcast_in_dim3A_1023 = vector.broadcast %broadcast_in_dim3A_1022 : f32 to vector<16xf32>
      %mul3A_1024 = vector.broadcast %squeeze3A_1021 : f32 to vector<16xf32>
      %mul3A_1025 = arith.mulf %mul3A_1024, %get3A_585 : vector<16xf32>
      %sub3A_1026 = arith.subf %scan3A_948#4, %mul3A_1025 : vector<16xf32>
      %mul3A_1027 = arith.constant 16 : i32
      %mul3A_1028 = arith.muli %scan3A_576, %mul3A_1027 : i32
      %add3A_1029 = arith.constant 5 : i32
      %add3A_1030 = arith.addi %mul3A_1028, %add3A_1029 : i32
      %get3A_1031 = arith.index_cast %add3A_1030 : i32 to index
      %get3A_1032 = arith.constant 0 : index
      %get3A_1033 = tpu.vector_load %arg24[%get3A_1031, %get3A_1032] {strides = array<i32>} : memref<128x64xf32, #tpu.memory_space<vmem>>, vector<16xf32>,
      %mul3A_1034 = arith.mulf %sub3A_1026, %get3A_1033 : vector<16xf32>
      %add3A_1035 = arith.addf %broadcast_in_dim3A_1023, %mul3A_1034 : vector<16xf32>
      %mul3A_1036 = vector.broadcast %squeeze3A_1021 : f32 to vector<16xf32>
      %mul3A_1037 = arith.mulf %mul3A_1036, %get3A_589 : vector<16xf32>
      %sub3A_1038 = arith.subf %scan3A_948#5, %mul3A_1037 : vector<16xf32>
      %mul3A_1039 = arith.constant 16 : i32
      %mul3A_1040 = arith.muli %scan3A_576, %mul3A_1039 : i32
      %add3A_1041 = arith.constant 5 : i32
      %add3A_1042 = arith.addi %mul3A_1040, %add3A_1041 : i32
      %get3A_1043 = arith.index_cast %add3A_1042 : i32 to index
      %get3A_1044 = arith.constant 16 : index
      %get3A_1045 = tpu.vector_load %arg24[%get3A_1043, %get3A_1044] {strides = array<i32>} : memref<128x64xf32, #tpu.memory_space<vmem>>, vector<16xf32>,
      %mul3A_1046 = arith.mulf %sub3A_1038, %get3A_1045 : vector<16xf32>
      %add3A_1047 = arith.addf %add3A_1035, %mul3A_1046 : vector<16xf32>
      %mul3A_1048 = vector.broadcast %squeeze3A_1021 : f32 to vector<16xf32>
      %mul3A_1049 = arith.mulf %mul3A_1048, %get3A_593 : vector<16xf32>
      %sub3A_1050 = arith.subf %scan3A_948#6, %mul3A_1049 : vector<16xf32>
      %mul3A_1051 = arith.constant 16 : i32
      %mul3A_1052 = arith.muli %scan3A_576, %mul3A_1051 : i32
      %add3A_1053 = arith.constant 5 : i32
      %add3A_1054 = arith.addi %mul3A_1052, %add3A_1053 : i32
      %get3A_1055 = arith.index_cast %add3A_1054 : i32 to index
      %get3A_1056 = arith.constant 32 : index
      %get3A_1057 = tpu.vector_load %arg24[%get3A_1055, %get3A_1056] {strides = array<i32>} : memref<128x64xf32, #tpu.memory_space<vmem>>, vector<16xf32>,
      %mul3A_1058 = arith.mulf %sub3A_1050, %get3A_1057 : vector<16xf32>
      %add3A_1059 = arith.addf %add3A_1047, %mul3A_1058 : vector<16xf32>
      %mul3A_1060 = vector.broadcast %squeeze3A_1021 : f32 to vector<16xf32>
      %mul3A_1061 = arith.mulf %mul3A_1060, %get3A_597 : vector<16xf32>
      %sub3A_1062 = arith.subf %scan3A_948#7, %mul3A_1061 : vector<16xf32>
      %mul3A_1063 = arith.constant 16 : i32
      %mul3A_1064 = arith.muli %scan3A_576, %mul3A_1063 : i32
      %add3A_1065 = arith.constant 5 : i32
      %add3A_1066 = arith.addi %mul3A_1064, %add3A_1065 : i32
      %get3A_1067 = arith.index_cast %add3A_1066 : i32 to index
      %get3A_1068 = arith.constant 48 : index
      %get3A_1069 = tpu.vector_load %arg24[%get3A_1067, %get3A_1068] {strides = array<i32>} : memref<128x64xf32, #tpu.memory_space<vmem>>, vector<16xf32>,
      %mul3A_1070 = arith.mulf %sub3A_1062, %get3A_1069 : vector<16xf32>
      %add3A_1071 = arith.addf %add3A_1059, %mul3A_1070 : vector<16xf32>
      %sub3A_1072 = arith.constant 5 : i32
      %sub3A_1073 = vector.broadcast %sub3A_1072 : i32 to vector<16xi32>
      %sub3A_1074 = arith.subi %iota3A_568, %sub3A_1073 : vector<16xi32>
      %abs3A_1075 = math.absi %sub3A_1074 : vector<16xi32>
      %min3A_1076 = arith.constant 1 : i32
      %min3A_1077 = vector.broadcast %min3A_1076 : i32 to vector<16xi32>
      %min3A_1078 = arith.minsi %abs3A_1075, %min3A_1077 : vector<16xi32>
      %sub3A_1079 = arith.constant 1 : i32
      %sub3A_1080 = vector.broadcast %sub3A_1079 : i32 to vector<16xi32>
      %sub3A_1081 = arith.subi %sub3A_1080, %min3A_1078 : vector<16xi32>
      %convert_element_type3A_1082 = arith.sitofp %sub3A_1081 : vector<16xi32> to vector<16xf32>
      %reduce_sum3A_1083 = arith.constant true
      %reduce_sum3A_1084 = vector.broadcast %reduce_sum3A_1083 : i1 to vector<16xi1>
      %reduce_sum3A_1085 = tpu.scan <sum>, %add3A_1071 masked %reduce_sum3A_1084 : vector<16xf32>, vector<16xi1> -> vector<16xf32>
      %reduce_sum3A_1086 = vector.extract %reduce_sum3A_1085[15] : f32 from vector<16xf32>
      %mul3A_1087 = vector.broadcast %reduce_sum3A_1086 : f32 to vector<16xf32>
      %mul3A_1088 = arith.mulf %mul3A_1087, %convert_element_type3A_1082 : vector<16xf32>
      %add3A_1089 = arith.addf %add3A_1019, %mul3A_1088 : vector<16xf32>
      %broadcast_in_dim3A_1090 = arith.constant 0.000000e+00 : f32
      %broadcast_in_dim3A_1091 = vector.broadcast %broadcast_in_dim3A_1090 : f32 to vector<16xf32>
      %broadcast_in_dim3A_1092 = arith.constant 0.000000e+00 : f32
      %broadcast_in_dim3A_1093 = vector.broadcast %broadcast_in_dim3A_1092 : f32 to vector<16xf32>
      %broadcast_in_dim3A_1094 = arith.constant 0.000000e+00 : f32
      %broadcast_in_dim3A_1095 = vector.broadcast %broadcast_in_dim3A_1094 : f32 to vector<16xf32>
      %broadcast_in_dim3A_1096 = arith.constant 0.000000e+00 : f32
      %broadcast_in_dim3A_1097 = vector.broadcast %broadcast_in_dim3A_1096 : f32 to vector<16xf32>
      %broadcast_in_dim3A_1098 = arith.constant 0.000000e+00 : f32
      %broadcast_in_dim3A_1099 = vector.broadcast %broadcast_in_dim3A_1098 : f32 to vector<16xf32>
      %broadcast_in_dim3A_1100 = arith.constant 0.000000e+00 : f32
      %broadcast_in_dim3A_1101 = vector.broadcast %broadcast_in_dim3A_1100 : f32 to vector<16xf32>
      %broadcast_in_dim3A_1102 = arith.constant 0.000000e+00 : f32
      %broadcast_in_dim3A_1103 = vector.broadcast %broadcast_in_dim3A_1102 : f32 to vector<16xf32>
      %broadcast_in_dim3A_1104 = arith.constant 0.000000e+00 : f32
      %broadcast_in_dim3A_1105 = vector.broadcast %broadcast_in_dim3A_1104 : f32 to vector<16xf32>
      %scan3A_1106 = arith.constant 0 : i32
      %scan3A_1107 = arith.constant 25 : i32
      %scan3A_1108 = arith.addi %scan3A_1106, %scan3A_1107 : i32
      %scan3A_1109 = arith.constant 1 : i32
      %scan3A_1110:8 = scf.for %scan3A_1952 = %scan3A_1106 to %scan3A_1108 step %scan3A_1109 iter_args(%scan3A_1953 = %broadcast_in_dim3A_1091, %scan3A_1954 = %broadcast_in_dim3A_1093, %scan3A_1955 = %broadcast_in_dim3A_1095, %scan3A_1956 = %broadcast_in_dim3A_1097, %scan3A_1957 = %broadcast_in_dim3A_1099, %scan3A_1958 = %broadcast_in_dim3A_1101, %scan3A_1959 = %broadcast_in_dim3A_1103, %scan3A_1960 = %broadcast_in_dim3A_1105) -> (vector<16xf32>, vector<16xf32>, vector<16xf32>, vector<16xf32>, vector<16xf32>, vector<16xf32>, vector<16xf32>, vector<16xf32>)  : i32 {
        %mul3A_1961 = arith.constant 2 : i32
        %mul3A_1962 = arith.muli %mul3A_1961, %scan3A_1952 : i32
        %add3A_1963 = arith.constant 300 : i32
        %add3A_1964 = arith.addi %add3A_1963, %mul3A_1962 : i32
        %add3A_1965 = arith.constant 50 : i32
        %add3A_1966 = arith.addi %add3A_1964, %add3A_1965 : i32
        %get3A_1967 = arith.index_cast %add3A_1964 : i32 to index
        %get3A_1968 = arith.constant 0 : index
        %get3A_1969 = tpu.vector_load %arg31[%get3A_1967, %get3A_1968] {strides = array<i32>} : memref<400x64xf32, #tpu.memory_space<vmem>>, vector<16xf32>,
        %add3A_1970 = arith.constant 1 : i32
        %add3A_1971 = arith.addi %add3A_1964, %add3A_1970 : i32
        %get3A_1972 = arith.index_cast %add3A_1971 : i32 to index
        %get3A_1973 = arith.constant 0 : index
        %get3A_1974 = tpu.vector_load %arg31[%get3A_1972, %get3A_1973] {strides = array<i32>} : memref<400x64xf32, #tpu.memory_space<vmem>>, vector<16xf32>,
        %add3A_1975 = arith.addf %get3A_1969, %get3A_1974 : vector<16xf32>
        %add3A_1976 = arith.addf %scan3A_1953, %add3A_1975 : vector<16xf32>
        %get3A_1977 = arith.index_cast %add3A_1964 : i32 to index
        %get3A_1978 = arith.constant 16 : index
        %get3A_1979 = tpu.vector_load %arg31[%get3A_1977, %get3A_1978] {strides = array<i32>} : memref<400x64xf32, #tpu.memory_space<vmem>>, vector<16xf32>,
        %add3A_1980 = arith.constant 1 : i32
        %add3A_1981 = arith.addi %add3A_1964, %add3A_1980 : i32
        %get3A_1982 = arith.index_cast %add3A_1981 : i32 to index
        %get3A_1983 = arith.constant 16 : index
        %get3A_1984 = tpu.vector_load %arg31[%get3A_1982, %get3A_1983] {strides = array<i32>} : memref<400x64xf32, #tpu.memory_space<vmem>>, vector<16xf32>,
        %add3A_1985 = arith.addf %get3A_1979, %get3A_1984 : vector<16xf32>
        %add3A_1986 = arith.addf %scan3A_1954, %add3A_1985 : vector<16xf32>
        %get3A_1987 = arith.index_cast %add3A_1964 : i32 to index
        %get3A_1988 = arith.constant 32 : index
        %get3A_1989 = tpu.vector_load %arg31[%get3A_1987, %get3A_1988] {strides = array<i32>} : memref<400x64xf32, #tpu.memory_space<vmem>>, vector<16xf32>,
        %add3A_1990 = arith.constant 1 : i32
        %add3A_1991 = arith.addi %add3A_1964, %add3A_1990 : i32
        %get3A_1992 = arith.index_cast %add3A_1991 : i32 to index
        %get3A_1993 = arith.constant 32 : index
        %get3A_1994 = tpu.vector_load %arg31[%get3A_1992, %get3A_1993] {strides = array<i32>} : memref<400x64xf32, #tpu.memory_space<vmem>>, vector<16xf32>,
        %add3A_1995 = arith.addf %get3A_1989, %get3A_1994 : vector<16xf32>
        %add3A_1996 = arith.addf %scan3A_1955, %add3A_1995 : vector<16xf32>
        %get3A_1997 = arith.index_cast %add3A_1964 : i32 to index
        %get3A_1998 = arith.constant 48 : index
        %get3A_1999 = tpu.vector_load %arg31[%get3A_1997, %get3A_1998] {strides = array<i32>} : memref<400x64xf32, #tpu.memory_space<vmem>>, vector<16xf32>,
        %add3A_2000 = arith.constant 1 : i32
        %add3A_2001 = arith.addi %add3A_1964, %add3A_2000 : i32
        %get3A_2002 = arith.index_cast %add3A_2001 : i32 to index
        %get3A_2003 = arith.constant 48 : index
        %get3A_2004 = tpu.vector_load %arg31[%get3A_2002, %get3A_2003] {strides = array<i32>} : memref<400x64xf32, #tpu.memory_space<vmem>>, vector<16xf32>,
        %add3A_2005 = arith.addf %get3A_1999, %get3A_2004 : vector<16xf32>
        %add3A_2006 = arith.addf %scan3A_1956, %add3A_2005 : vector<16xf32>
        %get3A_2007 = arith.index_cast %add3A_1966 : i32 to index
        %get3A_2008 = arith.constant 0 : index
        %get3A_2009 = tpu.vector_load %arg31[%get3A_2007, %get3A_2008] {strides = array<i32>} : memref<400x64xf32, #tpu.memory_space<vmem>>, vector<16xf32>,
        %add3A_2010 = arith.constant 1 : i32
        %add3A_2011 = arith.addi %add3A_1966, %add3A_2010 : i32
        %get3A_2012 = arith.index_cast %add3A_2011 : i32 to index
        %get3A_2013 = arith.constant 0 : index
        %get3A_2014 = tpu.vector_load %arg31[%get3A_2012, %get3A_2013] {strides = array<i32>} : memref<400x64xf32, #tpu.memory_space<vmem>>, vector<16xf32>,
        %add3A_2015 = arith.addf %get3A_2009, %get3A_2014 : vector<16xf32>
        %add3A_2016 = arith.addf %scan3A_1957, %add3A_2015 : vector<16xf32>
        %get3A_2017 = arith.index_cast %add3A_1966 : i32 to index
        %get3A_2018 = arith.constant 16 : index
        %get3A_2019 = tpu.vector_load %arg31[%get3A_2017, %get3A_2018] {strides = array<i32>} : memref<400x64xf32, #tpu.memory_space<vmem>>, vector<16xf32>,
        %add3A_2020 = arith.constant 1 : i32
        %add3A_2021 = arith.addi %add3A_1966, %add3A_2020 : i32
        %get3A_2022 = arith.index_cast %add3A_2021 : i32 to index
        %get3A_2023 = arith.constant 16 : index
        %get3A_2024 = tpu.vector_load %arg31[%get3A_2022, %get3A_2023] {strides = array<i32>} : memref<400x64xf32, #tpu.memory_space<vmem>>, vector<16xf32>,
        %add3A_2025 = arith.addf %get3A_2019, %get3A_2024 : vector<16xf32>
        %add3A_2026 = arith.addf %scan3A_1958, %add3A_2025 : vector<16xf32>
        %get3A_2027 = arith.index_cast %add3A_1966 : i32 to index
        %get3A_2028 = arith.constant 32 : index
        %get3A_2029 = tpu.vector_load %arg31[%get3A_2027, %get3A_2028] {strides = array<i32>} : memref<400x64xf32, #tpu.memory_space<vmem>>, vector<16xf32>,
        %add3A_2030 = arith.constant 1 : i32
        %add3A_2031 = arith.addi %add3A_1966, %add3A_2030 : i32
        %get3A_2032 = arith.index_cast %add3A_2031 : i32 to index
        %get3A_2033 = arith.constant 32 : index
        %get3A_2034 = tpu.vector_load %arg31[%get3A_2032, %get3A_2033] {strides = array<i32>} : memref<400x64xf32, #tpu.memory_space<vmem>>, vector<16xf32>,
        %add3A_2035 = arith.addf %get3A_2029, %get3A_2034 : vector<16xf32>
        %add3A_2036 = arith.addf %scan3A_1959, %add3A_2035 : vector<16xf32>
        %get3A_2037 = arith.index_cast %add3A_1966 : i32 to index
        %get3A_2038 = arith.constant 48 : index
        %get3A_2039 = tpu.vector_load %arg31[%get3A_2037, %get3A_2038] {strides = array<i32>} : memref<400x64xf32, #tpu.memory_space<vmem>>, vector<16xf32>,
        %add3A_2040 = arith.constant 1 : i32
        %add3A_2041 = arith.addi %add3A_1966, %add3A_2040 : i32
        %get3A_2042 = arith.index_cast %add3A_2041 : i32 to index
        %get3A_2043 = arith.constant 48 : index
        %get3A_2044 = tpu.vector_load %arg31[%get3A_2042, %get3A_2043] {strides = array<i32>} : memref<400x64xf32, #tpu.memory_space<vmem>>, vector<16xf32>,
        %add3A_2045 = arith.addf %get3A_2039, %get3A_2044 : vector<16xf32>
        %add3A_2046 = arith.addf %scan3A_1960, %add3A_2045 : vector<16xf32>
        scf.yield %add3A_1976, %add3A_1986, %add3A_1996, %add3A_2006, %add3A_2016, %add3A_2026, %add3A_2036, %add3A_2046 : vector<16xf32>, vector<16xf32>, vector<16xf32>, vector<16xf32>, vector<16xf32>, vector<16xf32>, vector<16xf32>, vector<16xf32>
      }
      %scan3A_1111 = arith.constant 25 : i32
      %slice3A_1112 = vector.extract_strided_slice %get3A_581 {offsets = [6], sizes = [1], strides = [1]} : vector<16xf32> to vector<1xf32>
      %squeeze3A_1113 = vector.extract %slice3A_1112[0] : f32 from vector<1xf32>
      %broadcast_in_dim3A_1114 = arith.constant 0.000000e+00 : f32
      %broadcast_in_dim3A_1115 = vector.broadcast %broadcast_in_dim3A_1114 : f32 to vector<16xf32>
      %mul3A_1116 = vector.broadcast %squeeze3A_1113 : f32 to vector<16xf32>
      %mul3A_1117 = arith.mulf %mul3A_1116, %get3A_585 : vector<16xf32>
      %sub3A_1118 = arith.subf %scan3A_1110#0, %mul3A_1117 : vector<16xf32>
      %mul3A_1119 = arith.constant 16 : i32
      %mul3A_1120 = arith.muli %scan3A_576, %mul3A_1119 : i32
      %add3A_1121 = arith.constant 6 : i32
      %add3A_1122 = arith.addi %mul3A_1120, %add3A_1121 : i32
      %get3A_1123 = arith.index_cast %add3A_1122 : i32 to index
      %get3A_1124 = arith.constant 0 : index
      %get3A_1125 = tpu.vector_load %arg24[%get3A_1123, %get3A_1124] {strides = array<i32>} : memref<128x64xf32, #tpu.memory_space<vmem>>, vector<16xf32>,
      %mul3A_1126 = arith.mulf %sub3A_1118, %get3A_1125 : vector<16xf32>
      %add3A_1127 = arith.addf %broadcast_in_dim3A_1115, %mul3A_1126 : vector<16xf32>
      %mul3A_1128 = vector.broadcast %squeeze3A_1113 : f32 to vector<16xf32>
      %mul3A_1129 = arith.mulf %mul3A_1128, %get3A_589 : vector<16xf32>
      %sub3A_1130 = arith.subf %scan3A_1110#1, %mul3A_1129 : vector<16xf32>
      %mul3A_1131 = arith.constant 16 : i32
      %mul3A_1132 = arith.muli %scan3A_576, %mul3A_1131 : i32
      %add3A_1133 = arith.constant 6 : i32
      %add3A_1134 = arith.addi %mul3A_1132, %add3A_1133 : i32
      %get3A_1135 = arith.index_cast %add3A_1134 : i32 to index
      %get3A_1136 = arith.constant 16 : index
      %get3A_1137 = tpu.vector_load %arg24[%get3A_1135, %get3A_1136] {strides = array<i32>} : memref<128x64xf32, #tpu.memory_space<vmem>>, vector<16xf32>,
      %mul3A_1138 = arith.mulf %sub3A_1130, %get3A_1137 : vector<16xf32>
      %add3A_1139 = arith.addf %add3A_1127, %mul3A_1138 : vector<16xf32>
      %mul3A_1140 = vector.broadcast %squeeze3A_1113 : f32 to vector<16xf32>
      %mul3A_1141 = arith.mulf %mul3A_1140, %get3A_593 : vector<16xf32>
      %sub3A_1142 = arith.subf %scan3A_1110#2, %mul3A_1141 : vector<16xf32>
      %mul3A_1143 = arith.constant 16 : i32
      %mul3A_1144 = arith.muli %scan3A_576, %mul3A_1143 : i32
      %add3A_1145 = arith.constant 6 : i32
      %add3A_1146 = arith.addi %mul3A_1144, %add3A_1145 : i32
      %get3A_1147 = arith.index_cast %add3A_1146 : i32 to index
      %get3A_1148 = arith.constant 32 : index
      %get3A_1149 = tpu.vector_load %arg24[%get3A_1147, %get3A_1148] {strides = array<i32>} : memref<128x64xf32, #tpu.memory_space<vmem>>, vector<16xf32>,
      %mul3A_1150 = arith.mulf %sub3A_1142, %get3A_1149 : vector<16xf32>
      %add3A_1151 = arith.addf %add3A_1139, %mul3A_1150 : vector<16xf32>
      %mul3A_1152 = vector.broadcast %squeeze3A_1113 : f32 to vector<16xf32>
      %mul3A_1153 = arith.mulf %mul3A_1152, %get3A_597 : vector<16xf32>
      %sub3A_1154 = arith.subf %scan3A_1110#3, %mul3A_1153 : vector<16xf32>
      %mul3A_1155 = arith.constant 16 : i32
      %mul3A_1156 = arith.muli %scan3A_576, %mul3A_1155 : i32
      %add3A_1157 = arith.constant 6 : i32
      %add3A_1158 = arith.addi %mul3A_1156, %add3A_1157 : i32
      %get3A_1159 = arith.index_cast %add3A_1158 : i32 to index
      %get3A_1160 = arith.constant 48 : index
      %get3A_1161 = tpu.vector_load %arg24[%get3A_1159, %get3A_1160] {strides = array<i32>} : memref<128x64xf32, #tpu.memory_space<vmem>>, vector<16xf32>,
      %mul3A_1162 = arith.mulf %sub3A_1154, %get3A_1161 : vector<16xf32>
      %add3A_1163 = arith.addf %add3A_1151, %mul3A_1162 : vector<16xf32>
      %sub3A_1164 = arith.constant 6 : i32
      %sub3A_1165 = vector.broadcast %sub3A_1164 : i32 to vector<16xi32>
      %sub3A_1166 = arith.subi %iota3A_568, %sub3A_1165 : vector<16xi32>
      %abs3A_1167 = math.absi %sub3A_1166 : vector<16xi32>
      %min3A_1168 = arith.constant 1 : i32
      %min3A_1169 = vector.broadcast %min3A_1168 : i32 to vector<16xi32>
      %min3A_1170 = arith.minsi %abs3A_1167, %min3A_1169 : vector<16xi32>
      %sub3A_1171 = arith.constant 1 : i32
      %sub3A_1172 = vector.broadcast %sub3A_1171 : i32 to vector<16xi32>
      %sub3A_1173 = arith.subi %sub3A_1172, %min3A_1170 : vector<16xi32>
      %convert_element_type3A_1174 = arith.sitofp %sub3A_1173 : vector<16xi32> to vector<16xf32>
      %reduce_sum3A_1175 = arith.constant true
      %reduce_sum3A_1176 = vector.broadcast %reduce_sum3A_1175 : i1 to vector<16xi1>
      %reduce_sum3A_1177 = tpu.scan <sum>, %add3A_1163 masked %reduce_sum3A_1176 : vector<16xf32>, vector<16xi1> -> vector<16xf32>
      %reduce_sum3A_1178 = vector.extract %reduce_sum3A_1177[15] : f32 from vector<16xf32>
      %mul3A_1179 = vector.broadcast %reduce_sum3A_1178 : f32 to vector<16xf32>
      %mul3A_1180 = arith.mulf %mul3A_1179, %convert_element_type3A_1174 : vector<16xf32>
      %add3A_1181 = arith.addf %add3A_1089, %mul3A_1180 : vector<16xf32>
      %slice3A_1182 = vector.extract_strided_slice %get3A_581 {offsets = [7], sizes = [1], strides = [1]} : vector<16xf32> to vector<1xf32>
      %squeeze3A_1183 = vector.extract %slice3A_1182[0] : f32 from vector<1xf32>
      %broadcast_in_dim3A_1184 = arith.constant 0.000000e+00 : f32
      %broadcast_in_dim3A_1185 = vector.broadcast %broadcast_in_dim3A_1184 : f32 to vector<16xf32>
      %mul3A_1186 = vector.broadcast %squeeze3A_1183 : f32 to vector<16xf32>
      %mul3A_1187 = arith.mulf %mul3A_1186, %get3A_585 : vector<16xf32>
      %sub3A_1188 = arith.subf %scan3A_1110#4, %mul3A_1187 : vector<16xf32>
      %mul3A_1189 = arith.constant 16 : i32
      %mul3A_1190 = arith.muli %scan3A_576, %mul3A_1189 : i32
      %add3A_1191 = arith.constant 7 : i32
      %add3A_1192 = arith.addi %mul3A_1190, %add3A_1191 : i32
      %get3A_1193 = arith.index_cast %add3A_1192 : i32 to index
      %get3A_1194 = arith.constant 0 : index
      %get3A_1195 = tpu.vector_load %arg24[%get3A_1193, %get3A_1194] {strides = array<i32>} : memref<128x64xf32, #tpu.memory_space<vmem>>, vector<16xf32>,
      %mul3A_1196 = arith.mulf %sub3A_1188, %get3A_1195 : vector<16xf32>
      %add3A_1197 = arith.addf %broadcast_in_dim3A_1185, %mul3A_1196 : vector<16xf32>
      %mul3A_1198 = vector.broadcast %squeeze3A_1183 : f32 to vector<16xf32>
      %mul3A_1199 = arith.mulf %mul3A_1198, %get3A_589 : vector<16xf32>
      %sub3A_1200 = arith.subf %scan3A_1110#5, %mul3A_1199 : vector<16xf32>
      %mul3A_1201 = arith.constant 16 : i32
      %mul3A_1202 = arith.muli %scan3A_576, %mul3A_1201 : i32
      %add3A_1203 = arith.constant 7 : i32
      %add3A_1204 = arith.addi %mul3A_1202, %add3A_1203 : i32
      %get3A_1205 = arith.index_cast %add3A_1204 : i32 to index
      %get3A_1206 = arith.constant 16 : index
      %get3A_1207 = tpu.vector_load %arg24[%get3A_1205, %get3A_1206] {strides = array<i32>} : memref<128x64xf32, #tpu.memory_space<vmem>>, vector<16xf32>,
      %mul3A_1208 = arith.mulf %sub3A_1200, %get3A_1207 : vector<16xf32>
      %add3A_1209 = arith.addf %add3A_1197, %mul3A_1208 : vector<16xf32>
      %mul3A_1210 = vector.broadcast %squeeze3A_1183 : f32 to vector<16xf32>
      %mul3A_1211 = arith.mulf %mul3A_1210, %get3A_593 : vector<16xf32>
      %sub3A_1212 = arith.subf %scan3A_1110#6, %mul3A_1211 : vector<16xf32>
      %mul3A_1213 = arith.constant 16 : i32
      %mul3A_1214 = arith.muli %scan3A_576, %mul3A_1213 : i32
      %add3A_1215 = arith.constant 7 : i32
      %add3A_1216 = arith.addi %mul3A_1214, %add3A_1215 : i32
      %get3A_1217 = arith.index_cast %add3A_1216 : i32 to index
      %get3A_1218 = arith.constant 32 : index
      %get3A_1219 = tpu.vector_load %arg24[%get3A_1217, %get3A_1218] {strides = array<i32>} : memref<128x64xf32, #tpu.memory_space<vmem>>, vector<16xf32>,
      %mul3A_1220 = arith.mulf %sub3A_1212, %get3A_1219 : vector<16xf32>
      %add3A_1221 = arith.addf %add3A_1209, %mul3A_1220 : vector<16xf32>
      %mul3A_1222 = vector.broadcast %squeeze3A_1183 : f32 to vector<16xf32>
      %mul3A_1223 = arith.mulf %mul3A_1222, %get3A_597 : vector<16xf32>
      %sub3A_1224 = arith.subf %scan3A_1110#7, %mul3A_1223 : vector<16xf32>
      %mul3A_1225 = arith.constant 16 : i32
      %mul3A_1226 = arith.muli %scan3A_576, %mul3A_1225 : i32
      %add3A_1227 = arith.constant 7 : i32
      %add3A_1228 = arith.addi %mul3A_1226, %add3A_1227 : i32
      %get3A_1229 = arith.index_cast %add3A_1228 : i32 to index
      %get3A_1230 = arith.constant 48 : index
      %get3A_1231 = tpu.vector_load %arg24[%get3A_1229, %get3A_1230] {strides = array<i32>} : memref<128x64xf32, #tpu.memory_space<vmem>>, vector<16xf32>,
      %mul3A_1232 = arith.mulf %sub3A_1224, %get3A_1231 : vector<16xf32>
      %add3A_1233 = arith.addf %add3A_1221, %mul3A_1232 : vector<16xf32>
      %sub3A_1234 = arith.constant 7 : i32
      %sub3A_1235 = vector.broadcast %sub3A_1234 : i32 to vector<16xi32>
      %sub3A_1236 = arith.subi %iota3A_568, %sub3A_1235 : vector<16xi32>
      %abs3A_1237 = math.absi %sub3A_1236 : vector<16xi32>
      %min3A_1238 = arith.constant 1 : i32
      %min3A_1239 = vector.broadcast %min3A_1238 : i32 to vector<16xi32>
      %min3A_1240 = arith.minsi %abs3A_1237, %min3A_1239 : vector<16xi32>
      %sub3A_1241 = arith.constant 1 : i32
      %sub3A_1242 = vector.broadcast %sub3A_1241 : i32 to vector<16xi32>
      %sub3A_1243 = arith.subi %sub3A_1242, %min3A_1240 : vector<16xi32>
      %convert_element_type3A_1244 = arith.sitofp %sub3A_1243 : vector<16xi32> to vector<16xf32>
      %reduce_sum3A_1245 = arith.constant true
      %reduce_sum3A_1246 = vector.broadcast %reduce_sum3A_1245 : i1 to vector<16xi1>
      %reduce_sum3A_1247 = tpu.scan <sum>, %add3A_1233 masked %reduce_sum3A_1246 : vector<16xf32>, vector<16xi1> -> vector<16xf32>
      %reduce_sum3A_1248 = vector.extract %reduce_sum3A_1247[15] : f32 from vector<16xf32>
      %mul3A_1249 = vector.broadcast %reduce_sum3A_1248 : f32 to vector<16xf32>
      %mul3A_1250 = arith.mulf %mul3A_1249, %convert_element_type3A_1244 : vector<16xf32>
      %add3A_1251 = arith.addf %add3A_1181, %mul3A_1250 : vector<16xf32>
      %add3A_1252 = arith.constant 2 : i32
      %add3A_1253 = arith.addi %add3A_603, %add3A_1252 : i32
      %lt3A = arith.constant 16 : i32
      %lt3A_1254 = arith.cmpi slt, %add3A_1253, %lt3A : i32
      %convert_element_type3A_1255 = arith.extui %lt3A_1254 : i1 to i32
      %cond3A = arith.constant 0 : i32
      %cond3A_1256 = arith.cmpi ne, %convert_element_type3A_1255, %cond3A : i32
      scf.if %cond3A_1256 {
        %add3A_1952 = arith.constant 2 : i32
        %add3A_1953 = arith.addi %add3A_603, %add3A_1952 : i32
        %mul3A_1954 = arith.constant 4 : i32
        %mul3A_1955 = arith.muli %add3A_1953, %mul3A_1954 : i32
        %add3A_1956 = arith.constant 0 : i32
        %add3A_1957 = arith.addi %mul3A_1955, %add3A_1956 : i32
        %dma_start3A_1958 = arith.constant 0 : i32
        %dma_start3A_1959 = arith.constant 0 : i32
        %dma_start3A_1960 = tpu.memref_slice %arg31[%dma_start3A_1958, %dma_start3A_1959] : memref<400x64xf32, #tpu.memory_space<vmem>> -> memref<100x64xf32, #tpu.memory_space<vmem>>
        %dma_start3A_1961 = arith.constant 0 : i32
        %dma_start3A_1962 = tpu.memref_slice %arg13[%add3A_1957, %dma_start3A_1961] : memref<64x100xi32, #tpu.memory_space<vmem>> -> memref<1x100xi32, #tpu.memory_space<vmem>>
        %dma_start3A_1963 = tpu.memref_squeeze %dma_start3A_1962 : memref<1x100xi32, #tpu.memory_space<vmem>> -> memref<100xi32, #tpu.memory_space<vmem>>
        %dma_start3A_1964 = arith.constant 0 : i32
        %dma_start3A_1965 = arith.constant 0 : i32
        %dma_start3A_1966 = tpu.memref_slice %arg8[%dma_start3A_1964, %dma_start3A_1965] : memref<102400x64xf32, #tpu.memory_space<hbm>> -> memref<102400x64xf32, #tpu.memory_space<hbm>>
        tpu.enqueue_indirect_dma source(%dma_start3A_1966 : memref<102400x64xf32, #tpu.memory_space<hbm>>) target(%dma_start3A_1960 : memref<100x64xf32, #tpu.memory_space<vmem>>) offsets(%dma_start3A_1963 : memref<100xi32, #tpu.memory_space<vmem>>) semaphore(%arg34 : memref<!tpu.dma_semaphore, #tpu.memory_space<semaphore_mem>>)
        %mul3A_1967 = arith.constant 4 : i32
        %mul3A_1968 = arith.muli %add3A_1953, %mul3A_1967 : i32
        %add3A_1969 = arith.constant 1 : i32
        %add3A_1970 = arith.addi %mul3A_1968, %add3A_1969 : i32
        %dma_start3A_1971 = arith.constant 100 : i32
        %dma_start3A_1972 = arith.constant 0 : i32
        %dma_start3A_1973 = tpu.memref_slice %arg31[%dma_start3A_1971, %dma_start3A_1972] : memref<400x64xf32, #tpu.memory_space<vmem>> -> memref<100x64xf32, #tpu.memory_space<vmem>>
        %dma_start3A_1974 = arith.constant 0 : i32
        %dma_start3A_1975 = tpu.memref_slice %arg13[%add3A_1970, %dma_start3A_1974] : memref<64x100xi32, #tpu.memory_space<vmem>> -> memref<1x100xi32, #tpu.memory_space<vmem>>
        %dma_start3A_1976 = tpu.memref_squeeze %dma_start3A_1975 : memref<1x100xi32, #tpu.memory_space<vmem>> -> memref<100xi32, #tpu.memory_space<vmem>>
        %dma_start3A_1977 = arith.constant 0 : i32
        %dma_start3A_1978 = arith.constant 0 : i32
        %dma_start3A_1979 = tpu.memref_slice %arg8[%dma_start3A_1977, %dma_start3A_1978] : memref<102400x64xf32, #tpu.memory_space<hbm>> -> memref<102400x64xf32, #tpu.memory_space<hbm>>
        tpu.enqueue_indirect_dma source(%dma_start3A_1979 : memref<102400x64xf32, #tpu.memory_space<hbm>>) target(%dma_start3A_1973 : memref<100x64xf32, #tpu.memory_space<vmem>>) offsets(%dma_start3A_1976 : memref<100xi32, #tpu.memory_space<vmem>>) semaphore(%arg34 : memref<!tpu.dma_semaphore, #tpu.memory_space<semaphore_mem>>)
        %mul3A_1980 = arith.constant 4 : i32
        %mul3A_1981 = arith.muli %add3A_1953, %mul3A_1980 : i32
        %add3A_1982 = arith.constant 2 : i32
        %add3A_1983 = arith.addi %mul3A_1981, %add3A_1982 : i32
        %dma_start3A_1984 = arith.constant 200 : i32
        %dma_start3A_1985 = arith.constant 0 : i32
        %dma_start3A_1986 = tpu.memref_slice %arg31[%dma_start3A_1984, %dma_start3A_1985] : memref<400x64xf32, #tpu.memory_space<vmem>> -> memref<100x64xf32, #tpu.memory_space<vmem>>
        %dma_start3A_1987 = arith.constant 0 : i32
        %dma_start3A_1988 = tpu.memref_slice %arg13[%add3A_1983, %dma_start3A_1987] : memref<64x100xi32, #tpu.memory_space<vmem>> -> memref<1x100xi32, #tpu.memory_space<vmem>>
        %dma_start3A_1989 = tpu.memref_squeeze %dma_start3A_1988 : memref<1x100xi32, #tpu.memory_space<vmem>> -> memref<100xi32, #tpu.memory_space<vmem>>
        %dma_start3A_1990 = arith.constant 0 : i32
        %dma_start3A_1991 = arith.constant 0 : i32
        %dma_start3A_1992 = tpu.memref_slice %arg8[%dma_start3A_1990, %dma_start3A_1991] : memref<102400x64xf32, #tpu.memory_space<hbm>> -> memref<102400x64xf32, #tpu.memory_space<hbm>>
        tpu.enqueue_indirect_dma source(%dma_start3A_1992 : memref<102400x64xf32, #tpu.memory_space<hbm>>) target(%dma_start3A_1986 : memref<100x64xf32, #tpu.memory_space<vmem>>) offsets(%dma_start3A_1989 : memref<100xi32, #tpu.memory_space<vmem>>) semaphore(%arg34 : memref<!tpu.dma_semaphore, #tpu.memory_space<semaphore_mem>>)
        %mul3A_1993 = arith.constant 4 : i32
        %mul3A_1994 = arith.muli %add3A_1953, %mul3A_1993 : i32
        %add3A_1995 = arith.constant 3 : i32
        %add3A_1996 = arith.addi %mul3A_1994, %add3A_1995 : i32
        %dma_start3A_1997 = arith.constant 300 : i32
        %dma_start3A_1998 = arith.constant 0 : i32
        %dma_start3A_1999 = tpu.memref_slice %arg31[%dma_start3A_1997, %dma_start3A_1998] : memref<400x64xf32, #tpu.memory_space<vmem>> -> memref<100x64xf32, #tpu.memory_space<vmem>>
        %dma_start3A_2000 = arith.constant 0 : i32
        %dma_start3A_2001 = tpu.memref_slice %arg13[%add3A_1996, %dma_start3A_2000] : memref<64x100xi32, #tpu.memory_space<vmem>> -> memref<1x100xi32, #tpu.memory_space<vmem>>
        %dma_start3A_2002 = tpu.memref_squeeze %dma_start3A_2001 : memref<1x100xi32, #tpu.memory_space<vmem>> -> memref<100xi32, #tpu.memory_space<vmem>>
        %dma_start3A_2003 = arith.constant 0 : i32
        %dma_start3A_2004 = arith.constant 0 : i32
        %dma_start3A_2005 = tpu.memref_slice %arg8[%dma_start3A_2003, %dma_start3A_2004] : memref<102400x64xf32, #tpu.memory_space<hbm>> -> memref<102400x64xf32, #tpu.memory_space<hbm>>
        tpu.enqueue_indirect_dma source(%dma_start3A_2005 : memref<102400x64xf32, #tpu.memory_space<hbm>>) target(%dma_start3A_1999 : memref<100x64xf32, #tpu.memory_space<vmem>>) offsets(%dma_start3A_2002 : memref<100xi32, #tpu.memory_space<vmem>>) semaphore(%arg34 : memref<!tpu.dma_semaphore, #tpu.memory_space<semaphore_mem>>)
      } else {
      }
      %mul3A_1257 = arith.constant 2 : i32
      %mul3A_1258 = arith.muli %mul3A_1257, %scan3A_576 : i32
      %add3A_1259 = arith.constant 1 : i32
      %add3A_1260 = arith.addi %mul3A_1258, %add3A_1259 : i32
      %dma_wait3A_1261 = arith.constant 0 : i32
      %dma_wait3A_1262 = arith.constant 0 : i32
      %dma_wait3A_1263 = tpu.memref_slice %arg8[%dma_wait3A_1261, %dma_wait3A_1262] : memref<102400x64xf32, #tpu.memory_space<hbm>> -> memref<400x64xf32, #tpu.memory_space<hbm>>
      %dma_wait3A_1264 = arith.constant 0 : i32
      %dma_wait3A_1265 = arith.constant 0 : i32
      %dma_wait3A_1266 = tpu.memref_slice %arg8[%dma_wait3A_1264, %dma_wait3A_1265] : memref<102400x64xf32, #tpu.memory_space<hbm>> -> memref<400x64xf32, #tpu.memory_space<hbm>>
      tpu.wait_dma2 semaphore(%arg35 : memref<!tpu.dma_semaphore, #tpu.memory_space<semaphore_mem>>) src(%dma_wait3A_1266 : memref<400x64xf32, #tpu.memory_space<hbm>>) dst(%arg32 : memref<400x64xf32, #tpu.memory_space<vmem>>)
      %broadcast_in_dim3A_1267 = arith.constant 0.000000e+00 : f32
      %broadcast_in_dim3A_1268 = vector.broadcast %broadcast_in_dim3A_1267 : f32 to vector<16xf32>
      %broadcast_in_dim3A_1269 = arith.constant 0.000000e+00 : f32
      %broadcast_in_dim3A_1270 = vector.broadcast %broadcast_in_dim3A_1269 : f32 to vector<16xf32>
      %broadcast_in_dim3A_1271 = arith.constant 0.000000e+00 : f32
      %broadcast_in_dim3A_1272 = vector.broadcast %broadcast_in_dim3A_1271 : f32 to vector<16xf32>
      %broadcast_in_dim3A_1273 = arith.constant 0.000000e+00 : f32
      %broadcast_in_dim3A_1274 = vector.broadcast %broadcast_in_dim3A_1273 : f32 to vector<16xf32>
      %broadcast_in_dim3A_1275 = arith.constant 0.000000e+00 : f32
      %broadcast_in_dim3A_1276 = vector.broadcast %broadcast_in_dim3A_1275 : f32 to vector<16xf32>
      %broadcast_in_dim3A_1277 = arith.constant 0.000000e+00 : f32
      %broadcast_in_dim3A_1278 = vector.broadcast %broadcast_in_dim3A_1277 : f32 to vector<16xf32>
      %broadcast_in_dim3A_1279 = arith.constant 0.000000e+00 : f32
      %broadcast_in_dim3A_1280 = vector.broadcast %broadcast_in_dim3A_1279 : f32 to vector<16xf32>
      %broadcast_in_dim3A_1281 = arith.constant 0.000000e+00 : f32
      %broadcast_in_dim3A_1282 = vector.broadcast %broadcast_in_dim3A_1281 : f32 to vector<16xf32>
      %scan3A_1283 = arith.constant 0 : i32
      %scan3A_1284 = arith.constant 25 : i32
      %scan3A_1285 = arith.addi %scan3A_1283, %scan3A_1284 : i32
      %scan3A_1286 = arith.constant 1 : i32
      %scan3A_1287:8 = scf.for %scan3A_1952 = %scan3A_1283 to %scan3A_1285 step %scan3A_1286 iter_args(%scan3A_1953 = %broadcast_in_dim3A_1268, %scan3A_1954 = %broadcast_in_dim3A_1270, %scan3A_1955 = %broadcast_in_dim3A_1272, %scan3A_1956 = %broadcast_in_dim3A_1274, %scan3A_1957 = %broadcast_in_dim3A_1276, %scan3A_1958 = %broadcast_in_dim3A_1278, %scan3A_1959 = %broadcast_in_dim3A_1280, %scan3A_1960 = %broadcast_in_dim3A_1282) -> (vector<16xf32>, vector<16xf32>, vector<16xf32>, vector<16xf32>, vector<16xf32>, vector<16xf32>, vector<16xf32>, vector<16xf32>)  : i32 {
        %mul3A_1961 = arith.constant 2 : i32
        %mul3A_1962 = arith.muli %mul3A_1961, %scan3A_1952 : i32
        %add3A_1963 = arith.constant 0 : i32
        %add3A_1964 = arith.addi %add3A_1963, %mul3A_1962 : i32
        %add3A_1965 = arith.constant 50 : i32
        %add3A_1966 = arith.addi %add3A_1964, %add3A_1965 : i32
        %get3A_1967 = arith.index_cast %add3A_1964 : i32 to index
        %get3A_1968 = arith.constant 0 : index
        %get3A_1969 = tpu.vector_load %arg32[%get3A_1967, %get3A_1968] {strides = array<i32>} : memref<400x64xf32, #tpu.memory_space<vmem>>, vector<16xf32>,
        %add3A_1970 = arith.constant 1 : i32
        %add3A_1971 = arith.addi %add3A_1964, %add3A_1970 : i32
        %get3A_1972 = arith.index_cast %add3A_1971 : i32 to index
        %get3A_1973 = arith.constant 0 : index
        %get3A_1974 = tpu.vector_load %arg32[%get3A_1972, %get3A_1973] {strides = array<i32>} : memref<400x64xf32, #tpu.memory_space<vmem>>, vector<16xf32>,
        %add3A_1975 = arith.addf %get3A_1969, %get3A_1974 : vector<16xf32>
        %add3A_1976 = arith.addf %scan3A_1953, %add3A_1975 : vector<16xf32>
        %get3A_1977 = arith.index_cast %add3A_1964 : i32 to index
        %get3A_1978 = arith.constant 16 : index
        %get3A_1979 = tpu.vector_load %arg32[%get3A_1977, %get3A_1978] {strides = array<i32>} : memref<400x64xf32, #tpu.memory_space<vmem>>, vector<16xf32>,
        %add3A_1980 = arith.constant 1 : i32
        %add3A_1981 = arith.addi %add3A_1964, %add3A_1980 : i32
        %get3A_1982 = arith.index_cast %add3A_1981 : i32 to index
        %get3A_1983 = arith.constant 16 : index
        %get3A_1984 = tpu.vector_load %arg32[%get3A_1982, %get3A_1983] {strides = array<i32>} : memref<400x64xf32, #tpu.memory_space<vmem>>, vector<16xf32>,
        %add3A_1985 = arith.addf %get3A_1979, %get3A_1984 : vector<16xf32>
        %add3A_1986 = arith.addf %scan3A_1954, %add3A_1985 : vector<16xf32>
        %get3A_1987 = arith.index_cast %add3A_1964 : i32 to index
        %get3A_1988 = arith.constant 32 : index
        %get3A_1989 = tpu.vector_load %arg32[%get3A_1987, %get3A_1988] {strides = array<i32>} : memref<400x64xf32, #tpu.memory_space<vmem>>, vector<16xf32>,
        %add3A_1990 = arith.constant 1 : i32
        %add3A_1991 = arith.addi %add3A_1964, %add3A_1990 : i32
        %get3A_1992 = arith.index_cast %add3A_1991 : i32 to index
        %get3A_1993 = arith.constant 32 : index
        %get3A_1994 = tpu.vector_load %arg32[%get3A_1992, %get3A_1993] {strides = array<i32>} : memref<400x64xf32, #tpu.memory_space<vmem>>, vector<16xf32>,
        %add3A_1995 = arith.addf %get3A_1989, %get3A_1994 : vector<16xf32>
        %add3A_1996 = arith.addf %scan3A_1955, %add3A_1995 : vector<16xf32>
        %get3A_1997 = arith.index_cast %add3A_1964 : i32 to index
        %get3A_1998 = arith.constant 48 : index
        %get3A_1999 = tpu.vector_load %arg32[%get3A_1997, %get3A_1998] {strides = array<i32>} : memref<400x64xf32, #tpu.memory_space<vmem>>, vector<16xf32>,
        %add3A_2000 = arith.constant 1 : i32
        %add3A_2001 = arith.addi %add3A_1964, %add3A_2000 : i32
        %get3A_2002 = arith.index_cast %add3A_2001 : i32 to index
        %get3A_2003 = arith.constant 48 : index
        %get3A_2004 = tpu.vector_load %arg32[%get3A_2002, %get3A_2003] {strides = array<i32>} : memref<400x64xf32, #tpu.memory_space<vmem>>, vector<16xf32>,
        %add3A_2005 = arith.addf %get3A_1999, %get3A_2004 : vector<16xf32>
        %add3A_2006 = arith.addf %scan3A_1956, %add3A_2005 : vector<16xf32>
        %get3A_2007 = arith.index_cast %add3A_1966 : i32 to index
        %get3A_2008 = arith.constant 0 : index
        %get3A_2009 = tpu.vector_load %arg32[%get3A_2007, %get3A_2008] {strides = array<i32>} : memref<400x64xf32, #tpu.memory_space<vmem>>, vector<16xf32>,
        %add3A_2010 = arith.constant 1 : i32
        %add3A_2011 = arith.addi %add3A_1966, %add3A_2010 : i32
        %get3A_2012 = arith.index_cast %add3A_2011 : i32 to index
        %get3A_2013 = arith.constant 0 : index
        %get3A_2014 = tpu.vector_load %arg32[%get3A_2012, %get3A_2013] {strides = array<i32>} : memref<400x64xf32, #tpu.memory_space<vmem>>, vector<16xf32>,
        %add3A_2015 = arith.addf %get3A_2009, %get3A_2014 : vector<16xf32>
        %add3A_2016 = arith.addf %scan3A_1957, %add3A_2015 : vector<16xf32>
        %get3A_2017 = arith.index_cast %add3A_1966 : i32 to index
        %get3A_2018 = arith.constant 16 : index
        %get3A_2019 = tpu.vector_load %arg32[%get3A_2017, %get3A_2018] {strides = array<i32>} : memref<400x64xf32, #tpu.memory_space<vmem>>, vector<16xf32>,
        %add3A_2020 = arith.constant 1 : i32
        %add3A_2021 = arith.addi %add3A_1966, %add3A_2020 : i32
        %get3A_2022 = arith.index_cast %add3A_2021 : i32 to index
        %get3A_2023 = arith.constant 16 : index
        %get3A_2024 = tpu.vector_load %arg32[%get3A_2022, %get3A_2023] {strides = array<i32>} : memref<400x64xf32, #tpu.memory_space<vmem>>, vector<16xf32>,
        %add3A_2025 = arith.addf %get3A_2019, %get3A_2024 : vector<16xf32>
        %add3A_2026 = arith.addf %scan3A_1958, %add3A_2025 : vector<16xf32>
        %get3A_2027 = arith.index_cast %add3A_1966 : i32 to index
        %get3A_2028 = arith.constant 32 : index
        %get3A_2029 = tpu.vector_load %arg32[%get3A_2027, %get3A_2028] {strides = array<i32>} : memref<400x64xf32, #tpu.memory_space<vmem>>, vector<16xf32>,
        %add3A_2030 = arith.constant 1 : i32
        %add3A_2031 = arith.addi %add3A_1966, %add3A_2030 : i32
        %get3A_2032 = arith.index_cast %add3A_2031 : i32 to index
        %get3A_2033 = arith.constant 32 : index
        %get3A_2034 = tpu.vector_load %arg32[%get3A_2032, %get3A_2033] {strides = array<i32>} : memref<400x64xf32, #tpu.memory_space<vmem>>, vector<16xf32>,
        %add3A_2035 = arith.addf %get3A_2029, %get3A_2034 : vector<16xf32>
        %add3A_2036 = arith.addf %scan3A_1959, %add3A_2035 : vector<16xf32>
        %get3A_2037 = arith.index_cast %add3A_1966 : i32 to index
        %get3A_2038 = arith.constant 48 : index
        %get3A_2039 = tpu.vector_load %arg32[%get3A_2037, %get3A_2038] {strides = array<i32>} : memref<400x64xf32, #tpu.memory_space<vmem>>, vector<16xf32>,
        %add3A_2040 = arith.constant 1 : i32
        %add3A_2041 = arith.addi %add3A_1966, %add3A_2040 : i32
        %get3A_2042 = arith.index_cast %add3A_2041 : i32 to index
        %get3A_2043 = arith.constant 48 : index
        %get3A_2044 = tpu.vector_load %arg32[%get3A_2042, %get3A_2043] {strides = array<i32>} : memref<400x64xf32, #tpu.memory_space<vmem>>, vector<16xf32>,
        %add3A_2045 = arith.addf %get3A_2039, %get3A_2044 : vector<16xf32>
        %add3A_2046 = arith.addf %scan3A_1960, %add3A_2045 : vector<16xf32>
        scf.yield %add3A_1976, %add3A_1986, %add3A_1996, %add3A_2006, %add3A_2016, %add3A_2026, %add3A_2036, %add3A_2046 : vector<16xf32>, vector<16xf32>, vector<16xf32>, vector<16xf32>, vector<16xf32>, vector<16xf32>, vector<16xf32>, vector<16xf32>
      }
      %scan3A_1288 = arith.constant 25 : i32
      %slice3A_1289 = vector.extract_strided_slice %get3A_581 {offsets = [8], sizes = [1], strides = [1]} : vector<16xf32> to vector<1xf32>
      %squeeze3A_1290 = vector.extract %slice3A_1289[0] : f32 from vector<1xf32>
      %broadcast_in_dim3A_1291 = arith.constant 0.000000e+00 : f32
      %broadcast_in_dim3A_1292 = vector.broadcast %broadcast_in_dim3A_1291 : f32 to vector<16xf32>
      %mul3A_1293 = vector.broadcast %squeeze3A_1290 : f32 to vector<16xf32>
      %mul3A_1294 = arith.mulf %mul3A_1293, %get3A_585 : vector<16xf32>
      %sub3A_1295 = arith.subf %scan3A_1287#0, %mul3A_1294 : vector<16xf32>
      %mul3A_1296 = arith.constant 16 : i32
      %mul3A_1297 = arith.muli %scan3A_576, %mul3A_1296 : i32
      %add3A_1298 = arith.constant 8 : i32
      %add3A_1299 = arith.addi %mul3A_1297, %add3A_1298 : i32
      %get3A_1300 = arith.index_cast %add3A_1299 : i32 to index
      %get3A_1301 = arith.constant 0 : index
      %get3A_1302 = tpu.vector_load %arg24[%get3A_1300, %get3A_1301] {strides = array<i32>} : memref<128x64xf32, #tpu.memory_space<vmem>>, vector<16xf32>,
      %mul3A_1303 = arith.mulf %sub3A_1295, %get3A_1302 : vector<16xf32>
      %add3A_1304 = arith.addf %broadcast_in_dim3A_1292, %mul3A_1303 : vector<16xf32>
      %mul3A_1305 = vector.broadcast %squeeze3A_1290 : f32 to vector<16xf32>
      %mul3A_1306 = arith.mulf %mul3A_1305, %get3A_589 : vector<16xf32>
      %sub3A_1307 = arith.subf %scan3A_1287#1, %mul3A_1306 : vector<16xf32>
      %mul3A_1308 = arith.constant 16 : i32
      %mul3A_1309 = arith.muli %scan3A_576, %mul3A_1308 : i32
      %add3A_1310 = arith.constant 8 : i32
      %add3A_1311 = arith.addi %mul3A_1309, %add3A_1310 : i32
      %get3A_1312 = arith.index_cast %add3A_1311 : i32 to index
      %get3A_1313 = arith.constant 16 : index
      %get3A_1314 = tpu.vector_load %arg24[%get3A_1312, %get3A_1313] {strides = array<i32>} : memref<128x64xf32, #tpu.memory_space<vmem>>, vector<16xf32>,
      %mul3A_1315 = arith.mulf %sub3A_1307, %get3A_1314 : vector<16xf32>
      %add3A_1316 = arith.addf %add3A_1304, %mul3A_1315 : vector<16xf32>
      %mul3A_1317 = vector.broadcast %squeeze3A_1290 : f32 to vector<16xf32>
      %mul3A_1318 = arith.mulf %mul3A_1317, %get3A_593 : vector<16xf32>
      %sub3A_1319 = arith.subf %scan3A_1287#2, %mul3A_1318 : vector<16xf32>
      %mul3A_1320 = arith.constant 16 : i32
      %mul3A_1321 = arith.muli %scan3A_576, %mul3A_1320 : i32
      %add3A_1322 = arith.constant 8 : i32
      %add3A_1323 = arith.addi %mul3A_1321, %add3A_1322 : i32
      %get3A_1324 = arith.index_cast %add3A_1323 : i32 to index
      %get3A_1325 = arith.constant 32 : index
      %get3A_1326 = tpu.vector_load %arg24[%get3A_1324, %get3A_1325] {strides = array<i32>} : memref<128x64xf32, #tpu.memory_space<vmem>>, vector<16xf32>,
      %mul3A_1327 = arith.mulf %sub3A_1319, %get3A_1326 : vector<16xf32>
      %add3A_1328 = arith.addf %add3A_1316, %mul3A_1327 : vector<16xf32>
      %mul3A_1329 = vector.broadcast %squeeze3A_1290 : f32 to vector<16xf32>
      %mul3A_1330 = arith.mulf %mul3A_1329, %get3A_597 : vector<16xf32>
      %sub3A_1331 = arith.subf %scan3A_1287#3, %mul3A_1330 : vector<16xf32>
      %mul3A_1332 = arith.constant 16 : i32
      %mul3A_1333 = arith.muli %scan3A_576, %mul3A_1332 : i32
      %add3A_1334 = arith.constant 8 : i32
      %add3A_1335 = arith.addi %mul3A_1333, %add3A_1334 : i32
      %get3A_1336 = arith.index_cast %add3A_1335 : i32 to index
      %get3A_1337 = arith.constant 48 : index
      %get3A_1338 = tpu.vector_load %arg24[%get3A_1336, %get3A_1337] {strides = array<i32>} : memref<128x64xf32, #tpu.memory_space<vmem>>, vector<16xf32>,
      %mul3A_1339 = arith.mulf %sub3A_1331, %get3A_1338 : vector<16xf32>
      %add3A_1340 = arith.addf %add3A_1328, %mul3A_1339 : vector<16xf32>
      %sub3A_1341 = arith.constant 8 : i32
      %sub3A_1342 = vector.broadcast %sub3A_1341 : i32 to vector<16xi32>
      %sub3A_1343 = arith.subi %iota3A_568, %sub3A_1342 : vector<16xi32>
      %abs3A_1344 = math.absi %sub3A_1343 : vector<16xi32>
      %min3A_1345 = arith.constant 1 : i32
      %min3A_1346 = vector.broadcast %min3A_1345 : i32 to vector<16xi32>
      %min3A_1347 = arith.minsi %abs3A_1344, %min3A_1346 : vector<16xi32>
      %sub3A_1348 = arith.constant 1 : i32
      %sub3A_1349 = vector.broadcast %sub3A_1348 : i32 to vector<16xi32>
      %sub3A_1350 = arith.subi %sub3A_1349, %min3A_1347 : vector<16xi32>
      %convert_element_type3A_1351 = arith.sitofp %sub3A_1350 : vector<16xi32> to vector<16xf32>
      %reduce_sum3A_1352 = arith.constant true
      %reduce_sum3A_1353 = vector.broadcast %reduce_sum3A_1352 : i1 to vector<16xi1>
      %reduce_sum3A_1354 = tpu.scan <sum>, %add3A_1340 masked %reduce_sum3A_1353 : vector<16xf32>, vector<16xi1> -> vector<16xf32>
      %reduce_sum3A_1355 = vector.extract %reduce_sum3A_1354[15] : f32 from vector<16xf32>
      %mul3A_1356 = vector.broadcast %reduce_sum3A_1355 : f32 to vector<16xf32>
      %mul3A_1357 = arith.mulf %mul3A_1356, %convert_element_type3A_1351 : vector<16xf32>
      %add3A_1358 = arith.addf %add3A_1251, %mul3A_1357 : vector<16xf32>
      %slice3A_1359 = vector.extract_strided_slice %get3A_581 {offsets = [9], sizes = [1], strides = [1]} : vector<16xf32> to vector<1xf32>
      %squeeze3A_1360 = vector.extract %slice3A_1359[0] : f32 from vector<1xf32>
      %broadcast_in_dim3A_1361 = arith.constant 0.000000e+00 : f32
      %broadcast_in_dim3A_1362 = vector.broadcast %broadcast_in_dim3A_1361 : f32 to vector<16xf32>
      %mul3A_1363 = vector.broadcast %squeeze3A_1360 : f32 to vector<16xf32>
      %mul3A_1364 = arith.mulf %mul3A_1363, %get3A_585 : vector<16xf32>
      %sub3A_1365 = arith.subf %scan3A_1287#4, %mul3A_1364 : vector<16xf32>
      %mul3A_1366 = arith.constant 16 : i32
      %mul3A_1367 = arith.muli %scan3A_576, %mul3A_1366 : i32
      %add3A_1368 = arith.constant 9 : i32
      %add3A_1369 = arith.addi %mul3A_1367, %add3A_1368 : i32
      %get3A_1370 = arith.index_cast %add3A_1369 : i32 to index
      %get3A_1371 = arith.constant 0 : index
      %get3A_1372 = tpu.vector_load %arg24[%get3A_1370, %get3A_1371] {strides = array<i32>} : memref<128x64xf32, #tpu.memory_space<vmem>>, vector<16xf32>,
      %mul3A_1373 = arith.mulf %sub3A_1365, %get3A_1372 : vector<16xf32>
      %add3A_1374 = arith.addf %broadcast_in_dim3A_1362, %mul3A_1373 : vector<16xf32>
      %mul3A_1375 = vector.broadcast %squeeze3A_1360 : f32 to vector<16xf32>
      %mul3A_1376 = arith.mulf %mul3A_1375, %get3A_589 : vector<16xf32>
      %sub3A_1377 = arith.subf %scan3A_1287#5, %mul3A_1376 : vector<16xf32>
      %mul3A_1378 = arith.constant 16 : i32
      %mul3A_1379 = arith.muli %scan3A_576, %mul3A_1378 : i32
      %add3A_1380 = arith.constant 9 : i32
      %add3A_1381 = arith.addi %mul3A_1379, %add3A_1380 : i32
      %get3A_1382 = arith.index_cast %add3A_1381 : i32 to index
      %get3A_1383 = arith.constant 16 : index
      %get3A_1384 = tpu.vector_load %arg24[%get3A_1382, %get3A_1383] {strides = array<i32>} : memref<128x64xf32, #tpu.memory_space<vmem>>, vector<16xf32>,
      %mul3A_1385 = arith.mulf %sub3A_1377, %get3A_1384 : vector<16xf32>
      %add3A_1386 = arith.addf %add3A_1374, %mul3A_1385 : vector<16xf32>
      %mul3A_1387 = vector.broadcast %squeeze3A_1360 : f32 to vector<16xf32>
      %mul3A_1388 = arith.mulf %mul3A_1387, %get3A_593 : vector<16xf32>
      %sub3A_1389 = arith.subf %scan3A_1287#6, %mul3A_1388 : vector<16xf32>
      %mul3A_1390 = arith.constant 16 : i32
      %mul3A_1391 = arith.muli %scan3A_576, %mul3A_1390 : i32
      %add3A_1392 = arith.constant 9 : i32
      %add3A_1393 = arith.addi %mul3A_1391, %add3A_1392 : i32
      %get3A_1394 = arith.index_cast %add3A_1393 : i32 to index
      %get3A_1395 = arith.constant 32 : index
      %get3A_1396 = tpu.vector_load %arg24[%get3A_1394, %get3A_1395] {strides = array<i32>} : memref<128x64xf32, #tpu.memory_space<vmem>>, vector<16xf32>,
      %mul3A_1397 = arith.mulf %sub3A_1389, %get3A_1396 : vector<16xf32>
      %add3A_1398 = arith.addf %add3A_1386, %mul3A_1397 : vector<16xf32>
      %mul3A_1399 = vector.broadcast %squeeze3A_1360 : f32 to vector<16xf32>
      %mul3A_1400 = arith.mulf %mul3A_1399, %get3A_597 : vector<16xf32>
      %sub3A_1401 = arith.subf %scan3A_1287#7, %mul3A_1400 : vector<16xf32>
      %mul3A_1402 = arith.constant 16 : i32
      %mul3A_1403 = arith.muli %scan3A_576, %mul3A_1402 : i32
      %add3A_1404 = arith.constant 9 : i32
      %add3A_1405 = arith.addi %mul3A_1403, %add3A_1404 : i32
      %get3A_1406 = arith.index_cast %add3A_1405 : i32 to index
      %get3A_1407 = arith.constant 48 : index
      %get3A_1408 = tpu.vector_load %arg24[%get3A_1406, %get3A_1407] {strides = array<i32>} : memref<128x64xf32, #tpu.memory_space<vmem>>, vector<16xf32>,
      %mul3A_1409 = arith.mulf %sub3A_1401, %get3A_1408 : vector<16xf32>
      %add3A_1410 = arith.addf %add3A_1398, %mul3A_1409 : vector<16xf32>
      %sub3A_1411 = arith.constant 9 : i32
      %sub3A_1412 = vector.broadcast %sub3A_1411 : i32 to vector<16xi32>
      %sub3A_1413 = arith.subi %iota3A_568, %sub3A_1412 : vector<16xi32>
      %abs3A_1414 = math.absi %sub3A_1413 : vector<16xi32>
      %min3A_1415 = arith.constant 1 : i32
      %min3A_1416 = vector.broadcast %min3A_1415 : i32 to vector<16xi32>
      %min3A_1417 = arith.minsi %abs3A_1414, %min3A_1416 : vector<16xi32>
      %sub3A_1418 = arith.constant 1 : i32
      %sub3A_1419 = vector.broadcast %sub3A_1418 : i32 to vector<16xi32>
      %sub3A_1420 = arith.subi %sub3A_1419, %min3A_1417 : vector<16xi32>
      %convert_element_type3A_1421 = arith.sitofp %sub3A_1420 : vector<16xi32> to vector<16xf32>
      %reduce_sum3A_1422 = arith.constant true
      %reduce_sum3A_1423 = vector.broadcast %reduce_sum3A_1422 : i1 to vector<16xi1>
      %reduce_sum3A_1424 = tpu.scan <sum>, %add3A_1410 masked %reduce_sum3A_1423 : vector<16xf32>, vector<16xi1> -> vector<16xf32>
      %reduce_sum3A_1425 = vector.extract %reduce_sum3A_1424[15] : f32 from vector<16xf32>
      %mul3A_1426 = vector.broadcast %reduce_sum3A_1425 : f32 to vector<16xf32>
      %mul3A_1427 = arith.mulf %mul3A_1426, %convert_element_type3A_1421 : vector<16xf32>
      %add3A_1428 = arith.addf %add3A_1358, %mul3A_1427 : vector<16xf32>
      %broadcast_in_dim3A_1429 = arith.constant 0.000000e+00 : f32
      %broadcast_in_dim3A_1430 = vector.broadcast %broadcast_in_dim3A_1429 : f32 to vector<16xf32>
      %broadcast_in_dim3A_1431 = arith.constant 0.000000e+00 : f32
      %broadcast_in_dim3A_1432 = vector.broadcast %broadcast_in_dim3A_1431 : f32 to vector<16xf32>
      %broadcast_in_dim3A_1433 = arith.constant 0.000000e+00 : f32
      %broadcast_in_dim3A_1434 = vector.broadcast %broadcast_in_dim3A_1433 : f32 to vector<16xf32>
      %broadcast_in_dim3A_1435 = arith.constant 0.000000e+00 : f32
      %broadcast_in_dim3A_1436 = vector.broadcast %broadcast_in_dim3A_1435 : f32 to vector<16xf32>
      %broadcast_in_dim3A_1437 = arith.constant 0.000000e+00 : f32
      %broadcast_in_dim3A_1438 = vector.broadcast %broadcast_in_dim3A_1437 : f32 to vector<16xf32>
      %broadcast_in_dim3A_1439 = arith.constant 0.000000e+00 : f32
      %broadcast_in_dim3A_1440 = vector.broadcast %broadcast_in_dim3A_1439 : f32 to vector<16xf32>
      %broadcast_in_dim3A_1441 = arith.constant 0.000000e+00 : f32
      %broadcast_in_dim3A_1442 = vector.broadcast %broadcast_in_dim3A_1441 : f32 to vector<16xf32>
      %broadcast_in_dim3A_1443 = arith.constant 0.000000e+00 : f32
      %broadcast_in_dim3A_1444 = vector.broadcast %broadcast_in_dim3A_1443 : f32 to vector<16xf32>
      %scan3A_1445 = arith.constant 0 : i32
      %scan3A_1446 = arith.constant 25 : i32
      %scan3A_1447 = arith.addi %scan3A_1445, %scan3A_1446 : i32
      %scan3A_1448 = arith.constant 1 : i32
      %scan3A_1449:8 = scf.for %scan3A_1952 = %scan3A_1445 to %scan3A_1447 step %scan3A_1448 iter_args(%scan3A_1953 = %broadcast_in_dim3A_1430, %scan3A_1954 = %broadcast_in_dim3A_1432, %scan3A_1955 = %broadcast_in_dim3A_1434, %scan3A_1956 = %broadcast_in_dim3A_1436, %scan3A_1957 = %broadcast_in_dim3A_1438, %scan3A_1958 = %broadcast_in_dim3A_1440, %scan3A_1959 = %broadcast_in_dim3A_1442, %scan3A_1960 = %broadcast_in_dim3A_1444) -> (vector<16xf32>, vector<16xf32>, vector<16xf32>, vector<16xf32>, vector<16xf32>, vector<16xf32>, vector<16xf32>, vector<16xf32>)  : i32 {
        %mul3A_1961 = arith.constant 2 : i32
        %mul3A_1962 = arith.muli %mul3A_1961, %scan3A_1952 : i32
        %add3A_1963 = arith.constant 100 : i32
        %add3A_1964 = arith.addi %add3A_1963, %mul3A_1962 : i32
        %add3A_1965 = arith.constant 50 : i32
        %add3A_1966 = arith.addi %add3A_1964, %add3A_1965 : i32
        %get3A_1967 = arith.index_cast %add3A_1964 : i32 to index
        %get3A_1968 = arith.constant 0 : index
        %get3A_1969 = tpu.vector_load %arg32[%get3A_1967, %get3A_1968] {strides = array<i32>} : memref<400x64xf32, #tpu.memory_space<vmem>>, vector<16xf32>,
        %add3A_1970 = arith.constant 1 : i32
        %add3A_1971 = arith.addi %add3A_1964, %add3A_1970 : i32
        %get3A_1972 = arith.index_cast %add3A_1971 : i32 to index
        %get3A_1973 = arith.constant 0 : index
        %get3A_1974 = tpu.vector_load %arg32[%get3A_1972, %get3A_1973] {strides = array<i32>} : memref<400x64xf32, #tpu.memory_space<vmem>>, vector<16xf32>,
        %add3A_1975 = arith.addf %get3A_1969, %get3A_1974 : vector<16xf32>
        %add3A_1976 = arith.addf %scan3A_1953, %add3A_1975 : vector<16xf32>
        %get3A_1977 = arith.index_cast %add3A_1964 : i32 to index
        %get3A_1978 = arith.constant 16 : index
        %get3A_1979 = tpu.vector_load %arg32[%get3A_1977, %get3A_1978] {strides = array<i32>} : memref<400x64xf32, #tpu.memory_space<vmem>>, vector<16xf32>,
        %add3A_1980 = arith.constant 1 : i32
        %add3A_1981 = arith.addi %add3A_1964, %add3A_1980 : i32
        %get3A_1982 = arith.index_cast %add3A_1981 : i32 to index
        %get3A_1983 = arith.constant 16 : index
        %get3A_1984 = tpu.vector_load %arg32[%get3A_1982, %get3A_1983] {strides = array<i32>} : memref<400x64xf32, #tpu.memory_space<vmem>>, vector<16xf32>,
        %add3A_1985 = arith.addf %get3A_1979, %get3A_1984 : vector<16xf32>
        %add3A_1986 = arith.addf %scan3A_1954, %add3A_1985 : vector<16xf32>
        %get3A_1987 = arith.index_cast %add3A_1964 : i32 to index
        %get3A_1988 = arith.constant 32 : index
        %get3A_1989 = tpu.vector_load %arg32[%get3A_1987, %get3A_1988] {strides = array<i32>} : memref<400x64xf32, #tpu.memory_space<vmem>>, vector<16xf32>,
        %add3A_1990 = arith.constant 1 : i32
        %add3A_1991 = arith.addi %add3A_1964, %add3A_1990 : i32
        %get3A_1992 = arith.index_cast %add3A_1991 : i32 to index
        %get3A_1993 = arith.constant 32 : index
        %get3A_1994 = tpu.vector_load %arg32[%get3A_1992, %get3A_1993] {strides = array<i32>} : memref<400x64xf32, #tpu.memory_space<vmem>>, vector<16xf32>,
        %add3A_1995 = arith.addf %get3A_1989, %get3A_1994 : vector<16xf32>
        %add3A_1996 = arith.addf %scan3A_1955, %add3A_1995 : vector<16xf32>
        %get3A_1997 = arith.index_cast %add3A_1964 : i32 to index
        %get3A_1998 = arith.constant 48 : index
        %get3A_1999 = tpu.vector_load %arg32[%get3A_1997, %get3A_1998] {strides = array<i32>} : memref<400x64xf32, #tpu.memory_space<vmem>>, vector<16xf32>,
        %add3A_2000 = arith.constant 1 : i32
        %add3A_2001 = arith.addi %add3A_1964, %add3A_2000 : i32
        %get3A_2002 = arith.index_cast %add3A_2001 : i32 to index
        %get3A_2003 = arith.constant 48 : index
        %get3A_2004 = tpu.vector_load %arg32[%get3A_2002, %get3A_2003] {strides = array<i32>} : memref<400x64xf32, #tpu.memory_space<vmem>>, vector<16xf32>,
        %add3A_2005 = arith.addf %get3A_1999, %get3A_2004 : vector<16xf32>
        %add3A_2006 = arith.addf %scan3A_1956, %add3A_2005 : vector<16xf32>
        %get3A_2007 = arith.index_cast %add3A_1966 : i32 to index
        %get3A_2008 = arith.constant 0 : index
        %get3A_2009 = tpu.vector_load %arg32[%get3A_2007, %get3A_2008] {strides = array<i32>} : memref<400x64xf32, #tpu.memory_space<vmem>>, vector<16xf32>,
        %add3A_2010 = arith.constant 1 : i32
        %add3A_2011 = arith.addi %add3A_1966, %add3A_2010 : i32
        %get3A_2012 = arith.index_cast %add3A_2011 : i32 to index
        %get3A_2013 = arith.constant 0 : index
        %get3A_2014 = tpu.vector_load %arg32[%get3A_2012, %get3A_2013] {strides = array<i32>} : memref<400x64xf32, #tpu.memory_space<vmem>>, vector<16xf32>,
        %add3A_2015 = arith.addf %get3A_2009, %get3A_2014 : vector<16xf32>
        %add3A_2016 = arith.addf %scan3A_1957, %add3A_2015 : vector<16xf32>
        %get3A_2017 = arith.index_cast %add3A_1966 : i32 to index
        %get3A_2018 = arith.constant 16 : index
        %get3A_2019 = tpu.vector_load %arg32[%get3A_2017, %get3A_2018] {strides = array<i32>} : memref<400x64xf32, #tpu.memory_space<vmem>>, vector<16xf32>,
        %add3A_2020 = arith.constant 1 : i32
        %add3A_2021 = arith.addi %add3A_1966, %add3A_2020 : i32
        %get3A_2022 = arith.index_cast %add3A_2021 : i32 to index
        %get3A_2023 = arith.constant 16 : index
        %get3A_2024 = tpu.vector_load %arg32[%get3A_2022, %get3A_2023] {strides = array<i32>} : memref<400x64xf32, #tpu.memory_space<vmem>>, vector<16xf32>,
        %add3A_2025 = arith.addf %get3A_2019, %get3A_2024 : vector<16xf32>
        %add3A_2026 = arith.addf %scan3A_1958, %add3A_2025 : vector<16xf32>
        %get3A_2027 = arith.index_cast %add3A_1966 : i32 to index
        %get3A_2028 = arith.constant 32 : index
        %get3A_2029 = tpu.vector_load %arg32[%get3A_2027, %get3A_2028] {strides = array<i32>} : memref<400x64xf32, #tpu.memory_space<vmem>>, vector<16xf32>,
        %add3A_2030 = arith.constant 1 : i32
        %add3A_2031 = arith.addi %add3A_1966, %add3A_2030 : i32
        %get3A_2032 = arith.index_cast %add3A_2031 : i32 to index
        %get3A_2033 = arith.constant 32 : index
        %get3A_2034 = tpu.vector_load %arg32[%get3A_2032, %get3A_2033] {strides = array<i32>} : memref<400x64xf32, #tpu.memory_space<vmem>>, vector<16xf32>,
        %add3A_2035 = arith.addf %get3A_2029, %get3A_2034 : vector<16xf32>
        %add3A_2036 = arith.addf %scan3A_1959, %add3A_2035 : vector<16xf32>
        %get3A_2037 = arith.index_cast %add3A_1966 : i32 to index
        %get3A_2038 = arith.constant 48 : index
        %get3A_2039 = tpu.vector_load %arg32[%get3A_2037, %get3A_2038] {strides = array<i32>} : memref<400x64xf32, #tpu.memory_space<vmem>>, vector<16xf32>,
        %add3A_2040 = arith.constant 1 : i32
        %add3A_2041 = arith.addi %add3A_1966, %add3A_2040 : i32
        %get3A_2042 = arith.index_cast %add3A_2041 : i32 to index
        %get3A_2043 = arith.constant 48 : index
        %get3A_2044 = tpu.vector_load %arg32[%get3A_2042, %get3A_2043] {strides = array<i32>} : memref<400x64xf32, #tpu.memory_space<vmem>>, vector<16xf32>,
        %add3A_2045 = arith.addf %get3A_2039, %get3A_2044 : vector<16xf32>
        %add3A_2046 = arith.addf %scan3A_1960, %add3A_2045 : vector<16xf32>
        scf.yield %add3A_1976, %add3A_1986, %add3A_1996, %add3A_2006, %add3A_2016, %add3A_2026, %add3A_2036, %add3A_2046 : vector<16xf32>, vector<16xf32>, vector<16xf32>, vector<16xf32>, vector<16xf32>, vector<16xf32>, vector<16xf32>, vector<16xf32>
      }
      %scan3A_1450 = arith.constant 25 : i32
      %slice3A_1451 = vector.extract_strided_slice %get3A_581 {offsets = [10], sizes = [1], strides = [1]} : vector<16xf32> to vector<1xf32>
      %squeeze3A_1452 = vector.extract %slice3A_1451[0] : f32 from vector<1xf32>
      %broadcast_in_dim3A_1453 = arith.constant 0.000000e+00 : f32
      %broadcast_in_dim3A_1454 = vector.broadcast %broadcast_in_dim3A_1453 : f32 to vector<16xf32>
      %mul3A_1455 = vector.broadcast %squeeze3A_1452 : f32 to vector<16xf32>
      %mul3A_1456 = arith.mulf %mul3A_1455, %get3A_585 : vector<16xf32>
      %sub3A_1457 = arith.subf %scan3A_1449#0, %mul3A_1456 : vector<16xf32>
      %mul3A_1458 = arith.constant 16 : i32
      %mul3A_1459 = arith.muli %scan3A_576, %mul3A_1458 : i32
      %add3A_1460 = arith.constant 10 : i32
      %add3A_1461 = arith.addi %mul3A_1459, %add3A_1460 : i32
      %get3A_1462 = arith.index_cast %add3A_1461 : i32 to index
      %get3A_1463 = arith.constant 0 : index
      %get3A_1464 = tpu.vector_load %arg24[%get3A_1462, %get3A_1463] {strides = array<i32>} : memref<128x64xf32, #tpu.memory_space<vmem>>, vector<16xf32>,
      %mul3A_1465 = arith.mulf %sub3A_1457, %get3A_1464 : vector<16xf32>
      %add3A_1466 = arith.addf %broadcast_in_dim3A_1454, %mul3A_1465 : vector<16xf32>
      %mul3A_1467 = vector.broadcast %squeeze3A_1452 : f32 to vector<16xf32>
      %mul3A_1468 = arith.mulf %mul3A_1467, %get3A_589 : vector<16xf32>
      %sub3A_1469 = arith.subf %scan3A_1449#1, %mul3A_1468 : vector<16xf32>
      %mul3A_1470 = arith.constant 16 : i32
      %mul3A_1471 = arith.muli %scan3A_576, %mul3A_1470 : i32
      %add3A_1472 = arith.constant 10 : i32
      %add3A_1473 = arith.addi %mul3A_1471, %add3A_1472 : i32
      %get3A_1474 = arith.index_cast %add3A_1473 : i32 to index
      %get3A_1475 = arith.constant 16 : index
      %get3A_1476 = tpu.vector_load %arg24[%get3A_1474, %get3A_1475] {strides = array<i32>} : memref<128x64xf32, #tpu.memory_space<vmem>>, vector<16xf32>,
      %mul3A_1477 = arith.mulf %sub3A_1469, %get3A_1476 : vector<16xf32>
      %add3A_1478 = arith.addf %add3A_1466, %mul3A_1477 : vector<16xf32>
      %mul3A_1479 = vector.broadcast %squeeze3A_1452 : f32 to vector<16xf32>
      %mul3A_1480 = arith.mulf %mul3A_1479, %get3A_593 : vector<16xf32>
      %sub3A_1481 = arith.subf %scan3A_1449#2, %mul3A_1480 : vector<16xf32>
      %mul3A_1482 = arith.constant 16 : i32
      %mul3A_1483 = arith.muli %scan3A_576, %mul3A_1482 : i32
      %add3A_1484 = arith.constant 10 : i32
      %add3A_1485 = arith.addi %mul3A_1483, %add3A_1484 : i32
      %get3A_1486 = arith.index_cast %add3A_1485 : i32 to index
      %get3A_1487 = arith.constant 32 : index
      %get3A_1488 = tpu.vector_load %arg24[%get3A_1486, %get3A_1487] {strides = array<i32>} : memref<128x64xf32, #tpu.memory_space<vmem>>, vector<16xf32>,
      %mul3A_1489 = arith.mulf %sub3A_1481, %get3A_1488 : vector<16xf32>
      %add3A_1490 = arith.addf %add3A_1478, %mul3A_1489 : vector<16xf32>
      %mul3A_1491 = vector.broadcast %squeeze3A_1452 : f32 to vector<16xf32>
      %mul3A_1492 = arith.mulf %mul3A_1491, %get3A_597 : vector<16xf32>
      %sub3A_1493 = arith.subf %scan3A_1449#3, %mul3A_1492 : vector<16xf32>
      %mul3A_1494 = arith.constant 16 : i32
      %mul3A_1495 = arith.muli %scan3A_576, %mul3A_1494 : i32
      %add3A_1496 = arith.constant 10 : i32
      %add3A_1497 = arith.addi %mul3A_1495, %add3A_1496 : i32
      %get3A_1498 = arith.index_cast %add3A_1497 : i32 to index
      %get3A_1499 = arith.constant 48 : index
      %get3A_1500 = tpu.vector_load %arg24[%get3A_1498, %get3A_1499] {strides = array<i32>} : memref<128x64xf32, #tpu.memory_space<vmem>>, vector<16xf32>,
      %mul3A_1501 = arith.mulf %sub3A_1493, %get3A_1500 : vector<16xf32>
      %add3A_1502 = arith.addf %add3A_1490, %mul3A_1501 : vector<16xf32>
      %sub3A_1503 = arith.constant 10 : i32
      %sub3A_1504 = vector.broadcast %sub3A_1503 : i32 to vector<16xi32>
      %sub3A_1505 = arith.subi %iota3A_568, %sub3A_1504 : vector<16xi32>
      %abs3A_1506 = math.absi %sub3A_1505 : vector<16xi32>
      %min3A_1507 = arith.constant 1 : i32
      %min3A_1508 = vector.broadcast %min3A_1507 : i32 to vector<16xi32>
      %min3A_1509 = arith.minsi %abs3A_1506, %min3A_1508 : vector<16xi32>
      %sub3A_1510 = arith.constant 1 : i32
      %sub3A_1511 = vector.broadcast %sub3A_1510 : i32 to vector<16xi32>
      %sub3A_1512 = arith.subi %sub3A_1511, %min3A_1509 : vector<16xi32>
      %convert_element_type3A_1513 = arith.sitofp %sub3A_1512 : vector<16xi32> to vector<16xf32>
      %reduce_sum3A_1514 = arith.constant true
      %reduce_sum3A_1515 = vector.broadcast %reduce_sum3A_1514 : i1 to vector<16xi1>
      %reduce_sum3A_1516 = tpu.scan <sum>, %add3A_1502 masked %reduce_sum3A_1515 : vector<16xf32>, vector<16xi1> -> vector<16xf32>
      %reduce_sum3A_1517 = vector.extract %reduce_sum3A_1516[15] : f32 from vector<16xf32>
      %mul3A_1518 = vector.broadcast %reduce_sum3A_1517 : f32 to vector<16xf32>
      %mul3A_1519 = arith.mulf %mul3A_1518, %convert_element_type3A_1513 : vector<16xf32>
      %add3A_1520 = arith.addf %add3A_1428, %mul3A_1519 : vector<16xf32>
      %slice3A_1521 = vector.extract_strided_slice %get3A_581 {offsets = [11], sizes = [1], strides = [1]} : vector<16xf32> to vector<1xf32>
      %squeeze3A_1522 = vector.extract %slice3A_1521[0] : f32 from vector<1xf32>
      %broadcast_in_dim3A_1523 = arith.constant 0.000000e+00 : f32
      %broadcast_in_dim3A_1524 = vector.broadcast %broadcast_in_dim3A_1523 : f32 to vector<16xf32>
      %mul3A_1525 = vector.broadcast %squeeze3A_1522 : f32 to vector<16xf32>
      %mul3A_1526 = arith.mulf %mul3A_1525, %get3A_585 : vector<16xf32>
      %sub3A_1527 = arith.subf %scan3A_1449#4, %mul3A_1526 : vector<16xf32>
      %mul3A_1528 = arith.constant 16 : i32
      %mul3A_1529 = arith.muli %scan3A_576, %mul3A_1528 : i32
      %add3A_1530 = arith.constant 11 : i32
      %add3A_1531 = arith.addi %mul3A_1529, %add3A_1530 : i32
      %get3A_1532 = arith.index_cast %add3A_1531 : i32 to index
      %get3A_1533 = arith.constant 0 : index
      %get3A_1534 = tpu.vector_load %arg24[%get3A_1532, %get3A_1533] {strides = array<i32>} : memref<128x64xf32, #tpu.memory_space<vmem>>, vector<16xf32>,
      %mul3A_1535 = arith.mulf %sub3A_1527, %get3A_1534 : vector<16xf32>
      %add3A_1536 = arith.addf %broadcast_in_dim3A_1524, %mul3A_1535 : vector<16xf32>
      %mul3A_1537 = vector.broadcast %squeeze3A_1522 : f32 to vector<16xf32>
      %mul3A_1538 = arith.mulf %mul3A_1537, %get3A_589 : vector<16xf32>
      %sub3A_1539 = arith.subf %scan3A_1449#5, %mul3A_1538 : vector<16xf32>
      %mul3A_1540 = arith.constant 16 : i32
      %mul3A_1541 = arith.muli %scan3A_576, %mul3A_1540 : i32
      %add3A_1542 = arith.constant 11 : i32
      %add3A_1543 = arith.addi %mul3A_1541, %add3A_1542 : i32
      %get3A_1544 = arith.index_cast %add3A_1543 : i32 to index
      %get3A_1545 = arith.constant 16 : index
      %get3A_1546 = tpu.vector_load %arg24[%get3A_1544, %get3A_1545] {strides = array<i32>} : memref<128x64xf32, #tpu.memory_space<vmem>>, vector<16xf32>,
      %mul3A_1547 = arith.mulf %sub3A_1539, %get3A_1546 : vector<16xf32>
      %add3A_1548 = arith.addf %add3A_1536, %mul3A_1547 : vector<16xf32>
      %mul3A_1549 = vector.broadcast %squeeze3A_1522 : f32 to vector<16xf32>
      %mul3A_1550 = arith.mulf %mul3A_1549, %get3A_593 : vector<16xf32>
      %sub3A_1551 = arith.subf %scan3A_1449#6, %mul3A_1550 : vector<16xf32>
      %mul3A_1552 = arith.constant 16 : i32
      %mul3A_1553 = arith.muli %scan3A_576, %mul3A_1552 : i32
      %add3A_1554 = arith.constant 11 : i32
      %add3A_1555 = arith.addi %mul3A_1553, %add3A_1554 : i32
      %get3A_1556 = arith.index_cast %add3A_1555 : i32 to index
      %get3A_1557 = arith.constant 32 : index
      %get3A_1558 = tpu.vector_load %arg24[%get3A_1556, %get3A_1557] {strides = array<i32>} : memref<128x64xf32, #tpu.memory_space<vmem>>, vector<16xf32>,
      %mul3A_1559 = arith.mulf %sub3A_1551, %get3A_1558 : vector<16xf32>
      %add3A_1560 = arith.addf %add3A_1548, %mul3A_1559 : vector<16xf32>
      %mul3A_1561 = vector.broadcast %squeeze3A_1522 : f32 to vector<16xf32>
      %mul3A_1562 = arith.mulf %mul3A_1561, %get3A_597 : vector<16xf32>
      %sub3A_1563 = arith.subf %scan3A_1449#7, %mul3A_1562 : vector<16xf32>
      %mul3A_1564 = arith.constant 16 : i32
      %mul3A_1565 = arith.muli %scan3A_576, %mul3A_1564 : i32
      %add3A_1566 = arith.constant 11 : i32
      %add3A_1567 = arith.addi %mul3A_1565, %add3A_1566 : i32
      %get3A_1568 = arith.index_cast %add3A_1567 : i32 to index
      %get3A_1569 = arith.constant 48 : index
      %get3A_1570 = tpu.vector_load %arg24[%get3A_1568, %get3A_1569] {strides = array<i32>} : memref<128x64xf32, #tpu.memory_space<vmem>>, vector<16xf32>,
      %mul3A_1571 = arith.mulf %sub3A_1563, %get3A_1570 : vector<16xf32>
      %add3A_1572 = arith.addf %add3A_1560, %mul3A_1571 : vector<16xf32>
      %sub3A_1573 = arith.constant 11 : i32
      %sub3A_1574 = vector.broadcast %sub3A_1573 : i32 to vector<16xi32>
      %sub3A_1575 = arith.subi %iota3A_568, %sub3A_1574 : vector<16xi32>
      %abs3A_1576 = math.absi %sub3A_1575 : vector<16xi32>
      %min3A_1577 = arith.constant 1 : i32
      %min3A_1578 = vector.broadcast %min3A_1577 : i32 to vector<16xi32>
      %min3A_1579 = arith.minsi %abs3A_1576, %min3A_1578 : vector<16xi32>
      %sub3A_1580 = arith.constant 1 : i32
      %sub3A_1581 = vector.broadcast %sub3A_1580 : i32 to vector<16xi32>
      %sub3A_1582 = arith.subi %sub3A_1581, %min3A_1579 : vector<16xi32>
      %convert_element_type3A_1583 = arith.sitofp %sub3A_1582 : vector<16xi32> to vector<16xf32>
      %reduce_sum3A_1584 = arith.constant true
      %reduce_sum3A_1585 = vector.broadcast %reduce_sum3A_1584 : i1 to vector<16xi1>
      %reduce_sum3A_1586 = tpu.scan <sum>, %add3A_1572 masked %reduce_sum3A_1585 : vector<16xf32>, vector<16xi1> -> vector<16xf32>
      %reduce_sum3A_1587 = vector.extract %reduce_sum3A_1586[15] : f32 from vector<16xf32>
      %mul3A_1588 = vector.broadcast %reduce_sum3A_1587 : f32 to vector<16xf32>
      %mul3A_1589 = arith.mulf %mul3A_1588, %convert_element_type3A_1583 : vector<16xf32>
      %add3A_1590 = arith.addf %add3A_1520, %mul3A_1589 : vector<16xf32>
      %broadcast_in_dim3A_1591 = arith.constant 0.000000e+00 : f32
      %broadcast_in_dim3A_1592 = vector.broadcast %broadcast_in_dim3A_1591 : f32 to vector<16xf32>
      %broadcast_in_dim3A_1593 = arith.constant 0.000000e+00 : f32
      %broadcast_in_dim3A_1594 = vector.broadcast %broadcast_in_dim3A_1593 : f32 to vector<16xf32>
      %broadcast_in_dim3A_1595 = arith.constant 0.000000e+00 : f32
      %broadcast_in_dim3A_1596 = vector.broadcast %broadcast_in_dim3A_1595 : f32 to vector<16xf32>
      %broadcast_in_dim3A_1597 = arith.constant 0.000000e+00 : f32
      %broadcast_in_dim3A_1598 = vector.broadcast %broadcast_in_dim3A_1597 : f32 to vector<16xf32>
      %broadcast_in_dim3A_1599 = arith.constant 0.000000e+00 : f32
      %broadcast_in_dim3A_1600 = vector.broadcast %broadcast_in_dim3A_1599 : f32 to vector<16xf32>
      %broadcast_in_dim3A_1601 = arith.constant 0.000000e+00 : f32
      %broadcast_in_dim3A_1602 = vector.broadcast %broadcast_in_dim3A_1601 : f32 to vector<16xf32>
      %broadcast_in_dim3A_1603 = arith.constant 0.000000e+00 : f32
      %broadcast_in_dim3A_1604 = vector.broadcast %broadcast_in_dim3A_1603 : f32 to vector<16xf32>
      %broadcast_in_dim3A_1605 = arith.constant 0.000000e+00 : f32
      %broadcast_in_dim3A_1606 = vector.broadcast %broadcast_in_dim3A_1605 : f32 to vector<16xf32>
      %scan3A_1607 = arith.constant 0 : i32
      %scan3A_1608 = arith.constant 25 : i32
      %scan3A_1609 = arith.addi %scan3A_1607, %scan3A_1608 : i32
      %scan3A_1610 = arith.constant 1 : i32
      %scan3A_1611:8 = scf.for %scan3A_1952 = %scan3A_1607 to %scan3A_1609 step %scan3A_1610 iter_args(%scan3A_1953 = %broadcast_in_dim3A_1592, %scan3A_1954 = %broadcast_in_dim3A_1594, %scan3A_1955 = %broadcast_in_dim3A_1596, %scan3A_1956 = %broadcast_in_dim3A_1598, %scan3A_1957 = %broadcast_in_dim3A_1600, %scan3A_1958 = %broadcast_in_dim3A_1602, %scan3A_1959 = %broadcast_in_dim3A_1604, %scan3A_1960 = %broadcast_in_dim3A_1606) -> (vector<16xf32>, vector<16xf32>, vector<16xf32>, vector<16xf32>, vector<16xf32>, vector<16xf32>, vector<16xf32>, vector<16xf32>)  : i32 {
        %mul3A_1961 = arith.constant 2 : i32
        %mul3A_1962 = arith.muli %mul3A_1961, %scan3A_1952 : i32
        %add3A_1963 = arith.constant 200 : i32
        %add3A_1964 = arith.addi %add3A_1963, %mul3A_1962 : i32
        %add3A_1965 = arith.constant 50 : i32
        %add3A_1966 = arith.addi %add3A_1964, %add3A_1965 : i32
        %get3A_1967 = arith.index_cast %add3A_1964 : i32 to index
        %get3A_1968 = arith.constant 0 : index
        %get3A_1969 = tpu.vector_load %arg32[%get3A_1967, %get3A_1968] {strides = array<i32>} : memref<400x64xf32, #tpu.memory_space<vmem>>, vector<16xf32>,
        %add3A_1970 = arith.constant 1 : i32
        %add3A_1971 = arith.addi %add3A_1964, %add3A_1970 : i32
        %get3A_1972 = arith.index_cast %add3A_1971 : i32 to index
        %get3A_1973 = arith.constant 0 : index
        %get3A_1974 = tpu.vector_load %arg32[%get3A_1972, %get3A_1973] {strides = array<i32>} : memref<400x64xf32, #tpu.memory_space<vmem>>, vector<16xf32>,
        %add3A_1975 = arith.addf %get3A_1969, %get3A_1974 : vector<16xf32>
        %add3A_1976 = arith.addf %scan3A_1953, %add3A_1975 : vector<16xf32>
        %get3A_1977 = arith.index_cast %add3A_1964 : i32 to index
        %get3A_1978 = arith.constant 16 : index
        %get3A_1979 = tpu.vector_load %arg32[%get3A_1977, %get3A_1978] {strides = array<i32>} : memref<400x64xf32, #tpu.memory_space<vmem>>, vector<16xf32>,
        %add3A_1980 = arith.constant 1 : i32
        %add3A_1981 = arith.addi %add3A_1964, %add3A_1980 : i32
        %get3A_1982 = arith.index_cast %add3A_1981 : i32 to index
        %get3A_1983 = arith.constant 16 : index
        %get3A_1984 = tpu.vector_load %arg32[%get3A_1982, %get3A_1983] {strides = array<i32>} : memref<400x64xf32, #tpu.memory_space<vmem>>, vector<16xf32>,
        %add3A_1985 = arith.addf %get3A_1979, %get3A_1984 : vector<16xf32>
        %add3A_1986 = arith.addf %scan3A_1954, %add3A_1985 : vector<16xf32>
        %get3A_1987 = arith.index_cast %add3A_1964 : i32 to index
        %get3A_1988 = arith.constant 32 : index
        %get3A_1989 = tpu.vector_load %arg32[%get3A_1987, %get3A_1988] {strides = array<i32>} : memref<400x64xf32, #tpu.memory_space<vmem>>, vector<16xf32>,
        %add3A_1990 = arith.constant 1 : i32
        %add3A_1991 = arith.addi %add3A_1964, %add3A_1990 : i32
        %get3A_1992 = arith.index_cast %add3A_1991 : i32 to index
        %get3A_1993 = arith.constant 32 : index
        %get3A_1994 = tpu.vector_load %arg32[%get3A_1992, %get3A_1993] {strides = array<i32>} : memref<400x64xf32, #tpu.memory_space<vmem>>, vector<16xf32>,
        %add3A_1995 = arith.addf %get3A_1989, %get3A_1994 : vector<16xf32>
        %add3A_1996 = arith.addf %scan3A_1955, %add3A_1995 : vector<16xf32>
        %get3A_1997 = arith.index_cast %add3A_1964 : i32 to index
        %get3A_1998 = arith.constant 48 : index
        %get3A_1999 = tpu.vector_load %arg32[%get3A_1997, %get3A_1998] {strides = array<i32>} : memref<400x64xf32, #tpu.memory_space<vmem>>, vector<16xf32>,
        %add3A_2000 = arith.constant 1 : i32
        %add3A_2001 = arith.addi %add3A_1964, %add3A_2000 : i32
        %get3A_2002 = arith.index_cast %add3A_2001 : i32 to index
        %get3A_2003 = arith.constant 48 : index
        %get3A_2004 = tpu.vector_load %arg32[%get3A_2002, %get3A_2003] {strides = array<i32>} : memref<400x64xf32, #tpu.memory_space<vmem>>, vector<16xf32>,
        %add3A_2005 = arith.addf %get3A_1999, %get3A_2004 : vector<16xf32>
        %add3A_2006 = arith.addf %scan3A_1956, %add3A_2005 : vector<16xf32>
        %get3A_2007 = arith.index_cast %add3A_1966 : i32 to index
        %get3A_2008 = arith.constant 0 : index
        %get3A_2009 = tpu.vector_load %arg32[%get3A_2007, %get3A_2008] {strides = array<i32>} : memref<400x64xf32, #tpu.memory_space<vmem>>, vector<16xf32>,
        %add3A_2010 = arith.constant 1 : i32
        %add3A_2011 = arith.addi %add3A_1966, %add3A_2010 : i32
        %get3A_2012 = arith.index_cast %add3A_2011 : i32 to index
        %get3A_2013 = arith.constant 0 : index
        %get3A_2014 = tpu.vector_load %arg32[%get3A_2012, %get3A_2013] {strides = array<i32>} : memref<400x64xf32, #tpu.memory_space<vmem>>, vector<16xf32>,
        %add3A_2015 = arith.addf %get3A_2009, %get3A_2014 : vector<16xf32>
        %add3A_2016 = arith.addf %scan3A_1957, %add3A_2015 : vector<16xf32>
        %get3A_2017 = arith.index_cast %add3A_1966 : i32 to index
        %get3A_2018 = arith.constant 16 : index
        %get3A_2019 = tpu.vector_load %arg32[%get3A_2017, %get3A_2018] {strides = array<i32>} : memref<400x64xf32, #tpu.memory_space<vmem>>, vector<16xf32>,
        %add3A_2020 = arith.constant 1 : i32
        %add3A_2021 = arith.addi %add3A_1966, %add3A_2020 : i32
        %get3A_2022 = arith.index_cast %add3A_2021 : i32 to index
        %get3A_2023 = arith.constant 16 : index
        %get3A_2024 = tpu.vector_load %arg32[%get3A_2022, %get3A_2023] {strides = array<i32>} : memref<400x64xf32, #tpu.memory_space<vmem>>, vector<16xf32>,
        %add3A_2025 = arith.addf %get3A_2019, %get3A_2024 : vector<16xf32>
        %add3A_2026 = arith.addf %scan3A_1958, %add3A_2025 : vector<16xf32>
        %get3A_2027 = arith.index_cast %add3A_1966 : i32 to index
        %get3A_2028 = arith.constant 32 : index
        %get3A_2029 = tpu.vector_load %arg32[%get3A_2027, %get3A_2028] {strides = array<i32>} : memref<400x64xf32, #tpu.memory_space<vmem>>, vector<16xf32>,
        %add3A_2030 = arith.constant 1 : i32
        %add3A_2031 = arith.addi %add3A_1966, %add3A_2030 : i32
        %get3A_2032 = arith.index_cast %add3A_2031 : i32 to index
        %get3A_2033 = arith.constant 32 : index
        %get3A_2034 = tpu.vector_load %arg32[%get3A_2032, %get3A_2033] {strides = array<i32>} : memref<400x64xf32, #tpu.memory_space<vmem>>, vector<16xf32>,
        %add3A_2035 = arith.addf %get3A_2029, %get3A_2034 : vector<16xf32>
        %add3A_2036 = arith.addf %scan3A_1959, %add3A_2035 : vector<16xf32>
        %get3A_2037 = arith.index_cast %add3A_1966 : i32 to index
        %get3A_2038 = arith.constant 48 : index
        %get3A_2039 = tpu.vector_load %arg32[%get3A_2037, %get3A_2038] {strides = array<i32>} : memref<400x64xf32, #tpu.memory_space<vmem>>, vector<16xf32>,
        %add3A_2040 = arith.constant 1 : i32
        %add3A_2041 = arith.addi %add3A_1966, %add3A_2040 : i32
        %get3A_2042 = arith.index_cast %add3A_2041 : i32 to index
        %get3A_2043 = arith.constant 48 : index
        %get3A_2044 = tpu.vector_load %arg32[%get3A_2042, %get3A_2043] {strides = array<i32>} : memref<400x64xf32, #tpu.memory_space<vmem>>, vector<16xf32>,
        %add3A_2045 = arith.addf %get3A_2039, %get3A_2044 : vector<16xf32>
        %add3A_2046 = arith.addf %scan3A_1960, %add3A_2045 : vector<16xf32>
        scf.yield %add3A_1976, %add3A_1986, %add3A_1996, %add3A_2006, %add3A_2016, %add3A_2026, %add3A_2036, %add3A_2046 : vector<16xf32>, vector<16xf32>, vector<16xf32>, vector<16xf32>, vector<16xf32>, vector<16xf32>, vector<16xf32>, vector<16xf32>
      }
      %scan3A_1612 = arith.constant 25 : i32
      %slice3A_1613 = vector.extract_strided_slice %get3A_581 {offsets = [12], sizes = [1], strides = [1]} : vector<16xf32> to vector<1xf32>
      %squeeze3A_1614 = vector.extract %slice3A_1613[0] : f32 from vector<1xf32>
      %broadcast_in_dim3A_1615 = arith.constant 0.000000e+00 : f32
      %broadcast_in_dim3A_1616 = vector.broadcast %broadcast_in_dim3A_1615 : f32 to vector<16xf32>
      %mul3A_1617 = vector.broadcast %squeeze3A_1614 : f32 to vector<16xf32>
      %mul3A_1618 = arith.mulf %mul3A_1617, %get3A_585 : vector<16xf32>
      %sub3A_1619 = arith.subf %scan3A_1611#0, %mul3A_1618 : vector<16xf32>
      %mul3A_1620 = arith.constant 16 : i32
      %mul3A_1621 = arith.muli %scan3A_576, %mul3A_1620 : i32
      %add3A_1622 = arith.constant 12 : i32
      %add3A_1623 = arith.addi %mul3A_1621, %add3A_1622 : i32
      %get3A_1624 = arith.index_cast %add3A_1623 : i32 to index
      %get3A_1625 = arith.constant 0 : index
      %get3A_1626 = tpu.vector_load %arg24[%get3A_1624, %get3A_1625] {strides = array<i32>} : memref<128x64xf32, #tpu.memory_space<vmem>>, vector<16xf32>,
      %mul3A_1627 = arith.mulf %sub3A_1619, %get3A_1626 : vector<16xf32>
      %add3A_1628 = arith.addf %broadcast_in_dim3A_1616, %mul3A_1627 : vector<16xf32>
      %mul3A_1629 = vector.broadcast %squeeze3A_1614 : f32 to vector<16xf32>
      %mul3A_1630 = arith.mulf %mul3A_1629, %get3A_589 : vector<16xf32>
      %sub3A_1631 = arith.subf %scan3A_1611#1, %mul3A_1630 : vector<16xf32>
      %mul3A_1632 = arith.constant 16 : i32
      %mul3A_1633 = arith.muli %scan3A_576, %mul3A_1632 : i32
      %add3A_1634 = arith.constant 12 : i32
      %add3A_1635 = arith.addi %mul3A_1633, %add3A_1634 : i32
      %get3A_1636 = arith.index_cast %add3A_1635 : i32 to index
      %get3A_1637 = arith.constant 16 : index
      %get3A_1638 = tpu.vector_load %arg24[%get3A_1636, %get3A_1637] {strides = array<i32>} : memref<128x64xf32, #tpu.memory_space<vmem>>, vector<16xf32>,
      %mul3A_1639 = arith.mulf %sub3A_1631, %get3A_1638 : vector<16xf32>
      %add3A_1640 = arith.addf %add3A_1628, %mul3A_1639 : vector<16xf32>
      %mul3A_1641 = vector.broadcast %squeeze3A_1614 : f32 to vector<16xf32>
      %mul3A_1642 = arith.mulf %mul3A_1641, %get3A_593 : vector<16xf32>
      %sub3A_1643 = arith.subf %scan3A_1611#2, %mul3A_1642 : vector<16xf32>
      %mul3A_1644 = arith.constant 16 : i32
      %mul3A_1645 = arith.muli %scan3A_576, %mul3A_1644 : i32
      %add3A_1646 = arith.constant 12 : i32
      %add3A_1647 = arith.addi %mul3A_1645, %add3A_1646 : i32
      %get3A_1648 = arith.index_cast %add3A_1647 : i32 to index
      %get3A_1649 = arith.constant 32 : index
      %get3A_1650 = tpu.vector_load %arg24[%get3A_1648, %get3A_1649] {strides = array<i32>} : memref<128x64xf32, #tpu.memory_space<vmem>>, vector<16xf32>,
      %mul3A_1651 = arith.mulf %sub3A_1643, %get3A_1650 : vector<16xf32>
      %add3A_1652 = arith.addf %add3A_1640, %mul3A_1651 : vector<16xf32>
      %mul3A_1653 = vector.broadcast %squeeze3A_1614 : f32 to vector<16xf32>
      %mul3A_1654 = arith.mulf %mul3A_1653, %get3A_597 : vector<16xf32>
      %sub3A_1655 = arith.subf %scan3A_1611#3, %mul3A_1654 : vector<16xf32>
      %mul3A_1656 = arith.constant 16 : i32
      %mul3A_1657 = arith.muli %scan3A_576, %mul3A_1656 : i32
      %add3A_1658 = arith.constant 12 : i32
      %add3A_1659 = arith.addi %mul3A_1657, %add3A_1658 : i32
      %get3A_1660 = arith.index_cast %add3A_1659 : i32 to index
      %get3A_1661 = arith.constant 48 : index
      %get3A_1662 = tpu.vector_load %arg24[%get3A_1660, %get3A_1661] {strides = array<i32>} : memref<128x64xf32, #tpu.memory_space<vmem>>, vector<16xf32>,
      %mul3A_1663 = arith.mulf %sub3A_1655, %get3A_1662 : vector<16xf32>
      %add3A_1664 = arith.addf %add3A_1652, %mul3A_1663 : vector<16xf32>
      %sub3A_1665 = arith.constant 12 : i32
      %sub3A_1666 = vector.broadcast %sub3A_1665 : i32 to vector<16xi32>
      %sub3A_1667 = arith.subi %iota3A_568, %sub3A_1666 : vector<16xi32>
      %abs3A_1668 = math.absi %sub3A_1667 : vector<16xi32>
      %min3A_1669 = arith.constant 1 : i32
      %min3A_1670 = vector.broadcast %min3A_1669 : i32 to vector<16xi32>
      %min3A_1671 = arith.minsi %abs3A_1668, %min3A_1670 : vector<16xi32>
      %sub3A_1672 = arith.constant 1 : i32
      %sub3A_1673 = vector.broadcast %sub3A_1672 : i32 to vector<16xi32>
      %sub3A_1674 = arith.subi %sub3A_1673, %min3A_1671 : vector<16xi32>
      %convert_element_type3A_1675 = arith.sitofp %sub3A_1674 : vector<16xi32> to vector<16xf32>
      %reduce_sum3A_1676 = arith.constant true
      %reduce_sum3A_1677 = vector.broadcast %reduce_sum3A_1676 : i1 to vector<16xi1>
      %reduce_sum3A_1678 = tpu.scan <sum>, %add3A_1664 masked %reduce_sum3A_1677 : vector<16xf32>, vector<16xi1> -> vector<16xf32>
      %reduce_sum3A_1679 = vector.extract %reduce_sum3A_1678[15] : f32 from vector<16xf32>
      %mul3A_1680 = vector.broadcast %reduce_sum3A_1679 : f32 to vector<16xf32>
      %mul3A_1681 = arith.mulf %mul3A_1680, %convert_element_type3A_1675 : vector<16xf32>
      %add3A_1682 = arith.addf %add3A_1590, %mul3A_1681 : vector<16xf32>
      %slice3A_1683 = vector.extract_strided_slice %get3A_581 {offsets = [13], sizes = [1], strides = [1]} : vector<16xf32> to vector<1xf32>
      %squeeze3A_1684 = vector.extract %slice3A_1683[0] : f32 from vector<1xf32>
      %broadcast_in_dim3A_1685 = arith.constant 0.000000e+00 : f32
      %broadcast_in_dim3A_1686 = vector.broadcast %broadcast_in_dim3A_1685 : f32 to vector<16xf32>
      %mul3A_1687 = vector.broadcast %squeeze3A_1684 : f32 to vector<16xf32>
      %mul3A_1688 = arith.mulf %mul3A_1687, %get3A_585 : vector<16xf32>
      %sub3A_1689 = arith.subf %scan3A_1611#4, %mul3A_1688 : vector<16xf32>
      %mul3A_1690 = arith.constant 16 : i32
      %mul3A_1691 = arith.muli %scan3A_576, %mul3A_1690 : i32
      %add3A_1692 = arith.constant 13 : i32
      %add3A_1693 = arith.addi %mul3A_1691, %add3A_1692 : i32
      %get3A_1694 = arith.index_cast %add3A_1693 : i32 to index
      %get3A_1695 = arith.constant 0 : index
      %get3A_1696 = tpu.vector_load %arg24[%get3A_1694, %get3A_1695] {strides = array<i32>} : memref<128x64xf32, #tpu.memory_space<vmem>>, vector<16xf32>,
      %mul3A_1697 = arith.mulf %sub3A_1689, %get3A_1696 : vector<16xf32>
      %add3A_1698 = arith.addf %broadcast_in_dim3A_1686, %mul3A_1697 : vector<16xf32>
      %mul3A_1699 = vector.broadcast %squeeze3A_1684 : f32 to vector<16xf32>
      %mul3A_1700 = arith.mulf %mul3A_1699, %get3A_589 : vector<16xf32>
      %sub3A_1701 = arith.subf %scan3A_1611#5, %mul3A_1700 : vector<16xf32>
      %mul3A_1702 = arith.constant 16 : i32
      %mul3A_1703 = arith.muli %scan3A_576, %mul3A_1702 : i32
      %add3A_1704 = arith.constant 13 : i32
      %add3A_1705 = arith.addi %mul3A_1703, %add3A_1704 : i32
      %get3A_1706 = arith.index_cast %add3A_1705 : i32 to index
      %get3A_1707 = arith.constant 16 : index
      %get3A_1708 = tpu.vector_load %arg24[%get3A_1706, %get3A_1707] {strides = array<i32>} : memref<128x64xf32, #tpu.memory_space<vmem>>, vector<16xf32>,
      %mul3A_1709 = arith.mulf %sub3A_1701, %get3A_1708 : vector<16xf32>
      %add3A_1710 = arith.addf %add3A_1698, %mul3A_1709 : vector<16xf32>
      %mul3A_1711 = vector.broadcast %squeeze3A_1684 : f32 to vector<16xf32>
      %mul3A_1712 = arith.mulf %mul3A_1711, %get3A_593 : vector<16xf32>
      %sub3A_1713 = arith.subf %scan3A_1611#6, %mul3A_1712 : vector<16xf32>
      %mul3A_1714 = arith.constant 16 : i32
      %mul3A_1715 = arith.muli %scan3A_576, %mul3A_1714 : i32
      %add3A_1716 = arith.constant 13 : i32
      %add3A_1717 = arith.addi %mul3A_1715, %add3A_1716 : i32
      %get3A_1718 = arith.index_cast %add3A_1717 : i32 to index
      %get3A_1719 = arith.constant 32 : index
      %get3A_1720 = tpu.vector_load %arg24[%get3A_1718, %get3A_1719] {strides = array<i32>} : memref<128x64xf32, #tpu.memory_space<vmem>>, vector<16xf32>,
      %mul3A_1721 = arith.mulf %sub3A_1713, %get3A_1720 : vector<16xf32>
      %add3A_1722 = arith.addf %add3A_1710, %mul3A_1721 : vector<16xf32>
      %mul3A_1723 = vector.broadcast %squeeze3A_1684 : f32 to vector<16xf32>
      %mul3A_1724 = arith.mulf %mul3A_1723, %get3A_597 : vector<16xf32>
      %sub3A_1725 = arith.subf %scan3A_1611#7, %mul3A_1724 : vector<16xf32>
      %mul3A_1726 = arith.constant 16 : i32
      %mul3A_1727 = arith.muli %scan3A_576, %mul3A_1726 : i32
      %add3A_1728 = arith.constant 13 : i32
      %add3A_1729 = arith.addi %mul3A_1727, %add3A_1728 : i32
      %get3A_1730 = arith.index_cast %add3A_1729 : i32 to index
      %get3A_1731 = arith.constant 48 : index
      %get3A_1732 = tpu.vector_load %arg24[%get3A_1730, %get3A_1731] {strides = array<i32>} : memref<128x64xf32, #tpu.memory_space<vmem>>, vector<16xf32>,
      %mul3A_1733 = arith.mulf %sub3A_1725, %get3A_1732 : vector<16xf32>
      %add3A_1734 = arith.addf %add3A_1722, %mul3A_1733 : vector<16xf32>
      %sub3A_1735 = arith.constant 13 : i32
      %sub3A_1736 = vector.broadcast %sub3A_1735 : i32 to vector<16xi32>
      %sub3A_1737 = arith.subi %iota3A_568, %sub3A_1736 : vector<16xi32>
      %abs3A_1738 = math.absi %sub3A_1737 : vector<16xi32>
      %min3A_1739 = arith.constant 1 : i32
      %min3A_1740 = vector.broadcast %min3A_1739 : i32 to vector<16xi32>
      %min3A_1741 = arith.minsi %abs3A_1738, %min3A_1740 : vector<16xi32>
      %sub3A_1742 = arith.constant 1 : i32
      %sub3A_1743 = vector.broadcast %sub3A_1742 : i32 to vector<16xi32>
      %sub3A_1744 = arith.subi %sub3A_1743, %min3A_1741 : vector<16xi32>
      %convert_element_type3A_1745 = arith.sitofp %sub3A_1744 : vector<16xi32> to vector<16xf32>
      %reduce_sum3A_1746 = arith.constant true
      %reduce_sum3A_1747 = vector.broadcast %reduce_sum3A_1746 : i1 to vector<16xi1>
      %reduce_sum3A_1748 = tpu.scan <sum>, %add3A_1734 masked %reduce_sum3A_1747 : vector<16xf32>, vector<16xi1> -> vector<16xf32>
      %reduce_sum3A_1749 = vector.extract %reduce_sum3A_1748[15] : f32 from vector<16xf32>
      %mul3A_1750 = vector.broadcast %reduce_sum3A_1749 : f32 to vector<16xf32>
      %mul3A_1751 = arith.mulf %mul3A_1750, %convert_element_type3A_1745 : vector<16xf32>
      %add3A_1752 = arith.addf %add3A_1682, %mul3A_1751 : vector<16xf32>
      %broadcast_in_dim3A_1753 = arith.constant 0.000000e+00 : f32
      %broadcast_in_dim3A_1754 = vector.broadcast %broadcast_in_dim3A_1753 : f32 to vector<16xf32>
      %broadcast_in_dim3A_1755 = arith.constant 0.000000e+00 : f32
      %broadcast_in_dim3A_1756 = vector.broadcast %broadcast_in_dim3A_1755 : f32 to vector<16xf32>
      %broadcast_in_dim3A_1757 = arith.constant 0.000000e+00 : f32
      %broadcast_in_dim3A_1758 = vector.broadcast %broadcast_in_dim3A_1757 : f32 to vector<16xf32>
      %broadcast_in_dim3A_1759 = arith.constant 0.000000e+00 : f32
      %broadcast_in_dim3A_1760 = vector.broadcast %broadcast_in_dim3A_1759 : f32 to vector<16xf32>
      %broadcast_in_dim3A_1761 = arith.constant 0.000000e+00 : f32
      %broadcast_in_dim3A_1762 = vector.broadcast %broadcast_in_dim3A_1761 : f32 to vector<16xf32>
      %broadcast_in_dim3A_1763 = arith.constant 0.000000e+00 : f32
      %broadcast_in_dim3A_1764 = vector.broadcast %broadcast_in_dim3A_1763 : f32 to vector<16xf32>
      %broadcast_in_dim3A_1765 = arith.constant 0.000000e+00 : f32
      %broadcast_in_dim3A_1766 = vector.broadcast %broadcast_in_dim3A_1765 : f32 to vector<16xf32>
      %broadcast_in_dim3A_1767 = arith.constant 0.000000e+00 : f32
      %broadcast_in_dim3A_1768 = vector.broadcast %broadcast_in_dim3A_1767 : f32 to vector<16xf32>
      %scan3A_1769 = arith.constant 0 : i32
      %scan3A_1770 = arith.constant 25 : i32
      %scan3A_1771 = arith.addi %scan3A_1769, %scan3A_1770 : i32
      %scan3A_1772 = arith.constant 1 : i32
      %scan3A_1773:8 = scf.for %scan3A_1952 = %scan3A_1769 to %scan3A_1771 step %scan3A_1772 iter_args(%scan3A_1953 = %broadcast_in_dim3A_1754, %scan3A_1954 = %broadcast_in_dim3A_1756, %scan3A_1955 = %broadcast_in_dim3A_1758, %scan3A_1956 = %broadcast_in_dim3A_1760, %scan3A_1957 = %broadcast_in_dim3A_1762, %scan3A_1958 = %broadcast_in_dim3A_1764, %scan3A_1959 = %broadcast_in_dim3A_1766, %scan3A_1960 = %broadcast_in_dim3A_1768) -> (vector<16xf32>, vector<16xf32>, vector<16xf32>, vector<16xf32>, vector<16xf32>, vector<16xf32>, vector<16xf32>, vector<16xf32>)  : i32 {
        %mul3A_1961 = arith.constant 2 : i32
        %mul3A_1962 = arith.muli %mul3A_1961, %scan3A_1952 : i32
        %add3A_1963 = arith.constant 300 : i32
        %add3A_1964 = arith.addi %add3A_1963, %mul3A_1962 : i32
        %add3A_1965 = arith.constant 50 : i32
        %add3A_1966 = arith.addi %add3A_1964, %add3A_1965 : i32
        %get3A_1967 = arith.index_cast %add3A_1964 : i32 to index
        %get3A_1968 = arith.constant 0 : index
        %get3A_1969 = tpu.vector_load %arg32[%get3A_1967, %get3A_1968] {strides = array<i32>} : memref<400x64xf32, #tpu.memory_space<vmem>>, vector<16xf32>,
        %add3A_1970 = arith.constant 1 : i32
        %add3A_1971 = arith.addi %add3A_1964, %add3A_1970 : i32
        %get3A_1972 = arith.index_cast %add3A_1971 : i32 to index
        %get3A_1973 = arith.constant 0 : index
        %get3A_1974 = tpu.vector_load %arg32[%get3A_1972, %get3A_1973] {strides = array<i32>} : memref<400x64xf32, #tpu.memory_space<vmem>>, vector<16xf32>,
        %add3A_1975 = arith.addf %get3A_1969, %get3A_1974 : vector<16xf32>
        %add3A_1976 = arith.addf %scan3A_1953, %add3A_1975 : vector<16xf32>
        %get3A_1977 = arith.index_cast %add3A_1964 : i32 to index
        %get3A_1978 = arith.constant 16 : index
        %get3A_1979 = tpu.vector_load %arg32[%get3A_1977, %get3A_1978] {strides = array<i32>} : memref<400x64xf32, #tpu.memory_space<vmem>>, vector<16xf32>,
        %add3A_1980 = arith.constant 1 : i32
        %add3A_1981 = arith.addi %add3A_1964, %add3A_1980 : i32
        %get3A_1982 = arith.index_cast %add3A_1981 : i32 to index
        %get3A_1983 = arith.constant 16 : index
        %get3A_1984 = tpu.vector_load %arg32[%get3A_1982, %get3A_1983] {strides = array<i32>} : memref<400x64xf32, #tpu.memory_space<vmem>>, vector<16xf32>,
        %add3A_1985 = arith.addf %get3A_1979, %get3A_1984 : vector<16xf32>
        %add3A_1986 = arith.addf %scan3A_1954, %add3A_1985 : vector<16xf32>
        %get3A_1987 = arith.index_cast %add3A_1964 : i32 to index
        %get3A_1988 = arith.constant 32 : index
        %get3A_1989 = tpu.vector_load %arg32[%get3A_1987, %get3A_1988] {strides = array<i32>} : memref<400x64xf32, #tpu.memory_space<vmem>>, vector<16xf32>,
        %add3A_1990 = arith.constant 1 : i32
        %add3A_1991 = arith.addi %add3A_1964, %add3A_1990 : i32
        %get3A_1992 = arith.index_cast %add3A_1991 : i32 to index
        %get3A_1993 = arith.constant 32 : index
        %get3A_1994 = tpu.vector_load %arg32[%get3A_1992, %get3A_1993] {strides = array<i32>} : memref<400x64xf32, #tpu.memory_space<vmem>>, vector<16xf32>,
        %add3A_1995 = arith.addf %get3A_1989, %get3A_1994 : vector<16xf32>
        %add3A_1996 = arith.addf %scan3A_1955, %add3A_1995 : vector<16xf32>
        %get3A_1997 = arith.index_cast %add3A_1964 : i32 to index
        %get3A_1998 = arith.constant 48 : index
        %get3A_1999 = tpu.vector_load %arg32[%get3A_1997, %get3A_1998] {strides = array<i32>} : memref<400x64xf32, #tpu.memory_space<vmem>>, vector<16xf32>,
        %add3A_2000 = arith.constant 1 : i32
        %add3A_2001 = arith.addi %add3A_1964, %add3A_2000 : i32
        %get3A_2002 = arith.index_cast %add3A_2001 : i32 to index
        %get3A_2003 = arith.constant 48 : index
        %get3A_2004 = tpu.vector_load %arg32[%get3A_2002, %get3A_2003] {strides = array<i32>} : memref<400x64xf32, #tpu.memory_space<vmem>>, vector<16xf32>,
        %add3A_2005 = arith.addf %get3A_1999, %get3A_2004 : vector<16xf32>
        %add3A_2006 = arith.addf %scan3A_1956, %add3A_2005 : vector<16xf32>
        %get3A_2007 = arith.index_cast %add3A_1966 : i32 to index
        %get3A_2008 = arith.constant 0 : index
        %get3A_2009 = tpu.vector_load %arg32[%get3A_2007, %get3A_2008] {strides = array<i32>} : memref<400x64xf32, #tpu.memory_space<vmem>>, vector<16xf32>,
        %add3A_2010 = arith.constant 1 : i32
        %add3A_2011 = arith.addi %add3A_1966, %add3A_2010 : i32
        %get3A_2012 = arith.index_cast %add3A_2011 : i32 to index
        %get3A_2013 = arith.constant 0 : index
        %get3A_2014 = tpu.vector_load %arg32[%get3A_2012, %get3A_2013] {strides = array<i32>} : memref<400x64xf32, #tpu.memory_space<vmem>>, vector<16xf32>,
        %add3A_2015 = arith.addf %get3A_2009, %get3A_2014 : vector<16xf32>
        %add3A_2016 = arith.addf %scan3A_1957, %add3A_2015 : vector<16xf32>
        %get3A_2017 = arith.index_cast %add3A_1966 : i32 to index
        %get3A_2018 = arith.constant 16 : index
        %get3A_2019 = tpu.vector_load %arg32[%get3A_2017, %get3A_2018] {strides = array<i32>} : memref<400x64xf32, #tpu.memory_space<vmem>>, vector<16xf32>,
        %add3A_2020 = arith.constant 1 : i32
        %add3A_2021 = arith.addi %add3A_1966, %add3A_2020 : i32
        %get3A_2022 = arith.index_cast %add3A_2021 : i32 to index
        %get3A_2023 = arith.constant 16 : index
        %get3A_2024 = tpu.vector_load %arg32[%get3A_2022, %get3A_2023] {strides = array<i32>} : memref<400x64xf32, #tpu.memory_space<vmem>>, vector<16xf32>,
        %add3A_2025 = arith.addf %get3A_2019, %get3A_2024 : vector<16xf32>
        %add3A_2026 = arith.addf %scan3A_1958, %add3A_2025 : vector<16xf32>
        %get3A_2027 = arith.index_cast %add3A_1966 : i32 to index
        %get3A_2028 = arith.constant 32 : index
        %get3A_2029 = tpu.vector_load %arg32[%get3A_2027, %get3A_2028] {strides = array<i32>} : memref<400x64xf32, #tpu.memory_space<vmem>>, vector<16xf32>,
        %add3A_2030 = arith.constant 1 : i32
        %add3A_2031 = arith.addi %add3A_1966, %add3A_2030 : i32
        %get3A_2032 = arith.index_cast %add3A_2031 : i32 to index
        %get3A_2033 = arith.constant 32 : index
        %get3A_2034 = tpu.vector_load %arg32[%get3A_2032, %get3A_2033] {strides = array<i32>} : memref<400x64xf32, #tpu.memory_space<vmem>>, vector<16xf32>,
        %add3A_2035 = arith.addf %get3A_2029, %get3A_2034 : vector<16xf32>
        %add3A_2036 = arith.addf %scan3A_1959, %add3A_2035 : vector<16xf32>
        %get3A_2037 = arith.index_cast %add3A_1966 : i32 to index
        %get3A_2038 = arith.constant 48 : index
        %get3A_2039 = tpu.vector_load %arg32[%get3A_2037, %get3A_2038] {strides = array<i32>} : memref<400x64xf32, #tpu.memory_space<vmem>>, vector<16xf32>,
        %add3A_2040 = arith.constant 1 : i32
        %add3A_2041 = arith.addi %add3A_1966, %add3A_2040 : i32
        %get3A_2042 = arith.index_cast %add3A_2041 : i32 to index
        %get3A_2043 = arith.constant 48 : index
        %get3A_2044 = tpu.vector_load %arg32[%get3A_2042, %get3A_2043] {strides = array<i32>} : memref<400x64xf32, #tpu.memory_space<vmem>>, vector<16xf32>,
        %add3A_2045 = arith.addf %get3A_2039, %get3A_2044 : vector<16xf32>
        %add3A_2046 = arith.addf %scan3A_1960, %add3A_2045 : vector<16xf32>
        scf.yield %add3A_1976, %add3A_1986, %add3A_1996, %add3A_2006, %add3A_2016, %add3A_2026, %add3A_2036, %add3A_2046 : vector<16xf32>, vector<16xf32>, vector<16xf32>, vector<16xf32>, vector<16xf32>, vector<16xf32>, vector<16xf32>, vector<16xf32>
      }
      %scan3A_1774 = arith.constant 25 : i32
      %slice3A_1775 = vector.extract_strided_slice %get3A_581 {offsets = [14], sizes = [1], strides = [1]} : vector<16xf32> to vector<1xf32>
      %squeeze3A_1776 = vector.extract %slice3A_1775[0] : f32 from vector<1xf32>
      %broadcast_in_dim3A_1777 = arith.constant 0.000000e+00 : f32
      %broadcast_in_dim3A_1778 = vector.broadcast %broadcast_in_dim3A_1777 : f32 to vector<16xf32>
      %mul3A_1779 = vector.broadcast %squeeze3A_1776 : f32 to vector<16xf32>
      %mul3A_1780 = arith.mulf %mul3A_1779, %get3A_585 : vector<16xf32>
      %sub3A_1781 = arith.subf %scan3A_1773#0, %mul3A_1780 : vector<16xf32>
      %mul3A_1782 = arith.constant 16 : i32
      %mul3A_1783 = arith.muli %scan3A_576, %mul3A_1782 : i32
      %add3A_1784 = arith.constant 14 : i32
      %add3A_1785 = arith.addi %mul3A_1783, %add3A_1784 : i32
      %get3A_1786 = arith.index_cast %add3A_1785 : i32 to index
      %get3A_1787 = arith.constant 0 : index
      %get3A_1788 = tpu.vector_load %arg24[%get3A_1786, %get3A_1787] {strides = array<i32>} : memref<128x64xf32, #tpu.memory_space<vmem>>, vector<16xf32>,
      %mul3A_1789 = arith.mulf %sub3A_1781, %get3A_1788 : vector<16xf32>
      %add3A_1790 = arith.addf %broadcast_in_dim3A_1778, %mul3A_1789 : vector<16xf32>
      %mul3A_1791 = vector.broadcast %squeeze3A_1776 : f32 to vector<16xf32>
      %mul3A_1792 = arith.mulf %mul3A_1791, %get3A_589 : vector<16xf32>
      %sub3A_1793 = arith.subf %scan3A_1773#1, %mul3A_1792 : vector<16xf32>
      %mul3A_1794 = arith.constant 16 : i32
      %mul3A_1795 = arith.muli %scan3A_576, %mul3A_1794 : i32
      %add3A_1796 = arith.constant 14 : i32
      %add3A_1797 = arith.addi %mul3A_1795, %add3A_1796 : i32
      %get3A_1798 = arith.index_cast %add3A_1797 : i32 to index
      %get3A_1799 = arith.constant 16 : index
      %get3A_1800 = tpu.vector_load %arg24[%get3A_1798, %get3A_1799] {strides = array<i32>} : memref<128x64xf32, #tpu.memory_space<vmem>>, vector<16xf32>,
      %mul3A_1801 = arith.mulf %sub3A_1793, %get3A_1800 : vector<16xf32>
      %add3A_1802 = arith.addf %add3A_1790, %mul3A_1801 : vector<16xf32>
      %mul3A_1803 = vector.broadcast %squeeze3A_1776 : f32 to vector<16xf32>
      %mul3A_1804 = arith.mulf %mul3A_1803, %get3A_593 : vector<16xf32>
      %sub3A_1805 = arith.subf %scan3A_1773#2, %mul3A_1804 : vector<16xf32>
      %mul3A_1806 = arith.constant 16 : i32
      %mul3A_1807 = arith.muli %scan3A_576, %mul3A_1806 : i32
      %add3A_1808 = arith.constant 14 : i32
      %add3A_1809 = arith.addi %mul3A_1807, %add3A_1808 : i32
      %get3A_1810 = arith.index_cast %add3A_1809 : i32 to index
      %get3A_1811 = arith.constant 32 : index
      %get3A_1812 = tpu.vector_load %arg24[%get3A_1810, %get3A_1811] {strides = array<i32>} : memref<128x64xf32, #tpu.memory_space<vmem>>, vector<16xf32>,
      %mul3A_1813 = arith.mulf %sub3A_1805, %get3A_1812 : vector<16xf32>
      %add3A_1814 = arith.addf %add3A_1802, %mul3A_1813 : vector<16xf32>
      %mul3A_1815 = vector.broadcast %squeeze3A_1776 : f32 to vector<16xf32>
      %mul3A_1816 = arith.mulf %mul3A_1815, %get3A_597 : vector<16xf32>
      %sub3A_1817 = arith.subf %scan3A_1773#3, %mul3A_1816 : vector<16xf32>
      %mul3A_1818 = arith.constant 16 : i32
      %mul3A_1819 = arith.muli %scan3A_576, %mul3A_1818 : i32
      %add3A_1820 = arith.constant 14 : i32
      %add3A_1821 = arith.addi %mul3A_1819, %add3A_1820 : i32
      %get3A_1822 = arith.index_cast %add3A_1821 : i32 to index
      %get3A_1823 = arith.constant 48 : index
      %get3A_1824 = tpu.vector_load %arg24[%get3A_1822, %get3A_1823] {strides = array<i32>} : memref<128x64xf32, #tpu.memory_space<vmem>>, vector<16xf32>,
      %mul3A_1825 = arith.mulf %sub3A_1817, %get3A_1824 : vector<16xf32>
      %add3A_1826 = arith.addf %add3A_1814, %mul3A_1825 : vector<16xf32>
      %sub3A_1827 = arith.constant 14 : i32
      %sub3A_1828 = vector.broadcast %sub3A_1827 : i32 to vector<16xi32>
      %sub3A_1829 = arith.subi %iota3A_568, %sub3A_1828 : vector<16xi32>
      %abs3A_1830 = math.absi %sub3A_1829 : vector<16xi32>
      %min3A_1831 = arith.constant 1 : i32
      %min3A_1832 = vector.broadcast %min3A_1831 : i32 to vector<16xi32>
      %min3A_1833 = arith.minsi %abs3A_1830, %min3A_1832 : vector<16xi32>
      %sub3A_1834 = arith.constant 1 : i32
      %sub3A_1835 = vector.broadcast %sub3A_1834 : i32 to vector<16xi32>
      %sub3A_1836 = arith.subi %sub3A_1835, %min3A_1833 : vector<16xi32>
      %convert_element_type3A_1837 = arith.sitofp %sub3A_1836 : vector<16xi32> to vector<16xf32>
      %reduce_sum3A_1838 = arith.constant true
      %reduce_sum3A_1839 = vector.broadcast %reduce_sum3A_1838 : i1 to vector<16xi1>
      %reduce_sum3A_1840 = tpu.scan <sum>, %add3A_1826 masked %reduce_sum3A_1839 : vector<16xf32>, vector<16xi1> -> vector<16xf32>
      %reduce_sum3A_1841 = vector.extract %reduce_sum3A_1840[15] : f32 from vector<16xf32>
      %mul3A_1842 = vector.broadcast %reduce_sum3A_1841 : f32 to vector<16xf32>
      %mul3A_1843 = arith.mulf %mul3A_1842, %convert_element_type3A_1837 : vector<16xf32>
      %add3A_1844 = arith.addf %add3A_1752, %mul3A_1843 : vector<16xf32>
      %slice3A_1845 = vector.extract_strided_slice %get3A_581 {offsets = [15], sizes = [1], strides = [1]} : vector<16xf32> to vector<1xf32>
      %squeeze3A_1846 = vector.extract %slice3A_1845[0] : f32 from vector<1xf32>
      %broadcast_in_dim3A_1847 = arith.constant 0.000000e+00 : f32
      %broadcast_in_dim3A_1848 = vector.broadcast %broadcast_in_dim3A_1847 : f32 to vector<16xf32>
      %mul3A_1849 = vector.broadcast %squeeze3A_1846 : f32 to vector<16xf32>
      %mul3A_1850 = arith.mulf %mul3A_1849, %get3A_585 : vector<16xf32>
      %sub3A_1851 = arith.subf %scan3A_1773#4, %mul3A_1850 : vector<16xf32>
      %mul3A_1852 = arith.constant 16 : i32
      %mul3A_1853 = arith.muli %scan3A_576, %mul3A_1852 : i32
      %add3A_1854 = arith.constant 15 : i32
      %add3A_1855 = arith.addi %mul3A_1853, %add3A_1854 : i32
      %get3A_1856 = arith.index_cast %add3A_1855 : i32 to index
      %get3A_1857 = arith.constant 0 : index
      %get3A_1858 = tpu.vector_load %arg24[%get3A_1856, %get3A_1857] {strides = array<i32>} : memref<128x64xf32, #tpu.memory_space<vmem>>, vector<16xf32>,
      %mul3A_1859 = arith.mulf %sub3A_1851, %get3A_1858 : vector<16xf32>
      %add3A_1860 = arith.addf %broadcast_in_dim3A_1848, %mul3A_1859 : vector<16xf32>
      %mul3A_1861 = vector.broadcast %squeeze3A_1846 : f32 to vector<16xf32>
      %mul3A_1862 = arith.mulf %mul3A_1861, %get3A_589 : vector<16xf32>
      %sub3A_1863 = arith.subf %scan3A_1773#5, %mul3A_1862 : vector<16xf32>
      %mul3A_1864 = arith.constant 16 : i32
      %mul3A_1865 = arith.muli %scan3A_576, %mul3A_1864 : i32
      %add3A_1866 = arith.constant 15 : i32
      %add3A_1867 = arith.addi %mul3A_1865, %add3A_1866 : i32
      %get3A_1868 = arith.index_cast %add3A_1867 : i32 to index
      %get3A_1869 = arith.constant 16 : index
      %get3A_1870 = tpu.vector_load %arg24[%get3A_1868, %get3A_1869] {strides = array<i32>} : memref<128x64xf32, #tpu.memory_space<vmem>>, vector<16xf32>,
      %mul3A_1871 = arith.mulf %sub3A_1863, %get3A_1870 : vector<16xf32>
      %add3A_1872 = arith.addf %add3A_1860, %mul3A_1871 : vector<16xf32>
      %mul3A_1873 = vector.broadcast %squeeze3A_1846 : f32 to vector<16xf32>
      %mul3A_1874 = arith.mulf %mul3A_1873, %get3A_593 : vector<16xf32>
      %sub3A_1875 = arith.subf %scan3A_1773#6, %mul3A_1874 : vector<16xf32>
      %mul3A_1876 = arith.constant 16 : i32
      %mul3A_1877 = arith.muli %scan3A_576, %mul3A_1876 : i32
      %add3A_1878 = arith.constant 15 : i32
      %add3A_1879 = arith.addi %mul3A_1877, %add3A_1878 : i32
      %get3A_1880 = arith.index_cast %add3A_1879 : i32 to index
      %get3A_1881 = arith.constant 32 : index
      %get3A_1882 = tpu.vector_load %arg24[%get3A_1880, %get3A_1881] {strides = array<i32>} : memref<128x64xf32, #tpu.memory_space<vmem>>, vector<16xf32>,
      %mul3A_1883 = arith.mulf %sub3A_1875, %get3A_1882 : vector<16xf32>
      %add3A_1884 = arith.addf %add3A_1872, %mul3A_1883 : vector<16xf32>
      %mul3A_1885 = vector.broadcast %squeeze3A_1846 : f32 to vector<16xf32>
      %mul3A_1886 = arith.mulf %mul3A_1885, %get3A_597 : vector<16xf32>
      %sub3A_1887 = arith.subf %scan3A_1773#7, %mul3A_1886 : vector<16xf32>
      %mul3A_1888 = arith.constant 16 : i32
      %mul3A_1889 = arith.muli %scan3A_576, %mul3A_1888 : i32
      %add3A_1890 = arith.constant 15 : i32
      %add3A_1891 = arith.addi %mul3A_1889, %add3A_1890 : i32
      %get3A_1892 = arith.index_cast %add3A_1891 : i32 to index
      %get3A_1893 = arith.constant 48 : index
      %get3A_1894 = tpu.vector_load %arg24[%get3A_1892, %get3A_1893] {strides = array<i32>} : memref<128x64xf32, #tpu.memory_space<vmem>>, vector<16xf32>,
      %mul3A_1895 = arith.mulf %sub3A_1887, %get3A_1894 : vector<16xf32>
      %add3A_1896 = arith.addf %add3A_1884, %mul3A_1895 : vector<16xf32>
      %sub3A_1897 = arith.constant 15 : i32
      %sub3A_1898 = vector.broadcast %sub3A_1897 : i32 to vector<16xi32>
      %sub3A_1899 = arith.subi %iota3A_568, %sub3A_1898 : vector<16xi32>
      %abs3A_1900 = math.absi %sub3A_1899 : vector<16xi32>
      %min3A_1901 = arith.constant 1 : i32
      %min3A_1902 = vector.broadcast %min3A_1901 : i32 to vector<16xi32>
      %min3A_1903 = arith.minsi %abs3A_1900, %min3A_1902 : vector<16xi32>
      %sub3A_1904 = arith.constant 1 : i32
      %sub3A_1905 = vector.broadcast %sub3A_1904 : i32 to vector<16xi32>
      %sub3A_1906 = arith.subi %sub3A_1905, %min3A_1903 : vector<16xi32>
      %convert_element_type3A_1907 = arith.sitofp %sub3A_1906 : vector<16xi32> to vector<16xf32>
      %reduce_sum3A_1908 = arith.constant true
      %reduce_sum3A_1909 = vector.broadcast %reduce_sum3A_1908 : i1 to vector<16xi1>
      %reduce_sum3A_1910 = tpu.scan <sum>, %add3A_1896 masked %reduce_sum3A_1909 : vector<16xf32>, vector<16xi1> -> vector<16xf32>
      %reduce_sum3A_1911 = vector.extract %reduce_sum3A_1910[15] : f32 from vector<16xf32>
      %mul3A_1912 = vector.broadcast %reduce_sum3A_1911 : f32 to vector<16xf32>
      %mul3A_1913 = arith.mulf %mul3A_1912, %convert_element_type3A_1907 : vector<16xf32>
      %add3A_1914 = arith.addf %add3A_1844, %mul3A_1913 : vector<16xf32>
      %add3A_1915 = arith.constant 2 : i32
      %add3A_1916 = arith.addi %add3A_1260, %add3A_1915 : i32
      %lt3A_1917 = arith.constant 16 : i32
      %lt3A_1918 = arith.cmpi slt, %add3A_1916, %lt3A_1917 : i32
      %convert_element_type3A_1919 = arith.extui %lt3A_1918 : i1 to i32
      %cond3A_1920 = arith.constant 0 : i32
      %cond3A_1921 = arith.cmpi ne, %convert_element_type3A_1919, %cond3A_1920 : i32
      scf.if %cond3A_1921 {
        %add3A_1952 = arith.constant 2 : i32
        %add3A_1953 = arith.addi %add3A_1260, %add3A_1952 : i32
        %mul3A_1954 = arith.constant 4 : i32
        %mul3A_1955 = arith.muli %add3A_1953, %mul3A_1954 : i32
        %add3A_1956 = arith.constant 0 : i32
        %add3A_1957 = arith.addi %mul3A_1955, %add3A_1956 : i32
        %dma_start3A_1958 = arith.constant 0 : i32
        %dma_start3A_1959 = arith.constant 0 : i32
        %dma_start3A_1960 = tpu.memref_slice %arg32[%dma_start3A_1958, %dma_start3A_1959] : memref<400x64xf32, #tpu.memory_space<vmem>> -> memref<100x64xf32, #tpu.memory_space<vmem>>
        %dma_start3A_1961 = arith.constant 0 : i32
        %dma_start3A_1962 = tpu.memref_slice %arg13[%add3A_1957, %dma_start3A_1961] : memref<64x100xi32, #tpu.memory_space<vmem>> -> memref<1x100xi32, #tpu.memory_space<vmem>>
        %dma_start3A_1963 = tpu.memref_squeeze %dma_start3A_1962 : memref<1x100xi32, #tpu.memory_space<vmem>> -> memref<100xi32, #tpu.memory_space<vmem>>
        %dma_start3A_1964 = arith.constant 0 : i32
        %dma_start3A_1965 = arith.constant 0 : i32
        %dma_start3A_1966 = tpu.memref_slice %arg8[%dma_start3A_1964, %dma_start3A_1965] : memref<102400x64xf32, #tpu.memory_space<hbm>> -> memref<102400x64xf32, #tpu.memory_space<hbm>>
        tpu.enqueue_indirect_dma source(%dma_start3A_1966 : memref<102400x64xf32, #tpu.memory_space<hbm>>) target(%dma_start3A_1960 : memref<100x64xf32, #tpu.memory_space<vmem>>) offsets(%dma_start3A_1963 : memref<100xi32, #tpu.memory_space<vmem>>) semaphore(%arg35 : memref<!tpu.dma_semaphore, #tpu.memory_space<semaphore_mem>>)
        %mul3A_1967 = arith.constant 4 : i32
        %mul3A_1968 = arith.muli %add3A_1953, %mul3A_1967 : i32
        %add3A_1969 = arith.constant 1 : i32
        %add3A_1970 = arith.addi %mul3A_1968, %add3A_1969 : i32
        %dma_start3A_1971 = arith.constant 100 : i32
        %dma_start3A_1972 = arith.constant 0 : i32
        %dma_start3A_1973 = tpu.memref_slice %arg32[%dma_start3A_1971, %dma_start3A_1972] : memref<400x64xf32, #tpu.memory_space<vmem>> -> memref<100x64xf32, #tpu.memory_space<vmem>>
        %dma_start3A_1974 = arith.constant 0 : i32
        %dma_start3A_1975 = tpu.memref_slice %arg13[%add3A_1970, %dma_start3A_1974] : memref<64x100xi32, #tpu.memory_space<vmem>> -> memref<1x100xi32, #tpu.memory_space<vmem>>
        %dma_start3A_1976 = tpu.memref_squeeze %dma_start3A_1975 : memref<1x100xi32, #tpu.memory_space<vmem>> -> memref<100xi32, #tpu.memory_space<vmem>>
        %dma_start3A_1977 = arith.constant 0 : i32
        %dma_start3A_1978 = arith.constant 0 : i32
        %dma_start3A_1979 = tpu.memref_slice %arg8[%dma_start3A_1977, %dma_start3A_1978] : memref<102400x64xf32, #tpu.memory_space<hbm>> -> memref<102400x64xf32, #tpu.memory_space<hbm>>
        tpu.enqueue_indirect_dma source(%dma_start3A_1979 : memref<102400x64xf32, #tpu.memory_space<hbm>>) target(%dma_start3A_1973 : memref<100x64xf32, #tpu.memory_space<vmem>>) offsets(%dma_start3A_1976 : memref<100xi32, #tpu.memory_space<vmem>>) semaphore(%arg35 : memref<!tpu.dma_semaphore, #tpu.memory_space<semaphore_mem>>)
        %mul3A_1980 = arith.constant 4 : i32
        %mul3A_1981 = arith.muli %add3A_1953, %mul3A_1980 : i32
        %add3A_1982 = arith.constant 2 : i32
        %add3A_1983 = arith.addi %mul3A_1981, %add3A_1982 : i32
        %dma_start3A_1984 = arith.constant 200 : i32
        %dma_start3A_1985 = arith.constant 0 : i32
        %dma_start3A_1986 = tpu.memref_slice %arg32[%dma_start3A_1984, %dma_start3A_1985] : memref<400x64xf32, #tpu.memory_space<vmem>> -> memref<100x64xf32, #tpu.memory_space<vmem>>
        %dma_start3A_1987 = arith.constant 0 : i32
        %dma_start3A_1988 = tpu.memref_slice %arg13[%add3A_1983, %dma_start3A_1987] : memref<64x100xi32, #tpu.memory_space<vmem>> -> memref<1x100xi32, #tpu.memory_space<vmem>>
        %dma_start3A_1989 = tpu.memref_squeeze %dma_start3A_1988 : memref<1x100xi32, #tpu.memory_space<vmem>> -> memref<100xi32, #tpu.memory_space<vmem>>
        %dma_start3A_1990 = arith.constant 0 : i32
        %dma_start3A_1991 = arith.constant 0 : i32
        %dma_start3A_1992 = tpu.memref_slice %arg8[%dma_start3A_1990, %dma_start3A_1991] : memref<102400x64xf32, #tpu.memory_space<hbm>> -> memref<102400x64xf32, #tpu.memory_space<hbm>>
        tpu.enqueue_indirect_dma source(%dma_start3A_1992 : memref<102400x64xf32, #tpu.memory_space<hbm>>) target(%dma_start3A_1986 : memref<100x64xf32, #tpu.memory_space<vmem>>) offsets(%dma_start3A_1989 : memref<100xi32, #tpu.memory_space<vmem>>) semaphore(%arg35 : memref<!tpu.dma_semaphore, #tpu.memory_space<semaphore_mem>>)
        %mul3A_1993 = arith.constant 4 : i32
        %mul3A_1994 = arith.muli %add3A_1953, %mul3A_1993 : i32
        %add3A_1995 = arith.constant 3 : i32
        %add3A_1996 = arith.addi %mul3A_1994, %add3A_1995 : i32
        %dma_start3A_1997 = arith.constant 300 : i32
        %dma_start3A_1998 = arith.constant 0 : i32
        %dma_start3A_1999 = tpu.memref_slice %arg32[%dma_start3A_1997, %dma_start3A_1998] : memref<400x64xf32, #tpu.memory_space<vmem>> -> memref<100x64xf32, #tpu.memory_space<vmem>>
        %dma_start3A_2000 = arith.constant 0 : i32
        %dma_start3A_2001 = tpu.memref_slice %arg13[%add3A_1996, %dma_start3A_2000] : memref<64x100xi32, #tpu.memory_space<vmem>> -> memref<1x100xi32, #tpu.memory_space<vmem>>
        %dma_start3A_2002 = tpu.memref_squeeze %dma_start3A_2001 : memref<1x100xi32, #tpu.memory_space<vmem>> -> memref<100xi32, #tpu.memory_space<vmem>>
        %dma_start3A_2003 = arith.constant 0 : i32
        %dma_start3A_2004 = arith.constant 0 : i32
        %dma_start3A_2005 = tpu.memref_slice %arg8[%dma_start3A_2003, %dma_start3A_2004] : memref<102400x64xf32, #tpu.memory_space<hbm>> -> memref<102400x64xf32, #tpu.memory_space<hbm>>
        tpu.enqueue_indirect_dma source(%dma_start3A_2005 : memref<102400x64xf32, #tpu.memory_space<hbm>>) target(%dma_start3A_1999 : memref<100x64xf32, #tpu.memory_space<vmem>>) offsets(%dma_start3A_2002 : memref<100xi32, #tpu.memory_space<vmem>>) semaphore(%arg35 : memref<!tpu.dma_semaphore, #tpu.memory_space<semaphore_mem>>)
      } else {
      }
      %mul3A_1922 = arith.constant 16 : i32
      %mul3A_1923 = arith.muli %scan3A_576, %mul3A_1922 : i32
      %add3A_1924 = vector.broadcast %mul3A_1923 : i32 to vector<16xi32>
      %add3A_1925 = arith.addi %add3A_1924, %iota3A_568 : vector<16xi32>
      %get3A_1926 = arith.index_cast %mul3A_579 : i32 to index
      %get3A_1927 = tpu.vector_load %arg15[%get3A_1926] {strides = array<i32>} : memref<128xi32, #tpu.memory_space<vmem>>, vector<16xi32>,
      %and3A_1928 = arith.constant 15 : i32
      %and3A_1929 = vector.broadcast %and3A_1928 : i32 to vector<16xi32>
      %and3A_1930 = arith.andi %get3A_1927, %and3A_1929 : vector<16xi32>
      %gather3A = tpu.vector_load_idx %arg20[%add3A_1925, %and3A_1930] : memref<128x16xf32, #tpu.memory_space<vmem>>[vector<16xi32>, vector<16xi32>], vector<16xf32>,
      %get3A_1931 = arith.index_cast %mul3A_579 : i32 to index
      %get3A_1932 = tpu.vector_load %arg16[%get3A_1931] {strides = array<i32>} : memref<128xi32, #tpu.memory_space<vmem>>, vector<16xi32>,
      %and3A_1933 = arith.constant 15 : i32
      %and3A_1934 = vector.broadcast %and3A_1933 : i32 to vector<16xi32>
      %and3A_1935 = arith.andi %get3A_1932, %and3A_1934 : vector<16xi32>
      %gather3A_1936 = tpu.vector_load_idx %arg21[%add3A_1925, %and3A_1935] : memref<128x16xf32, #tpu.memory_space<vmem>>[vector<16xi32>, vector<16xi32>], vector<16xf32>,
      %swap3A_1937 = arith.index_cast %mul3A_579 : i32 to index
      %swap3A_1938 = tpu.vector_load %arg22[%swap3A_1937] {strides = array<i32>} : memref<128xf32, #tpu.memory_space<vmem>>, vector<16xf32>,
      tpu.vector_store %arg22[%swap3A_1937], %gather3A {strides = array<i32>} : memref<128xf32, #tpu.memory_space<vmem>>, vector<16xf32>,
      %swap3A_1939 = arith.index_cast %mul3A_579 : i32 to index
      %swap3A_1940 = tpu.vector_load %arg23[%swap3A_1939] {strides = array<i32>} : memref<128xf32, #tpu.memory_space<vmem>>, vector<16xf32>,
      tpu.vector_store %arg23[%swap3A_1939], %gather3A_1936 {strides = array<i32>} : memref<128xf32, #tpu.memory_space<vmem>>, vector<16xf32>,
      %add3A_1941 = arith.constant 3.500000e+00 : f32
      %add3A_1942 = vector.broadcast %add3A_1941 : f32 to vector<16xf32>
      %add3A_1943 = arith.addf %add3A_1942, %gather3A : vector<16xf32>
      %add3A_1944 = arith.addf %add3A_1943, %gather3A_1936 : vector<16xf32>
      %get3A_1945 = arith.index_cast %mul3A_579 : i32 to index
      %get3A_1946 = tpu.vector_load %arg29[%get3A_1945] {strides = array<i32>} : memref<128xf32, #tpu.memory_space<vmem>>, vector<16xf32>,
      %mul3A_1947 = arith.mulf %add3A_1914, %get3A_1946 : vector<16xf32>
      %add3A_1948 = arith.addf %add3A_1944, %mul3A_1947 : vector<16xf32>
      %swap3A_1949 = arith.index_cast %mul3A_579 : i32 to index
      %swap3A_1950 = tpu.vector_load %arg30[%swap3A_1949] {strides = array<i32>} : memref<128xf32, #tpu.memory_space<vmem>>, vector<16xf32>,
      tpu.vector_store %arg30[%swap3A_1949], %add3A_1948 {strides = array<i32>} : memref<128xf32, #tpu.memory_space<vmem>>, vector<16xf32>,
      %scan3A_1951 = arith.constant 0 : i32
      scf.yield %scan3A_1951 : i32
    }
    %scan3A_575 = arith.constant 8 : i32
    "tpu.region"() ({
      %run_scoped3A = tpu.sem_alloc : memref<!tpu.dma_semaphore, #tpu.memory_space<semaphore_mem>>
      %dma_start3A_576 = tpu.memref_slice %arg10[%mul3A_2] : memref<4096xf32, #tpu.memory_space<hbm>> -> memref<128xf32, #tpu.memory_space<hbm>>
      %dma_start3A_577 = tpu.memref_slice %arg10[%mul3A_2] : memref<4096xf32, #tpu.memory_space<hbm>> -> memref<128xf32, #tpu.memory_space<hbm>>
      tpu.enqueue_dma source(%arg30 : memref<128xf32, #tpu.memory_space<vmem>>) target(%dma_start3A_577 : memref<128xf32, #tpu.memory_space<hbm>>) target_semaphore(%run_scoped3A : memref<!tpu.dma_semaphore, #tpu.memory_space<semaphore_mem>>)
      %dma_wait3A_578 = tpu.memref_slice %arg10[%mul3A_2] : memref<4096xf32, #tpu.memory_space<hbm>> -> memref<128xf32, #tpu.memory_space<hbm>>
      %dma_wait3A_579 = tpu.memref_slice %arg10[%mul3A_2] : memref<4096xf32, #tpu.memory_space<hbm>> -> memref<128xf32, #tpu.memory_space<hbm>>
      tpu.wait_dma2 semaphore(%run_scoped3A : memref<!tpu.dma_semaphore, #tpu.memory_space<semaphore_mem>>) src(%arg30 : memref<128xf32, #tpu.memory_space<vmem>>) dst(%dma_wait3A_579 : memref<128xf32, #tpu.memory_space<hbm>>)
      tpu.yield
    }) : () -> ()
    "tpu.region"() ({
      %run_scoped3A = tpu.sem_alloc : memref<!tpu.dma_semaphore, #tpu.memory_space<semaphore_mem>>
      %dma_start3A_576 = tpu.memref_slice %arg11[%mul3A_2] : memref<4096xf32, #tpu.memory_space<hbm>> -> memref<128xf32, #tpu.memory_space<hbm>>
      %dma_start3A_577 = tpu.memref_slice %arg11[%mul3A_2] : memref<4096xf32, #tpu.memory_space<hbm>> -> memref<128xf32, #tpu.memory_space<hbm>>
      tpu.enqueue_dma source(%arg22 : memref<128xf32, #tpu.memory_space<vmem>>) target(%dma_start3A_577 : memref<128xf32, #tpu.memory_space<hbm>>) target_semaphore(%run_scoped3A : memref<!tpu.dma_semaphore, #tpu.memory_space<semaphore_mem>>)
      %dma_wait3A_578 = tpu.memref_slice %arg11[%mul3A_2] : memref<4096xf32, #tpu.memory_space<hbm>> -> memref<128xf32, #tpu.memory_space<hbm>>
      %dma_wait3A_579 = tpu.memref_slice %arg11[%mul3A_2] : memref<4096xf32, #tpu.memory_space<hbm>> -> memref<128xf32, #tpu.memory_space<hbm>>
      tpu.wait_dma2 semaphore(%run_scoped3A : memref<!tpu.dma_semaphore, #tpu.memory_space<semaphore_mem>>) src(%arg22 : memref<128xf32, #tpu.memory_space<vmem>>) dst(%dma_wait3A_579 : memref<128xf32, #tpu.memory_space<hbm>>)
      tpu.yield
    }) : () -> ()
    "tpu.region"() ({
      %run_scoped3A = tpu.sem_alloc : memref<!tpu.dma_semaphore, #tpu.memory_space<semaphore_mem>>
      %dma_start3A_576 = tpu.memref_slice %arg12[%mul3A_2] : memref<4096xf32, #tpu.memory_space<hbm>> -> memref<128xf32, #tpu.memory_space<hbm>>
      %dma_start3A_577 = tpu.memref_slice %arg12[%mul3A_2] : memref<4096xf32, #tpu.memory_space<hbm>> -> memref<128xf32, #tpu.memory_space<hbm>>
      tpu.enqueue_dma source(%arg23 : memref<128xf32, #tpu.memory_space<vmem>>) target(%dma_start3A_577 : memref<128xf32, #tpu.memory_space<hbm>>) target_semaphore(%run_scoped3A : memref<!tpu.dma_semaphore, #tpu.memory_space<semaphore_mem>>)
      %dma_wait3A_578 = tpu.memref_slice %arg12[%mul3A_2] : memref<4096xf32, #tpu.memory_space<hbm>> -> memref<128xf32, #tpu.memory_space<hbm>>
      %dma_wait3A_579 = tpu.memref_slice %arg12[%mul3A_2] : memref<4096xf32, #tpu.memory_space<hbm>> -> memref<128xf32, #tpu.memory_space<hbm>>
      tpu.wait_dma2 semaphore(%run_scoped3A : memref<!tpu.dma_semaphore, #tpu.memory_space<semaphore_mem>>) src(%arg23 : memref<128xf32, #tpu.memory_space<vmem>>) dst(%dma_wait3A_579 : memref<128xf32, #tpu.memory_space<hbm>>)
      tpu.yield
    }) : () -> ()
    return
  }
}

module attributes {stable_mosaic.version = 14 : i64} {
  func.func @_tc_fold_body(%arg0: i32, %arg1: memref<64x2048xf32, #tpu.memory_space<vmem>>, %arg2: memref<64x2048xf32, #tpu.memory_space<vmem>>, %arg3: memref<2048x128xf32, #tpu.memory_space<vmem>>) attributes {dimension_semantics = [#tpu.dimension_semantics<arbitrary>], iteration_bounds = array<i64: 25>, scalar_prefetch = 0 : i64, scratch_operands = 0 : i64, tpu.core_type = #tpu.core_type<tc>, window_params = [{transform_indices = @transform_0, window_bounds = array<i64: 64, 2048>}, {transform_indices = @transform_1, window_bounds = array<i64: 64, 2048>}, {transform_indices = @transform_2, window_bounds = array<i64: 2048, 128>}]} {
    %get3A = arith.constant 0 : index
    %get3A_0 = arith.constant 0 : index
    %get3A_1 = vector.load %arg1[%get3A, %get3A_0] : memref<64x2048xf32, #tpu.memory_space<vmem>>, vector<64x2048xf32>
    %transpose3A = tpu.transpose %get3A_1, [1, 0] : vector<64x2048xf32> -> vector<2048x64xf32>
    %get3A_2 = arith.constant 0 : index
    %get3A_3 = arith.constant 0 : index
    %get3A_4 = vector.load %arg2[%get3A_2, %get3A_3] : memref<64x2048xf32, #tpu.memory_space<vmem>>, vector<64x2048xf32>
    %transpose3A_5 = tpu.transpose %get3A_4, [1, 0] : vector<64x2048xf32> -> vector<2048x64xf32>
    %concatenate3A = tpu.concatenate %transpose3A, %transpose3A_5 in 1 : vector<2048x64xf32>, vector<2048x64xf32> -> vector<2048x128xf32>
    %swap3A = arith.constant 0 : index
    %swap3A_6 = arith.constant 0 : index
    %swap3A_7 = vector.load %arg3[%swap3A, %swap3A_6] : memref<2048x128xf32, #tpu.memory_space<vmem>>, vector<2048x128xf32>
    tpu.vector_store %arg3[%swap3A, %swap3A_6], %concatenate3A {strides = array<i32>} : memref<2048x128xf32, #tpu.memory_space<vmem>>, vector<2048x128xf32>,
    return
  }
  func.func @transform_0(%arg0: i32) -> (i32, i32) {
    %c0_i32 = arith.constant 0 : i32
    %c0_i32_0 = arith.constant 0 : i32
    return %c0_i32, %arg0 : i32, i32
  }
  func.func @transform_1(%arg0: i32) -> (i32, i32) {
    %add3A = arith.constant 25 : i32
    %add3A_0 = arith.addi %arg0, %add3A : i32
    %min3A = arith.constant 48 : i32
    %min3A_1 = arith.minsi %add3A_0, %min3A : i32
    %c0_i32 = arith.constant 0 : i32
    %c0_i32_2 = arith.constant 0 : i32
    return %c0_i32, %min3A_1 : i32, i32
  }
  func.func @transform_2(%arg0: i32) -> (i32, i32) {
    %c0_i32 = arith.constant 0 : i32
    %c0_i32_0 = arith.constant 0 : i32
    return %arg0, %c0_i32 : i32, i32
  }
}

</mosaic_0001>

<sc_bundles>
// kernel: kernel.5.cloned.1.call-start
scs
__scs_entry_jumppad:
0x0: {  	(pc) =	sbr.rel $0x88, $3  }
0x1: {  	(tag) =	ssettag $0x0;
	lr =	simm.s32 $0x1  }
0x2: {  	[smem:$0x3F9A] =	sst lr;
	_ =	strace $0xD0000000  }
0x3: {  	_ = 	snop  }
0x4: {  	_ = 	snop  }
0x5: {  	_ = 	snop  }
0x6: {  	_ = 	snop  }
0x7: {  	_ = 	snop  }
__scs_overlays_trampoline_lowered:
0x8: {  	[smem:$0x3FA9] =	sst s0  }
0x9: {  	[smem:$0x3FAA] =	sst s1  }
0xa: {  	[smem:$0x3FAB] =	sst s2  }
0xb: {  	[smem:$0x3FAC] =	sst s3  }
0xc: {  	[smem:$0x3FAD] =	sst s4  }
0xd: {  	[smem:$0x3FAE] =	sst s5  }
0xe: {  	[smem:$0x3FAF] =	sst s6  }
0xf: {  	[smem:$0x3FB0] =	sst s7  }
0x10: {  	[smem:$0x3FB1] =	sst s8  }
0x11: {  	[smem:$0x3FB2] =	sst s9;
	s0 =	simm.s32 @!p0 $0x0  }
0x12: {  	s1 =	sld [smem:$0x3F98];
	s0 =	simm.s32 @p0 $0x1  }
0x13: {  	[smem:$0x3FB3] =	sst s0;
	s0 =	simm.s32 @!p1 $0x0  }
0x14: {  	s2 =	sld [smem:$0x3F97];
	s0 =	simm.s32 @p1 $0x1  }
0x15: {  	[smem:$0x3FB4] =	sst s0;
	s0 =	simm.s32 @!p2 $0x0  }
0x16: {  	s3 =	sld [smem:$0x3FDB];
	s0 =	simm.s32 @p2 $0x1  }
0x17: {  	s4 =	simm.s32 $0x1BF5;
	[smem:$0x3FB6] =	sst s0  }
0x18: {  	s0 =	sld [smem:$0x3F99];
	_ =	swait.ge [sflag:s4], $0x0  }
0x19: {  	s7 =	sld [smem:$0x3F9A]  }
0x1a: {  	s8 =	sadd.s32 $0xFFFFE003, lr  }
0x1b: {  	s9 =	sadd.s32 $0xFFFFFEF7, lr;
	s5 =	simm.s32 $0xFFFFFFFF;
	p2 =	slt.u32 s8, $0xFFFFF086  }
0x1c: {  	p1 =	slt.u32 s9, $0xF7A;
	s5 =	simm.s32 @!p2 $0x0  }
0x1d: {  	s5 =	simm.s32 @p1 $0x1;
	p0 =	seq.s32 s7, s2  }
0x1e: {  	s7 =	smul.u32 @!p0 $0xF7A, s2;
	p2 =	seq.s32 @!p0 s5, $0x0  }
0x1f: {  	s9 =	smul.u32 $0xF7A, s1;
	s8 =	simm.s32 @!p0 $0x1BF5;
	p2 =	por !p2, p0  }
0x20: {  	[sflag:s8] =	ssyncset.s32 @!p0 $0xFFFFF086;
	s6 =	sadd.s32 @!p0 s3, s7;
	s7 =	simm.s32 @!p0 $0x108  }
0x21: {  	s3 =	sadd.s32 s3, s9;
	s6 =	sadd.s32 @!p0 $0x88, s6;
	s7 =	simm.s32 @p2 $0x1082  }
0x22: {  	[simem:s7], [sflag:s8] =	dma.local @!p0 [hbm:s6], $0xF7A  }
0x23: {  	s9 =	sor.u32 $0xD0000000, s2;
	s6 =	simm.s32 $0x108;
	_ =	swait.ge @!p0 [sflag:s8], $0x0  }
0x24: {  	s3 =	sadd.s32 $0x88, s3;
	s6 =	simm.s32 @!p1 $0x1082;
	[sflag:s4] =	ssyncset.s32 $0xFFFFF086  }
0x25: {  	[simem:s6], [sflag:s4] =	dma.local [hbm:s3], $0xF7A  }
0x26: {  	[smem:$0x3F9A] =	sst s1;
	(tag) =	ssettag s2;
	_ =	strace s9  }
0x27: {  	s1 =	sld [smem:$0x3FAA]  }
0x28: {  	s2 =	sld [smem:$0x3FAB]  }
0x29: {  	s4 =	sld [smem:$0x3FAD]  }
0x2a: {  	p0 =	seq.s32 s5, $0x0;
	s5 =	sld [smem:$0x3FAE]  }
0x2b: {  	s6 =	sld [smem:$0x3FAF]  }
0x2c: {  	s7 =	sld [smem:$0x3FB0]  }
0x2d: {  	s3 =	simm.s32 $0x108;
	s8 =	sld [smem:$0x3FB1]  }
0x2e: {  	s3 =	simm.s32 @!p0 $0x1082;
	s9 =	sld [smem:$0x3FB2]  }
0x2f: {  	lr =	sadd.s32 s0, s3;
	s0 =	sld [smem:$0x3FA9]  }
0x30: {  	s3 =	sld [smem:$0x3FAC]  }
0x31: {  	[smem:$0x3FB5] =	sst s10  }
0x32: {  	s10 =	sld [smem:$0x3FB3];
	_ =	sdelay $0x3  }
0x33: {  	p0 =	seq.s32 s10, $0x1;
	s10 =	sld [smem:$0x3FB5];
	_ =	sdelay $0x3  }
0x34: {  	[smem:$0x3FB5] =	sst s10  }
0x35: {  	s10 =	sld [smem:$0x3FB4];
	_ =	sdelay $0x3  }
0x36: {  	p1 =	seq.s32 s10, $0x1;
	s10 =	sld [smem:$0x3FB5];
	_ =	sdelay $0x3  }
0x37: {  	[smem:$0x3FB5] =	sst s10  }
0x38: {  	s10 =	sld [smem:$0x3FB6]  }
0x39: {  	_ = 	snop;
	(pc) =	sbr.ind lr, $3  }
0x3a: {  	_ = 	snop  }
0x3b: {  	_ = 	snop  }
0x3c: {  	p2 =	seq.s32 s10, $0x1;
	s10 =	sld [smem:$0x3FB5]  }
0x3d: {  	_ =	shalt  }
0x3e: {  	_ =	shalt  }
0x3f: {  	_ =	shalt  }
0x40: {  	_ =	shalt  }
0x41: {  	_ =	shalt  }
0x42: {  	_ =	shalt  }
0x43: {  	_ =	shalt  }
0x44: {  	_ =	shalt  }
0x45: {  	_ =	shalt  }
0x46: {  	_ =	shalt  }
0x47: {  	_ =	shalt  }
0x48: {  	_ =	shalt  }
0x49: {  	_ =	shalt  }
0x4a: {  	_ =	shalt  }
0x4b: {  	_ =	shalt  }
0x4c: {  	_ =	shalt  }
0x4d: {  	_ =	shalt  }
0x4e: {  	_ =	shalt  }
0x4f: {  	_ =	shalt  }
0x50: {  	_ =	shalt  }
0x51: {  	_ =	shalt  }
0x52: {  	_ =	shalt  }
0x53: {  	_ =	shalt  }
0x54: {  	_ =	shalt  }
0x55: {  	_ =	shalt  }
0x56: {  	_ =	shalt  }
0x57: {  	_ =	shalt  }
0x58: {  	_ =	shalt  }
0x59: {  	_ =	shalt  }
0x5a: {  	_ =	shalt  }
0x5b: {  	_ =	shalt  }
0x5c: {  	_ =	shalt  }
0x5d: {  	_ =	shalt  }
0x5e: {  	_ =	shalt  }
0x5f: {  	_ =	shalt  }
0x60: {  	_ =	shalt  }
0x61: {  	_ =	shalt  }
0x62: {  	_ =	shalt  }
0x63: {  	_ =	shalt  }
0x64: {  	_ =	shalt  }
0x65: {  	_ =	shalt  }
0x66: {  	_ =	shalt  }
0x67: {  	_ =	shalt  }
0x68: {  	_ =	shalt  }
0x69: {  	_ =	shalt  }
0x6a: {  	_ =	shalt  }
0x6b: {  	_ =	shalt  }
0x6c: {  	_ =	shalt  }
0x6d: {  	_ =	shalt  }
0x6e: {  	_ =	shalt  }
0x6f: {  	_ =	shalt  }
0x70: {  	_ =	shalt  }
0x71: {  	_ =	shalt  }
0x72: {  	_ =	shalt  }
0x73: {  	_ =	shalt  }
0x74: {  	_ =	shalt  }
0x75: {  	_ =	shalt  }
0x76: {  	_ =	shalt  }
0x77: {  	_ =	shalt  }
0x78: {  	_ =	shalt  }
0x79: {  	_ =	shalt  }
0x7a: {  	_ =	shalt  }
0x7b: {  	_ =	shalt  }
0x7c: {  	_ =	shalt  }
0x7d: {  	_ =	shalt  }
0x7e: {  	_ =	shalt  }
0x7f: {  	_ =	shalt  }
0x80: {  	_ =	shalt  }
0x81: {  	_ =	shalt  }
0x82: {  	_ =	shalt  }
0x83: {  	_ =	shalt  }
0x84: {  	_ =	shalt  }
0x85: {  	_ =	shalt  }
0x86: {  	_ =	shalt  }
0x87: {  	_ =	shalt  }
.Lfunc_end0:
.L_simem_size_0:
called_computation_lowered:
.L_overlay_start_0:
0x88: {  	s2 =	sld [smem:$0x3FD9]  }
0x89: {  	s3 =	sld [smem:$0x3FFE];
	_ =	sdelay $0x1  }
0x8a: {  	s1 =	srdreg.scid  }
0x8b: {  	s0 =	sand.u32 $0x1, s1  }
0x8c: {  	s14 =	sshll.u32 s0, $0xA;
	s2 =	sadd.s32 s3, s2  }
0x8d: {  	s2 =	sadd.s32 s2, s14  }
0x8e: {  	[smem:$0x3FC1] =	sst s2  }
0x8f: {  	_ = 	snop  }
0x90: {  	s2 =	sld [smem:$0x3FC9]  }
0x91: {  	s15 =	sld [smem:$0x3FD0]  }
0x92: {  	s4 =	sld [smem:$0x3FC8]  }
0x93: {  	s5 =	sld [smem:$0x3FC6]  }
0x94: {  	s7 =	simm.s32 $0xA;
	s8 =	simm.s32 $0x10;
	s6 =	sld [smem:$0x3FC5]  }
0x95: {  	[smem:s8], [sflag:s7] =	dma.local [hbm:s15], $0x1  }
0x96: {  	_ =	swait.eq [sflag:s7], $0x1  }
0x97: {  	s16 =	sld [smem:$0x10];
	[sflag:s7] =	ssyncset.done $0x0  }
0x98: {  	s17 =	sld [smem:$0x11];
	[sflag:s7] =	ssyncadd.s32 $0xFFFFFFFF  }
0x99: {  	s18 =	sld [smem:$0x12];
	(tm) =	ssettm $0x1  }
0x9a: {  	s9 =	sld [smem:$0x3FFB];
	_ =	sdelay $0x3  }
0x9b: {  	_ =	strace s9  }
0x9c: {  	s9 =	sld [smem:$0x3FFC];
	_ =	sdelay $0x3  }
0x9d: {  	_ =	strace s9  }
0x9e: {  	s9 =	sld [smem:$0x3FFD];
	_ =	sdelay $0x3  }
0x9f: {  	_ =	strace s9  }
0xa0: {  	_ =	strace $0x8FFFFFFF  }
0xa1: {  	s19 =	sld [smem:$0x3FDB];
	_ =	sdelay $0x1  }
0xa2: {  	s10 =	simm.s32 $_scs_section_size  }
0xa3: {  	s11 =	simm.s32 $_size__tile_overlayer_lowered;
	s12 =	simm.s32 $_tile_overlayer_lowered  }
0xa4: {  	s22 =	simm.s32 $0x1BFF;
	s21 =	sshll.u32 s12, $0x1;
	s9 =	sadd.s32 s10, s19  }
0xa5: {  	s13 =	simm.s32 $0x0;
	s20 =	sshll.u32 s11, $0x1;
	s11 =	sadd.s32 s21, s9  }
0xa6: {  	[timem:s13], [sflag:s22] =	dma.local [hbm:s11], s20  }
0xa7: {  	_ =	swait.ge [sflag:s22], s20  }
0xa8: {  	s10 =	ssub.s32 $0x0, s20;
	[sflag:s22] =	ssyncset.done $0x0  }
0xa9: {  	[sflag:s22] =	ssyncadd.s32 s10;
	_ =	sdelay $0x1  }
0xaa: {  	s23 =	simm.s32 $0x1B8B  }
0xab: {  	_ =	swait.ge [sflag:s23], $0x1  }
0xac: {  	[sflag:s23] =	ssyncset.done $0x0  }
0xad: {  	s25 =	simm.s32 $0x1B8E;
	s24 =	sld [smem:$0x3FFE];
	[sflag:s23] =	ssyncadd.s32 $0xFFFFFFFF  }
0xae: {  	s26 =	simm.s32 $execute0_lowered;
	[smem:$0x3FD2] =	sst s25  }
0xaf: {  	s11 =	sshll.u32 s26, $0x1;
	_ =	strace $0x80000046;
	[dreg:$0x1] =	wrdreg $0xFFFFFFFF  }
0xb0: {  	s28 =	simm.s32 $_size_execute0_lowered;
	s9 =	sadd.s32 s9, s11;
	[dreg:$0x0] =	wrdreg $0x0  }
0xb1: {  	s11 =	sshll.u32 s28, $0x1;
	[dreg:$0x2] =	wrdreg s9  }
0xb2: {  	[dreg:$0x3] =	wrdreg s11  }
0xb3: {  	[dreg:$0x4] =	wrdreg $0xC0  }
0xb4: {  	_ =	task [dreg:s13], $0x5FFFF  }
0xb5: {  	[dreg:$0x1] =	wrdreg $0xFFFFFFFF  }
0xb6: {  	[dreg:$0x0] =	wrdreg $0x60  }
0xb7: {  	[dreg:$0x2] =	wrdreg s2  }
0xb8: {  	[dreg:$0x3] =	wrdreg s4  }
0xb9: {  	[dreg:$0x4] =	wrdreg s24  }
0xba: {  	[dreg:$0x5] =	wrdreg s5  }
0xbb: {  	[dreg:$0x6] =	wrdreg s6  }
0xbc: {  	[dreg:$0x7] =	wrdreg s16  }
0xbd: {  	[dreg:$0x8] =	wrdreg s17  }
0xbe: {  	[dreg:$0x9] =	wrdreg s18  }
0xbf: {  	[dreg:$0xa] =	wrdreg $0x9  }
0xc0: {  	_ =	task.clear_ibuf [dreg:s13], $0xBFFFF;
	_ =	strace $0x90000046  }
0xc1: {  	s29 =	simm.s32 $0x9;
	_ =	strace $0x80000048  }
0xc2: {  	_ =	swait.ge [sflag:s29], $0x1  }
0xc3: {  	[sflag:s29] =	ssyncadd.s32 $0xFFFFFFFF  }
0xc4: {  	_ =	strace $0x90000048  }
0xc5: {  	_ =	sfence  }
0xc6: {  	s30 =	sld [smem:$0x0];
	_ =	sdelay $0x2  }
0xc7: {  	s31 =	sshll.u32 s1, $0xD;
	s1 =	sshrl.u32 s1, $0x2  }
0xc8: {  	s3 =	sand.u32 $0x4000, s31;
	s1 =	sadd.s32 s1, s30  }
0xc9: {  	s0 =	sor.u32 s3, s0;
	s1 =	sshll.u32 s1, $0x11  }
0xca: {  	s0 =	sor.u32 s1, s0  }
0xcb: {  	s0 =	sadd.s32 $0x8F2B, s0  }
0xcc: {  	[sflag:s0] =	ssyncadd.remote.s32 $0x1  }
0xcd: {  	_ =	sfence.sel $0xFFFF  }
0xce: {  	[dreg:$0x0] =	wrdreg $0xFFFFFFFF;
	(pc) =	sbr.abs _section_cstart, $3  }
0xcf: {  	[dreg:$0x1] =	wrdreg $0xFFFFFFFF  }
0xd0: {  	_ =	task.clear_ibuf [dreg:s13], $0x2FFFF;
	_ =	strace $0x9FFFFFFF  }
0xd1: {  	(tm) =	ssettm $0x7FFFFFFF  }
tec
execute0_lowered:
.L_overlay_start_1:
0x0: {  	(tag) =	ssettag $0x1  }
0x1: {  	s0 =	rddreg [dreg:$0x0]  }
0x2: {  	s1 =	rddreg [dreg:$0x1]  }
0x3: {  	s2 =	rddreg [dreg:$0x2]  }
0x4: {  	s3 =	rddreg [dreg:$0x5]  }
0x5: {  	s5 =	rddreg [dreg:$0x6]  }
0x6: {  	s7 =	rddreg [dreg:$0x7]  }
0x7: {  	s4 =	srdreg.scid;
	s9 =	stileid.u32;
	s17 =	simm.s32 $0x0  }
0x8: {  	s6 =	sand.u32 $0x1, s4;
	s9 =	sshll.u32 s9, $0x4;
	[smem:$0x7FF] =	sst s17  }
0x9: {  	s23 =	sadd.s32 $0x6E00, s2;
	s4 =	sadd.s32 $0xCEE00, s2;
	s8 =	sshll.u32 s6, $0x8  }
0xa: {  	v0 =	vimm.s32 $0xECA86420;
	_ =	strace $0x80000047;
	[dreg:$0xa] =	wrdreg s23;
	s8 =	sor.u32 s9, s8  }
0xb: {  	vm0 =	vcmask $0xB08;
	vm1 =	vcmask $0x1310;
	vm2 =	vcmask $0x1B18;
	[dreg:$0xb] =	wrdreg s4;
	s9 =	sadd.s32 s8, s2;
	s2 =	sadd.s32 $0x800, s2  }
0xc: {  	vm3 =	vcmask $0x300;
	vm4 =	vcmask $0x2320;
	vm5 =	vcmask $0x2B28;
	s0 =	sadd.s32 s0, s8;
	[dreg:$0xc] =	wrdreg s2  }
0xd: {  	v2 =	vlaneseq.u32;
	vm6 =	vcmask $0x3330;
	vm7 =	vcmask $0x3B38;
	s26 =	sadd.s32 s1, s8;
	[dreg:$0xe] =	wrdreg s0  }
0xe: {  	s21 =	simm.s32 $0x1A00;
	vm8 =	vmmov $0xff;
	vm12 =	vcmask $0x704;
	vm10 =	vcmask $0xF0C;
	s28 =	sadd.s32 s3, s8;
	[dreg:$0xf] =	wrdreg s26  }
0xf: {  	vm14 =	vcmask $0x1714;
	v4 =	vimm.f32 $1.000000000e+00;
	vm9 =	vcmask $0x3B00;
	s10 =	ssub.s32 $0x2, s6;
	s29 =	sadd.s32 s5, s8;
	[dreg:$0x10] =	wrdreg s28  }
0x10: {  	vm15 =	vcmask $0x1F1C;
	vm11 =	vcmask $0x2724;
	v4 =	vsel vm9, $0x0, v4;
	s11 =	sshrl.u32 s10, $0x1;
	s30 =	sadd.s32 s7, s8;
	[dreg:$0x11] =	wrdreg s29  }
0x11: {  	vm13 =	vcmask $0x2F2C;
	v1 =	vunpack.c.l.s4.s8 v0;
	[tilespmem:$0x1FFE0] =	vst v4;
	v4 =	vimm.s32 $0x0;
	s24 =	ssub.s32 s10, s11;
	s25 =	sadd.s32 $0xA00, s9;
	[dreg:$0x12] =	wrdreg s30  }
0x12: {  	v0 =	vimm.s32 $0x0;
	v3 =	vmul.u32 $0x2, v2;
	v4 =	vsel vm8, $0xFFFFFFFF, v4;
	s3 =	simm.s32 $0x4;
	s31 =	smax.u32 s24, $0x1;
	[dreg:$0xd] =	wrdreg s25  }
0x13: {  	vm9 =	vmmov vm14;
	vm14 =	vcmask $0x3734;
	v1 =	vunpack.c.0.s8.s32 v1;
	s5 =	simm.s32 $0x6680;
	s1 =	simm.s32 $0x0;
	[tilespmem:$0x1FFF0] =	vst v4;
	[dreg:$0x13] =	wrdreg s31  }
.LBB2_1:
0x14: {  	[dreg:$0x14] =	wrdreg s1  }
0x15: {  	s0 =	rddreg [dreg:$0xd];
	s2 =	simm.s32 $0x80;
	s15 =	simm.s32 $0x1000  }
0x16: {  	[tilespmem:s21], [sflag:$0x4] =	stream.strided.gather [hbm4b:s0+s2], $0x1900, s15, s2, $0x38;
	[tilespmem:$0x13450] =	vst v63  }
0x17: {  	_ =	swait.ge [sflag:s3], $0x1900  }
0x18: {  	[sflag:s3] =	ssyncset.done $0x0  }
0x19: {  	s18 =	simm.s32 $0x3300;
	s16 =	rddreg [dreg:$0xe];
	[sflag:s3] =	ssyncadd.s32 $0xFFFFE700  }
0x1a: {  	[tilespmem:s18], [sflag:$0x4] =	stream.linear.gather [hbm4b:s16+s17], $0x80, $0x38;
	[tilespmem:$0x13450] =	vst v63  }
0x1b: {  	_ =	swait.ge [sflag:s3], $0x80  }
0x1c: {  	[sflag:s3] =	ssyncset.done $0x0  }
0x1d: {  	s20 =	simm.s32 $0x3380;
	s19 =	rddreg [dreg:$0xf];
	[sflag:s3] =	ssyncadd.s32 $0xFFFFFF80  }
0x1e: {  	[tilespmem:s20], [sflag:$0x4] =	stream.linear.gather [hbm4b:s19+s17], $0x80, $0x38;
	[tilespmem:$0x13450] =	vst v63  }
0x1f: {  	_ =	swait.ge [sflag:s3], $0x80  }
0x20: {  	[sflag:s3] =	ssyncset.done $0x0  }
0x21: {  	s22 =	rddreg [dreg:$0xc];
	[sflag:s3] =	ssyncadd.s32 $0xFFFFFF80  }
0x22: {  	[tilespmem:s5], [sflag:$0x4] =	stream.linear.gather [hbm4b:s22+s17], $0x40, $0x38;
	[tilespmem:$0x13450] =	vst v63  }
0x23: {  	_ =	swait.ge [sflag:s3], $0x40  }
0x24: {  	[sflag:s3] =	ssyncset.done $0x0  }
0x25: {  	[sflag:s3] =	ssyncadd.s32 $0xFFFFFFC0  }
0x26: {  	v6 =	vld [tilespmem:$0x3380];
	_ =	sdelay $0x4  }
0x27: {  	(v2sf) =	vpush v6, $0xD;
	_ =	sdelay $0x1  }
0x28: {  	(v2sf) =	vpush v6, $0xC;
	_ =	sdelay $0x1  }
0x29: {  	(v2sf) =	vpush v6, $0xE;
	_ =	sdelay $0x1  }
0x2a: {  	(v2sf) =	vpush v6, $0xF;
	_ =	sdelay $0x1  }
0x2b: {  	(v2sf) =	vpush v6, $0x9;
	_ =	sdelay $0x1  }
0x2c: {  	(v2sf) =	vpush v6, $0x8;
	_ =	sdelay $0x1  }
0x2d: {  	(v2sf) =	vpush v6, $0xA;
	_ =	sdelay $0x1  }
0x2e: {  	(v2sf) =	vpush v6, $0xB  }
0x2f: {  	s23 =	spop (v2sf)  }
0x30: {  	(v2sf) =	vpush v6, $0x0;
	s24 =	smulhi.u32 $0x51EB851F, s23;
	s0 =	sshra.s32 s23, $0x1F  }
0x31: {  	(v2sf) =	vpush v6, $0x1;
	s25 =	spop (v2sf);
	s15 =	smul.u32 $0x51EB851F, s0  }
0x32: {  	s14 =	smulhi.u32 $0x51EB851F, s25;
	s0 =	sshra.s32 s25, $0x1F  }
0x33: {  	s26 =	spop (v2sf);
	s18 =	smul.u32 $0x51EB851F, s0  }
0x34: {  	(v2sf) =	vpush v6, $0x2;
	s16 =	smulhi.u32 $0x51EB851F, s26;
	s0 =	sshra.s32 s26, $0x1F  }
0x35: {  	s28 =	spop (v2sf);
	s20 =	smul.u32 $0x51EB851F, s0  }
0x36: {  	(v2sf) =	vpush v6, $0x3;
	s19 =	smulhi.u32 $0x51EB851F, s28;
	s0 =	sshra.s32 s28, $0x1F  }
0x37: {  	s29 =	spop (v2sf);
	s23 =	smul.u32 $0x51EB851F, s0  }
0x38: {  	(v2sf) =	vpush v6, $0x4;
	s22 =	smulhi.u32 $0x51EB851F, s29;
	s0 =	sshra.s32 s29, $0x1F  }
0x39: {  	s30 =	spop (v2sf);
	s25 =	smul.u32 $0x51EB851F, s0  }
0x3a: {  	v8 =	vld [tilespmem:$0x3390];
	[smem:$0x744] =	sst s24;
	(v2sf) =	vpush v6, $0x5;
	s24 =	smulhi.u32 $0x51EB851F, s30;
	s0 =	sshra.s32 s30, $0x1F  }
0x3b: {  	s1 =	spop (v2sf);
	(v2sf) =	vpush v6, $0x6;
	s26 =	smul.u32 $0x51EB851F, s0  }
0x3c: {  	s28 =	smulhi.u32 $0x51EB851F, s1;
	s0 =	sshra.s32 s1, $0x1F  }
0x3d: {  	s2 =	spop (v2sf);
	s30 =	smul.u32 $0x51EB851F, s0  }
0x3e: {  	(v2sf) =	vpush v6, $0x7;
	s29 =	smulhi.u32 $0x51EB851F, s2;
	s0 =	sshra.s32 s2, $0x1F  }
0x3f: {  	s3 =	spop (v2sf);
	(v2sf) =	vpush v8, $0xD;
	s0 =	smul.u32 $0x51EB851F, s0  }
0x40: {  	s31 =	smulhi.u32 $0x51EB851F, s3;
	s5 =	spop (v2sf)  }
0x41: {  	s6 =	smulhi.u32 $0x51EB851F, s5;
	[smem:$0x745] =	sst s0;
	s0 =	sshra.s32 s3, $0x1F  }
0x42: {  	(v2sf) =	vpush v8, $0xC;
	s8 =	smul.u32 $0x51EB851F, s0;
	s0 =	sshra.s32 s5, $0x1F  }
0x43: {  	s9 =	smul.u32 $0x51EB851F, s0;
	s7 =	spop (v2sf)  }
0x44: {  	s10 =	smulhi.u32 $0x51EB851F, s7;
	s0 =	sshra.s32 s7, $0x1F  }
0x45: {  	(v2sf) =	vpush v8, $0xE;
	s11 =	spop (v2sf);
	s7 =	smul.u32 $0x51EB851F, s0  }
0x46: {  	[smem:$0x746] =	sst s6;
	s12 =	smulhi.u32 $0x51EB851F, s11;
	s0 =	sshra.s32 s11, $0x1F  }
0x47: {  	s13 =	spop (v2sf);
	s3 =	smul.u32 $0x51EB851F, s0  }
0x48: {  	(v2sf) =	vpush v8, $0xF;
	[smem:$0x747] =	sst s10;
	s2 =	smulhi.u32 $0x51EB851F, s13;
	s0 =	sshra.s32 s13, $0x1F  }
0x49: {  	s5 =	spop (v2sf);
	s10 =	smul.u32 $0x51EB851F, s0  }
0x4a: {  	s6 =	smulhi.u32 $0x51EB851F, s5;
	s0 =	sshra.s32 s5, $0x1F;
	s11 =	spop (v2sf)  }
0x4b: {  	(v2sf) =	vpush v8, $0x9;
	[smem:$0x749] =	sst s2;
	s2 =	smul.u32 $0x51EB851F, s0  }
0x4c: {  	[smem:$0x748] =	sst s12;
	s12 =	smulhi.u32 $0x51EB851F, s11  }
0x4d: {  	s0 =	sshra.s32 s11, $0x1F;
	s13 =	spop (v2sf);
	[smem:$0x74A] =	sst s6  }
0x4e: {  	(v2sf) =	vpush v8, $0x8;
	s11 =	smul.u32 $0x51EB851F, s0;
	s6 =	spop (v2sf)  }
0x4f: {  	s5 =	smulhi.u32 $0x51EB851F, s13;
	s1 =	sshra.s32 s6, $0x1F  }
0x50: {  	(v2sf) =	vpush v8, $0xA;
	[smem:$0x74B] =	sst s12;
	s1 =	smul.u32 $0x51EB851F, s1  }
0x51: {  	s0 =	sshra.s32 s13, $0x1F;
	s12 =	smulhi.u32 $0x51EB851F, s6;
	s13 =	spop (v2sf)  }
0x52: {  	(v2sf) =	vpush v8, $0xB;
	s6 =	smulhi.u32 $0x51EB851F, s13;
	[smem:$0x74E] =	sst s1;
	s1 =	sshra.s32 s13, $0x1F  }
0x53: {  	s1 =	smul.u32 $0x51EB851F, s1  }
0x54: {  	(v2sf) =	vpush v8, $0x0;
	[smem:$0x74D] =	sst s12;
	s12 =	spop (v2sf)  }
0x55: {  	[smem:$0x750] =	sst s1;
	s1 =	sshra.s32 s12, $0x1F  }
0x56: {  	[smem:$0x74F] =	sst s6;
	s1 =	smul.u32 $0x51EB851F, s1  }
0x57: {  	(v2sf) =	vpush v8, $0x1;
	s13 =	smulhi.u32 $0x51EB851F, s12;
	s6 =	spop (v2sf)  }
0x58: {  	s12 =	smulhi.u32 $0x51EB851F, s6;
	[smem:$0x752] =	sst s1;
	s1 =	sshra.s32 s6, $0x1F  }
0x59: {  	(v2sf) =	vpush v8, $0x2;
	s1 =	smul.u32 $0x51EB851F, s1  }
0x5a: {  	[smem:$0x751] =	sst s13;
	s13 =	spop (v2sf)  }
0x5b: {  	s6 =	smulhi.u32 $0x51EB851F, s13;
	[smem:$0x754] =	sst s1;
	s1 =	sshra.s32 s13, $0x1F  }
0x5c: {  	(v2sf) =	vpush v8, $0x3;
	[smem:$0x753] =	sst s12;
	s1 =	smul.u32 $0x51EB851F, s1  }
0x5d: {  	s12 =	spop (v2sf);
	[smem:$0x755] =	sst s6  }
0x5e: {  	s13 =	smulhi.u32 $0x51EB851F, s12;
	[smem:$0x756] =	sst s1;
	s1 =	sshra.s32 s12, $0x1F  }
0x5f: {  	s6 =	spop (v2sf);
	s1 =	smul.u32 $0x51EB851F, s1  }
0x60: {  	(v2sf) =	vpush v8, $0x4;
	[smem:$0x757] =	sst s13;
	s12 =	smulhi.u32 $0x51EB851F, s6  }
0x61: {  	s13 =	spop (v2sf);
	[smem:$0x758] =	sst s1;
	s1 =	sshra.s32 s6, $0x1F  }
0x62: {  	[smem:$0x759] =	sst s12;
	s1 =	smul.u32 $0x51EB851F, s1  }
0x63: {  	s12 =	spop (v2sf);
	s6 =	smulhi.u32 $0x51EB851F, s13  }
0x64: {  	(v2sf) =	vpush v8, $0x5;
	[smem:$0x75A] =	sst s1;
	s1 =	sshra.s32 s13, $0x1F;
	s13 =	smulhi.u32 $0x51EB851F, s12  }
0x65: {  	[smem:$0x75B] =	sst s6;
	s1 =	smul.u32 $0x51EB851F, s1  }
0x66: {  	s6 =	spop (v2sf);
	[smem:$0x75D] =	sst s13  }
0x67: {  	s13 =	smulhi.u32 $0x51EB851F, s6;
	[smem:$0x75C] =	sst s1;
	s1 =	sshra.s32 s12, $0x1F  }
0x68: {  	(v2sf) =	vpush v8, $0x6;
	s12 =	smul.u32 $0x51EB851F, s1;
	s1 =	sshra.s32 s6, $0x1F;
	s6 =	spop (v2sf)  }
0x69: {  	[smem:$0x75E] =	sst s13;
	s13 =	smulhi.u32 $0x51EB851F, s6  }
0x6a: {  	[smem:$0x74C] =	sst s5;
	s5 =	smul.u32 $0x51EB851F, s1  }
0x6b: {  	v9 =	vld [tilespmem:$0x33A0];
	[smem:$0x75F] =	sst s13;
	s13 =	spop (v2sf)  }
0x6c: {  	(v2sf) =	vpush v8, $0x7;
	s1 =	sshra.s32 s6, $0x1F;
	s6 =	smulhi.u32 $0x51EB851F, s13;
	s13 =	sshra.s32 s13, $0x1F  }
0x6d: {  	s13 =	smul.u32 $0x51EB851F, s13;
	_ =	sdelay $0x1  }
0x6e: {  	[smem:$0x761] =	sst s13;
	s13 =	spop (v2sf)  }
0x6f: {  	(v2sf) =	vpush v9, $0xD;
	[smem:$0x760] =	sst s6;
	s6 =	smulhi.u32 $0x51EB851F, s13;
	s13 =	sshra.s32 s13, $0x1F  }
0x70: {  	s13 =	smul.u32 $0x51EB851F, s13;
	_ =	sdelay $0x1  }
0x71: {  	[smem:$0x763] =	sst s13;
	s13 =	spop (v2sf)  }
0x72: {  	(v2sf) =	vpush v9, $0xC;
	[smem:$0x762] =	sst s6;
	s6 =	smulhi.u32 $0x51EB851F, s13;
	s13 =	sshra.s32 s13, $0x1F  }
0x73: {  	s13 =	smul.u32 $0x51EB851F, s13;
	_ =	sdelay $0x1  }
0x74: {  	[smem:$0x765] =	sst s13;
	s13 =	spop (v2sf)  }
0x75: {  	(v2sf) =	vpush v9, $0xE;
	[smem:$0x764] =	sst s6;
	s6 =	smulhi.u32 $0x51EB851F, s13;
	s13 =	sshra.s32 s13, $0x1F  }
0x76: {  	s13 =	smul.u32 $0x51EB851F, s13;
	_ =	sdelay $0x1  }
0x77: {  	[smem:$0x767] =	sst s13;
	s13 =	spop (v2sf)  }
0x78: {  	(v2sf) =	vpush v9, $0xF;
	[smem:$0x766] =	sst s6;
	s6 =	smulhi.u32 $0x51EB851F, s13;
	s13 =	sshra.s32 s13, $0x1F  }
0x79: {  	s13 =	smul.u32 $0x51EB851F, s13;
	_ =	sdelay $0x1  }
0x7a: {  	[smem:$0x769] =	sst s13;
	s13 =	spop (v2sf)  }
0x7b: {  	(v2sf) =	vpush v9, $0x9;
	[smem:$0x768] =	sst s6;
	s6 =	smulhi.u32 $0x51EB851F, s13;
	s13 =	sshra.s32 s13, $0x1F  }
0x7c: {  	s13 =	smul.u32 $0x51EB851F, s13;
	_ =	sdelay $0x1  }
0x7d: {  	[smem:$0x76B] =	sst s13;
	s13 =	spop (v2sf)  }
0x7e: {  	(v2sf) =	vpush v9, $0x8;
	[smem:$0x76A] =	sst s6;
	s6 =	smulhi.u32 $0x51EB851F, s13;
	s13 =	sshra.s32 s13, $0x1F  }
0x7f: {  	s13 =	smul.u32 $0x51EB851F, s13;
	_ =	sdelay $0x1  }
0x80: {  	[smem:$0x76D] =	sst s13;
	s13 =	spop (v2sf)  }
0x81: {  	(v2sf) =	vpush v9, $0xA;
	[smem:$0x76C] =	sst s6;
	s6 =	smulhi.u32 $0x51EB851F, s13;
	s13 =	sshra.s32 s13, $0x1F  }
0x82: {  	s13 =	smul.u32 $0x51EB851F, s13;
	_ =	sdelay $0x1  }
0x83: {  	[smem:$0x76F] =	sst s13;
	s13 =	spop (v2sf)  }
0x84: {  	(v2sf) =	vpush v9, $0xB;
	[smem:$0x76E] =	sst s6;
	s6 =	smulhi.u32 $0x51EB851F, s13;
	s13 =	sshra.s32 s13, $0x1F  }
0x85: {  	s13 =	smul.u32 $0x51EB851F, s13;
	_ =	sdelay $0x1  }
0x86: {  	[smem:$0x771] =	sst s13;
	s13 =	spop (v2sf)  }
0x87: {  	(v2sf) =	vpush v9, $0x0;
	[smem:$0x770] =	sst s6;
	s6 =	smulhi.u32 $0x51EB851F, s13;
	s13 =	sshra.s32 s13, $0x1F  }
0x88: {  	s13 =	smul.u32 $0x51EB851F, s13;
	_ =	sdelay $0x1  }
0x89: {  	[smem:$0x773] =	sst s13;
	s13 =	spop (v2sf)  }
0x8a: {  	(v2sf) =	vpush v9, $0x1;
	[smem:$0x772] =	sst s6;
	s6 =	smulhi.u32 $0x51EB851F, s13;
	s13 =	sshra.s32 s13, $0x1F  }
0x8b: {  	s13 =	smul.u32 $0x51EB851F, s13;
	_ =	sdelay $0x1  }
0x8c: {  	[smem:$0x775] =	sst s13;
	s13 =	spop (v2sf)  }
0x8d: {  	(v2sf) =	vpush v9, $0x2;
	[smem:$0x774] =	sst s6;
	s6 =	smulhi.u32 $0x51EB851F, s13;
	s13 =	sshra.s32 s13, $0x1F  }
0x8e: {  	s13 =	smul.u32 $0x51EB851F, s13;
	_ =	sdelay $0x1  }
0x8f: {  	[smem:$0x777] =	sst s13;
	s13 =	spop (v2sf)  }
0x90: {  	(v2sf) =	vpush v9, $0x3;
	[smem:$0x776] =	sst s6;
	s6 =	smulhi.u32 $0x51EB851F, s13;
	s13 =	sshra.s32 s13, $0x1F  }
0x91: {  	s13 =	smul.u32 $0x51EB851F, s13;
	_ =	sdelay $0x1  }
0x92: {  	[smem:$0x779] =	sst s13;
	s13 =	spop (v2sf)  }
0x93: {  	(v2sf) =	vpush v9, $0x4;
	[smem:$0x778] =	sst s6;
	s6 =	smulhi.u32 $0x51EB851F, s13;
	s13 =	sshra.s32 s13, $0x1F  }
0x94: {  	s13 =	smul.u32 $0x51EB851F, s13;
	_ =	sdelay $0x1  }
0x95: {  	[smem:$0x77B] =	sst s13;
	s13 =	spop (v2sf)  }
0x96: {  	(v2sf) =	vpush v9, $0x5;
	[smem:$0x77A] =	sst s6;
	s6 =	smulhi.u32 $0x51EB851F, s13;
	s13 =	sshra.s32 s13, $0x1F  }
0x97: {  	s13 =	smul.u32 $0x51EB851F, s13;
	_ =	sdelay $0x1  }
0x98: {  	[smem:$0x77D] =	sst s13;
	s13 =	spop (v2sf)  }
0x99: {  	(v2sf) =	vpush v9, $0x6;
	[smem:$0x77C] =	sst s6;
	s6 =	smulhi.u32 $0x51EB851F, s13;
	s13 =	sshra.s32 s13, $0x1F  }
0x9a: {  	s13 =	smul.u32 $0x51EB851F, s13;
	_ =	sdelay $0x1  }
0x9b: {  	v10 =	vld [tilespmem:$0x33B0];
	[smem:$0x77F] =	sst s13;
	s13 =	spop (v2sf)  }
0x9c: {  	(v2sf) =	vpush v9, $0x7;
	[smem:$0x77E] =	sst s6;
	s6 =	smulhi.u32 $0x51EB851F, s13;
	s13 =	sshra.s32 s13, $0x1F  }
0x9d: {  	s13 =	smul.u32 $0x51EB851F, s13;
	_ =	sdelay $0x1  }
0x9e: {  	[smem:$0x781] =	sst s13;
	s13 =	spop (v2sf)  }
0x9f: {  	(v2sf) =	vpush v10, $0xD;
	[smem:$0x780] =	sst s6;
	s6 =	smulhi.u32 $0x51EB851F, s13;
	s13 =	sshra.s32 s13, $0x1F  }
0xa0: {  	s14 =	sadd.s32 s18, s14;
	s13 =	smul.u32 $0x51EB851F, s13  }
0xa1: {  	[smem:$0x7A9] =	sst s14  }
0xa2: {  	s18 =	sadd.s32 s20, s16;
	[smem:$0x783] =	sst s13;
	s13 =	spop (v2sf)  }
0xa3: {  	[smem:$0x782] =	sst s6;
	s6 =	smulhi.u32 $0x51EB851F, s13;
	s13 =	sshra.s32 s13, $0x1F  }
0xa4: {  	[smem:$0x7AB] =	sst s18;
	s19 =	sadd.s32 s23, s19;
	s13 =	smul.u32 $0x51EB851F, s13  }
0xa5: {  	[smem:$0x7AD] =	sst s19  }
0xa6: {  	s23 =	sadd.s32 s25, s22;
	(v2sf) =	vpush v10, $0xC;
	[smem:$0x785] =	sst s13;
	s13 =	spop (v2sf)  }
0xa7: {  	[smem:$0x784] =	sst s6;
	s6 =	smulhi.u32 $0x51EB851F, s13;
	s13 =	sshra.s32 s13, $0x1F  }
0xa8: {  	[smem:$0x7AF] =	sst s23;
	s25 =	sadd.s32 s26, s24;
	(v2sf) =	vpush v10, $0xE;
	s13 =	smul.u32 $0x51EB851F, s13  }
0xa9: {  	[smem:$0x7B0] =	sst s25  }
0xaa: {  	s28 =	sadd.s32 s30, s28;
	(v2sf) =	vpush v10, $0xF;
	[smem:$0x787] =	sst s13;
	s13 =	spop (v2sf)  }
0xab: {  	[smem:$0x786] =	sst s6;
	s6 =	smulhi.u32 $0x51EB851F, s13;
	s13 =	sshra.s32 s13, $0x1F  }
0xac: {  	[smem:$0x7B2] =	sst s28;
	s25 =	sadd.s32 s8, s31;
	(v2sf) =	vpush v10, $0x9;
	s13 =	smul.u32 $0x51EB851F, s13  }
0xad: {  	[smem:$0x7AC] =	sst s25;
	(v2sf) =	vpush v10, $0x8  }
0xae: {  	[smem:$0x789] =	sst s13;
	s13 =	spop (v2sf)  }
0xaf: {  	[smem:$0x788] =	sst s6;
	s6 =	smulhi.u32 $0x51EB851F, s13  }
0xb0: {  	s25 =	sld [smem:$0x748]  }
0xb1: {  	[smem:$0x78A] =	sst s6  }
0xb2: {  	(v2sf) =	vpush v10, $0xA;
	s13 =	sshra.s32 s13, $0x1F;
	s6 =	sld [smem:$0x744]  }
0xb3: {  	s30 =	sld [smem:$0x745];
	s3 =	sadd.s32 s3, s25;
	s13 =	smul.u32 $0x51EB851F, s13  }
0xb4: {  	[smem:$0x7B3] =	sst s3  }
0xb5: {  	[smem:$0x78B] =	sst s13;
	s13 =	spop (v2sf);
	s6 =	sadd.s32 s15, s6  }
0xb6: {  	(v2sf) =	vpush v10, $0xB;
	s15 =	smulhi.u32 $0x51EB851F, s13;
	s13 =	sshra.s32 s13, $0x1F;
	[smem:$0x7A8] =	sst s6  }
0xb7: {  	s14 =	smul.u32 $0x51EB851F, s13;
	s13 =	spop (v2sf);
	s6 =	sadd.s32 s30, s29  }
0xb8: {  	(v2sf) =	vpush v10, $0x0;
	s29 =	sld [smem:$0x746];
	s16 =	smulhi.u32 $0x51EB851F, s13;
	s13 =	sshra.s32 s13, $0x1F  }
0xb9: {  	s20 =	spop (v2sf);
	s19 =	smul.u32 $0x51EB851F, s13  }
0xba: {  	[smem:$0x7B5] =	sst s6;
	s18 =	smulhi.u32 $0x51EB851F, s20;
	s13 =	sshra.s32 s20, $0x1F  }
0xbb: {  	s26 =	spop (v2sf);
	s20 =	smul.u32 $0x51EB851F, s13  }
0xbc: {  	s23 =	smulhi.u32 $0x51EB851F, s26;
	s13 =	sshra.s32 s26, $0x1F;
	s24 =	spop (v2sf)  }
0xbd: {  	s6 =	sadd.s32 s9, s29;
	s29 =	sld [smem:$0x74A];
	s22 =	smul.u32 $0x51EB851F, s13  }
0xbe: {  	(v2sf) =	vpush v10, $0x1;
	s26 =	smulhi.u32 $0x51EB851F, s24;
	s28 =	sshra.s32 s24, $0x1F;
	[smem:$0x7AE] =	sst s6  }
0xbf: {  	s9 =	smul.u32 $0x51EB851F, s28;
	s28 =	sld [smem:$0x749]  }
0xc0: {  	[smem:$0x78C] =	sst s22  }
0xc1: {  	s30 =	spop (v2sf);
	[smem:$0x78D] =	sst s26  }
0xc2: {  	(v2sf) =	vpush v10, $0x2;
	s13 =	smulhi.u32 $0x51EB851F, s30;
	s22 =	sld [smem:$0x747]  }
0xc3: {  	s24 =	sshra.s32 s30, $0x1F;
	s2 =	sadd.s32 s2, s29;
	s29 =	sld [smem:$0x74F]  }
0xc4: {  	s8 =	smul.u32 $0x51EB851F, s24;
	[smem:$0x7B6] =	sst s2  }
0xc5: {  	s26 =	spop (v2sf);
	s6 =	sadd.s32 s7, s22;
	s22 =	sld [smem:$0x74C]  }
0xc6: {  	s3 =	sshra.s32 s26, $0x1F;
	s7 =	smulhi.u32 $0x51EB851F, s26;
	s26 =	sld [smem:$0x74D]  }
0xc7: {  	s30 =	spop (v2sf);
	[smem:$0x7B1] =	sst s6  }
0xc8: {  	s2 =	sshra.s32 s30, $0x1F;
	s6 =	sadd.s32 s10, s28;
	s10 =	sld [smem:$0x74B]  }
0xc9: {  	s24 =	smul.u32 $0x51EB851F, s2;
	s28 =	sld [smem:$0x74E]  }
0xca: {  	s0 =	smul.u32 $0x51EB851F, s0;
	[smem:$0x7B4] =	sst s6  }
0xcb: {  	[smem:$0x78E] =	sst s24  }
0xcc: {  	s6 =	smul.u32 $0x51EB851F, s3;
	s0 =	sadd.s32 s0, s22;
	s24 =	sld [smem:$0x751]  }
0xcd: {  	s25 =	spop (v2sf);
	[smem:$0x7AA] =	sst s0  }
0xce: {  	s3 =	sadd.s32 s11, s10;
	s10 =	smulhi.u32 $0x51EB851F, s30;
	s30 =	sld [smem:$0x750]  }
0xcf: {  	v7 =	vld [tilespmem:$0x33C0];
	(v2sf) =	vpush v10, $0x3;
	s11 =	smulhi.u32 $0x51EB851F, s25;
	s0 =	sshra.s32 s25, $0x1F;
	s25 =	sld [smem:$0x752]  }
0xd0: {  	(v2sf) =	vpush v10, $0x4;
	s2 =	sadd.s32 s28, s26;
	[smem:$0x7B7] =	sst s3;
	s0 =	smul.u32 $0x51EB851F, s0  }
0xd1: {  	(v2sf) =	vpush v10, $0x5;
	[smem:$0x7B8] =	sst s2;
	s22 =	spop (v2sf)  }
0xd2: {  	(v2sf) =	vpush v10, $0x6;
	s2 =	sadd.s32 s30, s29;
	[smem:$0x78F] =	sst s0;
	s26 =	smulhi.u32 $0x51EB851F, s22  }
0xd3: {  	(v2sf) =	vpush v10, $0x7;
	s0 =	sshra.s32 s22, $0x1F;
	[smem:$0x7B9] =	sst s2;
	s2 =	sadd.s32 s25, s24  }
0xd4: {  	(v2sf) =	vpush v7, $0xD;
	s0 =	smul.u32 $0x51EB851F, s0;
	[smem:$0x7BA] =	sst s2  }
0xd5: {  	(v2sf) =	vpush v7, $0xC;
	[smem:$0x790] =	sst s26  }
0xd6: {  	s14 =	sadd.s32 s14, s15;
	(v2sf) =	vpush v7, $0xE;
	[smem:$0x791] =	sst s0  }
0xd7: {  	s16 =	sadd.s32 s19, s16;
	[smem:$0x7D9] =	sst s14  }
0xd8: {  	s18 =	sadd.s32 s20, s18;
	[smem:$0x7DA] =	sst s16  }
0xd9: {  	s13 =	sadd.s32 s8, s13;
	[smem:$0x7DB] =	sst s18  }
0xda: {  	[smem:$0x7E0] =	sst s13  }
0xdb: {  	s28 =	sld [smem:$0x753]  }
0xdc: {  	s29 =	sld [smem:$0x754]  }
0xdd: {  	s3 =	sld [smem:$0x755]  }
0xde: {  	s22 =	sld [smem:$0x756]  }
0xdf: {  	s25 =	sld [smem:$0x757]  }
0xe0: {  	s26 =	sld [smem:$0x758]  }
0xe1: {  	s14 =	sadd.s32 s6, s7;
	s20 =	sld [smem:$0x78C]  }
0xe2: {  	[smem:$0x7E2] =	sst s14  }
0xe3: {  	s18 =	sld [smem:$0x78E]  }
0xe4: {  	s30 =	spop (v2sf);
	s7 =	sld [smem:$0x790]  }
0xe5: {  	s8 =	sld [smem:$0x791];
	s24 =	smulhi.u32 $0x51EB851F, s30  }
0xe6: {  	s0 =	sshra.s32 s30, $0x1F;
	s30 =	sld [smem:$0x75A]  }
0xe7: {  	[smem:$0x792] =	sst s24  }
0xe8: {  	s2 =	sadd.s32 s29, s28;
	s29 =	sld [smem:$0x759]  }
0xe9: {  	s0 =	smul.u32 $0x51EB851F, s0;
	s24 =	sld [smem:$0x75B]  }
0xea: {  	[smem:$0x7BC] =	sst s2  }
0xeb: {  	s28 =	spop (v2sf);
	s2 =	sadd.s32 s22, s3;
	[smem:$0x793] =	sst s0  }
0xec: {  	s22 =	smulhi.u32 $0x51EB851F, s28;
	s0 =	sshra.s32 s28, $0x1F;
	s28 =	sld [smem:$0x75D]  }
0xed: {  	[smem:$0x7BE] =	sst s2  }
0xee: {  	s2 =	sadd.s32 s26, s25;
	s25 =	sld [smem:$0x75C]  }
0xef: {  	[smem:$0x7C0] =	sst s2  }
0xf0: {  	[smem:$0x794] =	sst s22  }
0xf1: {  	s0 =	smul.u32 $0x51EB851F, s0;
	s2 =	sadd.s32 s30, s29;
	s29 =	sld [smem:$0x75E]  }
0xf2: {  	[smem:$0x7C2] =	sst s2  }
0xf3: {  	[smem:$0x795] =	sst s0  }
0xf4: {  	s26 =	spop (v2sf);
	s2 =	sadd.s32 s25, s24;
	s24 =	sld [smem:$0x760]  }
0xf5: {  	s30 =	spop (v2sf);
	s25 =	sld [smem:$0x761]  }
0xf6: {  	s22 =	smulhi.u32 $0x51EB851F, s30;
	[smem:$0x7C5] =	sst s2  }
0xf7: {  	s2 =	sadd.s32 s12, s28;
	s12 =	sld [smem:$0x75F]  }
0xf8: {  	[smem:$0x796] =	sst s22  }
0xf9: {  	s3 =	smulhi.u32 $0x51EB851F, s26;
	s28 =	sld [smem:$0x762]  }
0xfa: {  	s0 =	sshra.s32 s26, $0x1F;
	s26 =	spop (v2sf);
	[smem:$0x7BD] =	sst s2  }
0xfb: {  	s2 =	sadd.s32 s5, s29;
	s5 =	smul.u32 $0x51EB851F, s0;
	s29 =	sld [smem:$0x763]  }
0xfc: {  	s0 =	sshra.s32 s30, $0x1F;
	s30 =	smulhi.u32 $0x51EB851F, s26;
	[smem:$0x7BF] =	sst s2  }
0xfd: {  	s1 =	smul.u32 $0x51EB851F, s1;
	s2 =	sld [smem:$0x764]  }
0xfe: {  	[smem:$0x798] =	sst s30  }
0xff: {  	s0 =	smul.u32 $0x51EB851F, s0;
	s1 =	sadd.s32 s1, s12;
	s12 =	sld [smem:$0x765]  }
0x100: {  	[smem:$0x7C1] =	sst s1  }
0x101: {  	[smem:$0x797] =	sst s0  }
0x102: {  	s1 =	sadd.s32 s25, s24;
	s24 =	sld [smem:$0x766]  }
0x103: {  	s25 =	sld [smem:$0x767]  }
0x104: {  	[smem:$0x7C3] =	sst s1  }
0x105: {  	s22 =	spop (v2sf);
	s1 =	sadd.s32 s29, s28;
	s28 =	sld [smem:$0x768]  }
0x106: {  	s0 =	sshra.s32 s26, $0x1F;
	s26 =	smulhi.u32 $0x51EB851F, s22;
	s29 =	sld [smem:$0x769]  }
0x107: {  	[smem:$0x7C4] =	sst s1  }
0x108: {  	[smem:$0x79A] =	sst s26  }
0x109: {  	s1 =	sadd.s32 s12, s2;
	s2 =	sld [smem:$0x76A]  }
0x10a: {  	s0 =	smul.u32 $0x51EB851F, s0;
	s12 =	sld [smem:$0x76B]  }
0x10b: {  	[smem:$0x7C6] =	sst s1  }
0x10c: {  	[smem:$0x799] =	sst s0  }
0x10d: {  	s1 =	sadd.s32 s25, s24;
	s24 =	sld [smem:$0x76C]  }
0x10e: {  	s25 =	sld [smem:$0x76D]  }
0x10f: {  	[smem:$0x7C7] =	sst s1  }
0x110: {  	s30 =	spop (v2sf);
	s1 =	sadd.s32 s29, s28;
	s28 =	sld [smem:$0x76E]  }
0x111: {  	s0 =	sshra.s32 s22, $0x1F;
	s22 =	smulhi.u32 $0x51EB851F, s30;
	s29 =	sld [smem:$0x76F]  }
0x112: {  	[smem:$0x7BB] =	sst s1  }
0x113: {  	[smem:$0x79C] =	sst s22  }
0x114: {  	s0 =	smul.u32 $0x51EB851F, s0;
	s1 =	sadd.s32 s12, s2;
	s2 =	sld [smem:$0x770]  }
0x115: {  	s12 =	sld [smem:$0x771]  }
0x116: {  	(v2sf) =	vpush v7, $0xF;
	[smem:$0x79B] =	sst s0  }
0x117: {  	[smem:$0x7C8] =	sst s1  }
0x118: {  	s1 =	sadd.s32 s25, s24;
	s24 =	sld [smem:$0x772]  }
0x119: {  	s25 =	sld [smem:$0x773]  }
0x11a: {  	[smem:$0x7C9] =	sst s1  }
0x11b: {  	s26 =	spop (v2sf);
	s1 =	sadd.s32 s29, s28;
	s28 =	sld [smem:$0x774]  }
0x11c: {  	s0 =	sshra.s32 s30, $0x1F;
	s30 =	smulhi.u32 $0x51EB851F, s26;
	s29 =	sld [smem:$0x775]  }
0x11d: {  	[smem:$0x7CA] =	sst s1  }
0x11e: {  	[smem:$0x79E] =	sst s30  }
0x11f: {  	s0 =	smul.u32 $0x51EB851F, s0;
	s1 =	sadd.s32 s12, s2;
	s2 =	sld [smem:$0x776]  }
0x120: {  	s12 =	sld [smem:$0x777]  }
0x121: {  	(v2sf) =	vpush v7, $0x9;
	[smem:$0x79D] =	sst s0  }
0x122: {  	[smem:$0x7CB] =	sst s1  }
0x123: {  	s1 =	sadd.s32 s25, s24;
	s24 =	sld [smem:$0x778]  }
0x124: {  	s25 =	sld [smem:$0x779]  }
0x125: {  	s22 =	spop (v2sf);
	s0 =	sshra.s32 s26, $0x1F;
	[smem:$0x7CE] =	sst s1  }
0x126: {  	s26 =	smulhi.u32 $0x51EB851F, s22;
	s1 =	sadd.s32 s29, s28;
	s28 =	sld [smem:$0x77A]  }
0x127: {  	s29 =	sld [smem:$0x77B]  }
0x128: {  	(v2sf) =	vpush v7, $0x8;
	[smem:$0x7A0] =	sst s26  }
0x129: {  	(v2sf) =	vpush v7, $0xA;
	[smem:$0x7CF] =	sst s1  }
0x12a: {  	s0 =	smul.u32 $0x51EB851F, s0;
	s1 =	sadd.s32 s12, s2;
	s2 =	sld [smem:$0x77C]  }
0x12b: {  	s12 =	sld [smem:$0x77D]  }
0x12c: {  	(v2sf) =	vpush v7, $0xB;
	[smem:$0x79F] =	sst s0  }
0x12d: {  	[smem:$0x7D2] =	sst s1  }
0x12e: {  	s1 =	sadd.s32 s25, s24;
	s24 =	sld [smem:$0x77E]  }
0x12f: {  	s25 =	sld [smem:$0x77F]  }
0x130: {  	s30 =	spop (v2sf);
	s0 =	sshra.s32 s22, $0x1F;
	[smem:$0x7D5] =	sst s1  }
0x131: {  	s22 =	smulhi.u32 $0x51EB851F, s30;
	s1 =	sadd.s32 s29, s28;
	s28 =	sld [smem:$0x780]  }
0x132: {  	s29 =	sld [smem:$0x781]  }
0x133: {  	[smem:$0x7A2] =	sst s22  }
0x134: {  	(v2sf) =	vpush v7, $0x0;
	[smem:$0x7CD] =	sst s1  }
0x135: {  	s0 =	smul.u32 $0x51EB851F, s0;
	s1 =	sadd.s32 s12, s2;
	s12 =	sld [smem:$0x782]  }
0x136: {  	s2 =	sld [smem:$0x786]  }
0x137: {  	s26 =	spop (v2sf);
	[smem:$0x7A1] =	sst s0  }
0x138: {  	(v2sf) =	vpush v7, $0x1;
	s22 =	spop (v2sf);
	s0 =	sshra.s32 s30, $0x1F;
	[smem:$0x7D0] =	sst s1  }
0x139: {  	s30 =	smulhi.u32 $0x51EB851F, s26;
	s1 =	sadd.s32 s25, s24;
	s25 =	sld [smem:$0x784]  }
0x13a: {  	(v2sf) =	vpush v7, $0x2;
	s0 =	smul.u32 $0x51EB851F, s0;
	[smem:$0x7D1] =	sst s1  }
0x13b: {  	s1 =	sadd.s32 s29, s28;
	[smem:$0x7A4] =	sst s30;
	s30 =	spop (v2sf)  }
0x13c: {  	(v2sf) =	vpush v7, $0x3;
	[smem:$0x7A3] =	sst s0;
	s0 =	sshra.s32 s26, $0x1F;
	s26 =	smulhi.u32 $0x51EB851F, s22  }
0x13d: {  	[smem:$0x7D3] =	sst s1;
	s24 =	smulhi.u32 $0x51EB851F, s30  }
0x13e: {  	s0 =	smul.u32 $0x51EB851F, s0;
	[smem:$0x7A6] =	sst s26  }
0x13f: {  	[smem:$0x7A7] =	sst s24  }
0x140: {  	[smem:$0x7A5] =	sst s0  }
0x141: {  	(v2sf) =	vpush v7, $0x4;
	s0 =	sshra.s32 s22, $0x1F;
	s22 =	sld [smem:$0x783]  }
0x142: {  	(v2sf) =	vpush v7, $0x5;
	s26 =	sld [smem:$0x785]  }
0x143: {  	s28 =	spop (v2sf);
	s24 =	sld [smem:$0x789]  }
0x144: {  	(v2sf) =	vpush v7, $0x6;
	s31 =	smul.u32 $0x51EB851F, s0;
	s1 =	sadd.s32 s22, s12;
	s12 =	sld [smem:$0x787]  }
0x145: {  	s0 =	sshra.s32 s30, $0x1F;
	s30 =	smulhi.u32 $0x51EB851F, s28;
	s22 =	sld [smem:$0x788]  }
0x146: {  	s29 =	smul.u32 $0x51EB851F, s0;
	s0 =	sshra.s32 s28, $0x1F;
	[smem:$0x7D4] =	sst s1  }
0x147: {  	s1 =	sadd.s32 s26, s25;
	s26 =	smul.u32 $0x51EB851F, s0;
	s25 =	spop (v2sf)  }
0x148: {  	[smem:$0x7D6] =	sst s1;
	s28 =	smulhi.u32 $0x51EB851F, s25  }
0x149: {  	s15 =	spop (v2sf);
	s1 =	sadd.s32 s12, s2;
	s2 =	sld [smem:$0x78A]  }
0x14a: {  	s0 =	sshra.s32 s25, $0x1F;
	s12 =	sld [smem:$0x78B];
	s25 =	smulhi.u32 $0x51EB851F, s15  }
0x14b: {  	v11 =	vld [tilespmem:$0x33D0];
	s19 =	spop (v2sf);
	[smem:$0x7D7] =	sst s1  }
0x14c: {  	s1 =	sadd.s32 s24, s22;
	s24 =	smul.u32 $0x51EB851F, s0;
	s0 =	sshra.s32 s15, $0x1F  }
0x14d: {  	[smem:$0x7CC] =	sst s1;
	s22 =	smul.u32 $0x51EB851F, s0  }
0x14e: {  	(v2sf) =	vpush v7, $0x7;
	s0 =	sshra.s32 s19, $0x1F;
	s1 =	sadd.s32 s12, s2;
	s2 =	sld [smem:$0x78D]  }
0x14f: {  	[smem:$0x7D8] =	sst s1;
	s1 =	sadd.s32 s20, s23;
	s23 =	smulhi.u32 $0x51EB851F, s19  }
0x150: {  	(v2sf) =	vpush v11, $0xD;
	s12 =	spop (v2sf);
	s19 =	smul.u32 $0x51EB851F, s0  }
0x151: {  	s0 =	sshra.s32 s12, $0x1F;
	s15 =	spop (v2sf);
	[smem:$0x7DC] =	sst s1  }
0x152: {  	s16 =	smul.u32 $0x51EB851F, s0;
	s1 =	sadd.s32 s9, s2;
	s2 =	sld [smem:$0x78F]  }
0x153: {  	s0 =	sshra.s32 s15, $0x1F;
	s6 =	spop (v2sf);
	s9 =	sld [smem:$0x792]  }
0x154: {  	(v2sf) =	vpush v11, $0xC;
	s14 =	smul.u32 $0x51EB851F, s0;
	[smem:$0x7DE] =	sst s1  }
0x155: {  	s1 =	sadd.s32 s18, s10;
	s18 =	smulhi.u32 $0x51EB851F, s15;
	s10 =	sld [smem:$0x793]  }
0x156: {  	s0 =	sshra.s32 s6, $0x1F;
	s15 =	smulhi.u32 $0x51EB851F, s6;
	s6 =	sld [smem:$0x794]  }
0x157: {  	[smem:$0x7DF] =	sst s1  }
0x158: {  	s1 =	sadd.s32 s2, s11;
	s2 =	sld [smem:$0x796]  }
0x159: {  	[smem:$0x7E1] =	sst s1  }
0x15a: {  	s1 =	sadd.s32 s8, s7;
	s7 =	sld [smem:$0x795]  }
0x15b: {  	s20 =	smulhi.u32 $0x51EB851F, s12;
	s8 =	sadd.s32 s5, s3;
	s3 =	sld [smem:$0x797]  }
0x15c: {  	s13 =	smul.u32 $0x51EB851F, s0;
	s5 =	sld [smem:$0x798]  }
0x15d: {  	(v2sf) =	vpush v11, $0xE;
	s11 =	spop (v2sf);
	[smem:$0x7E3] =	sst s1  }
0x15e: {  	s12 =	smulhi.u32 $0x51EB851F, s11;
	s0 =	sshra.s32 s11, $0x1F;
	[smem:$0x7E6] =	sst s8  }
0x15f: {  	s1 =	sadd.s32 s10, s9;
	s11 =	smul.u32 $0x51EB851F, s0;
	s9 =	spop (v2sf)  }
0x160: {  	[smem:$0x7E4] =	sst s1;
	s10 =	smulhi.u32 $0x51EB851F, s9  }
0x161: {  	s0 =	sshra.s32 s9, $0x1F;
	s1 =	sadd.s32 s7, s6;
	s6 =	sld [smem:$0x799]  }
0x162: {  	s9 =	smul.u32 $0x51EB851F, s0;
	[smem:$0x7E5] =	sst s1  }
0x163: {  	s7 =	spop (v2sf);
	s1 =	sadd.s32 s3, s2;
	s3 =	sld [smem:$0x79A]  }
0x164: {  	s8 =	smulhi.u32 $0x51EB851F, s7;
	s0 =	sshra.s32 s7, $0x1F;
	s7 =	sld [smem:$0x79D]  }
0x165: {  	[smem:$0x7E7] =	sst s1  }
0x166: {  	s1 =	sadd.s32 s6, s5;
	s5 =	sld [smem:$0x79B]  }
0x167: {  	s6 =	sld [smem:$0x79C]  }
0x168: {  	[smem:$0x7DD] =	sst s1  }
0x169: {  	s1 =	sadd.s32 s5, s3;
	s5 =	sld [smem:$0x79E]  }
0x16a: {  	[smem:$0x7E8] =	sst s1  }
0x16b: {  	s26 =	sadd.s32 s26, s30;
	s1 =	sadd.s32 s7, s6;
	s6 =	sld [smem:$0x79F]  }
0x16c: {  	(v2sf) =	vpush v11, $0xF;
	[smem:$0x7F0] =	sst s26;
	s3 =	spop (v2sf)  }
0x16d: {  	s7 =	smul.u32 $0x51EB851F, s0;
	s0 =	sshra.s32 s3, $0x1F;
	[smem:$0x7E9] =	sst s1  }
0x16e: {  	s1 =	sadd.s32 s6, s5;
	s5 =	smulhi.u32 $0x51EB851F, s3;
	s3 =	sld [smem:$0x7A0]  }
0x16f: {  	s6 =	sld [smem:$0x7A1]  }
0x170: {  	(v2sf) =	vpush v11, $0x9;
	s2 =	sld [smem:$0x7A2]  }
0x171: {  	[smem:$0x7EA] =	sst s1  }
0x172: {  	s28 =	sadd.s32 s24, s28;
	s1 =	sadd.s32 s6, s3;
	s6 =	sld [smem:$0x7A3]  }
0x173: {  	(v2sf) =	vpush v11, $0x8;
	[smem:$0x7F1] =	sst s28  }
0x174: {  	[smem:$0x7EB] =	sst s1  }
0x175: {  	(v2sf) =	vpush v11, $0xA;
	s1 =	sadd.s32 s6, s2;
	s6 =	sld [smem:$0x7A5]  }
0x176: {  	[smem:$0x7EC] =	sst s1  }
0x177: {  	s23 =	sadd.s32 s19, s23;
	(v2sf) =	vpush v11, $0xB;
	s1 =	sld [smem:$0x7A4]  }
0x178: {  	[dreg:$0x1f] =	wrdreg s23;
	s15 =	sadd.s32 s13, s15  }
0x179: {  	[dreg:$0x1e] =	wrdreg s15;
	(v2sf) =	vpush v11, $0x0  }
0x17a: {  	s1 =	sadd.s32 s6, s1;
	s6 =	sld [smem:$0x7A6]  }
0x17b: {  	(v2sf) =	vpush v11, $0x1;
	s8 =	sadd.s32 s7, s8;
	s3 =	smul.u32 $0x51EB851F, s0;
	s0 =	spop (v2sf)  }
0x17c: {  	[dreg:$0x1b] =	wrdreg s8;
	s2 =	smulhi.u32 $0x51EB851F, s0  }
0x17d: {  	(v2sf) =	vpush v11, $0x2;
	s0 =	sshra.s32 s0, $0x1F;
	[smem:$0x7ED] =	sst s1;
	s6 =	sadd.s32 s31, s6  }
0x17e: {  	s1 =	smul.u32 $0x51EB851F, s0;
	[smem:$0x7EE] =	sst s6  }
0x17f: {  	s0 =	spop (v2sf);
	s6 =	sld [smem:$0x7A7]  }
0x180: {  	s3 =	sadd.s32 s3, s5;
	s31 =	smulhi.u32 $0x51EB851F, s0;
	s0 =	sshra.s32 s0, $0x1F  }
0x181: {  	[dreg:$0x1d] =	wrdreg s3;
	s1 =	sadd.s32 s1, s2;
	s0 =	smul.u32 $0x51EB851F, s0  }
0x182: {  	(v2sf) =	vpush v11, $0x3;
	[dreg:$0x1c] =	wrdreg s1;
	s6 =	sadd.s32 s29, s6;
	s29 =	spop (v2sf)  }
0x183: {  	[smem:$0x7EF] =	sst s6;
	s26 =	smulhi.u32 $0x51EB851F, s29;
	s29 =	sshra.s32 s29, $0x1F  }
0x184: {  	s30 =	spop (v2sf);
	s24 =	smul.u32 $0x51EB851F, s29  }
0x185: {  	s29 =	sadd.s32 s22, s25;
	s22 =	smulhi.u32 $0x51EB851F, s30;
	s30 =	sshra.s32 s30, $0x1F  }
0x186: {  	s28 =	spop (v2sf);
	s25 =	sadd.s32 s16, s20;
	s19 =	smul.u32 $0x51EB851F, s30  }
0x187: {  	[smem:$0x7F2] =	sst s29;
	s16 =	smulhi.u32 $0x51EB851F, s28;
	s29 =	sshra.s32 s28, $0x1F  }
0x188: {  	s23 =	sadd.s32 s14, s18;
	s30 =	spop (v2sf);
	s14 =	smul.u32 $0x51EB851F, s29  }
0x189: {  	s28 =	sadd.s32 s9, s10;
	s13 =	smulhi.u32 $0x51EB851F, s30;
	s18 =	sshra.s32 s30, $0x1F  }
0x18a: {  	s30 =	sadd.s32 s11, s12;
	s20 =	spop (v2sf);
	s11 =	smul.u32 $0x51EB851F, s18  }
0x18b: {  	s8 =	sadd.s32 s24, s26;
	s26 =	sld [smem:$0x7AC];
	s9 =	smulhi.u32 $0x51EB851F, s20  }
0x18c: {  	s29 =	sshra.s32 s20, $0x1F;
	s12 =	spop (v2sf);
	[dreg:$0x1a] =	wrdreg s8  }
0x18d: {  	s10 =	sadd.s32 s19, s22;
	s22 =	sld [smem:$0x7AB];
	s15 =	smulhi.u32 $0x51EB851F, s12  }
0x18e: {  	s18 =	sshra.s32 s12, $0x1F;
	[dreg:$0x19] =	wrdreg s10;
	s12 =	sadd.s32 s14, s16  }
0x18f: {  	s7 =	smul.u32 $0x51EB851F, s29;
	[dreg:$0x18] =	wrdreg s12  }
0x190: {  	s31 =	sadd.s32 s0, s31;
	s20 =	smul.u32 $0x51EB851F, s18;
	s18 =	sld [smem:$0x7A9]  }
0x191: {  	s5 =	spop (v2sf);
	s29 =	sadd.s32 s11, s13;
	s11 =	sld [smem:$0x7AD]  }
0x192: {  	s6 =	smulhi.u32 $0x51EB851F, s5;
	s13 =	sld [smem:$0x7AE];
	s14 =	sadd.s32 s7, s9  }
0x193: {  	s2 =	sshra.s32 s5, $0x1F;
	s8 =	sshra.s32 s26, $0xE;
	[dreg:$0x17] =	wrdreg s14  }
0x194: {  	s2 =	smul.u32 $0x51EB851F, s2;
	s1 =	sadd.s32 s20, s15;
	s15 =	sld [smem:$0x7A8]  }
0x195: {  	s10 =	sshrl.u32 s26, $0x1F;
	s24 =	sshrl.u32 s22, $0x1F;
	s14 =	sld [smem:$0x7AA]  }
0x196: {  	s7 =	sshra.s32 s22, $0xE;
	[dreg:$0x16] =	wrdreg s1;
	s0 =	sadd.s32 s2, s6  }
0x197: {  	s9 =	sshra.s32 s26, $0x1F;
	s19 =	sshrl.u32 s18, $0x1F;
	[dreg:$0x15] =	wrdreg s0  }
0x198: {  	v5 =	vmov s19;
	s19 =	sld [smem:$0x7AF];
	s16 =	sshrl.u32 s15, $0x1F;
	s20 =	sshra.s32 s14, $0x1F  }
0x199: {  	s12 =	sshrl.u32 s11, $0x1F;
	s0 =	sshra.s32 s15, $0xE;
	v4 =	vmov s20;
	v5 =	vsel vm0, s16, v5;
	s20 =	sld [smem:$0x7B0]  }
0x19a: {  	v12 =	vmov s10;
	s15 =	sshra.s32 s13, $0xE;
	s16 =	sshrl.u32 s13, $0x1F;
	v4 =	vsel vm3, s8, v4;
	v5 =	vsel vm1, s24, v5;
	s24 =	sld [smem:$0x7B1]  }
0x19b: {  	v12 =	vnsel vm3, $0x0, v12;
	s10 =	sshrl.u32 s19, $0x1F;
	s5 =	sshra.s32 s19, $0xE;
	s19 =	sld [smem:$0x7B3];
	v4 =	vsel vm12, s9, v4  }
0x19c: {  	s3 =	sshra.s32 s18, $0xE;
	s18 =	sshra.s32 s13, $0x1F;
	v13 =	vsel vm2, s12, v5;
	v5 =	vsel vm0, s16, v12;
	s16 =	sld [smem:$0x7B2];
	v4 =	vsel vm0, s15, v4  }
0x19d: {  	s22 =	sshrl.u32 s20, $0x1F;
	s1 =	sshra.s32 s20, $0xE;
	v4 =	vsel vm10, s18, v4;
	s26 =	sshra.s32 s24, $0xE  }
0x19e: {  	s13 =	sshrl.u32 s24, $0x1F;
	s15 =	sshra.s32 s24, $0x1F;
	v37 =	vmov s22;
	v4 =	vsel vm1, s26, v4;
	s26 =	sld [smem:$0x7B4]  }
0x19f: {  	s22 =	sshra.s32 s19, $0xE;
	s18 =	sshrl.u32 s16, $0x1F;
	v12 =	vsel vm0, s10, v37;
	v4 =	vsel vm9, s15, v4;
	s15 =	sld [smem:$0x7B5]  }
0x1a0: {  	s20 =	sshrl.u32 s19, $0x1F;
	s24 =	sshra.s32 s19, $0x1F;
	v12 =	vsel vm1, s18, v12;
	s18 =	sld [smem:$0x7B6];
	v4 =	vsel vm2, s22, v4  }
0x1a1: {  	v5 =	vsel vm1, s13, v5;
	s8 =	sshra.s32 s16, $0xE;
	s12 =	sshrl.u32 s26, $0x1F;
	v4 =	vsel vm15, s24, v4;
	s24 =	sld [smem:$0x7B7]  }
0x1a2: {  	v5 =	vsel vm2, s20, v5;
	s20 =	sshra.s32 s26, $0xE;
	s22 =	sshra.s32 s26, $0x1F;
	s16 =	sshrl.u32 s15, $0x1F  }
0x1a3: {  	s19 =	sshrl.u32 s18, $0x1F;
	v4 =	vsel vm4, s20, v4;
	s2 =	sshra.s32 s15, $0xE;
	s13 =	sshra.s32 s18, $0xE  }
0x1a4: {  	v5 =	vsel vm4, s12, v5;
	s15 =	sshra.s32 s18, $0x1F;
	v4 =	vsel vm11, s22, v4;
	s22 =	sld [smem:$0x7B8];
	s26 =	sshrl.u32 s24, $0x1F  }
0x1a5: {  	v5 =	vsel vm5, s19, v5;
	s18 =	sshra.s32 s24, $0xE;
	s19 =	sshra.s32 s24, $0x1F;
	s24 =	sld [smem:$0x7B9]  }
0x1a6: {  	v38 =	vmov s3;
	v4 =	vsel vm5, s13, v4;
	s13 =	sld [smem:$0x7BA]  }
0x1a7: {  	s9 =	sshra.s32 s11, $0xE;
	v15 =	vsel vm2, s16, v12;
	s16 =	sshrl.u32 s14, $0x1F;
	v5 =	vsel vm6, s26, v5;
	v4 =	vsel vm13, s15, v4;
	s15 =	sld [smem:$0x7BB]  }
0x1a8: {  	s20 =	sshra.s32 s14, $0xE;
	v14 =	vsel vm7, s16, v5;
	v5 =	vsel vm0, s0, v38;
	s0 =	sshra.s32 s22, $0xE;
	s16 =	sld [smem:$0x7BC]  }
0x1a9: {  	v4 =	vsel vm6, s18, v4;
	s18 =	sld [smem:$0x7BD];
	v5 =	vsel vm1, s7, v5;
	s7 =	sshrl.u32 s22, $0x1F;
	s26 =	sshrl.u32 s24, $0x1F  }
0x1aa: {  	v39 =	vmov s1;
	s3 =	sshra.s32 s24, $0xE;
	s1 =	sshra.s32 s13, $0xE;
	s24 =	sld [smem:$0x7BF]  }
0x1ab: {  	v4 =	vsel vm14, s19, v4;
	s22 =	sld [smem:$0x7BE];
	v18 =	vsel vm2, s9, v5;
	v5 =	vsel vm0, s5, v39;
	s5 =	sshrl.u32 s13, $0x1F;
	s14 =	sshra.s32 s15, $0x1F  }
0x1ac: {  	v19 =	vsel vm7, s20, v4;
	v5 =	vsel vm1, s8, v5;
	v40 =	vmov s14;
	s19 =	sshra.s32 s18, $0xE;
	s20 =	sshrl.u32 s18, $0x1F;
	s14 =	sld [smem:$0x7C0]  }
0x1ad: {  	s11 =	sshra.s32 s18, $0x1F;
	s18 =	sld [smem:$0x7C1];
	v23 =	vsel vm2, s2, v5;
	v4 =	vsel vm3, s19, v40;
	v5 =	vmov s26;
	s26 =	sshra.s32 s24, $0xE  }
0x1ae: {  	s12 =	sshrl.u32 s24, $0x1F;
	s13 =	sshra.s32 s24, $0x1F;
	s24 =	sld [smem:$0x7C2];
	v4 =	vsel vm12, s11, v4  }
0x1af: {  	v41 =	vmov s20;
	v5 =	vsel vm0, s7, v5;
	v4 =	vsel vm0, s26, v4;
	s26 =	sld [smem:$0x7C3]  }
0x1b0: {  	s8 =	sshrl.u32 s16, $0x1F;
	s2 =	sshra.s32 s16, $0xE;
	v12 =	vnsel vm3, $0x0, v41;
	s16 =	sshrl.u32 s14, $0x1F;
	v5 =	vsel vm1, s5, v5  }
0x1b1: {  	v12 =	vsel vm0, s12, v12;
	s5 =	sshra.s32 s14, $0xE;
	s19 =	sshrl.u32 s18, $0x1F;
	v21 =	vsel vm2, s8, v5;
	s8 =	sshrl.u32 s24, $0x1F  }
0x1b2: {  	v5 =	vsel vm1, s19, v12;
	s7 =	sshra.s32 s24, $0xE;
	s24 =	sld [smem:$0x7C6];
	s14 =	sshrl.u32 s26, $0x1F  }
0x1b3: {  	s9 =	sshrl.u32 s22, $0x1F;
	s20 =	sshra.s32 s18, $0xE;
	v4 =	vsel vm10, s13, v4;
	v5 =	vsel vm2, s14, v5;
	s14 =	sld [smem:$0x7C4]  }
0x1b4: {  	s10 =	sshra.s32 s22, $0xE;
	s22 =	sshra.s32 s18, $0x1F;
	v4 =	vsel vm1, s20, v4;
	s20 =	sld [smem:$0x7C5]  }
0x1b5: {  	s6 =	sld [smem:$0x7C7];
	v4 =	vsel vm9, s22, v4;
	s18 =	sshra.s32 s26, $0xE  }
0x1b6: {  	v42 =	vmov s16;
	s19 =	sshra.s32 s26, $0x1F;
	v4 =	vsel vm2, s18, v4;
	s16 =	sshrl.u32 s14, $0x1F  }
0x1b7: {  	v12 =	vsel vm0, s9, v42;
	s26 =	sshrl.u32 s24, $0x1F;
	s22 =	sshrl.u32 s20, $0x1F;
	v4 =	vsel vm15, s19, v4;
	s18 =	sshra.s32 s14, $0xE;
	v5 =	vsel vm4, s16, v5  }
0x1b8: {  	v12 =	vsel vm1, s8, v12;
	s19 =	sshra.s32 s14, $0x1F;
	s16 =	sshrl.u32 s6, $0x1F;
	v4 =	vsel vm4, s18, v4;
	s18 =	sld [smem:$0x7C9];
	v5 =	vsel vm5, s26, v5  }
0x1b9: {  	v32 =	vsel vm2, s22, v12;
	s22 =	sshra.s32 s24, $0xE;
	v4 =	vsel vm11, s19, v4;
	v5 =	vsel vm6, s16, v5;
	s16 =	sld [smem:$0x7C8]  }
0x1ba: {  	s8 =	sshra.s32 s20, $0xE;
	s20 =	sshrl.u32 s15, $0x1F;
	v4 =	vsel vm5, s22, v4;
	s22 =	sld [smem:$0x7CB]  }
0x1bb: {  	s24 =	sshra.s32 s24, $0x1F;
	s26 =	sshra.s32 s6, $0xE;
	v22 =	vsel vm7, s20, v5;
	s20 =	sld [smem:$0x7CA]  }
0x1bc: {  	v43 =	vmov s5;
	v4 =	vsel vm13, s24, v4;
	s19 =	sshrl.u32 s18, $0x1F;
	s5 =	sshra.s32 s18, $0xE;
	s18 =	sld [smem:$0x7CC]  }
0x1bd: {  	s15 =	sshra.s32 s15, $0xE;
	s6 =	sshra.s32 s6, $0x1F;
	v5 =	vmov s3;
	v4 =	vsel vm6, s26, v4;
	s26 =	sld [smem:$0x7CD]  }
0x1be: {  	v5 =	vsel vm0, s0, v5;
	v44 =	vmov s19;
	s19 =	sld [smem:$0x7D0];
	s13 =	sshrl.u32 s16, $0x1F;
	s0 =	sshra.s32 s16, $0xE  }
0x1bf: {  	v12 =	vsel vm0, s10, v43;
	v5 =	vsel vm1, s1, v5;
	s3 =	sshra.s32 s22, $0xE;
	s16 =	sld [smem:$0x7CF];
	s14 =	sshrl.u32 s20, $0x1F  }
0x1c0: {  	v4 =	vsel vm14, s6, v4;
	v36 =	vsel vm2, s2, v5;
	v5 =	vsel vm1, s7, v12;
	s1 =	sshra.s32 s20, $0xE;
	s2 =	sshrl.u32 s22, $0x1F;
	s24 =	sshra.s32 s18, $0x1F  }
0x1c1: {  	v28 =	vsel vm7, s15, v4;
	s15 =	sld [smem:$0x7CE];
	v38 =	vsel vm2, s8, v5;
	s8 =	sshrl.u32 s26, $0x1F;
	s11 =	sshra.s32 s26, $0xE  }
0x1c2: {  	v12 =	vsel vm0, s13, v44;
	v5 =	vmov s24;
	s9 =	sshra.s32 s26, $0x1F;
	s20 =	sshrl.u32 s19, $0x1F;
	s26 =	sld [smem:$0x7D1]  }
0x1c3: {  	s22 =	sshra.s32 s19, $0xE;
	s24 =	sshra.s32 s19, $0x1F;
	v12 =	vsel vm1, s14, v12;
	s14 =	sld [smem:$0x7D2];
	v5 =	vsel vm3, s11, v5  }
0x1c4: {  	v4 =	vmov s8;
	s10 =	sshra.s32 s16, $0xE;
	v5 =	vsel vm12, s9, v5;
	s9 =	sshrl.u32 s16, $0x1F;
	s16 =	sld [smem:$0x7D3]  }
0x1c5: {  	s7 =	sshrl.u32 s15, $0x1F;
	s8 =	sshra.s32 s15, $0xE;
	v4 =	vnsel vm3, $0x0, v4;
	s15 =	sld [smem:$0x7D4]  }
0x1c6: {  	v4 =	vsel vm0, s20, v4;
	s13 =	sshrl.u32 s26, $0x1F;
	s11 =	sshrl.u32 s14, $0x1F;
	s20 =	sshra.s32 s26, $0xE  }
0x1c7: {  	v5 =	vsel vm0, s22, v5;
	s22 =	sshra.s32 s26, $0x1F;
	s26 =	sld [smem:$0x7D5];
	v4 =	vsel vm1, s13, v4;
	s19 =	sshrl.u32 s16, $0x1F  }
0x1c8: {  	s12 =	sshra.s32 s14, $0xE;
	s14 =	sld [smem:$0x7D6];
	v5 =	vsel vm10, s24, v5;
	s24 =	sshrl.u32 s15, $0x1F;
	v4 =	vsel vm2, s19, v4  }
0x1c9: {  	v45 =	vmov s9;
	v5 =	vsel vm1, s20, v5;
	v4 =	vsel vm4, s24, v4;
	s24 =	sld [smem:$0x7D7]  }
0x1ca: {  	v17 =	vsel vm2, s2, v12;
	v12 =	vsel vm0, s7, v45;
	s20 =	sshra.s32 s16, $0xE;
	v5 =	vsel vm9, s22, v5  }
0x1cb: {  	v46 =	vmov s10;
	v12 =	vsel vm1, s11, v12;
	s2 =	sshrl.u32 s26, $0x1F;
	s19 =	sshrl.u32 s14, $0x1F;
	v5 =	vsel vm2, s20, v5  }
0x1cc: {  	s7 =	sshra.s32 s26, $0xE;
	s22 =	sshra.s32 s16, $0x1F;
	v25 =	vsel vm2, s2, v12;
	v12 =	vsel vm0, s8, v46;
	v4 =	vsel vm5, s19, v4;
	s26 =	sshrl.u32 s24, $0x1F  }
0x1cd: {  	s11 =	sshra.s32 s15, $0xE;
	s16 =	sshrl.u32 s18, $0x1F;
	v5 =	vsel vm15, s22, v5;
	v12 =	vsel vm1, s12, v12;
	s12 =	sld [smem:$0x7DA];
	v4 =	vsel vm6, s26, v4  }
0x1ce: {  	s15 =	sshra.s32 s15, $0x1F;
	s26 =	sld [smem:$0x7D8];
	v20 =	vsel vm7, s16, v4;
	v4 =	vsel vm4, s11, v5  }
0x1cf: {  	s19 =	sshra.s32 s14, $0xE;
	v5 =	vmov s5;
	s5 =	sld [smem:$0x7D9];
	v4 =	vsel vm11, s15, v4  }
0x1d0: {  	s20 =	sshra.s32 s14, $0x1F;
	s11 =	sshra.s32 s18, $0xE;
	s18 =	sld [smem:$0x7DB];
	v4 =	vsel vm5, s19, v4  }
0x1d1: {  	s22 =	sshra.s32 s24, $0xE;
	s24 =	sshra.s32 s24, $0x1F;
	s16 =	sld [smem:$0x7DD];
	v4 =	vsel vm13, s20, v4  }
0x1d2: {  	v5 =	vsel vm0, s0, v5;
	s15 =	sshrl.u32 s12, $0x1F;
	s14 =	sshrl.u32 s26, $0x1F;
	s19 =	sld [smem:$0x7DC];
	v4 =	vsel vm6, s22, v4  }
0x1d3: {  	v5 =	vsel vm1, s1, v5;
	s1 =	sshra.s32 s12, $0xE;
	s6 =	sshrl.u32 s5, $0x1F;
	v4 =	vsel vm14, s24, v4;
	s24 =	sld [smem:$0x7DF]  }
0x1d4: {  	s12 =	sshrl.u32 s18, $0x1F;
	v30 =	vsel vm2, s3, v5;
	s0 =	sshra.s32 s18, $0xE;
	s18 =	sld [smem:$0x7E1];
	v5 =	vmov s6  }
0x1d5: {  	s2 =	sshra.s32 s26, $0xE;
	s20 =	sshra.s32 s16, $0x1F;
	s22 =	sld [smem:$0x7DE];
	v31 =	vsel vm7, s11, v4;
	v4 =	vsel vm0, s14, v5  }
0x1d6: {  	v47 =	vmov s20;
	s3 =	sshrl.u32 s19, $0x1F;
	v4 =	vsel vm1, s15, v4;
	s15 =	sld [smem:$0x7E0];
	s26 =	sshra.s32 s24, $0xE  }
0x1d7: {  	(v2sf) =	vpush v11, $0x4;
	v33 =	vsel vm2, s7, v12;
	s14 =	sshrl.u32 s24, $0x1F;
	s13 =	sshra.s32 s24, $0x1F;
	s24 =	sld [smem:$0x7E2];
	v5 =	vsel vm3, s26, v47  }
0x1d8: {  	s7 =	sshra.s32 s19, $0xE;
	s19 =	sshra.s32 s18, $0xE;
	v16 =	vsel vm2, s12, v4;
	s12 =	sld [smem:$0x7E5];
	v48 =	vmov s14;
	v5 =	vsel vm12, s13, v5  }
0x1d9: {  	s20 =	sshrl.u32 s18, $0x1F;
	s8 =	sshrl.u32 s22, $0x1F;
	s26 =	sld [smem:$0x7E3];
	v4 =	vsel vm0, s19, v5;
	v5 =	vnsel vm3, $0x0, v48  }
0x1da: {  	s10 =	sshra.s32 s22, $0xE;
	s22 =	sshra.s32 s18, $0x1F;
	v49 =	vmov s8;
	v5 =	vsel vm0, s20, v5;
	s20 =	sld [smem:$0x7E4]  }
0x1db: {  	v12 =	vsel vm0, s3, v49;
	s9 =	sshrl.u32 s15, $0x1F;
	s11 =	sshra.s32 s15, $0xE;
	s14 =	sshrl.u32 s24, $0x1F  }
0x1dc: {  	s8 =	sshra.s32 s24, $0xE;
	v12 =	vsel vm1, s9, v12;
	s9 =	sld [smem:$0x7ED];
	s15 =	sshrl.u32 s26, $0x1F  }
0x1dd: {  	v4 =	vsel vm10, s22, v4;
	s18 =	sshra.s32 s26, $0xE;
	s19 =	sshra.s32 s26, $0x1F;
	s22 =	sshrl.u32 s20, $0x1F  }
0x1de: {  	v4 =	vsel vm1, s18, v4;
	s24 =	sshra.s32 s20, $0xE;
	s26 =	sshra.s32 s20, $0x1F;
	s20 =	sld [smem:$0x7E6]  }
0x1df: {  	s5 =	sshra.s32 s5, $0xE;
	s6 =	sld [smem:$0x7EC];
	v51 =	vmov s10;
	v27 =	vsel vm2, s14, v12;
	v4 =	vsel vm9, s19, v4  }
0x1e0: {  	v12 =	vsel vm0, s7, v51;
	v5 =	vsel vm1, s15, v5;
	s15 =	sshrl.u32 s12, $0x1F;
	s18 =	sshra.s32 s12, $0xE;
	v4 =	vsel vm2, s24, v4;
	s24 =	sld [smem:$0x7E7]  }
0x1e1: {  	v12 =	vsel vm1, s11, v12;
	s19 =	sshra.s32 s12, $0x1F;
	s11 =	sshrl.u32 s9, $0x1F;
	v5 =	vsel vm2, s22, v5;
	v4 =	vsel vm15, s26, v4;
	s22 =	sshrl.u32 s20, $0x1F  }
0x1e2: {  	v5 =	vsel vm4, s15, v5;
	s15 =	sshra.s32 s20, $0xE;
	s13 =	sshra.s32 s20, $0x1F;
	v4 =	vsel vm4, s18, v4;
	s20 =	sld [smem:$0x7E9]  }
0x1e3: {  	s9 =	sshra.s32 s9, $0xE;
	s26 =	sshrl.u32 s24, $0x1F;
	v4 =	vsel vm11, s19, v4;
	s19 =	sld [smem:$0x7E8]  }
0x1e4: {  	v5 =	vsel vm5, s22, v5;
	s14 =	sshra.s32 s24, $0xE;
	s12 =	sshra.s32 s24, $0x1F;
	s24 =	sld [smem:$0x7EA]  }
0x1e5: {  	s18 =	sshrl.u32 s16, $0x1F;
	s16 =	sshra.s32 s16, $0xE;
	v5 =	vsel vm6, s26, v5;
	v4 =	vsel vm5, s15, v4;
	s26 =	sld [smem:$0x7EB]  }
0x1e6: {  	v50 =	vmov s5;
	s22 =	sshrl.u32 s20, $0x1F;
	s10 =	sshra.s32 s20, $0xE;
	v4 =	vsel vm13, s13, v4;
	s20 =	sld [smem:$0x7EF]  }
0x1e7: {  	v26 =	vsel vm7, s18, v5;
	v5 =	vsel vm0, s2, v50;
	s2 =	spop (v2sf);
	s18 =	sshrl.u32 s19, $0x1F;
	s3 =	sshra.s32 s19, $0xE;
	v4 =	vsel vm6, s14, v4  }
0x1e8: {  	s15 =	sshrl.u32 s24, $0x1F;
	s5 =	sshra.s32 s24, $0xE;
	s14 =	sld [smem:$0x7EE];
	v4 =	vsel vm14, s12, v4  }
0x1e9: {  	v5 =	vsel vm1, s1, v5;
	s19 =	sshrl.u32 s6, $0x1F;
	s1 =	sshra.s32 s6, $0xE;
	v37 =	vsel vm7, s16, v4;
	v4 =	vmov s22;
	s22 =	sld [smem:$0x7F0]  }
0x1ea: {  	v53 =	vmov s11;
	s6 =	sshra.s32 s30, $0x1F;
	s13 =	sshrl.u32 s26, $0x1F;
	s12 =	sshrl.u32 s20, $0x1F  }
0x1eb: {  	v40 =	vsel vm2, s0, v5;
	v29 =	vsel vm0, s19, v53;
	s24 =	sshra.s32 s20, $0xE;
	s20 =	sld [smem:$0x7F1];
	s0 =	sshrl.u32 s14, $0x1F  }
0x1ec: {  	(v2sf) =	vpush v11, $0x5;
	s7 =	sshra.s32 s26, $0xE;
	v29 =	vsel vm1, s0, v29;
	s0 =	rddreg [dreg:$0x17];
	s26 =	sshrl.u32 s22, $0x1F  }
0x1ed: {  	v41 =	vsel vm2, s8, v12;
	s19 =	smulhi.u32 $0x51EB851F, s2;
	s8 =	sshra.s32 s14, $0xE;
	v5 =	vmov s26;
	s26 =	sld [smem:$0x7F2]  }
0x1ee: {  	(v2sf) =	vpush v11, $0x6;
	v4 =	vsel vm0, s18, v4;
	s18 =	sshra.s32 s22, $0xE;
	s16 =	sshra.s32 s22, $0x1F;
	s22 =	sshrl.u32 s20, $0x1F  }
0x1ef: {  	v52 =	vmov s6;
	v4 =	vsel vm1, s15, v4;
	s14 =	sshra.s32 s20, $0xE;
	s15 =	sshra.s32 s20, $0x1F;
	s20 =	sshra.s32 s23, $0x1F;
	v5 =	vnsel vm3, $0x0, v5  }
0x1f0: {  	v24 =	vsel vm2, s13, v4;
	v12 =	vsel vm3, s18, v52;
	s18 =	sshra.s32 s25, $0x1F;
	v4 =	vsel vm0, s22, v5;
	s22 =	rddreg [dreg:$0x1f];
	s6 =	sshrl.u32 s26, $0x1F  }
0x1f1: {  	v5 =	vsel vm12, s16, v12;
	s13 =	sshra.s32 s26, $0xE;
	s16 =	sshra.s32 s26, $0x1F;
	s26 =	sshrl.u32 s22, $0x1F  }
0x1f2: {  	(v2sf) =	vpush v11, $0x7;
	v5 =	vsel vm0, s14, v5;
	s11 =	sshra.s32 s22, $0xE;
	s14 =	sshra.s32 s22, $0x1F;
	s22 =	sshrl.u32 s23, $0x1F;
	v4 =	vsel vm1, s6, v4  }
0x1f3: {  	s6 =	sshrl.u32 s25, $0x1F;
	v5 =	vsel vm10, s15, v5;
	s15 =	sshra.s32 s25, $0xE;
	s25 =	rddreg [dreg:$0x1e];
	v4 =	vsel vm2, s26, v4  }
0x1f4: {  	v5 =	vsel vm1, s13, v5;
	s13 =	sshra.s32 s23, $0xE;
	s26 =	sshrl.u32 s25, $0x1F;
	s23 =	rddreg [dreg:$0x1c];
	v4 =	vsel vm4, s6, v4  }
0x1f5: {  	v5 =	vsel vm9, s16, v5;
	s16 =	sshra.s32 s25, $0xE;
	s6 =	sshra.s32 s25, $0x1F;
	s25 =	rddreg [dreg:$0x1d];
	v4 =	vsel vm5, s22, v4  }
0x1f6: {  	v34 =	vsel vm2, s12, v29;
	v5 =	vsel vm2, s11, v5;
	s11 =	sshra.s32 s30, $0xE;
	s12 =	sshrl.u32 s25, $0x1F;
	v4 =	vsel vm6, s26, v4;
	s26 =	sshra.s32 s2, $0x1F  }
0x1f7: {  	v54 =	vmov s10;
	s2 =	sshrl.u32 s30, $0x1F;
	s10 =	smul.u32 $0x51EB851F, s26;
	s26 =	rddreg [dreg:$0x1b]  }
0x1f8: {  	s22 =	sshrl.u32 s23, $0x1F;
	v5 =	vsel vm15, s14, v5;
	s14 =	sshrl.u32 s28, $0x1F;
	v35 =	vsel vm7, s2, v4;
	v4 =	vsel vm0, s3, v54;
	s3 =	rddreg [dreg:$0x1a]  }
0x1f9: {  	v12 =	vld [tilespmem:$0x33E0];
	s30 =	smov.u32 s31;
	s31 =	sshrl.u32 s31, $0x1F;
	v5 =	vsel vm4, s15, v5;
	s2 =	rddreg [dreg:$0x19]  }
0x1fa: {  	v13 =	vcombine.low v15, v13;
	v4 =	vsel vm1, s5, v4;
	s5 =	sshrl.u32 s26, $0x1F;
	v5 =	vsel vm11, s18, v5;
	s18 =	sshrl.u32 s2, $0x1F;
	s2 =	sshra.s32 s2, $0xE  }
0x1fb: {  	v14 =	vperm.xlane v14, v3;
	v19 =	vperm.xlane v19, v3;
	s19 =	sadd.s32 s10, s19;
	s10 =	spop (v2sf);
	[smem:$0x7F3] =	sst s18  }
0x1fc: {  	v58 =	vcombine.low v32, v21;
	v29 =	vsel vm2, s7, v4;
	v5 =	vsel vm5, s13, v5;
	s18 =	sshrl.u32 s29, $0x1F;
	[smem:$0x7F7] =	sst s2;
	s15 =	smulhi.u32 $0x51EB851F, s10  }
0x1fd: {  	v4 =	vmov s9;
	v56 =	vmov s5;
	s7 =	sshra.s32 s10, $0x1F;
	s10 =	sshrl.u32 s3, $0x1F;
	v5 =	vsel vm13, s20, v5;
	s20 =	spop (v2sf)  }
0x1fe: {  	(v2sf) =	vpush v12, $0xD;
	v4 =	vsel vm0, s1, v4;
	v15 =	vsel vm0, s14, v56;
	s14 =	sshrl.u32 s0, $0x1F;
	s3 =	sshra.s32 s3, $0xE;
	s7 =	smul.u32 $0x51EB851F, s7  }
0x1ff: {  	v55 =	vcombine.low v23, v18;
	v59 =	vperm.xlane v58, v1;
	v4 =	vsel vm1, s8, v4;
	s9 =	smulhi.u32 $0x51EB851F, s20;
	s8 =	sshra.s32 s20, $0x1F;
	s20 =	rddreg [dreg:$0x18]  }
0x200: {  	v62 =	vperm.xlane v22, v3;
	(v2sf) =	vpush v12, $0xC;
	[smem:$0x7F5] =	sst s3;
	v39 =	vsel vm2, s24, v4;
	s24 =	sshrl.u32 s20, $0x1F;
	s13 =	smul.u32 $0x51EB851F, s8  }
0x201: {  	v32 =	vperm.xlane v28, v3;
	v60 =	vcombine.low v38, v36;
	v4 =	vsel vm6, s16, v5;
	s16 =	spop (v2sf);
	[smem:$0x7F4] =	sst s24;
	s15 =	sadd.s32 s7, s15  }
0x202: {  	v20 =	vperm.xlane v20, v3;
	v48 =	vcombine.low v25, v17;
	(v2sf) =	vpush v12, $0xE;
	s5 =	smulhi.u32 $0x51EB851F, s16;
	s7 =	sshra.s32 s16, $0x1F;
	s24 =	rddreg [dreg:$0x16]  }
0x203: {  	(v2sf) =	vpush v12, $0xF;
	v5 =	vperm.xlane v13, v1;
	v4 =	vsel vm14, s6, v4;
	s6 =	rddreg [dreg:$0x15];
	s7 =	smul.u32 $0x51EB851F, s7;
	s16 =	sshrl.u32 s24, $0x1F  }
0x204: {  	v13 =	vperm.xlane v55, v1;
	v18 =	vsel vm7, s11, v4;
	v4 =	vsel vm1, s12, v15;
	s8 =	sadd.s32 s13, s9;
	s11 =	sshrl.u32 s6, $0x1F;
	s12 =	sshrl.u32 s19, $0x1F  }
0x205: {  	v51 =	vperm.xlane v48, v1;
	(v2sf) =	vpush v12, $0x9;
	v61 =	vmov s10;
	s1 =	sshrl.u32 s15, $0x1F;
	s13 =	sshra.s32 s28, $0xE;
	s9 =	sshra.s32 s23, $0xE  }
0x206: {  	v57 =	vmov s18;
	v13 =	vsel vm8, v19, v13;
	s23 =	sshra.s32 s20, $0xE;
	v19 =	vsel vm0, s31, v61;
	s31 =	sshra.s32 s0, $0x1F;
	s20 =	sshra.s32 s6, $0xE  }
0x207: {  	v5 =	vsel vm8, v14, v5;
	v15 =	vnsel vm3, $0x0, v57;
	s3 =	sshra.s32 s6, $0x1F;
	s6 =	sshra.s32 s19, $0xE;
	v14 =	vsel vm2, s22, v4;
	s22 =	sshra.s32 s30, $0xE  }
0x208: {  	v63 =	vperm.xlane v60, v1;
	(v2sf) =	vpush v12, $0x8;
	v4 =	vsel vm0, s14, v15;
	[smem:$0x7F8] =	sst s23;
	s14 =	sshra.s32 s29, $0xE;
	s29 =	sshra.s32 s29, $0x1F  }
0x209: {  	v45 =	vsub.s32 $0x0, v6;
	v47 =	vsub.s32 $0x0, v8;
	v20 =	vsel vm8, v20, v51;
	s30 =	sshra.s32 s0, $0xE;
	s23 =	sshra.s32 s24, $0xE;
	s18 =	sadd.s32 s7, s5  }
0x20a: {  	v52 =	vcombine.low v33, v30;
	v30 =	vperm.xlane v26, v3;
	(v2sf) =	vpush v12, $0xA;
	s5 =	sshra.s32 s26, $0xE;
	s26 =	sshrl.u32 s8, $0x1F;
	[smem:$0x7F6] =	sst s22  }
0x20b: {  	v24 =	vcombine.low v34, v24;
	v34 =	vimm.s32 $0x0;
	s7 =	sshra.s32 s25, $0xE;
	v4 =	vsel vm1, s16, v4;
	s25 =	sld [smem:$0x7F3];
	s22 =	sshra.s32 s24, $0x1F  }
0x20c: {  	(v2sf) =	vpush v12, $0xB;
	v5 =	vadd.s32 v5, v13;
	s28 =	sshrl.u32 s18, $0x1F;
	s16 =	sshra.s32 s18, $0x1F;
	v4 =	vsel vm2, s11, v4;
	s18 =	sshra.s32 s18, $0xE  }
0x20d: {  	v13 =	vsel vm8, v62, v59;
	v36 =	vmov s5;
	v4 =	vsel vm4, s12, v4;
	s12 =	sshra.s32 s19, $0x1F;
	[smem:$0x7F9] =	sst s18;
	s2 =	spop (v2sf)  }
0x20e: {  	v38 =	vmov s16;
	v19 =	vsel vm1, s25, v19;
	v4 =	vsel vm5, s1, v4;
	s25 =	sld [smem:$0x7F4];
	s24 =	smulhi.u32 $0x51EB851F, s2;
	s11 =	sshra.s32 s2, $0x1F  }
0x20f: {  	s16 =	sshra.s32 s15, $0xE;
	v43 =	vsel vm0, s13, v36;
	v22 =	vsel vm3, s14, v38;
	v4 =	vsel vm6, s26, v4;
	s1 =	spop (v2sf);
	s26 =	smul.u32 $0x51EB851F, s11  }
0x210: {  	s14 =	sshra.s32 s15, $0x1F;
	(v2sf) =	vpush v12, $0x0;
	v15 =	vsel vm7, s28, v4;
	v4 =	vsel vm8, v32, v63;
	s28 =	smulhi.u32 $0x51EB851F, s1;
	s2 =	sshra.s32 s1, $0x1F  }
0x211: {  	v19 =	vsel vm2, s25, v19;
	s5 =	spop (v2sf);
	v4 =	vadd.s32 v13, v4;
	s11 =	sshra.s32 s8, $0xE;
	v13 =	vsel vm1, s7, v43;
	s25 =	smul.u32 $0x51EB851F, s2  }
0x212: {  	v44 =	vsel vm12, s29, v22;
	(v2sf) =	vpush v12, $0x1;
	s1 =	smulhi.u32 $0x51EB851F, s5;
	s0 =	sshra.s32 s5, $0x1F;
	v17 =	vsel vm2, s9, v13;
	s9 =	sld [smem:$0x7F5]  }
0x213: {  	vm12 =	vmmov vm13;
	vm13 =	vmmov vm11;
	vm11 =	vmmov vm15;
	s10 =	smul.u32 $0x51EB851F, s0;
	s15 =	spop (v2sf);
	s26 =	sadd.s32 s26, s24  }
0x214: {  	vm15 =	vcmask $0xF0C;
	v21 =	vsel vm0, s30, v44;
	(v2sf) =	vpush v12, $0x2;
	s30 =	smulhi.u32 $0x51EB851F, s15;
	s0 =	sshra.s32 s15, $0x1F;
	s19 =	spop (v2sf)  }
0x215: {  	v24 =	vperm.xlane v24, v1;
	v54 =	vperm.xlane v31, v3;
	s8 =	sshra.s32 s8, $0x1F;
	v21 =	vsel vm15, s31, v21;
	[smem:$0x7FA] =	sst s26;
	s18 =	smul.u32 $0x51EB851F, s0  }
0x216: {  	vm14 =	vmmov vm9;
	(v2sf) =	vpush v12, $0x3;
	v21 =	vsel vm1, s23, v21;
	s13 =	sadd.s32 s25, s28;
	s24 =	smulhi.u32 $0x51EB851F, s19;
	s2 =	sshra.s32 s19, $0x1F  }
0x217: {  	v31 =	vperm.xlane v37, v3;
	v42 =	vmul.u32 $0xFFFF3800, v5;
	v50 =	vsel vm14, s22, v21;
	s19 =	sshrl.u32 s26, $0x1F;
	s5 =	spop (v2sf);
	s22 =	sshrl.u32 s13, $0x1F  }
0x218: {  	vm9 =	vlt.s32 v6, $0x1;
	v59 =	vsub.s32 $0x0, v9;
	(v2sf) =	vpush v12, $0x4;
	s10 =	sadd.s32 s10, s1;
	s13 =	sshra.s32 s13, $0xE;
	s23 =	smul.u32 $0x51EB851F, s2  }
0x219: {  	v18 =	vperm.xlane v18, v3;
	vm10 =	vne.s32 v42, v45;
	v13 =	vsel vm2, s20, v50;
	s25 =	smulhi.u32 $0x51EB851F, s5;
	s26 =	sshra.s32 s5, $0x1F;
	s7 =	spop (v2sf)  }
0x21a: {  	v36 =	vsub.s32 $0x0, v10;
	v42 =	vperm.xlane v35, v3;
	v13 =	vsel vm11, s3, v13;
	s20 =	sshrl.u32 s10, $0x1F;
	s2 =	sld [smem:$0x7F6];
	s26 =	smul.u32 $0x51EB851F, s26  }
0x21b: {  	vm10 =	vmand vm9, vm10;
	(v2sf) =	vpush v12, $0x5;
	v13 =	vsel vm4, s6, v13;
	s6 =	sld [smem:$0x7F8];
	s1 =	smulhi.u32 $0x51EB851F, s7;
	s28 =	sshra.s32 s7, $0x1F  }
0x21c: {  	v45 =	vcombine.low v39, v29;
	v49 =	vsel vm10, $0xFFFFFFFF, v0;
	v22 =	vperm.xlane v52, v1;
	s15 =	spop (v2sf);
	s7 =	sadd.s32 s18, s30;
	s28 =	smul.u32 $0x51EB851F, s28  }
0x21d: {  	vm10 =	vlt.s32 v8, $0x1;
	(v2sf) =	vpush v12, $0x6;
	v53 =	vmov s9;
	s30 =	smulhi.u32 $0x51EB851F, s15;
	s29 =	sshra.s32 s15, $0x1F;
	s9 =	sadd.s32 s23, s24  }
0x21e: {  	v51 =	vld [tilespmem:$0x3300];
	v24 =	vsel vm8, v42, v24;
	v5 =	vadd.s32 v49, v5;
	v63 =	vcombine.low v41, v40;
	s15 =	sshrl.u32 s7, $0x1F;
	s29 =	smul.u32 $0x51EB851F, s29;
	s24 =	sshrl.u32 s9, $0x1F  }
0x21f: {  	v56 =	vmul.u32 $0x7FFF3800, v5;
	v13 =	vsel vm13, s12, v13;
	v55 =	vsel vm0, s2, v53;
	s12 =	sadd.s32 s26, s25;
	s2 =	sld [smem:$0x7F7];
	s5 =	spop (v2sf)  }
0x220: {  	v22 =	vsel vm8, v54, v22;
	(v2sf) =	vpush v12, $0x7;
	v13 =	vsel vm5, s16, v13;
	[smem:$0x7FB] =	sst s24;
	s23 =	smulhi.u32 $0x51EB851F, s5;
	s18 =	sshra.s32 s5, $0x1F  }
0x221: {  	v42 =	vld [tilespmem:$0x33B0];
	vm15 =	vcmask $0x3734;
	v15 =	vperm.xlane v15, v3;
	v61 =	vsel vm12, s14, v13;
	s14 =	sadd.s32 s29, s30;
	s0 =	spop (v2sf);
	s24 =	smul.u32 $0x51EB851F, s18  }
0x222: {  	v46 =	vmul.u32 $0xFFFF3800, v4;
	v22 =	vadd.s32 v20, v22;
	v14 =	vcombine.low v19, v14;
	s5 =	sshrl.u32 s12, $0x1F;
	s25 =	smulhi.u32 $0x51EB851F, s0;
	s18 =	sshra.s32 s0, $0x1F  }
0x223: {  	v19 =	vshrl.u32 v51, $0x4;
	v23 =	vadd.s32 v6, v56;
	s3 =	spop (v2sf);
	v38 =	vmov s5;
	s5 =	sshra.s32 s10, $0xE;
	s16 =	smul.u32 $0x51EB851F, s18  }
0x224: {  	v58 =	vmul.u32 $0xFFFF3800, v22;
	vm9 =	vne.s32 v46, v47;
	v23 =	vshll.u32 v23, $0x1;
	s18 =	sadd.s32 s28, s1;
	s28 =	smulhi.u32 $0x51EB851F, s3;
	s26 =	sshra.s32 s3, $0x1F  }
0x225: {  	v6 =	vld [tilespmem:$0x33F0];
	v50 =	vsub.s32 $0x0, v7;
	v14 =	vperm.xlane v14, v1;
	vm9 =	vmand vm10, vm9;
	s31 =	spop (v2sf);
	s3 =	sshrl.u32 s14, $0x1F;
	s26 =	smul.u32 $0x51EB851F, s26  }
0x226: {  	[tilespmem:$0x3400] =	vst v19;
	v19 =	vshrl.u32 v42, $0x4;
	vm10 =	vlt.s32 v9, $0x1;
	v57 =	vsel vm9, $0xFFFFFFFF, v0;
	s1 =	sshrl.u32 s18, $0x1F;
	s29 =	smulhi.u32 $0x51EB851F, s31;
	[smem:$0x7FD] =	sst s3  }
0x227: {  	vm9 =	vne.s32 v58, v59;
	v28 =	vmov s22;
	v21 =	vsel vm1, s2, v55;
	s2 =	sshra.s32 s31, $0x1F;
	s31 =	spop (v2sf);
	s3 =	sld [smem:$0x7F9]  }
0x228: {  	v15 =	vsel vm8, v15, v14;
	v4 =	vadd.s32 v57, v4;
	v25 =	vsel vm0, s19, v28;
	s22 =	sadd.s32 s24, s23;
	[smem:$0x7FC] =	sst s1;
	s30 =	smul.u32 $0x51EB851F, s2  }
0x229: {  	vm9 =	vmand vm10, vm9;
	v60 =	vsel vm2, s6, v21;
	v21 =	vsel vm6, s11, v61;
	s23 =	smulhi.u32 $0x51EB851F, s31;
	s6 =	sshra.s32 s31, $0x1F;
	s11 =	sshrl.u32 s22, $0x1F  }
0x22a: {  	v62 =	vmul.u32 $0x7FFF3800, v4;
	(v2sf) =	vpush v6, $0xD;
	v33 =	vsel vm1, s20, v25;
	s31 =	spop (v2sf);
	s19 =	sadd.s32 s16, s25;
	s24 =	smul.u32 $0x51EB851F, s6  }
0x22b: {  	v13 =	vadd.s32 v5, v23;
	v5 =	vcombine.low v27, v16;
	v21 =	vsel vm15, s8, v21;
	s8 =	smulhi.u32 $0x51EB851F, s31;
	s2 =	sshra.s32 s31, $0x1F;
	s31 =	sshrl.u32 s19, $0x1F  }
0x22c: {  	v23 =	vperm.xlane v63, v1;
	v8 =	vadd.s32 v8, v62;
	(v2sf) =	vpush v6, $0xC;
	s0 =	spop (v2sf);
	s25 =	sadd.s32 s26, s28;
	s6 =	smul.u32 $0x51EB851F, s2  }
0x22d: {  	v5 =	vperm.xlane v5, v1;
	v8 =	vshll.u32 v8, $0x1;
	v40 =	vmov s11;
	s11 =	sld [smem:$0x7FA];
	s1 =	smulhi.u32 $0x51EB851F, s0;
	s20 =	sshra.s32 s0, $0x1F  }
0x22e: {  	v23 =	vsel vm8, v31, v23;
	v8 =	vadd.s32 v4, v8;
	(v2sf) =	vpush v6, $0xE;
	s28 =	sadd.s32 s30, s29;
	s16 =	sshrl.u32 s25, $0x1F;
	s20 =	smul.u32 $0x51EB851F, s20  }
0x22f: {  	v4 =	vsel vm9, $0xFFFFFFFF, v0;
	v5 =	vsel vm8, v30, v5;
	v25 =	vnsel vm3, $0x0, v40;
	s2 =	spop (v2sf);
	s30 =	sadd.s32 s24, s23;
	s0 =	sshrl.u32 s28, $0x1F  }
0x230: {  	v32 =	vsel vm7, s3, v21;
	(v2sf) =	vpush v6, $0xF;
	v25 =	vsel vm0, s31, v25;
	s31 =	sshra.s32 s22, $0x1F;
	s26 =	sshra.s32 s28, $0xE;
	s3 =	smulhi.u32 $0x51EB851F, s2  }
0x231: {  	vm10 =	vlt.s32 v10, $0x1;
	v4 =	vadd.s32 v4, v22;
	v5 =	vadd.s32 v5, v23;
	s29 =	sshra.s32 s2, $0x1F;
	s24 =	sadd.s32 s6, s8;
	s8 =	sshra.s32 s7, $0xE  }
0x232: {  	v37 =	vmul.u32 $0x7FFF3800, v4;
	(v2sf) =	vpush v6, $0x9;
	s7 =	sshra.s32 s14, $0xE;
	s14 =	sld [smem:$0x7FB];
	v44 =	vsel vm1, s16, v25;
	s16 =	sshra.s32 s19, $0xE  }
0x233: {  	v28 =	vsub.s32 $0x0, v11;
	v20 =	vcombine.low v60, v17;
	v23 =	vmul.u32 $0xFFFF3800, v5;
	s19 =	sshra.s32 s19, $0x1F;
	s10 =	sshra.s32 s30, $0xE;
	s6 =	smul.u32 $0x51EB851F, s29  }
0x234: {  	vm12 =	vcmask $0x704;
	v21 =	vsel vm2, s15, v33;
	(v2sf) =	vpush v6, $0x8;
	s15 =	sadd.s32 s20, s1;
	s1 =	sshrl.u32 s30, $0x1F;
	s20 =	sshra.s32 s11, $0xE  }
0x235: {  	v9 =	vadd.s32 v9, v37;
	v56 =	vperm.xlane v20, v1;
	vm9 =	vne.s32 v23, v36;
	s29 =	sshra.s32 s12, $0xE;
	s11 =	sshra.s32 s18, $0xE;
	s18 =	sld [smem:$0x7FC]  }
0x236: {  	v9 =	vshll.u32 v9, $0x1;
	vm9 =	vmand vm10, vm9;
	s12 =	sshra.s32 s22, $0xE;
	(v2sf) =	vpush v6, $0xA;
	s22 =	sld [smem:$0x7FD];
	s23 =	sadd.s32 s6, s3  }
0x237: {  	v9 =	vadd.s32 v4, v9;
	v41 =	vsel vm9, $0xFFFFFFFF, v0;
	s2 =	sshrl.u32 s24, $0x1F;
	s3 =	sshrl.u32 s15, $0x1F;
	v23 =	vsel vm0, s14, v38;
	s6 =	sshrl.u32 s23, $0x1F  }
0x238: {  	(v2sf) =	vpush v6, $0xB;
	s14 =	sshra.s32 s23, $0x1F;
	v43 =	vsel vm1, s18, v23;
	s18 =	sshra.s32 s25, $0xE;
	v23 =	vsel vm2, s0, v44;
	s0 =	sshra.s32 s25, $0x1F  }
0x239: {  	v5 =	vadd.s32 v41, v5;
	s25 =	sshra.s32 s28, $0x1F;
	s28 =	spop (v2sf);
	v22 =	vsel vm2, s22, v43;
	v23 =	vsel vm4, s1, v23;
	s22 =	sshra.s32 s30, $0x1F  }
0x23a: {  	(v2sf) =	vpush v6, $0x0;
	v46 =	vmov s14;
	s30 =	sshra.s32 s24, $0xE;
	s1 =	sshra.s32 s28, $0x1F;
	v23 =	vsel vm5, s2, v23;
	s2 =	smulhi.u32 $0x51EB851F, s28  }
0x23b: {  	vm9 =	vcmask $0xF0C;
	v47 =	vmul.u32 $0x7FFF3800, v5;
	v26 =	vsel vm3, s12, v46;
	s28 =	sshra.s32 s24, $0x1F;
	s1 =	smul.u32 $0x51EB851F, s1;
	s24 =	spop (v2sf)  }
0x23c: {  	(v2sf) =	vpush v6, $0x1;
	s14 =	sshra.s32 s15, $0x1F;
	v23 =	vsel vm6, s3, v23;
	v26 =	vsel vm12, s31, v26;
	s3 =	smulhi.u32 $0x51EB851F, s24;
	s24 =	sshra.s32 s24, $0x1F  }
0x23d: {  	v33 =	vsub.s32 $0x0, v12;
	v25 =	vperm.xlane v45, v1;
	s12 =	sshra.s32 s15, $0xE;
	v26 =	vsel vm0, s16, v26;
	s16 =	smul.u32 $0x51EB851F, s24;
	s24 =	spop (v2sf)  }
0x23e: {  	v39 =	vld [tilespmem:$0x3320];
	v4 =	vadd.s32 v10, v47;
	v10 =	vmov s13;
	(v2sf) =	vpush v6, $0x2;
	s15 =	sshra.s32 s23, $0xE;
	s23 =	smulhi.u32 $0x51EB851F, s24;
	s24 =	sshra.s32 s24, $0x1F  }
0x23f: {  	v41 =	vld [tilespmem:$0x33A0];
	v4 =	vshll.u32 v4, $0x1;
	v18 =	vsel vm8, v18, v25;
	v10 =	vsel vm0, s20, v10;
	s31 =	sadd.s32 s1, s2;
	s1 =	smul.u32 $0x51EB851F, s24;
	s24 =	spop (v2sf)  }
0x240: {  	v47 =	vld [tilespmem:$0x33C0];
	v18 =	vadd.s32 v24, v18;
	v26 =	vsel vm9, s19, v26;
	(v2sf) =	vpush v6, $0x3;
	s13 =	smulhi.u32 $0x51EB851F, s24;
	s24 =	sshra.s32 s24, $0x1F  }
0x241: {  	v37 =	vld [tilespmem:$0x3390];
	v52 =	vsel vm1, s5, v10;
	v48 =	vsel vm1, s18, v26;
	(v2sf) =	vpush v6, $0x4;
	s2 =	sadd.s32 s16, s3;
	s18 =	spop (v2sf);
	s3 =	smul.u32 $0x51EB851F, s24  }
0x242: {  	s9 =	sshra.s32 s9, $0xE;
	v10 =	vadd.s32 v5, v4;
	v4 =	vld [tilespmem:$0x3380];
	v24 =	vsel vm14, s0, v48;
	(v2sf) =	vpush v6, $0x5;
	s0 =	smulhi.u32 $0x51EB851F, s18;
	s16 =	sshra.s32 s18, $0x1F  }
0x243: {  	v57 =	vperm.xlane v32, v3;
	v55 =	vmov s29;
	v5 =	vld [tilespmem:$0x3310];
	s19 =	sshrl.u32 s31, $0x1F;
	(v2sf) =	vpush v6, $0x6;
	s20 =	spop (v2sf);
	s16 =	smul.u32 $0x51EB851F, s16  }
0x244: {  	v51 =	vshrl.u32 v41, $0x4;
	v49 =	vmul.u32 $0xFFFF3800, v18;
	s24 =	sshrl.u32 s2, $0x1F;
	(v2sf) =	vpush v6, $0x7;
	s5 =	smulhi.u32 $0x51EB851F, s20;
	s18 =	sshra.s32 s20, $0x1F  }
0x245: {  	[tilespmem:$0x3520] =	vst v9;
	v53 =	vsel vm2, s8, v52;
	v44 =	vld [tilespmem:$0x3340];
	v9 =	vshrl.u32 v47, $0x4;
	v24 =	vsel vm2, s26, v24;
	s26 =	spop (v2sf);
	s3 =	sadd.s32 s3, s13;
	s13 =	smul.u32 $0x51EB851F, s18  }
0x246: {  	vm10 =	vne.s32 v49, v50;
	v62 =	vcombine.low v22, v21;
	v24 =	vsel vm11, s25, v24;
	s1 =	sadd.s32 s1, s23;
	s25 =	smulhi.u32 $0x51EB851F, s26;
	s18 =	sshra.s32 s26, $0x1F  }
0x247: {  	v22 =	vshrl.u32 v37, $0x4;
	v50 =	vshrl.u32 v39, $0x4;
	v58 =	vshrl.u32 v4, $0x4;
	s8 =	sadd.s32 s16, s0;
	s0 =	smul.u32 $0x51EB851F, s18;
	s18 =	spop (v2sf)  }
0x248: {  	v59 =	vshrl.u32 v5, $0x4;
	v4 =	vsel vm8, v57, v56;
	v23 =	vsel vm7, s6, v23;
	s23 =	sshrl.u32 s1, $0x1F;
	s26 =	smulhi.u32 $0x51EB851F, s18;
	s18 =	sshra.s32 s18, $0x1F  }
0x249: {  	vm9 =	vlt.s32 v7, $0x1;
	v4 =	vadd.s32 v15, v4;
	v24 =	vsel vm4, s10, v24;
	s10 =	sadd.s32 s13, s5;
	s5 =	smul.u32 $0x51EB851F, s18;
	s18 =	spop (v2sf)  }
0x24a: {  	v15 =	vperm.xlane v62, v1;
	v23 =	vperm.xlane v23, v3;
	v16 =	vshrl.u32 v44, $0x4;
	s20 =	sshrl.u32 s3, $0x1F;
	s29 =	smulhi.u32 $0x51EB851F, s18;
	s13 =	sshra.s32 s18, $0x1F  }
0x24b: {  	vm9 =	vmand vm9, vm10;
	v26 =	vsel vm0, s9, v55;
	vm14 =	vmmov vm11;
	s9 =	sadd.s32 s0, s25;
	s0 =	smul.u32 $0x51EB851F, s13;
	s13 =	spop (v2sf)  }
0x24c: {  	v54 =	vsel vm9, $0xFFFFFFFF, v0;
	v5 =	vsel vm1, s11, v26;
	v24 =	vsel vm13, s22, v24;
	s16 =	sshrl.u32 s8, $0x1F;
	s25 =	smulhi.u32 $0x51EB851F, s13;
	s13 =	sshra.s32 s13, $0x1F  }
0x24d: {  	vm11 =	vmmov vm13;
	vm13 =	vcmask $0x2F2C;
	v60 =	vsel vm5, s30, v24;
	s11 =	sadd.s32 s5, s26;
	s30 =	spop (v2sf);
	s5 =	smul.u32 $0x51EB851F, s13  }
0x24e: {  	[tilespmem:$0x34C0] =	vst v9;
	v9 =	vld [tilespmem:$0x33E0];
	v63 =	vmul.u32 $0xFFFF3800, v4;
	v17 =	vadd.s32 v54, v18;
	v18 =	vsel vm13, s28, v60;
	s22 =	sshrl.u32 s10, $0x1F;
	s26 =	smulhi.u32 $0x51EB851F, s30;
	s13 =	sshra.s32 s30, $0x1F  }
0x24f: {  	v55 =	vsub.s32 $0x0, v6;
	v5 =	vsel vm2, s7, v5;
	v18 =	vsel vm6, s12, v18;
	s12 =	sadd.s32 s0, s29;
	s29 =	spop (v2sf);
	s0 =	smul.u32 $0x51EB851F, s13  }
0x250: {  	vm9 =	vlt.s32 v11, $0x1;
	v5 =	vcombine.low v5, v53;
	v18 =	vsel vm15, s14, v18;
	s14 =	smulhi.u32 $0x51EB851F, s29;
	s13 =	sshra.s32 s29, $0x1F;
	s30 =	spop (v2sf)  }
0x251: {  	v15 =	vsel vm8, v23, v15;
	v29 =	vmov s24;
	v18 =	vsel vm7, s15, v18;
	s18 =	sshrl.u32 s9, $0x1F;
	s13 =	smul.u32 $0x51EB851F, s13;
	s24 =	spop (v2sf)  }
0x252: {  	v5 =	vperm.xlane v5, v1;
	v24 =	vsel vm0, s19, v29;
	v18 =	vperm.xlane v18, v3;
	s19 =	smulhi.u32 $0x51EB851F, s30;
	s28 =	sshra.s32 s30, $0x1F;
	s29 =	spop (v2sf)  }
0x253: {  	v9 =	vshrl.u32 v9, $0x4;
	vm10 =	vne.s32 v63, v28;
	v63 =	vmov s17;
	s7 =	sshrl.u32 s11, $0x1F;
	s28 =	smul.u32 $0x51EB851F, s28;
	s6 =	spop (v2sf)  }
0x254: {  	v61 =	vmul.u32 $0x7FFF3800, v17;
	vm9 =	vmand vm9, vm10;
	v5 =	vsel vm8, v18, v5;
	s25 =	sadd.s32 s5, s25;
	s30 =	smulhi.u32 $0x51EB851F, s6;
	s5 =	sshra.s32 s6, $0x1F  }
0x255: {  	vm10 =	vmmov vm5;
	v31 =	vsel vm9, $0xFFFFFFFF, v0;
	v15 =	vadd.s32 v15, v5;
	s15 =	sshrl.u32 s12, $0x1F;
	s0 =	sadd.s32 s0, s26;
	s5 =	smul.u32 $0x51EB851F, s5  }
0x256: {  	v5 =	vsel vm1, s23, v24;
	v32 =	vmul.u32 $0xFFFF3800, v15;
	v30 =	vmov s15;
	s23 =	sshrl.u32 s0, $0x1F;
	s14 =	sadd.s32 s13, s14;
	s13 =	smulhi.u32 $0x51EB851F, s24  }
0x257: {  	v7 =	vadd.s32 v7, v61;
	v35 =	vmov s22;
	v18 =	vnsel vm3, $0x0, v30;
	s24 =	sshra.s32 s24, $0x1F;
	s6 =	sshrl.u32 s25, $0x1F;
	s5 =	sadd.s32 s5, s30  }
0x258: {  	v5 =	vsel vm2, s20, v5;
	vm9 =	vne.s32 v32, v33;
	s24 =	smul.u32 $0x51EB851F, s24;
	s19 =	sadd.s32 s28, s19;
	v18 =	vsel vm0, s6, v18;
	s6 =	sshra.s32 s5, $0x1F  }
0x259: {  	v20 =	vsel vm9, $0xFFFFFFFF, v34;
	vm9 =	vcmask $0xF0C;
	s28 =	sshra.s32 s12, $0xE;
	s15 =	smulhi.u32 $0x51EB851F, s29;
	s30 =	sshra.s32 s29, $0x1F;
	v36 =	vmov s6  }
0x25a: {  	[tilespmem:$0x1FFD0] =	vst v20;
	v20 =	vsel vm0, s16, v35;
	s26 =	sshrl.u32 s14, $0x1F;
	v18 =	vsel vm1, s23, v18;
	s20 =	smul.u32 $0x51EB851F, s30;
	s30 =	sshra.s32 s12, $0x1F;
	v21 =	vsel vm3, s28, v36  }
0x25b: {  	v20 =	vsel vm1, s18, v20;
	s18 =	sshra.s32 s25, $0xE;
	s13 =	sadd.s32 s24, s13;
	v18 =	vsel vm2, s26, v18;
	s29 =	sshrl.u32 s19, $0x1F;
	v21 =	vsel vm12, s30, v21  }
0x25c: {  	s22 =	sshra.s32 s25, $0x1F;
	v20 =	vsel vm2, s7, v20;
	v18 =	vsel vm4, s29, v18;
	s6 =	sshrl.u32 s13, $0x1F;
	s12 =	sadd.s32 s20, s15;
	v21 =	vsel vm0, s18, v21  }
0x25d: {  	v5 =	vcombine.low v20, v5;
	s24 =	sshra.s32 s0, $0xE;
	v18 =	vsel vm5, s6, v18;
	s20 =	sshrl.u32 s12, $0x1F;
	v38 =	vsel vm9, s22, v21  }
0x25e: {  	s0 =	sshra.s32 s0, $0x1F;
	s23 =	sshrl.u32 s5, $0x1F;
	vm5 =	vcmask $0x1714;
	v18 =	vsel vm6, s20, v18;
	v20 =	vsel vm1, s24, v38  }
0x25f: {  	v4 =	vadd.s32 v31, v4;
	s25 =	sshra.s32 s14, $0xE;
	v18 =	vsel vm7, s23, v18;
	v20 =	vsel vm5, s0, v20  }
0x260: {  	v5 =	vperm.xlane v5, v1;
	s26 =	sshra.s32 s14, $0x1F;
	v18 =	vperm.xlane v18, v3;
	v20 =	vsel vm2, s25, v20  }
0x261: {  	v7 =	vshll.u32 v7, $0x1;
	v40 =	vmul.u32 $0x7FFF3800, v4;
	s2 =	sshra.s32 s2, $0xE;
	s29 =	sshra.s32 s19, $0xE;
	v43 =	vsel vm14, s26, v20  }
0x262: {  	v49 =	vld [tilespmem:$0x33D0];
	v17 =	vadd.s32 v17, v7;
	s7 =	sshra.s32 s19, $0x1F;
	s28 =	sshra.s32 s10, $0xE;
	s6 =	sshra.s32 s8, $0xE;
	v5 =	vsel vm8, v18, v5;
	v18 =	vsel vm4, s29, v43  }
0x263: {  	[tilespmem:$0x66C0] =	vst v0;
	v48 =	vld [tilespmem:$0x3350];
	v45 =	vmov s2;
	s8 =	sshra.s32 s9, $0xE;
	s9 =	sshra.s32 s13, $0xE;
	s30 =	sshra.s32 s31, $0xE;
	v46 =	vmov s28;
	v18 =	vsel vm11, s7, v18  }
0x264: {  	[tilespmem:$0x34B0] =	vst v19;
	s1 =	sshra.s32 s1, $0xE;
	s13 =	sshra.s32 s13, $0x1F;
	v23 =	vsel vm0, s6, v46;
	v20 =	vsel vm0, s30, v45;
	v18 =	vsel vm10, s9, v18  }
0x265: {  	[tilespmem:$0x3500] =	vst v13;
	v7 =	vld [tilespmem:$0x3330];
	s11 =	sshra.s32 s11, $0xE;
	s10 =	sshra.s32 s3, $0xE;
	s14 =	sshra.s32 s12, $0xE;
	v23 =	vsel vm1, s8, v23;
	v20 =	vsel vm1, s1, v20;
	v18 =	vsel vm13, s13, v18  }
0x266: {  	[tilespmem:$0x3530] =	vst v10;
	v10 =	vld [tilespmem:$0x1FFD0];
	s15 =	sshra.s32 s12, $0x1F;
	v23 =	vsel vm2, s11, v23;
	v20 =	vsel vm2, s10, v20;
	v18 =	vsel vm6, s14, v18  }
0x267: {  	[tilespmem:$0x3510] =	vst v8;
	v53 =	vshrl.u32 v49, $0x4;
	s16 =	sshra.s32 s5, $0xE;
	v8 =	vcombine.low v23, v20;
	v18 =	vsel vm15, s15, v18  }
0x268: {  	[tilespmem:$0x34A0] =	vst v51;
	v14 =	vshrl.u32 v48, $0x4;
	v11 =	vadd.s32 v11, v40;
	v18 =	vsel vm7, s16, v18  }
0x269: {  	[tilespmem:$0x3490] =	vst v22;
	v11 =	vshll.u32 v11, $0x1;
	v8 =	vperm.xlane v8, v1;
	v52 =	vperm.xlane v18, v3  }
0x26a: {  	[tilespmem:$0x3420] =	vst v50;
	v4 =	vadd.s32 v4, v11;
	v7 =	vshrl.u32 v7, $0x4;
	vm9 =	vlt.s32 v12, $0x1  }
0x26b: {  	[tilespmem:$0x3480] =	vst v58;
	vm5 =	vmmov vm6;
	vm6 =	vnez.u8 v10;
	v8 =	vsel vm8, v52, v8  }
0x26c: {  	[tilespmem:$0x3430] =	vst v7;
	v7 =	vor.u32 s17, v2;
	vm9 =	vmand vm9, vm6;
	v5 =	vadd.s32 v5, v8  }
0x26d: {  	[tilespmem:$0x3410] =	vst v59;
	v11 =	vsel vm9, $0xFFFFFFFF, v0;
	v8 =	vmulhi.u32 $0x51EB851F, v7;
	v54 =	vmul.u32 $0xFFFF3800, v5  }
0x26e: {  	[tilespmem:$0x3440] =	vst v16;
	vm14 =	vmmov vm10;
	vm9 =	vlt.s32 v6, $0x1;
	v11 =	vadd.s32 v11, v15  }
0x26f: {  	[tilespmem:$0x34E0] =	vst v9;
	v10 =	vld [tilespmem:$0x3360];
	v58 =	vmul.u32 $0x7FFF3800, v11;
	v56 =	vshrl.u32 v8, $0x4;
	vm10 =	vne.s32 v54, v55  }
0x270: {  	[tilespmem:$0x34D0] =	vst v53;
	v60 =	vld [tilespmem:$0x3370];
	v59 =	vsub.s32 $0x0, v7;
	v57 =	vmul.u32 $0xFFFFFFCE, v56;
	vm9 =	vmand vm9, vm10  }
0x271: {  	v62 =	vld [tilespmem:$0x33F0];
	[tilespmem:$0x3550] =	vst v4;
	vm8 =	veq.s32 v63, v2;
	v4 =	vadd.s32 v12, v58;
	v61 =	vsel vm9, $0xFFFFFFFF, v0  }
0x272: {  	[tilespmem:$0x3450] =	vst v14;
	v4 =	vshll.u32 v4, $0x1;
	vm10 =	vne.s32 v57, v59;
	v5 =	vadd.s32 v61, v5  }
0x273: {  	[tilespmem:$0x3540] =	vst v17;
	v4 =	vadd.s32 v11, v4;
	vm9 =	vmand vm8, vm10;
	v9 =	vmul.u32 $0x7FFF3800, v5  }
0x274: {  	v10 =	vshrl.u32 v10, $0x4;
	[tilespmem:$0x3560] =	vst v4;
	v4 =	vsel vm9, $0xFFFFFFFF, v0  }
0x275: {  	[tilespmem:$0x3460] =	vst v10;
	v4 =	vadd.s32 v4, v56;
	v6 =	vadd.s32 v6, v9;
	v9 =	vshrl.u32 v60, $0x4  }
0x276: {  	v10 =	vmul.u32 $0x1FFFFCE, v4;
	[tilespmem:$0x3470] =	vst v9;
	v9 =	vshrl.u32 v62, $0x4;
	v6 =	vshll.u32 v6, $0x1  }
0x277: {  	s19 =	simm.s32 $0x3400;
	s28 =	rddreg [dreg:$0xa];
	[tilespmem:$0x34F0] =	vst v9;
	v5 =	vadd.s32 v5, v6  }
0x278: {  	s18 =	rddreg [dreg:$0x3];
	s20 =	simm.s32 $0x3580;
	s22 =	simm.s32 $0x80;
	[tilespmem:$0x3570] =	vst v5;
	v5 =	vadd.s32 v7, v10  }
0x279: {  	v6 =	vand.u32 $0xFFFFFFF8, v4;
	[tilespmem:s20], [sflag:$0x1] =	stream.indirect.gather [hbm4b:s18+s22], $0x10, s19, s22, $0xb8;
	v5 =	vshll.u32 v5, $0x7;
	[tilespmem:$0x13450] =	vst v63  }
0x27a: {  	s23 =	rddreg [dreg:$0x4];
	s24 =	simm.s32 $0x3480;
	s25 =	simm.s32 $0x3D80;
	v4 =	vand.u32 $0x7, v4;
	v5 =	vadd.s32 v6, v5  }
0x27b: {  	[tilespmem:s25], [sflag:$0x1] =	stream.indirect.gather [hbm4b:s23+s22], $0x10, s24, s22, $0xb8;
	v4 =	vor.u32 v4, v5;
	[tilespmem:$0x13450] =	vst v63  }
0x27c: {  	s26 =	simm.s32 $0x80;
	s30 =	simm.s32 $0x4680;
	s29 =	simm.s32 $0x3500  }
0x27d: {  	[tilespmem:s30], [sflag:$0x1] =	stream.indirect.gather [hbm4b:s28+s26], $0x40, s29, s26, $0xb8;
	[tilespmem:$0x13450] =	vst v63  }
0x27e: {  	s5 =	simm.s32 $0x66C0;
	s3 =	simm.s32 $0x10;
	s6 =	simm.s32 $0x66D0  }
0x27f: {  	[tilespmem:s6], [sflag:$0x1] =	stream.indirect.gather [hbm4b:s4+s3], $0x40, s5, s3, $0xb8;
	[tilespmem:$0x13450] =	vst v63  }
0x280: {  	v6 =	vld.idx.msk [tilespmem:v4+s21+$0x0], $0xffff;
	_ =	sdelay $0x4  }
0x281: {  	(v2sf) =	vpush v6, $0x0  }
0x282: {  	(v2sf) =	vpush v6, $0x7;
	_ =	sdelay $0x2  }
0x283: {  	(v2sf) =	vpush v6, $0x1  }
0x284: {  	(v2sf) =	vpush v6, $0x2;
	_ =	sdelay $0x1  }
0x285: {  	(v2sf) =	vpush v6, $0x5  }
0x286: {  	(v2sf) =	vpush v6, $0x3  }
0x287: {  	(v2sf) =	vpush v6, $0x4;
	_ =	sdelay $0x1  }
0x288: {  	(v2sf) =	vpush v6, $0xC  }
0x289: {  	(v2sf) =	vpush v6, $0xD;
	_ =	sdelay $0x2  }
0x28a: {  	(v2sf) =	vpush v6, $0x8;
	s7 =	spop (v2sf)  }
0x28b: {  	(v2sf) =	vpush v6, $0x9;
	s8 =	spop (v2sf);
	s2 =	smulhi.u32 $0x51EB851F, s7  }
0x28c: {  	s15 =	sshra.s32 s7, $0x1F;
	s11 =	smulhi.u32 $0x51EB851F, s8  }
0x28d: {  	s10 =	sshra.s32 s8, $0x1F;
	s15 =	smul.u32 $0x51EB851F, s15  }
0x28e: {  	s9 =	spop (v2sf);
	s14 =	smul.u32 $0x51EB851F, s10  }
0x28f: {  	(v2sf) =	vpush v6, $0xA;
	s12 =	spop (v2sf);
	s3 =	smulhi.u32 $0x51EB851F, s9  }
0x290: {  	s20 =	sshra.s32 s9, $0x1F;
	s8 =	smulhi.u32 $0x51EB851F, s12  }
0x291: {  	s1 =	simm.s32 $0x10;
	s16 =	spop (v2sf);
	s28 =	smul.u32 $0x51EB851F, s20  }
0x292: {  	(v2sf) =	vpush v6, $0xE;
	s23 =	sshra.s32 s12, $0x1F;
	s18 =	smulhi.u32 $0x51EB851F, s16;
	s13 =	spop (v2sf)  }
0x293: {  	(v2sf) =	vpush v6, $0xF;
	s22 =	sshra.s32 s16, $0x1F;
	s29 =	smul.u32 $0x51EB851F, s23;
	s5 =	spop (v2sf)  }
0x294: {  	(v2sf) =	vpush v6, $0xB;
	s15 =	sadd.s32 s15, s2;
	s24 =	smul.u32 $0x51EB851F, s22;
	s26 =	sshra.s32 s5, $0x1F  }
0x295: {  	s25 =	sshra.s32 s13, $0x1F;
	s19 =	spop (v2sf);
	s4 =	smul.u32 $0x51EB851F, s26  }
0x296: {  	s0 =	sadd.s32 s14, s11;
	s6 =	spop (v2sf);
	s26 =	smul.u32 $0x51EB851F, s25  }
0x297: {  	s9 =	sshra.s32 s0, $0x1F;
	s3 =	sadd.s32 s28, s3;
	s22 =	smulhi.u32 $0x51EB851F, s6  }
0x298: {  	(v2sf) =	vpush v6, $0x6;
	s11 =	sshra.s32 s19, $0x1F;
	s25 =	sshra.s32 s6, $0x1F;
	s6 =	smulhi.u32 $0x51EB851F, s13  }
0x299: {  	s10 =	sadd.s32 s24, s18;
	s12 =	spop (v2sf);
	s18 =	smul.u32 $0x51EB851F, s11  }
0x29a: {  	s30 =	spop (v2sf);
	s14 =	sshra.s32 s12, $0x1F;
	s12 =	smulhi.u32 $0x51EB851F, s12  }
0x29b: {  	s23 =	sshrl.u32 s3, $0x1F;
	s8 =	sadd.s32 s29, s8;
	s20 =	smulhi.u32 $0x51EB851F, s30  }
0x29c: {  	s16 =	sshra.s32 s30, $0x1F;
	s26 =	sadd.s32 s26, s6;
	s6 =	smul.u32 $0x51EB851F, s25  }
0x29d: {  	s24 =	sshra.s32 s8, $0x1F;
	s28 =	sshra.s32 s8, $0xE;
	s7 =	smul.u32 $0x51EB851F, s16  }
0x29e: {  	v4 =	vmov s9;
	s22 =	sadd.s32 s6, s22;
	s6 =	sshra.s32 s15, $0xE;
	s11 =	spop (v2sf)  }
0x29f: {  	s16 =	sshra.s32 s3, $0xE;
	v4 =	vsel vm3, s6, v4;
	s6 =	sshra.s32 s15, $0x1F;
	s13 =	smulhi.u32 $0x51EB851F, s11  }
0x2a0: {  	v4 =	vsel vm12, s6, v4;
	s29 =	sshra.s32 s11, $0x1F;
	s11 =	sshrl.u32 s8, $0x1F;
	s8 =	smulhi.u32 $0x51EB851F, s19  }
0x2a1: {  	vm9 =	vcmask $0xF0C;
	s30 =	sshra.s32 s3, $0x1F;
	s14 =	smul.u32 $0x51EB851F, s14;
	s31 =	spop (v2sf);
	v4 =	vsel vm0, s16, v4  }
0x2a2: {  	v5 =	vshrl.u32 v8, $0x5;
	v4 =	vsel vm9, s30, v4;
	s30 =	smulhi.u32 $0x51EB851F, s31;
	s18 =	sadd.s32 s18, s8;
	s8 =	spop (v2sf)  }
0x2a3: {  	v8 =	vmul.u32 $0xFFFFFF9C, v5;
	s15 =	sshrl.u32 s15, $0x1F;
	s2 =	smulhi.u32 $0x51EB851F, s8;
	s25 =	spop (v2sf)  }
0x2a4: {  	s7 =	sadd.s32 s7, s20;
	v9 =	vmov s15;
	s3 =	smulhi.u32 $0x51EB851F, s25;
	s9 =	sshra.s32 s25, $0x1F  }
0x2a5: {  	v7 =	vadd.s32 v7, v8;
	s19 =	sshrl.u32 s26, $0x1F;
	v8 =	vnsel vm3, $0x0, v9;
	s25 =	sshra.s32 s8, $0x1F;
	s8 =	smul.u32 $0x51EB851F, s9  }
0x2a6: {  	s20 =	sshra.s32 s31, $0x1F;
	s31 =	smov.u32 s0;
	v8 =	vsel vm0, s23, v8;
	s9 =	smul.u32 $0x51EB851F, s25  }
0x2a7: {  	vm6 =	vcmask $0x1714;
	v4 =	vsel vm1, s28, v4;
	v8 =	vsel vm1, s11, v8;
	s11 =	sshrl.u32 s0, $0x1F;
	s6 =	spop (v2sf);
	s25 =	smulhi.u32 $0x51EB851F, s5  }
0x2a8: {  	vm10 =	vcmask $0x1F1C;
	vm9 =	vne.s32 v7, $0x0;
	s28 =	sshra.s32 s18, $0xE;
	v4 =	vsel vm6, s24, v4;
	s24 =	sshra.s32 s26, $0x1F;
	s15 =	sshra.s32 s6, $0x1F  }
0x2a9: {  	vm9 =	vmand vm8, vm9;
	vm8 =	vmmov vm10;
	s16 =	sadd.s32 s4, s25;
	s25 =	smulhi.u32 $0x51EB851F, s6;
	s6 =	sshra.s32 s26, $0xE  }
0x2aa: {  	v8 =	vsel vm2, s19, v8;
	v9 =	vsel vm9, $0xFFFFFFFF, v0;
	s5 =	sshrl.u32 s7, $0x1F;
	s7 =	sshra.s32 s7, $0xE;
	s26 =	smul.u32 $0x51EB851F, s29;
	v4 =	vsel vm2, s6, v4  }
0x2ab: {  	vm6 =	vmmov vm5;
	vm5 =	vmmov vm11;
	s4 =	sshra.s32 s22, $0xE;
	s6 =	smul.u32 $0x51EB851F, s15;
	v4 =	vsel vm10, s24, v4;
	s24 =	sshra.s32 s16, $0xE  }
0x2ac: {  	v10 =	vmov s28;
	v5 =	vadd.s32 v9, v5;
	s28 =	sshra.s32 s16, $0x1F;
	s15 =	sadd.s32 s26, s13;
	s26 =	smul.u32 $0x51EB851F, s20;
	v4 =	vsel vm4, s24, v4  }
0x2ad: {  	v11 =	vmul.u32 $0x68, v5;
	s29 =	sshra.s32 s10, $0xE;
	v9 =	vsel vm0, s4, v10;
	s16 =	sshrl.u32 s16, $0x1F;
	s20 =	sshrl.u32 s10, $0x1F;
	v4 =	vsel vm11, s28, v4  }
0x2ae: {  	s10 =	sshra.s32 s10, $0x1F;
	v5 =	vsel vm4, s16, v8;
	v8 =	vand.u32 $0x78, v7;
	s19 =	sadd.s32 s26, s30;
	s30 =	sshrl.u32 s18, $0x1F;
	v4 =	vsel vm14, s29, v4  }
0x2af: {  	s13 =	sadd.s32 s6, s25;
	s16 =	sshrl.u32 s22, $0x1F;
	v8 =	vadd.s32 v8, v11;
	v10 =	vmov s30;
	v4 =	vsel vm13, s10, v4;
	s10 =	sshra.s32 s15, $0xE  }
.LBB2_2:
0x2b0: {  	s24 =	sshrl.u32 s19, $0x1F;
	s3 =	sadd.s32 s8, s3  }
0x2b1: {  	v10 =	vsel vm0, s16, v10;
	v5 =	vsel vm14, s20, v5;
	s26 =	sshrl.u32 s13, $0x1F;
	s28 =	sshra.s32 s19, $0xE;
	s12 =	sadd.s32 s14, s12  }
0x2b2: {  	s30 =	sshra.s32 s13, $0xE;
	s8 =	smov.u32 s1;
	v5 =	vsel vm6, s26, v5;
	v10 =	vsel vm1, s24, v10;
	v9 =	vsel vm1, s28, v9;
	s25 =	sshrl.u32 s12, $0x1F  }
0x2b3: {  	s2 =	sadd.s32 s9, s2;
	v4 =	vsel vm6, s30, v4;
	v62 =	vor.u32 s8, v2;
	s29 =	sshra.s32 s12, $0xE;
	v11 =	vmov s25  }
0x2b4: {  	s0 =	sshrl.u32 s15, $0x1F;
	v15 =	vld [tilespmem:$0x1FFF0];
	v5 =	vsel vm7, s11, v5;
	s4 =	sshra.s32 s2, $0xE;
	s2 =	sshrl.u32 s2, $0x1F;
	v12 =	vmov s29;
	v11 =	vsel vm0, s5, v11  }
0x2b5: {  	s6 =	sshra.s32 s3, $0xE;
	s3 =	sshrl.u32 s3, $0x1F;
	v10 =	vsel vm2, s2, v10;
	v12 =	vsel vm0, s7, v12;
	v11 =	vsel vm1, s0, v11  }
0x2b6: {  	v9 =	vsel vm2, s4, v9;
	v12 =	vsel vm1, s10, v12;
	v11 =	vsel vm2, s3, v11  }
0x2b7: {  	v5 =	vperm.xlane v5, v3;
	s7 =	sshra.s32 s13, $0x1F;
	v12 =	vsel vm2, s6, v12;
	v10 =	vcombine.low v11, v10  }
0x2b8: {  	v4 =	vsel vm15, s7, v4;
	s0 =	sshra.s32 s31, $0xE;
	v9 =	vcombine.low v12, v9;
	v11 =	vmulhi.u32 $0x51EB851F, v62  }
0x2b9: {  	vm9 =	vnez.u8 v15;
	v4 =	vsel vm7, s0, v4;
	v10 =	vperm.xlane v10, v1  }
0x2ba: {  	v4 =	vperm.xlane v4, v3;
	v9 =	vperm.xlane v9, v1;
	v13 =	vshrl.u32 v11, $0x4  }
0x2bb: {  	v14 =	vand.u32 $0x7, v7;
	v7 =	vmul.u32 $0xFFFFFFCE, v13;
	v5 =	vsel vm9, v5, v10  }
0x2bc: {  	v4 =	vsel vm9, v4, v9;
	v9 =	vmov s8;
	v10 =	vsub.s32 $0x0, v62  }
0x2bd: {  	v4 =	vadd.s32 v5, v4;
	vm9 =	veq.s32 v9, v2;
	vm10 =	vne.s32 v7, v10  }
0x2be: {  	v5 =	vmul.u32 $0xFFFF3800, v4;
	vm10 =	vmand vm9, vm10  }
0x2bf: {  	v9 =	vsub.s32 $0x0, v6;
	v10 =	vsel vm10, $0xFFFFFFFF, v0  }
0x2c0: {  	vm10 =	vlt.s32 v6, $0x1;
	vm11 =	vne.s32 v5, v9;
	v5 =	vadd.s32 v10, v13  }
0x2c1: {  	vm10 =	vmand vm10, vm11;
	v9 =	vmul.u32 $0x1FFFFCE, v5  }
0x2c2: {  	v10 =	vsel vm10, $0xFFFFFFFF, v0  }
0x2c3: {  	v4 =	vadd.s32 v10, v4;
	v10 =	vor.u32 v14, v8;
	v8 =	vadd.s32 v62, v9  }
0x2c4: {  	v13 =	vand.u32 $0xFFFFFFF8, v5;
	v8 =	vshll.u32 v8, $0x7  }
0x2c5: {  	v5 =	vand.u32 $0x7, v5;
	v63 =	vmul.u32 $0x7FFF3800, v4;
	v8 =	vadd.s32 v13, v8  }
0x2c6: {  	v5 =	vor.u32 v5, v8  }
0x2c7: {  	v6 =	vadd.s32 v6, v63  }
0x2c8: {  	v6 =	vshll.u32 v6, $0x1  }
0x2c9: {  	v4 =	vadd.s32 v4, v6  }
0x2ca: {  	[tilespmem:v10+s17+$0x0] =	vst.idx.msk $0xffff, v4  }
0x2cb: {  	v6 =	vld.idx.msk [tilespmem:v5+s21+$0x0], $0xffff;
	_ =	sdelay $0x4  }
0x2cc: {  	(v2sf) =	vpush v6, $0x0  }
0x2cd: {  	(v2sf) =	vpush v6, $0x7;
	_ =	sdelay $0x2  }
0x2ce: {  	(v2sf) =	vpush v6, $0x1  }
0x2cf: {  	(v2sf) =	vpush v6, $0x2;
	_ =	sdelay $0x1  }
0x2d0: {  	(v2sf) =	vpush v6, $0x5;
	_ =	sdelay $0x1  }
0x2d1: {  	(v2sf) =	vpush v6, $0x3  }
0x2d2: {  	(v2sf) =	vpush v6, $0x4;
	_ =	sdelay $0x1  }
0x2d3: {  	(v2sf) =	vpush v6, $0xC;
	_ =	sdelay $0x1  }
0x2d4: {  	(v2sf) =	vpush v6, $0xD  }
0x2d5: {  	s10 =	spop (v2sf)  }
0x2d6: {  	(v2sf) =	vpush v6, $0x8;
	s4 =	smulhi.u32 $0x51EB851F, s10;
	s11 =	spop (v2sf)  }
0x2d7: {  	s3 =	sshra.s32 s10, $0x1F;
	s5 =	smulhi.u32 $0x51EB851F, s11  }
0x2d8: {  	(v2sf) =	vpush v6, $0x9;
	s12 =	sshra.s32 s11, $0x1F;
	s3 =	smul.u32 $0x51EB851F, s3  }
0x2d9: {  	s13 =	spop (v2sf);
	s0 =	smul.u32 $0x51EB851F, s12  }
0x2da: {  	s15 =	spop (v2sf);
	s7 =	smulhi.u32 $0x51EB851F, s13  }
0x2db: {  	p0 =	sne.s32 s1, $0x18F0;
	s14 =	sshra.s32 s13, $0x1F;
	s28 =	smulhi.u32 $0x51EB851F, s15  }
0x2dc: {  	s16 =	sadd.s32 $0x10, s1;
	(v2sf) =	vpush v6, $0xA;
	s18 =	spop (v2sf);
	s8 =	smul.u32 $0x51EB851F, s14  }
0x2dd: {  	s17 =	sshra.s32 s15, $0x1F;
	s19 =	smulhi.u32 $0x51EB851F, s18;
	s10 =	sshra.s32 s18, $0x1F  }
0x2de: {  	(v2sf) =	vpush v6, $0xE;
	s20 =	spop (v2sf);
	s1 =	sadd.s32 s0, s5;
	s2 =	smul.u32 $0x51EB851F, s17  }
0x2df: {  	s18 =	sshra.s32 s20, $0x1F;
	s11 =	spop (v2sf);
	s10 =	smul.u32 $0x51EB851F, s10  }
0x2e0: {  	s9 =	sshra.s32 s1, $0x1F;
	s7 =	sadd.s32 s8, s7;
	s21 =	smul.u32 $0x51EB851F, s18  }
0x2e1: {  	s26 =	sshra.s32 s11, $0x1F;
	s22 =	spop (v2sf);
	s11 =	smulhi.u32 $0x51EB851F, s11  }
0x2e2: {  	(v2sf) =	vpush v6, $0xF;
	s23 =	sshrl.u32 s7, $0x1F;
	s5 =	sadd.s32 s2, s28;
	s17 =	smul.u32 $0x51EB851F, s26  }
0x2e3: {  	v4 =	vmov s9;
	s10 =	sadd.s32 s10, s19;
	s29 =	spop (v2sf);
	s9 =	smulhi.u32 $0x51EB851F, s22  }
0x2e4: {  	(v2sf) =	vpush v6, $0xB;
	s6 =	sshra.s32 s22, $0x1F;
	s19 =	sshra.s32 s5, $0x1F;
	s14 =	smulhi.u32 $0x51EB851F, s29  }
0x2e5: {  	s12 =	spop (v2sf);
	s24 =	sshra.s32 s29, $0x1F;
	s29 =	smulhi.u32 $0x51EB851F, s20  }
0x2e6: {  	s26 =	sshra.s32 s5, $0xE;
	s31 =	smul.u32 $0x51EB851F, s6;
	[dreg:$0x9] =	wrdreg s17  }
0x2e7: {  	s30 =	spop (v2sf);
	s15 =	sshra.s32 s12, $0x1F;
	s17 =	sshrl.u32 s5, $0x1F  }
0x2e8: {  	v11 =	vshrl.u32 v11, $0x5;
	s5 =	sshra.s32 s7, $0xE;
	s25 =	smulhi.u32 $0x51EB851F, s30;
	s28 =	sshra.s32 s30, $0x1F  }
0x2e9: {  	v7 =	vmul.u32 $0xFFFFFF9C, v11;
	(v2sf) =	vpush v6, $0x6;
	s30 =	sshra.s32 s7, $0x1F;
	s7 =	smul.u32 $0x51EB851F, s28;
	s28 =	sadd.s32 s3, s4  }
0x2ea: {  	s12 =	smulhi.u32 $0x51EB851F, s12;
	s29 =	sadd.s32 s21, s29;
	s8 =	sshra.s32 s28, $0xE  }
0x2eb: {  	v7 =	vadd.s32 v62, v7;
	s21 =	sshrl.u32 s29, $0x1F;
	v4 =	vsel vm3, s8, v4;
	s8 =	sshra.s32 s28, $0x1F;
	s0 =	spop (v2sf)  }
0x2ec: {  	vm11 =	vne.s32 v7, $0x0;
	s7 =	sadd.s32 s7, s25;
	s25 =	sshra.s32 s29, $0xE;
	s18 =	sshra.s32 s0, $0x1F  }
0x2ed: {  	vm9 =	vmand vm9, vm11;
	v4 =	vsel vm12, s8, v4;
	s6 =	spop (v2sf);
	s13 =	smulhi.u32 $0x51EB851F, s0;
	s0 =	sshrl.u32 s28, $0x1F  }
0x2ee: {  	v9 =	vsel vm9, $0xFFFFFFFF, v0;
	vm9 =	vcmask $0xF0C;
	s28 =	sadd.s32 s31, s9;
	s31 =	smov.u32 s1;
	s1 =	smov.u32 s16;
	v4 =	vsel vm0, s5, v4  }
0x2ef: {  	s5 =	sshrl.u32 s7, $0x1F;
	s20 =	sshra.s32 s6, $0x1F;
	v5 =	vmov s0;
	v4 =	vsel vm9, s30, v4;
	s6 =	smulhi.u32 $0x51EB851F, s6  }
0x2f0: {  	v9 =	vadd.s32 v9, v11;
	s18 =	smul.u32 $0x51EB851F, s18;
	v5 =	vnsel vm3, $0x0, v5;
	v4 =	vsel vm1, s26, v4;
	s26 =	sshra.s32 s29, $0x1F;
	s29 =	rddreg [dreg:$0x9]  }
0x2f1: {  	v8 =	vmul.u32 $0x68, v9;
	s7 =	sshra.s32 s7, $0xE;
	vm9 =	vcmask $0x1714;
	s2 =	spop (v2sf);
	v5 =	vsel vm0, s23, v5;
	s23 =	smul.u32 $0x51EB851F, s24  }
0x2f2: {  	v9 =	vand.u32 $0x78, v7;
	s24 =	sshra.s32 s28, $0xE;
	v4 =	vsel vm9, s19, v4;
	s22 =	sshra.s32 s2, $0x1F;
	s2 =	smulhi.u32 $0x51EB851F, s2  }
0x2f3: {  	v8 =	vadd.s32 v9, v8;
	v4 =	vsel vm2, s25, v4;
	v9 =	vmov s24;
	s24 =	sshra.s32 s10, $0xE;
	s25 =	smul.u32 $0x51EB851F, s20;
	s4 =	spop (v2sf)  }
0x2f4: {  	s9 =	smul.u32 $0x51EB851F, s22;
	s16 =	sadd.s32 s23, s14;
	s14 =	sadd.s32 s29, s11  }
0x2f5: {  	s3 =	smulhi.u32 $0x51EB851F, s4;
	s4 =	sshra.s32 s4, $0x1F;
	s22 =	sshra.s32 s14, $0x1F  }
0x2f6: {  	v4 =	vsel vm8, s26, v4;
	s23 =	sshra.s32 s14, $0xE;
	s26 =	sshrl.u32 s14, $0x1F;
	s14 =	smul.u32 $0x51EB851F, s15  }
0x2f7: {  	v5 =	vsel vm1, s17, v5;
	s20 =	sshrl.u32 s10, $0x1F;
	s17 =	simm.s32 $0x0;
	s8 =	smul.u32 $0x51EB851F, s4  }
.Ltmp0:
0x2f8: {  	s11 =	sshrl.u32 s31, $0x1F;
	s0 =	spop (v2sf);
	(pc) =	sbr.rel @p0 .LBB2_2-.Ltmp0, $4  }
0x2f9: {  	s29 =	sshrl.u32 s28, $0x1F;
	v4 =	vsel vm4, s23, v4;
	s4 =	sshra.s32 s0, $0x1F;
	s0 =	smulhi.u32 $0x51EB851F, s0  }
0x2fa: {  	v5 =	vsel vm2, s21, v5;
	s21 =	simm.s32 $0x1A00;
	s30 =	sshra.s32 s16, $0xE;
	v4 =	vsel vm5, s22, v4;
	s4 =	smul.u32 $0x51EB851F, s4  }
0x2fb: {  	s15 =	sadd.s32 s18, s13;
	s16 =	sshrl.u32 s16, $0x1F;
	v9 =	vsel vm0, s30, v9;
	s30 =	sshra.s32 s10, $0x1F;
	v4 =	vsel vm14, s24, v4  }
0x2fc: {  	v10 =	vmov s29;
	s19 =	sadd.s32 s25, s6;
	v5 =	vsel vm4, s26, v5;
	s10 =	sshra.s32 s15, $0xE;
	v4 =	vsel vm13, s30, v4;
	s13 =	sadd.s32 s4, s0  }
0x2fd: {  	s0 =	sadd.s32 s14, s12  }
0x2fe: {  	s4 =	sshrl.u32 s13, $0x1F;
	s1 =	sshrl.u32 s0, $0x1F  }
0x2ff: {  	v10 =	vsel vm0, s16, v10;
	v5 =	vsel vm14, s20, v5;
	s2 =	sadd.s32 s9, s2;
	s26 =	sshrl.u32 s19, $0x1F;
	s30 =	sadd.s32 s8, s3;
	v11 =	vmov s1  }
0x300: {  	s3 =	sshra.s32 s19, $0xE;
	s0 =	sshra.s32 s0, $0xE;
	v5 =	vsel vm6, s4, v5;
	v10 =	vsel vm1, s26, v10;
	v11 =	vsel vm0, s5, v11;
	s5 =	sshrl.u32 s15, $0x1F  }
0x301: {  	s4 =	sshrl.u32 s2, $0x1F;
	v9 =	vsel vm1, s3, v9;
	v12 =	vmov s0;
	s1 =	sshrl.u32 s30, $0x1F;
	v11 =	vsel vm1, s5, v11  }
0x302: {  	v10 =	vsel vm2, s4, v10;
	v12 =	vsel vm0, s7, v12;
	s7 =	sshra.s32 s13, $0xE;
	v11 =	vsel vm2, s1, v11  }
0x303: {  	s8 =	sshra.s32 s13, $0x1F;
	s2 =	sshra.s32 s2, $0xE;
	s6 =	sshra.s32 s30, $0xE;
	v12 =	vsel vm1, s10, v12;
	v4 =	vsel vm6, s7, v4;
	v10 =	vcombine.low v11, v10;
	v11 =	vld [tilespmem:$0x1FFF0]  }
0x304: {  	s9 =	sshra.s32 s31, $0xE;
	v9 =	vsel vm2, s2, v9;
	v12 =	vsel vm2, s6, v12;
	v4 =	vsel vm15, s8, v4  }
0x305: {  	v5 =	vsel vm7, s11, v5;
	v9 =	vcombine.low v12, v9;
	v4 =	vsel vm7, s9, v4  }
0x306: {  	v5 =	vperm.xlane v5, v3;
	v4 =	vperm.xlane v4, v3  }
0x307: {  	v9 =	vperm.xlane v9, v1;
	v10 =	vperm.xlane v10, v1  }
0x308: {  	vm8 =	vnez.u8 v11  }
0x309: {  	v5 =	vsel vm8, v5, v10;
	v4 =	vsel vm8, v4, v9  }
0x30a: {  	v4 =	vadd.s32 v5, v4  }
0x30b: {  	v5 =	vmul.u32 $0xFFFF3800, v4  }
0x30c: {  	v9 =	vsub.s32 $0x0, v6  }
0x30d: {  	vm9 =	vlt.s32 v6, $0x1;
	vm10 =	vne.s32 v5, v9  }
0x30e: {  	vm9 =	vmand vm9, vm10  }
0x30f: {  	v5 =	vsel vm9, $0xFFFFFFFF, v0  }
0x310: {  	v7 =	vand.u32 $0x7, v7;
	v4 =	vadd.s32 v5, v4  }
0x311: {  	v5 =	vor.u32 v7, v8;
	v7 =	vmul.u32 $0x7FFF3800, v4;
	_ =	sdelay $0x1  }
0x312: {  	v6 =	vadd.s32 v6, v7  }
0x313: {  	v6 =	vshll.u32 v6, $0x1  }
0x314: {  	s12 =	simm.s32 $0x6C50;
	v4 =	vadd.s32 v4, v6  }
0x315: {  	s4 =	rddreg [dreg:$0xb];
	s11 =	simm.s32 $0x64;
	s10 =	simm.s32 $0x0;
	[tilespmem:v5+s17+$0x0] =	vst.idx.msk $0xffff, v4  }
0x316: {  	[tilespmem:s12], [sflag:$0x2] =	stream.indirect.gather [hbm4b:s4+s11], $0x40, s10, s11, $0xb8;
	[tilespmem:$0x13450] =	vst v63  }
0x317: {  	s14 =	simm.s32 $0x8550;
	s13 =	simm.s32 $0x68  }
0x318: {  	[tilespmem:s14], [sflag:$0x2] =	stream.indirect.gather [hbm4b:s4+s11], $0x40, s13, s11, $0xb8;
	[tilespmem:$0x13450] =	vst v63  }
0x319: {  	s16 =	simm.s32 $0x9E50;
	s15 =	simm.s32 $0xD0  }
0x31a: {  	[tilespmem:s16], [sflag:$0x2] =	stream.indirect.gather [hbm4b:s4+s11], $0x40, s15, s11, $0xb8;
	[tilespmem:$0x13450] =	vst v63  }
0x31b: {  	s18 =	simm.s32 $0x138;
	s19 =	simm.s32 $0xB750  }
0x31c: {  	[tilespmem:s19], [sflag:$0x2] =	stream.indirect.gather [hbm4b:s4+s11], $0x40, s18, s11, $0xb8;
	[tilespmem:$0x13450] =	vst v63  }
0x31d: {  	s20 =	simm.s32 $0x1A0;
	s22 =	simm.s32 $0xD050  }
0x31e: {  	[tilespmem:s22], [sflag:$0x3] =	stream.indirect.gather [hbm4b:s4+s11], $0x40, s20, s11, $0xb8;
	[tilespmem:$0x13450] =	vst v63  }
0x31f: {  	s23 =	simm.s32 $0x208;
	s24 =	simm.s32 $0xE950  }
0x320: {  	[tilespmem:s24], [sflag:$0x3] =	stream.indirect.gather [hbm4b:s4+s11], $0x40, s23, s11, $0xb8;
	[tilespmem:$0x13450] =	vst v63  }
0x321: {  	s25 =	simm.s32 $0x270;
	s26 =	simm.s32 $0x10250  }
0x322: {  	[tilespmem:s26], [sflag:$0x3] =	stream.indirect.gather [hbm4b:s4+s11], $0x40, s25, s11, $0xb8;
	[tilespmem:$0x13450] =	vst v63  }
0x323: {  	s31 =	simm.s32 $0x11B50;
	s28 =	simm.s32 $0x0;
	s30 =	simm.s32 $0x2D8  }
0x324: {  	[tilespmem:s31], [sflag:$0x3] =	stream.indirect.gather [hbm4b:s4+s11], $0x40, s30, s11, $0xb8;
	[tilespmem:$0x13450] =	vst v63  }
0x325: {  	v4 =	vld [tilespmem:s28+$0x2300]  }
0x326: {  	v5 =	vld [tilespmem:s28+$0x2280]  }
0x327: {  	v6 =	vld [tilespmem:s28+$0x1E00]  }
0x328: {  	v7 =	vld [tilespmem:s28+$0x1C80]  }
0x329: {  	v8 =	vld [tilespmem:s28+$0x2880]  }
0x32a: {  	v9 =	vld [tilespmem:s28+$0x1D00]  }
0x32b: {  	v10 =	vld [tilespmem:s28+$0x1F00]  }
0x32c: {  	v11 =	vld [tilespmem:s28+$0x1A00]  }
0x32d: {  	v12 =	vld [tilespmem:s28+$0x2800]  }
0x32e: {  	v13 =	vld [tilespmem:s28+$0x1D80]  }
0x32f: {  	v14 =	vld [tilespmem:s28+$0x1C00]  }
0x330: {  	v15 =	vld [tilespmem:s28+$0x1B80]  }
0x331: {  	v16 =	vld [tilespmem:s28+$0x2200]  }
0x332: {  	v17 =	vld [tilespmem:s28+$0x1A80]  }
0x333: {  	v18 =	vld [tilespmem:s28+$0x1F80]  }
0x334: {  	v19 =	vld [tilespmem:s28+$0x2000]  }
0x335: {  	v20 =	vld [tilespmem:s28+$0x2080]  }
0x336: {  	v21 =	vld [tilespmem:s28+$0x2100]  }
0x337: {  	v22 =	vld [tilespmem:s28+$0x1B00]  }
0x338: {  	v26 =	vld [tilespmem:s28+$0x2500]  }
0x339: {  	v23 =	vld [tilespmem:s28+$0x2380]  }
0x33a: {  	v24 =	vld [tilespmem:s28+$0x1E80]  }
0x33b: {  	v31 =	vld [tilespmem:s28+$0x2600];
	vm6 =	vlt.s32 v12, $0x1;
	vm10 =	vlt.s32 v10, $0x1  }
0x33c: {  	v32 =	vld [tilespmem:s28+$0x2680];
	vm11 =	vlt.s32 v8, $0x1;
	vm12 =	vlt.s32 v11, $0x1;
	vm5 =	vlt.s32 v17, $0x1  }
0x33d: {  	v25 =	vld [tilespmem:s28+$0x2400];
	vm9 =	vlt.s32 v7, $0x1;
	vm7 =	vlt.s32 v26, $0x1;
	v29 =	vnsel vm11, $0x1, v8  }
0x33e: {  	v28 =	vld [tilespmem:s28+$0x2180];
	v8 =	vnsel vm12, $0x1, v11;
	vm11 =	vlt.s32 v15, $0x1;
	vm12 =	vlt.s32 v6, $0x1  }
0x33f: {  	v33 =	vld [tilespmem:s28+$0x2700];
	v7 =	vnsel vm9, $0x1, v7;
	v17 =	vnsel vm5, $0x1, v17;
	vm9 =	vlt.s32 v22, $0x1  }
0x340: {  	v34 =	vld [tilespmem:s28+$0x2780];
	v10 =	vnsel vm10, $0x1, v10;
	vm10 =	vlt.s32 v23, $0x1;
	v27 =	vnsel vm6, $0x1, v12  }
0x341: {  	v36 =	vld [tilespmem:s28+$0x2C80];
	vm5 =	vlt.s32 v31, $0x1;
	vm6 =	vlt.s32 v32, $0x1;
	v15 =	vnsel vm11, $0x1, v15  }
0x342: {  	v37 =	vld [tilespmem:s28+$0x2E80];
	vm11 =	vlt.s32 v14, $0x1;
	v6 =	vnsel vm12, $0x1, v6;
	vm12 =	vlt.s32 v16, $0x1  }
0x343: {  	s29 =	simm.s32 $0x10;
	v38 =	vld [tilespmem:s28+$0x2F00];
	v8 =	vadd.s32 v8, v17;
	v17 =	vnsel vm9, $0x1, v22;
	vm9 =	vlt.s32 v18, $0x1  }
0x344: {  	v39 =	vld [tilespmem:s29+$0x2280];
	v16 =	vnsel vm12, $0x1, v16;
	v14 =	vnsel vm11, $0x1, v14;
	v8 =	vadd.s32 v17, v8  }
0x345: {  	v40 =	vld [tilespmem:s29+$0x1E00];
	vm11 =	vlt.s32 v9, $0x1;
	v18 =	vnsel vm9, $0x1, v18;
	v8 =	vadd.s32 v15, v8  }
0x346: {  	v41 =	vld [tilespmem:s29+$0x1C80];
	vm9 =	vlt.s32 v19, $0x1;
	v9 =	vnsel vm11, $0x1, v9;
	v8 =	vadd.s32 v14, v8  }
0x347: {  	v42 =	vld [tilespmem:s29+$0x1D00];
	v19 =	vnsel vm9, $0x1, v19;
	vm11 =	vlt.s32 v13, $0x1;
	v7 =	vadd.s32 v7, v8  }
0x348: {  	v43 =	vld [tilespmem:s29+$0x1F00];
	vm9 =	vlt.s32 v20, $0x1;
	v13 =	vnsel vm11, $0x1, v13;
	v7 =	vadd.s32 v9, v7  }
0x349: {  	v53 =	vld [tilespmem:s29+$0x1A00];
	v20 =	vnsel vm9, $0x1, v20;
	vm9 =	vlt.s32 v24, $0x1;
	v7 =	vadd.s32 v13, v7  }
0x34a: {  	v44 =	vld [tilespmem:s29+$0x2800];
	vm12 =	vlt.s32 v4, $0x1;
	v24 =	vnsel vm9, $0x1, v24;
	v6 =	vadd.s32 v6, v7  }
0x34b: {  	v22 =	vld [tilespmem:s28+$0x2480];
	v23 =	vnsel vm10, $0x1, v23;
	v4 =	vnsel vm12, $0x1, v4;
	v6 =	vadd.s32 v24, v6  }
0x34c: {  	v54 =	vld [tilespmem:s29+$0x1B80];
	vm12 =	vlt.s32 v34, $0x1;
	vm11 =	vlt.s32 v28, $0x1;
	v6 =	vadd.s32 v10, v6  }
0x34d: {  	v17 =	vld [tilespmem:s28+$0x2900];
	v34 =	vnsel vm12, $0x1, v34;
	vm9 =	vlt.s32 v21, $0x1;
	v6 =	vadd.s32 v18, v6  }
0x34e: {  	v55 =	vld [tilespmem:s29+$0x1D80];
	vm12 =	vlt.s32 v53, $0x1;
	v12 =	vnsel vm9, $0x1, v21;
	v6 =	vadd.s32 v19, v6  }
0x34f: {  	v11 =	vld [tilespmem:s28+$0x2580];
	v21 =	vnsel vm11, $0x1, v28;
	vm9 =	vlt.s32 v5, $0x1;
	v6 =	vadd.s32 v20, v6  }
0x350: {  	v50 =	vld [tilespmem:s29+$0x2500];
	vm11 =	vlt.s32 v33, $0x1;
	vm10 =	vlt.s32 v22, $0x1;
	v6 =	vadd.s32 v12, v6  }
0x351: {  	v15 =	vld [tilespmem:s28+$0x2980];
	v5 =	vnsel vm9, $0x1, v5;
	vm9 =	vlt.s32 v25, $0x1;
	v6 =	vadd.s32 v21, v6  }
0x352: {  	v47 =	vld [tilespmem:s29+$0x2380];
	v12 =	vadd.s32 v16, v6;
	v16 =	vnsel vm9, $0x1, v25;
	vm9 =	vlt.s32 v17, $0x1  }
0x353: {  	v14 =	vld [tilespmem:s28+$0x2A00];
	v5 =	vadd.s32 v5, v12;
	v12 =	vnsel vm10, $0x1, v22;
	v30 =	vnsel vm9, $0x1, v17  }
0x354: {  	v8 =	vld [tilespmem:s28+$0x2A80];
	v17 =	vnsel vm7, $0x1, v26;
	vm9 =	vlt.s32 v11, $0x1;
	vm10 =	vlt.s32 v36, $0x1  }
0x355: {  	v9 =	vld [tilespmem:s28+$0x2B00];
	vm7 =	vlt.s32 v50, $0x1;
	v4 =	vadd.s32 v4, v5;
	v11 =	vnsel vm9, $0x1, v11  }
0x356: {  	v13 =	vld [tilespmem:s28+$0x2B80];
	vm9 =	vlt.s32 v15, $0x1;
	v20 =	vnsel vm10, $0x1, v36;
	v4 =	vadd.s32 v23, v4  }
0x357: {  	v7 =	vld [tilespmem:s28+$0x2C00];
	vm10 =	vlt.s32 v37, $0x1;
	v50 =	vnsel vm7, $0x1, v50;
	v4 =	vadd.s32 v16, v4  }
0x358: {  	v10 =	vld [tilespmem:s28+$0x2D00];
	v16 =	vnsel vm5, $0x1, v31;
	v31 =	vnsel vm9, $0x1, v15;
	vm9 =	vlt.s32 v14, $0x1  }
0x359: {  	v25 =	vld [tilespmem:s28+$0x3080];
	v4 =	vadd.s32 v12, v4;
	v12 =	vnsel vm6, $0x1, v32;
	v32 =	vnsel vm9, $0x1, v14  }
0x35a: {  	v18 =	vld [tilespmem:s28+$0x2D80];
	vm9 =	vlt.s32 v8, $0x1;
	vm6 =	vlt.s32 v44, $0x1;
	v4 =	vadd.s32 v17, v4  }
0x35b: {  	v23 =	vld [tilespmem:s28+$0x3200];
	v17 =	vnsel vm11, $0x1, v33;
	v33 =	vnsel vm9, $0x1, v8;
	vm9 =	vlt.s32 v9, $0x1  }
0x35c: {  	v28 =	vld [tilespmem:s28+$0x2E00];
	v4 =	vadd.s32 v11, v4;
	v15 =	vnsel vm9, $0x1, v9;
	vm9 =	vlt.s32 v13, $0x1  }
0x35d: {  	v59 =	vld [tilespmem:s29+$0x2480];
	vm11 =	vlt.s32 v10, $0x1;
	v4 =	vadd.s32 v16, v4;
	v16 =	vnsel vm9, $0x1, v13  }
0x35e: {  	v21 =	vld [tilespmem:s28+$0x2F80];
	vm9 =	vlt.s32 v7, $0x1;
	v13 =	vnsel vm10, $0x1, v37;
	vm10 =	vlt.s32 v25, $0x1  }
0x35f: {  	v5 =	vld [tilespmem:s28+$0x3100];
	v4 =	vadd.s32 v12, v4;
	v19 =	vnsel vm9, $0x1, v7;
	vm9 =	vlt.s32 v18, $0x1  }
0x360: {  	v22 =	vld [tilespmem:s28+$0x3180];
	v9 =	vnsel vm10, $0x1, v25;
	vm10 =	vlt.s32 v23, $0x1;
	v35 =	vadd.s32 v17, v4  }
0x361: {  	v26 =	vld [tilespmem:s28+$0x3280];
	v17 =	vnsel vm11, $0x1, v10;
	v12 =	vnsel vm9, $0x1, v18;
	vm9 =	vlt.s32 v28, $0x1  }
0x362: {  	v24 =	vld [tilespmem:s29+$0x2300];
	vm11 =	vlt.s32 v38, $0x1;
	v10 =	vnsel vm10, $0x1, v23;
	vm10 =	vlt.s32 v43, $0x1  }
0x363: {  	v25 =	vld [tilespmem:s29+$0x1A80];
	v18 =	vnsel vm9, $0x1, v28;
	v14 =	vnsel vm11, $0x1, v38;
	vm9 =	vlt.s32 v21, $0x1  }
0x364: {  	v4 =	vld [tilespmem:s29+$0x2880];
	vm11 =	vlt.s32 v5, $0x1;
	v43 =	vnsel vm10, $0x1, v43;
	vm10 =	vlt.s32 v47, $0x1  }
0x365: {  	v28 =	vld [tilespmem:s29+$0x1C00];
	v34 =	vadd.s32 v34, v35;
	v21 =	vnsel vm9, $0x1, v21;
	v7 =	vnsel vm11, $0x1, v5  }
0x366: {  	v5 =	vld [tilespmem:s29+$0x2200];
	vm9 =	vlt.s32 v22, $0x1;
	vm11 =	vlt.s32 v26, $0x1;
	v47 =	vnsel vm10, $0x1, v47  }
0x367: {  	v45 =	vld [tilespmem:s29+$0x1B00];
	vm10 =	vlt.s32 v59, $0x1;
	v35 =	vadd.s32 v27, v34;
	v11 =	vnsel vm9, $0x1, v22  }
0x368: {  	v23 =	vld [tilespmem:s29+$0x1F80];
	v8 =	vnsel vm11, $0x1, v26;
	v29 =	vadd.s32 v29, v35;
	vm5 =	vlt.s32 v25, $0x1  }
0x369: {  	v56 =	vld [tilespmem:s29+$0x2080];
	vm11 =	vlt.s32 v4, $0x1;
	v25 =	vnsel vm5, $0x1, v25;
	vm5 =	vlt.s32 v24, $0x1  }
0x36a: {  	v46 =	vld [tilespmem:s29+$0x2100];
	v22 =	vnsel vm11, $0x1, v4;
	vm11 =	vlt.s32 v54, $0x1;
	v4 =	vnsel vm12, $0x1, v53  }
0x36b: {  	v48 =	vld [tilespmem:s29+$0x1E80];
	v37 =	vnsel vm11, $0x1, v54;
	vm11 =	vlt.s32 v28, $0x1;
	vm9 =	vlt.s32 v5, $0x1  }
0x36c: {  	v26 =	vld [tilespmem:s29+$0x2000];
	v5 =	vnsel vm9, $0x1, v5;
	v28 =	vnsel vm11, $0x1, v28;
	vm9 =	vlt.s32 v42, $0x1  }
0x36d: {  	v49 =	vld [tilespmem:s29+$0x2400];
	vm11 =	vlt.s32 v45, $0x1;
	v42 =	vnsel vm9, $0x1, v42;
	vm9 =	vlt.s32 v23, $0x1  }
0x36e: {  	v57 =	vld [tilespmem:s29+$0x2180];
	v4 =	vadd.s32 v4, v25;
	v25 =	vnsel vm9, $0x1, v23;
	v23 =	vnsel vm11, $0x1, v45  }
0x36f: {  	v51 =	vld [tilespmem:s29+$0x2580];
	vm12 =	vlt.s32 v40, $0x1;
	v53 =	vnsel vm5, $0x1, v24;
	v4 =	vadd.s32 v23, v4  }
0x370: {  	v52 =	vld [tilespmem:s29+$0x2780];
	v40 =	vnsel vm12, $0x1, v40;
	vm12 =	vlt.s32 v41, $0x1;
	v4 =	vadd.s32 v37, v4  }
0x371: {  	v62 =	vld [tilespmem:s29+$0x2900];
	v41 =	vnsel vm12, $0x1, v41;
	vm9 =	vlt.s32 v26, $0x1;
	v4 =	vadd.s32 v28, v4  }
0x372: {  	v63 =	vld [tilespmem:s29+$0x2980];
	vm11 =	vlt.s32 v55, $0x1;
	v26 =	vnsel vm9, $0x1, v26;
	v4 =	vadd.s32 v41, v4  }
0x373: {  	v61 =	vld [tilespmem:s29+$0x2B80];
	vm9 =	vlt.s32 v56, $0x1;
	v38 =	vnsel vm11, $0x1, v55;
	v4 =	vadd.s32 v42, v4  }
0x374: {  	v6 =	vld [tilespmem:s28+$0x3000];
	v36 =	vnsel vm9, $0x1, v56;
	vm9 =	vlt.s32 v48, $0x1;
	v4 =	vadd.s32 v38, v4  }
0x375: {  	v34 =	vld [tilespmem:s29+$0x3000];
	vm5 =	vlt.s32 v52, $0x1;
	v28 =	vnsel vm9, $0x1, v48;
	v4 =	vadd.s32 v40, v4  }
0x376: {  	v35 =	vld [tilespmem:s29+$0x3180];
	vm11 =	vlt.s32 v57, $0x1;
	v23 =	vnsel vm6, $0x1, v44;
	v4 =	vadd.s32 v28, v4  }
0x377: {  	v37 =	vld [tilespmem:s29+$0x2600];
	v56 =	vnsel vm10, $0x1, v59;
	vm9 =	vlt.s32 v46, $0x1;
	v4 =	vadd.s32 v43, v4  }
0x378: {  	v48 =	vld [tilespmem:s29+$0x2680];
	v58 =	vnsel vm9, $0x1, v46;
	vm9 =	vlt.s32 v49, $0x1;
	v4 =	vadd.s32 v25, v4  }
0x379: {  	v41 =	vld [tilespmem:s29+$0x2700];
	v42 =	vnsel vm11, $0x1, v57;
	vm11 =	vlt.s32 v39, $0x1;
	v4 =	vadd.s32 v26, v4  }
0x37a: {  	v54 =	vld [tilespmem:s29+$0x2A80];
	v60 =	vnsel vm9, $0x1, v49;
	vm9 =	vlt.s32 v62, $0x1;
	v4 =	vadd.s32 v36, v4  }
0x37b: {  	v46 =	vld [tilespmem:s29+$0x2A00];
	v24 =	vnsel vm9, $0x1, v62;
	vm9 =	vlt.s32 v51, $0x1;
	v4 =	vadd.s32 v58, v4  }
0x37c: {  	v45 =	vld [tilespmem:s29+$0x2D00];
	vm6 =	vlt.s32 v37, $0x1;
	v28 =	vnsel vm11, $0x1, v39;
	v4 =	vadd.s32 v42, v4  }
0x37d: {  	v55 =	vld [tilespmem:s29+$0x2B00];
	vm11 =	vlt.s32 v48, $0x1;
	v62 =	vnsel vm6, $0x1, v37;
	v4 =	vadd.s32 v5, v4  }
0x37e: {  	v44 =	vld [tilespmem:s29+$0x2D80];
	vm12 =	vlt.s32 v41, $0x1;
	v48 =	vnsel vm11, $0x1, v48;
	v4 =	vadd.s32 v28, v4  }
0x37f: {  	v38 =	vld [tilespmem:s29+$0x2F00];
	v5 =	vnsel vm9, $0x1, v51;
	vm9 =	vlt.s32 v63, $0x1;
	v4 =	vadd.s32 v53, v4  }
0x380: {  	v40 =	vld [tilespmem:s29+$0x2C00];
	v25 =	vnsel vm9, $0x1, v63;
	vm9 =	vlt.s32 v46, $0x1;
	v4 =	vadd.s32 v47, v4  }
0x381: {  	v37 =	vld [tilespmem:s29+$0x2F80];
	v63 =	vnsel vm12, $0x1, v41;
	v28 =	vnsel vm5, $0x1, v52;
	v4 =	vadd.s32 v60, v4  }
0x382: {  	v39 =	vld [tilespmem:s29+$0x3080];
	v26 =	vnsel vm9, $0x1, v46;
	vm9 =	vlt.s32 v54, $0x1;
	v4 =	vadd.s32 v56, v4  }
0x383: {  	v43 =	vld [tilespmem:s29+$0x2C80];
	vm5 =	vmmov vm14;
	v27 =	vnsel vm9, $0x1, v54;
	v4 =	vadd.s32 v50, v4  }
0x384: {  	v36 =	vld [tilespmem:s29+$0x3100];
	vm9 =	vlt.s32 v55, $0x1;
	v4 =	vadd.s32 v5, v4;
	v5 =	vadd.s32 v30, v29  }
0x385: {  	v42 =	vld [tilespmem:s29+$0x2E00];
	v29 =	vadd.s32 v62, v4;
	v4 =	vnsel vm9, $0x1, v55;
	v5 =	vadd.s32 v31, v5  }
0x386: {  	v41 =	vld [tilespmem:s29+$0x2E80];
	vm9 =	vlt.s32 v61, $0x1;
	v29 =	vadd.s32 v48, v29;
	v30 =	vadd.s32 v32, v5  }
0x387: {  	s0 =	simm.s32 $0x80;
	s5 =	simm.s32 $0x6680;
	v5 =	vnsel vm9, $0x1, v61;
	v32 =	vld [tilespmem:s29+$0x3200];
	v29 =	vadd.s32 v63, v29;
	v31 =	vadd.s32 v33, v30  }
.LBB2_4:
0x388: {  	s1 =	sshra.s32 s0, $0x2;
	p0 =	sne.s32 s0, $0x1C0;
	s0 =	sadd.s32 $0x40, s0;
	vm9 =	vlt.s32 v40, $0x1;
	vm10 =	vlt.s32 v43, $0x1;
	vm11 =	vlt.s32 v45, $0x1;
	v33 =	vld [tilespmem:s29+$0x3280]  }
0x389: {  	v46 =	vadd.s32 v15, v31;
	v15 =	vmovc v4;
	v30 =	vld [tilespmem:s1+$0x2300];
	v40 =	vnsel vm9, $0x1, v40;
	v43 =	vnsel vm10, $0x1, v43  }
0x38a: {  	v4 =	vnsel vm11, $0x1, v45;
	vm9 =	vlt.s32 v44, $0x1;
	v45 =	vadd.s32 v16, v46;
	v16 =	vmovc v5;
	v31 =	vld [tilespmem:s1+$0x2280]  }
0x38b: {  	v44 =	vnsel vm9, $0x1, v44;
	vm9 =	vlt.s32 v42, $0x1;
	v45 =	vadd.s32 v19, v45;
	v19 =	vmovc v40;
	v5 =	vld [tilespmem:s1+$0x1E00]  }
0x38c: {  	v42 =	vnsel vm9, $0x1, v42;
	vm9 =	vlt.s32 v41, $0x1;
	v45 =	vadd.s32 v20, v45;
	v20 =	vmovc v43;
	v40 =	vld [tilespmem:s1+$0x1C80]  }
0x38d: {  	v41 =	vnsel vm9, $0x1, v41;
	vm9 =	vlt.s32 v38, $0x1;
	v45 =	vadd.s32 v17, v45;
	v17 =	vmovc v4;
	v43 =	vld [tilespmem:s1+$0x2880]  }
0x38e: {  	v38 =	vnsel vm9, $0x1, v38;
	vm9 =	vlt.s32 v37, $0x1;
	v45 =	vadd.s32 v12, v45;
	v12 =	vmovc v44;
	v4 =	vld [tilespmem:s1+$0x1D00]  }
0x38f: {  	v37 =	vnsel vm9, $0x1, v37;
	vm9 =	vlt.s32 v39, $0x1;
	v45 =	vadd.s32 v18, v45;
	v18 =	vmovc v42;
	v44 =	vld [tilespmem:s1+$0x1F00]  }
0x390: {  	v39 =	vnsel vm9, $0x1, v39;
	vm9 =	vlt.s32 v36, $0x1;
	v45 =	vadd.s32 v13, v45;
	v13 =	vmovc v41;
	v42 =	vld [tilespmem:s1+$0x1A00]  }
0x391: {  	v36 =	vnsel vm9, $0x1, v36;
	v45 =	vadd.s32 v14, v45;
	vm9 =	vlt.s32 v6, $0x1;
	v14 =	vmovc v38;
	v41 =	vld [tilespmem:s1+$0x2800]  }
0x392: {  	vm10 =	vlt.s32 v35, $0x1;
	v45 =	vadd.s32 v21, v45;
	v46 =	vnsel vm9, $0x1, v6;
	v21 =	vmovc v37;
	v6 =	vmovc v34;
	v38 =	vld [tilespmem:s1+$0x1D80]  }
0x393: {  	v35 =	vnsel vm10, $0x1, v35;
	vm9 =	vlt.s32 v32, $0x1;
	v37 =	vadd.s32 v46, v45;
	v34 =	vld [tilespmem:s1+$0x1C00]  }
0x394: {  	v32 =	vnsel vm9, $0x1, v32;
	vm9 =	vlt.s32 v33, $0x1;
	v37 =	vadd.s32 v9, v37;
	v9 =	vmovc v39;
	v45 =	vld [tilespmem:s1+$0x1B80]  }
0x395: {  	v33 =	vnsel vm9, $0x1, v33;
	v37 =	vadd.s32 v7, v37;
	v7 =	vmov v36;
	v39 =	vld [tilespmem:s1+$0x2200]  }
0x396: {  	v37 =	vadd.s32 v11, v37;
	v11 =	vmov v35;
	v36 =	vld [tilespmem:s1+$0x1A80];
	vm9 =	vlt.s32 v41, $0x1  }
0x397: {  	vm11 =	vlt.s32 v43, $0x1;
	vm10 =	vlt.s32 v44, $0x1;
	v37 =	vadd.s32 v10, v37;
	v10 =	vmovc v32;
	v35 =	vld [tilespmem:s1+$0x1F80]  }
0x398: {  	vm12 =	vlt.s32 v42, $0x1;
	v32 =	vnsel vm11, $0x1, v43;
	v37 =	vadd.s32 v8, v37;
	v8 =	vmovc v33;
	v46 =	vld [tilespmem:s1+$0x2000]  }
0x399: {  	v33 =	vnsel vm12, $0x1, v42;
	v43 =	vsub.s32 $0x32, v37;
	vm11 =	vlt.s32 v45, $0x1;
	v42 =	vld [tilespmem:s1+$0x2080]  }
0x39a: {  	vm12 =	vlt.s32 v5, $0x1;
	v45 =	vnsel vm11, $0x1, v45;
	vm11 =	vlt.s32 v34, $0x1;
	v47 =	vld [tilespmem:s1+$0x2100]  }
0x39b: {  	v5 =	vnsel vm12, $0x1, v5;
	vm12 =	vlt.s32 v39, $0x1;
	vm13 =	vlt.s32 v36, $0x1;
	v48 =	vld [tilespmem:s1+$0x1B00]  }
0x39c: {  	vm14 =	vlt.s32 v40, $0x1;
	v43 =	vcvt.s32.f32 v43;
	v39 =	vnsel vm12, $0x1, v39;
	v49 =	vld [tilespmem:s1+$0x2380]  }
0x39d: {  	v40 =	vnsel vm14, $0x1, v40;
	v34 =	vnsel vm11, $0x1, v34;
	vm11 =	vlt.s32 v4, $0x1;
	v50 =	vld [tilespmem:s1+$0x1E80]  }
0x39e: {  	v36 =	vnsel vm13, $0x1, v36;
	v4 =	vnsel vm11, $0x1, v4;
	vm11 =	vlt.s32 v35, $0x1;
	v51 =	vld [tilespmem:s1+$0x2400];
	[tilespmem:s28+$0x6AD0] =	vst v43  }
0x39f: {  	v33 =	vadd.s32 v33, v36;
	v35 =	vnsel vm11, $0x1, v35;
	vm11 =	vlt.s32 v46, $0x1;
	v36 =	vld.idx.msk [tilespmem:v37+s5+$0x0], $0xffff  }
0x3a0: {  	v37 =	vnsel vm11, $0x1, v46;
	vm11 =	vlt.s32 v42, $0x1;
	vm12 =	vlt.s32 v48, $0x1;
	v43 =	vld [tilespmem:s1+$0x2500]  }
0x3a1: {  	v42 =	vnsel vm11, $0x1, v42;
	v46 =	vnsel vm12, $0x1, v48;
	vm12 =	vlt.s32 v38, $0x1;
	v48 =	vld [tilespmem:s1+$0x2180]  }
0x3a2: {  	v44 =	vnsel vm10, $0x1, v44;
	v33 =	vadd.s32 v46, v33;
	v38 =	vnsel vm12, $0x1, v38;
	v46 =	vld [tilespmem:s1+$0x2580]  }
0x3a3: {  	vm11 =	vlt.s32 v49, $0x1;
	vm10 =	vlt.s32 v50, $0x1;
	v33 =	vadd.s32 v45, v33;
	v52 =	vld [tilespmem:s1+$0x2600]  }
0x3a4: {  	v49 =	vnsel vm11, $0x1, v49;
	v33 =	vadd.s32 v34, v33;
	v34 =	vnsel vm10, $0x1, v50;
	v50 =	vld [tilespmem:s1+$0x2680]  }
0x3a5: {  	vm11 =	vlt.s32 v47, $0x1;
	v33 =	vadd.s32 v40, v33;
	vm10 =	vlt.s32 v43, $0x1;
	v53 =	vld [tilespmem:s1+$0x2700];
	[tilespmem:s28+$0x6B50] =	vst v36;
	s28 =	smov.u32 s29;
	s29 =	smov.u32 s1  }
0x3a6: {  	v36 =	vnsel vm9, $0x1, v41;
	v4 =	vadd.s32 v4, v33;
	vm12 =	vlt.s32 v48, $0x1;
	v33 =	vld [tilespmem:s29+$0x2780]  }
0x3a7: {  	v4 =	vadd.s32 v38, v4;
	v38 =	vnsel vm11, $0x1, v47;
	v41 =	vnsel vm12, $0x1, v48;
	v40 =	vld [tilespmem:s29+$0x2480]  }
0x3a8: {  	vm9 =	vlt.s32 v31, $0x1;
	v4 =	vadd.s32 v5, v4;
	vm11 =	vlt.s32 v52, $0x1;
	v5 =	vld [tilespmem:s29+$0x2900]  }
0x3a9: {  	v31 =	vnsel vm9, $0x1, v31;
	v4 =	vadd.s32 v34, v4;
	vm12 =	vlt.s32 v50, $0x1;
	v34 =	vld [tilespmem:s29+$0x2980]  }
0x3aa: {  	vm9 =	vlt.s32 v30, $0x1;
	v4 =	vadd.s32 v44, v4;
	vm13 =	vlt.s32 v53, $0x1;
	v47 =	vld [tilespmem:s29+$0x2A00]  }
0x3ab: {  	v30 =	vnsel vm9, $0x1, v30;
	v4 =	vadd.s32 v35, v4;
	vm9 =	vlt.s32 v33, $0x1;
	v35 =	vld [tilespmem:s29+$0x2A80]  }
0x3ac: {  	vm14 =	vlt.s32 v51, $0x1;
	v4 =	vadd.s32 v37, v4;
	vm15 =	vlt.s32 v40, $0x1;
	v48 =	vld [tilespmem:s29+$0x2B00]  }
0x3ad: {  	v37 =	vnsel vm14, $0x1, v51;
	v4 =	vadd.s32 v42, v4;
	vm14 =	vlt.s32 v5, $0x1;
	v51 =	vld [tilespmem:s29+$0x2B80]  }
0x3ae: {  	v54 =	vnsel vm15, $0x1, v40;
	v4 =	vadd.s32 v38, v4;
	v5 =	vnsel vm14, $0x1, v5;
	v40 =	vld [tilespmem:s29+$0x2C00]  }
0x3af: {  	v55 =	vnsel vm10, $0x1, v43;
	vm10 =	vlt.s32 v46, $0x1;
	v4 =	vadd.s32 v41, v4;
	v43 =	vld [tilespmem:s29+$0x2C80]  }
0x3b0: {  	v4 =	vadd.s32 v39, v4;
	v39 =	vnsel vm10, $0x1, v46;
	vm10 =	vlt.s32 v34, $0x1;
	v45 =	vld [tilespmem:s29+$0x2D00]  }
0x3b1: {  	v4 =	vadd.s32 v31, v4;
	v31 =	vnsel vm11, $0x1, v52;
	v46 =	vnsel vm10, $0x1, v34;
	v44 =	vld [tilespmem:s29+$0x2D80]  }
0x3b2: {  	vm10 =	vlt.s32 v47, $0x1;
	v4 =	vadd.s32 v30, v4;
	v30 =	vnsel vm12, $0x1, v50;
	v42 =	vld [tilespmem:s29+$0x2E00]  }
0x3b3: {  	v47 =	vnsel vm10, $0x1, v47;
	v4 =	vadd.s32 v49, v4;
	v49 =	vnsel vm13, $0x1, v53;
	v41 =	vld [tilespmem:s29+$0x2E80]  }
0x3b4: {  	v29 =	vadd.s32 v28, v29;
	v28 =	vnsel vm9, $0x1, v33;
	v4 =	vadd.s32 v37, v4;
	v38 =	vld [tilespmem:s29+$0x2F00]  }
0x3b5: {  	v29 =	vadd.s32 v23, v29;
	v23 =	vmovc v36;
	vm9 =	vlt.s32 v35, $0x1;
	v4 =	vadd.s32 v54, v4;
	v37 =	vld [tilespmem:s29+$0x2F80]  }
.Ltmp1:
0x3b6: {  	v29 =	vadd.s32 v22, v29;
	v22 =	vmovc v32;
	v33 =	vnsel vm9, $0x1, v35;
	v4 =	vadd.s32 v55, v4;
	v34 =	vld [tilespmem:s29+$0x3000];
	(pc) =	sbr.rel @p0 .LBB2_4-.Ltmp1, $4  }
0x3b7: {  	v29 =	vadd.s32 v24, v29;
	v24 =	vmovc v5;
	vm9 =	vlt.s32 v48, $0x1;
	v4 =	vadd.s32 v39, v4;
	v39 =	vld [tilespmem:s29+$0x3080]  }
0x3b8: {  	v29 =	vadd.s32 v25, v29;
	v25 =	vmovc v46;
	v5 =	vadd.s32 v31, v4;
	v4 =	vnsel vm9, $0x1, v48;
	v36 =	vld [tilespmem:s29+$0x3100]  }
0x3b9: {  	vm9 =	vlt.s32 v51, $0x1;
	v5 =	vadd.s32 v30, v5;
	v35 =	vld [tilespmem:s29+$0x3180];
	v30 =	vadd.s32 v26, v29;
	v26 =	vmovc v47  }
0x3ba: {  	v29 =	vadd.s32 v49, v5;
	v5 =	vnsel vm9, $0x1, v51;
	v32 =	vld [tilespmem:s29+$0x3200];
	v31 =	vadd.s32 v27, v30;
	v27 =	vmovc v33  }
0x3bb: {  	vm9 =	vlt.s32 v40, $0x1;
	vm10 =	vlt.s32 v43, $0x1  }
0x3bc: {  	vm11 =	vlt.s32 v45, $0x1;
	v15 =	vadd.s32 v15, v31;
	v28 =	vadd.s32 v28, v29  }
0x3bd: {  	v30 =	vnsel vm9, $0x1, v40;
	v33 =	vnsel vm10, $0x1, v43;
	v48 =	vnsel vm11, $0x1, v45  }
0x3be: {  	vm9 =	vlt.s32 v44, $0x1;
	v15 =	vadd.s32 v16, v15;
	v49 =	vadd.s32 v23, v28  }
0x3bf: {  	vm10 =	vlt.s32 v6, $0x1;
	v15 =	vadd.s32 v19, v15;
	v16 =	vadd.s32 v22, v49  }
0x3c0: {  	v50 =	vnsel vm9, $0x1, v44;
	v15 =	vadd.s32 v20, v15;
	v16 =	vadd.s32 v24, v16  }
0x3c1: {  	vm9 =	vlt.s32 v42, $0x1;
	v15 =	vadd.s32 v17, v15;
	v16 =	vadd.s32 v25, v16  }
0x3c2: {  	v6 =	vnsel vm10, $0x1, v6;
	v12 =	vadd.s32 v12, v15;
	v52 =	vadd.s32 v26, v16  }
0x3c3: {  	v51 =	vnsel vm9, $0x1, v42;
	v12 =	vadd.s32 v18, v12;
	v15 =	vadd.s32 v27, v52  }
0x3c4: {  	vm9 =	vlt.s32 v41, $0x1;
	v12 =	vadd.s32 v13, v12;
	v4 =	vadd.s32 v4, v15  }
0x3c5: {  	v53 =	vnsel vm9, $0x1, v41;
	v12 =	vadd.s32 v14, v12;
	v4 =	vadd.s32 v5, v4  }
0x3c6: {  	vm9 =	vlt.s32 v38, $0x1;
	v5 =	vadd.s32 v21, v12;
	v4 =	vadd.s32 v30, v4  }
0x3c7: {  	v54 =	vnsel vm9, $0x1, v38;
	v5 =	vadd.s32 v6, v5;
	v4 =	vadd.s32 v33, v4  }
0x3c8: {  	vm9 =	vlt.s32 v37, $0x1;
	v5 =	vadd.s32 v9, v5;
	v4 =	vadd.s32 v48, v4  }
0x3c9: {  	v55 =	vnsel vm9, $0x1, v37;
	v5 =	vadd.s32 v7, v5;
	v4 =	vadd.s32 v50, v4  }
0x3ca: {  	vm9 =	vlt.s32 v39, $0x1;
	v5 =	vadd.s32 v11, v5;
	v4 =	vadd.s32 v51, v4  }
0x3cb: {  	v56 =	vnsel vm9, $0x1, v39;
	v5 =	vadd.s32 v10, v5;
	v4 =	vadd.s32 v53, v4  }
0x3cc: {  	v57 =	vld [tilespmem:s29+$0x3280];
	vm9 =	vlt.s32 v34, $0x1;
	v5 =	vadd.s32 v8, v5;
	v4 =	vadd.s32 v54, v4  }
0x3cd: {  	v58 =	vnsel vm9, $0x1, v34;
	v8 =	vsub.s32 $0x32, v5;
	v4 =	vadd.s32 v55, v4  }
0x3ce: {  	vm9 =	vlt.s32 v36, $0x1;
	v8 =	vcvt.s32.f32 v8;
	v4 =	vadd.s32 v58, v4  }
0x3cf: {  	v59 =	vnsel vm9, $0x1, v36;
	vm9 =	vlt.s32 v35, $0x1;
	v4 =	vadd.s32 v56, v4  }
0x3d0: {  	v60 =	vnsel vm9, $0x1, v35;
	vm9 =	vlt.s32 v32, $0x1;
	[tilespmem:s28+$0x6AD0] =	vst v8;
	v4 =	vadd.s32 v59, v4  }
0x3d1: {  	v61 =	vnsel vm9, $0x1, v32;
	vm9 =	vlt.s32 v57, $0x1;
	v5 =	vld.idx.msk [tilespmem:v5+s5+$0x0], $0xffff;
	v4 =	vadd.s32 v60, v4  }
0x3d2: {  	v62 =	vnsel vm9, $0x1, v57;
	v4 =	vadd.s32 v61, v4  }
0x3d3: {  	v4 =	vadd.s32 v62, v4  }
0x3d4: {  	v63 =	vsub.s32 $0x32, v4  }
0x3d5: {  	v6 =	vcvt.s32.f32 v63  }
0x3d6: {  	[tilespmem:s28+$0x6B50] =	vst v5  }
0x3d7: {  	[tilespmem:s29+$0x6AD0] =	vst v6  }
0x3d8: {  	v4 =	vld.idx.msk [tilespmem:v4+s5+$0x0], $0xffff;
	_ =	sdelay $0x4  }
0x3d9: {  	s0 =	simm.s32 $0x1;
	[tilespmem:s29+$0x6B50] =	vst v4  }
0x3da: {  	_ =	swait.ge [sflag:s0], $0x800  }
0x3db: {  	[sflag:s0] =	ssyncset.done $0x0  }
0x3dc: {  	[sflag:s0] =	ssyncadd.s32 $0xFFFFF800  }
0x3dd: {  	_ =	swait.ge [sflag:s0], $0x800  }
0x3de: {  	[sflag:s0] =	ssyncset.done $0x0  }
0x3df: {  	[sflag:s0] =	ssyncadd.s32 $0xFFFFF800  }
0x3e0: {  	_ =	swait.ge [sflag:s0], $0x2000  }
0x3e1: {  	[sflag:s0] =	ssyncset.done $0x0  }
0x3e2: {  	[sflag:s0] =	ssyncadd.s32 $0xFFFFE000  }
0x3e3: {  	s3 =	simm.s32 $0x4;
	s6 =	simm.s32 $0x3580;
	vm12 =	vcmask $0x704;
	vm15 =	vcmask $0x1F1C;
	vm6 =	vcmask $0x3330;
	_ =	swait.ge [sflag:s0], $0x400  }
0x3e4: {  	s7 =	simm.s32 $0x3D80;
	vm7 =	vcmask $0x3B38;
	vm13 =	vcmask $0x2F2C;
	s8 =	simm.s32 $0x2;
	vm14 =	vcmask $0x3734;
	[sflag:s0] =	ssyncset.done $0x0  }
0x3e5: {  	s9 =	simm.s32 $0x3;
	vm11 =	vcmask $0x2724;
	vm10 =	vcmask $0xF0C;
	vm9 =	vcmask $0x1714;
	s28 =	simm.s32 $0x0;
	[sflag:s0] =	ssyncadd.s32 $0xFFFFFC00  }
.LBB2_6:
0x3e6: {  	v9 =	vld [tilespmem:$0x66D0]  }
0x3e7: {  	v8 =	vld [tilespmem:$0x66E0]  }
0x3e8: {  	v7 =	vld [tilespmem:$0x66F0]  }
0x3e9: {  	s29 =	sshll.u32 s28, $0x4;
	v6 =	vld [tilespmem:$0x6700]  }
0x3ea: {  	v10 =	vld [tilespmem:s29+$0x6AD0];
	_ =	swait.ge [sflag:s8], $0x6400  }
0x3eb: {  	[sflag:s8] =	ssyncset.done $0x0  }
0x3ec: {  	s1 =	simm.s32 $0x40;
	[sflag:s8] =	ssyncadd.s32 $0xFFFF9C00  }
0x3ed: {  	v4 =	vld [tilespmem:s1+$0x78C0]  }
0x3ee: {  	v5 =	vld [tilespmem:s1+$0x7900]  }
0x3ef: {  	v11 =	vld [tilespmem:s1+$0x6C10]  }
0x3f0: {  	v12 =	vld [tilespmem:s1+$0x6C50]  }
0x3f1: {  	v14 =	vld [tilespmem:s1+$0x6C20]  }
0x3f2: {  	v15 =	vld [tilespmem:s1+$0x6C60]  }
0x3f3: {  	v16 =	vld [tilespmem:s1+$0x6C30]  }
0x3f4: {  	v17 =	vld [tilespmem:s1+$0x6C70]  }
0x3f5: {  	v18 =	vld [tilespmem:s1+$0x6C40]  }
0x3f6: {  	v19 =	vld [tilespmem:s1+$0x6C80];
	_ =	sdelay $0x1  }
0x3f7: {  	v24 =	vld [tilespmem:s1+$0x7890];
	v4 =	vadd.f32 v5, v4  }
0x3f8: {  	v23 =	vimm.f32 $0.0e+00;
	v11 =	vadd.f32 v12, v11;
	v12 =	vld [tilespmem:s1+$0x78D0]  }
0x3f9: {  	v25 =	vld [tilespmem:s1+$0x78E0];
	v13 =	vadd.f32 v4, v23;
	v4 =	vadd.f32 v15, v14  }
0x3fa: {  	v5 =	vld [tilespmem:s1+$0x78A0];
	v14 =	vadd.f32 v17, v16;
	v15 =	vadd.f32 v19, v18  }
0x3fb: {  	v27 =	vld [tilespmem:s1+$0x78F0];
	v22 =	vadd.f32 v11, v23;
	v21 =	vadd.f32 v4, v23  }
0x3fc: {  	s0 =	simm.s32 $0xC0;
	v11 =	vld [tilespmem:s1+$0x78B0];
	v17 =	vadd.f32 v14, v23;
	v20 =	vadd.f32 v15, v23  }
0x3fd: {  	v26 =	vld [tilespmem:s0+$0x78C0];
	s1 =	simm.s32 $0x500;
	v4 =	vimm.f32 $0.0e+00;
	v12 =	vadd.f32 v12, v24;
	v24 =	vimm.f32 $0.0e+00  }
.LBB2_7:
0x3fe: {  	p0 =	sne.s32 s1, $0x3100;
	v14 =	vld [tilespmem:s0+$0x7900]  }
0x3ff: {  	v15 =	vld [tilespmem:s0+$0x6C10];
	v23 =	vadd.f32 v12, v23;
	v5 =	vadd.f32 v25, v5  }
0x400: {  	v12 =	vld [tilespmem:s0+$0x6C50]  }
0x401: {  	v16 =	vld [tilespmem:s0+$0x6C20];
	v4 =	vadd.f32 v5, v4;
	v5 =	vadd.f32 v27, v11  }
0x402: {  	v11 =	vld [tilespmem:s0+$0x6C60]  }
0x403: {  	v18 =	vld [tilespmem:s0+$0x6C30];
	v14 =	vadd.f32 v14, v26;
	v24 =	vadd.f32 v5, v24  }
0x404: {  	v5 =	vld [tilespmem:s0+$0x6C70]  }
0x405: {  	v12 =	vadd.f32 v12, v15;
	v15 =	vld [tilespmem:s0+$0x6C40];
	v13 =	vadd.f32 v14, v13  }
0x406: {  	v14 =	vld [tilespmem:s0+$0x6C80]  }
0x407: {  	v22 =	vadd.f32 v12, v22;
	v11 =	vadd.f32 v11, v16;
	v12 =	vld [tilespmem:s0+$0x7890]  }
0x408: {  	v16 =	vld [tilespmem:s0+$0x78D0]  }
.Ltmp2:
0x409: {  	v21 =	vadd.f32 v11, v21;
	v11 =	vadd.f32 v5, v18;
	v5 =	vld [tilespmem:s0+$0x78A0];
	(pc) =	sbr.rel @p0 .LBB2_7-.Ltmp2, $4  }
0x40a: {  	v25 =	vld [tilespmem:s0+$0x78E0]  }
0x40b: {  	v17 =	vadd.f32 v11, v17;
	v14 =	vadd.f32 v14, v15;
	v11 =	vld [tilespmem:s0+$0x78B0]  }
0x40c: {  	v27 =	vld [tilespmem:s0+$0x78F0];
	s0 =	sshra.s32 s1, $0x2  }
0x40d: {  	s1 =	sadd.s32 $0x200, s1;
	v26 =	vld [tilespmem:s0+$0x78C0];
	v20 =	vadd.f32 v14, v20;
	v12 =	vadd.f32 v16, v12  }
0x40e: {  	v14 =	vld [tilespmem:s0+$0x7900]  }
0x40f: {  	v15 =	vld [tilespmem:s0+$0x6C10]  }
0x410: {  	v16 =	vld [tilespmem:s0+$0x6C50]  }
0x411: {  	v28 =	vld [tilespmem:s0+$0x6C20]  }
0x412: {  	v29 =	vld [tilespmem:s0+$0x6C60]  }
0x413: {  	v30 =	vld [tilespmem:s0+$0x6C30]  }
0x414: {  	v31 =	vld [tilespmem:s0+$0x6C70]  }
0x415: {  	v32 =	vld [tilespmem:s0+$0x6C40]  }
0x416: {  	v33 =	vld [tilespmem:s0+$0x6C80]  }
0x417: {  	v34 =	vld [tilespmem:s0+$0x7890]  }
0x418: {  	v35 =	vld [tilespmem:s0+$0x78D0]  }
0x419: {  	v36 =	vld [tilespmem:s0+$0x78A0]  }
0x41a: {  	v37 =	vld [tilespmem:s0+$0x78E0]  }
0x41b: {  	v38 =	vld [tilespmem:s0+$0x78B0]  }
0x41c: {  	v39 =	vld [tilespmem:s0+$0x78F0];
	s31 =	simm.s32 $0xFFFFF380  }
0x41d: {  	v40 =	vld [tilespmem:s31+$0x9E80];
	v5 =	vadd.f32 v25, v5  }
0x41e: {  	v41 =	vld [tilespmem:s31+$0x9EC0]  }
0x41f: {  	v58 =	vld [tilespmem:s31+$0x91D0];
	v4 =	vadd.f32 v5, v4;
	v5 =	vadd.f32 v14, v26  }
0x420: {  	v59 =	vld [tilespmem:s31+$0x91E0];
	v15 =	vadd.f32 v16, v15  }
0x421: {  	v60 =	vld [tilespmem:s31+$0x91F0];
	v5 =	vadd.f32 v5, v13  }
0x422: {  	v61 =	vld [tilespmem:s31+$0x9230];
	v15 =	vadd.f32 v15, v22  }
0x423: {  	s1 =	sshll.u32 s28, $0xA;
	v62 =	vld [tilespmem:s31+$0x9200];
	[tilespmem:$0x1FF40] =	vst v5;
	v5 =	vadd.f32 v29, v28  }
0x424: {  	s30 =	sand.u32 $0x3FFFFC00, s1;
	v63 =	vld [tilespmem:s31+$0x9240];
	[tilespmem:$0x1FF50] =	vst v15;
	v15 =	vadd.f32 v31, v30  }
0x425: {  	v18 =	vld [tilespmem:s30+$0x4680];
	v5 =	vadd.f32 v5, v21  }
0x426: {  	v52 =	vld [tilespmem:s30+$0x4690];
	v15 =	vadd.f32 v15, v17  }
0x427: {  	v12 =	vadd.f32 v12, v23;
	v53 =	vld [tilespmem:s30+$0x46A0];
	[tilespmem:$0x1FF60] =	vst v5  }
0x428: {  	v54 =	vld [tilespmem:s30+$0x46B0];
	v5 =	vadd.f32 v33, v32;
	[tilespmem:$0x1FF70] =	vst v15;
	v15 =	vadd.f32 v35, v34  }
0x429: {  	v55 =	vld [tilespmem:s30+$0x46C0]  }
0x42a: {  	[tilespmem:$0x1FED0] =	vst v18;
	v5 =	vadd.f32 v5, v20;
	v12 =	vadd.f32 v15, v12;
	v15 =	vld [tilespmem:s30+$0x46F0]  }
0x42b: {  	v56 =	vld [tilespmem:s30+$0x46D0];
	v11 =	vadd.f32 v27, v11;
	[tilespmem:$0x1FEE0] =	vst v52  }
0x42c: {  	v14 =	vld [tilespmem:s31+$0x9210];
	[tilespmem:$0x1FF80] =	vst v5;
	v5 =	vadd.f32 v37, v36  }
0x42d: {  	v11 =	vadd.f32 v11, v24;
	v13 =	vld [tilespmem:s31+$0x9220];
	[tilespmem:$0x1FF90] =	vst v12;
	v12 =	vadd.f32 v39, v38  }
0x42e: {  	v57 =	vld [tilespmem:s30+$0x46E0];
	[tilespmem:$0x1FEF0] =	vst v53;
	v4 =	vadd.f32 v5, v4  }
0x42f: {  	v5 =	vadd.f32 v12, v11;
	v12 =	vld [tilespmem:s31+$0x9E90];
	[tilespmem:$0x1FFA0] =	vst v15  }
0x430: {  	v15 =	vld [tilespmem:s31+$0x9E50];
	[tilespmem:$0x1FFB0] =	vst v4;
	v4 =	vadd.f32 v41, v40  }
0x431: {  	v39 =	vimm.f32 $0.0e+00;
	v11 =	vadd.f32 v14, v58;
	v14 =	vadd.f32 v63, v62;
	[tilespmem:$0x1FFC0] =	vst v5;
	v5 =	vld [tilespmem:s31+$0x9E60]  }
0x432: {  	[tilespmem:$0x1FF00] =	vst v54;
	v41 =	vld [tilespmem:s31+$0x9EA0];
	v32 =	vadd.f32 v4, v39;
	v4 =	vadd.f32 v13, v59  }
0x433: {  	v43 =	vld [tilespmem:s31+$0x9EB0];
	[tilespmem:$0x1FF10] =	vst v55;
	v38 =	vadd.f32 v11, v39;
	v13 =	vadd.f32 v61, v60  }
0x434: {  	s0 =	simm.s32 $0xFFFFF400;
	[tilespmem:$0x1FF20] =	vst v56;
	v11 =	vld [tilespmem:s31+$0x9E70];
	v36 =	vadd.f32 v14, v39;
	v40 =	vimm.f32 $0.0e+00;
	v37 =	vadd.f32 v4, v39  }
0x435: {  	v42 =	vld [tilespmem:s0+$0x9E80];
	s1 =	simm.s32 $0xFFFFD200;
	[tilespmem:$0x1FF30] =	vst v57;
	v35 =	vadd.f32 v13, v39;
	v12 =	vadd.f32 v12, v15;
	v4 =	vimm.f32 $0.0e+00  }
.LBB2_9:
0x436: {  	p0 =	sne.s32 s1, $0xFFFFFE00;
	v13 =	vld [tilespmem:s0+$0x9EC0]  }
0x437: {  	v14 =	vld [tilespmem:s0+$0x91D0];
	v39 =	vadd.f32 v12, v39;
	v5 =	vadd.f32 v41, v5  }
0x438: {  	v12 =	vld [tilespmem:s0+$0x9210]  }
0x439: {  	v15 =	vld [tilespmem:s0+$0x91E0];
	v40 =	vadd.f32 v5, v40;
	v5 =	vadd.f32 v43, v11  }
0x43a: {  	v11 =	vld [tilespmem:s0+$0x9220]  }
0x43b: {  	v16 =	vld [tilespmem:s0+$0x91F0];
	v13 =	vadd.f32 v13, v42;
	v4 =	vadd.f32 v5, v4  }
0x43c: {  	v5 =	vld [tilespmem:s0+$0x9230]  }
0x43d: {  	v12 =	vadd.f32 v12, v14;
	v14 =	vld [tilespmem:s0+$0x9200];
	v32 =	vadd.f32 v13, v32  }
0x43e: {  	v13 =	vld [tilespmem:s0+$0x9240]  }
0x43f: {  	v38 =	vadd.f32 v12, v38;
	v11 =	vadd.f32 v11, v15;
	v12 =	vld [tilespmem:s0+$0x9E50]  }
0x440: {  	v15 =	vld [tilespmem:s0+$0x9E90]  }
.Ltmp3:
0x441: {  	v37 =	vadd.f32 v11, v37;
	v11 =	vadd.f32 v5, v16;
	v5 =	vld [tilespmem:s0+$0x9E60];
	(pc) =	sbr.rel @p0 .LBB2_9-.Ltmp3, $4  }
0x442: {  	v41 =	vld [tilespmem:s0+$0x9EA0]  }
0x443: {  	v35 =	vadd.f32 v11, v35;
	v13 =	vadd.f32 v13, v14;
	v11 =	vld [tilespmem:s0+$0x9E70]  }
0x444: {  	v43 =	vld [tilespmem:s0+$0x9EB0];
	s0 =	sshra.s32 s1, $0x2  }
0x445: {  	s1 =	sadd.s32 $0x200, s1;
	v42 =	vld [tilespmem:s0+$0x9E80];
	v36 =	vadd.f32 v13, v36;
	v12 =	vadd.f32 v15, v12  }
0x446: {  	v13 =	vld [tilespmem:s0+$0x9EC0]  }
0x447: {  	v14 =	vld [tilespmem:s0+$0x91D0]  }
0x448: {  	v15 =	vld [tilespmem:s0+$0x9210]  }
0x449: {  	v16 =	vld [tilespmem:s0+$0x91E0]  }
0x44a: {  	v17 =	vld [tilespmem:s0+$0x9220]  }
0x44b: {  	v44 =	vld [tilespmem:s0+$0x91F0]  }
0x44c: {  	v45 =	vld [tilespmem:s0+$0x9230]  }
0x44d: {  	v46 =	vld [tilespmem:s0+$0x9200]  }
0x44e: {  	v47 =	vld [tilespmem:s0+$0x9240]  }
0x44f: {  	v48 =	vld [tilespmem:s0+$0x9E50]  }
0x450: {  	v49 =	vld [tilespmem:s0+$0x9E90]  }
0x451: {  	v50 =	vld [tilespmem:s0+$0x9E60]  }
0x452: {  	v51 =	vld [tilespmem:s0+$0x9EA0]  }
0x453: {  	v52 =	vld [tilespmem:s0+$0x9E70]  }
0x454: {  	v53 =	vld [tilespmem:s0+$0x9EB0]  }
0x455: {  	v34 =	vld [tilespmem:s30+$0x4700]  }
0x456: {  	v33 =	vld [tilespmem:s30+$0x4710]  }
0x457: {  	v28 =	vld [tilespmem:s30+$0x4720]  }
0x458: {  	v27 =	vld [tilespmem:s30+$0x4730]  }
0x459: {  	v31 =	vld [tilespmem:s30+$0x4740]  }
0x45a: {  	v30 =	vld [tilespmem:s30+$0x4750]  }
0x45b: {  	v29 =	vld [tilespmem:s30+$0x4760];
	s1 =	simm.s32 $0xFFFFF380  }
0x45c: {  	v54 =	vld [tilespmem:s1+$0xB780]  }
0x45d: {  	v5 =	vadd.f32 v41, v5;
	v55 =	vld [tilespmem:s1+$0xB7C0]  }
0x45e: {  	v12 =	vadd.f32 v12, v39;
	v23 =	vld [tilespmem:s1+$0xAAD0];
	v11 =	vadd.f32 v43, v11  }
0x45f: {  	v56 =	vld [tilespmem:s1+$0xAB10];
	v5 =	vadd.f32 v5, v40;
	v13 =	vadd.f32 v13, v42  }
0x460: {  	v60 =	vld [tilespmem:s1+$0xAAF0];
	v4 =	vadd.f32 v11, v4;
	v11 =	vadd.f32 v15, v14  }
0x461: {  	v61 =	vld [tilespmem:s1+$0xAB30];
	v32 =	vadd.f32 v13, v32;
	v13 =	vadd.f32 v17, v16  }
0x462: {  	v62 =	vld [tilespmem:s1+$0xAB00];
	v42 =	vadd.f32 v11, v38;
	v11 =	vadd.f32 v45, v44  }
0x463: {  	v14 =	vld [tilespmem:s1+$0xAAE0];
	v39 =	vadd.f32 v13, v37;
	v13 =	vadd.f32 v47, v46  }
0x464: {  	v15 =	vld [tilespmem:s1+$0xAB20];
	v37 =	vadd.f32 v11, v35;
	v11 =	vadd.f32 v49, v48  }
0x465: {  	v63 =	vld [tilespmem:s1+$0xAB40];
	v36 =	vadd.f32 v13, v36;
	v13 =	vadd.f32 v51, v50  }
0x466: {  	v57 =	vld [tilespmem:s1+$0xB7A0];
	v40 =	vadd.f32 v11, v12;
	v11 =	vadd.f32 v53, v52  }
0x467: {  	v12 =	vld [tilespmem:s1+$0xB750];
	v41 =	vadd.f32 v13, v5  }
0x468: {  	v5 =	vadd.f32 v55, v54;
	v38 =	vadd.f32 v11, v4;
	v13 =	vld [tilespmem:s1+$0xB790]  }
0x469: {  	v59 =	vld [tilespmem:s1+$0xB7B0];
	v55 =	vimm.f32 $0.0e+00;
	v4 =	vadd.f32 v56, v23;
	v11 =	vadd.f32 v15, v14  }
0x46a: {  	s0 =	simm.s32 $0xFFFFF400;
	v14 =	vadd.f32 v61, v60;
	v46 =	vadd.f32 v5, v55;
	v5 =	vld [tilespmem:s1+$0xB760]  }
0x46b: {  	v58 =	vld [tilespmem:s0+$0xB780];
	v15 =	vadd.f32 v63, v62;
	v54 =	vadd.f32 v4, v55  }
0x46c: {  	v56 =	vimm.f32 $0.0e+00;
	v52 =	vadd.f32 v11, v55;
	v11 =	vld [tilespmem:s1+$0xB770];
	v51 =	vadd.f32 v14, v55  }
0x46d: {  	v35 =	vld [tilespmem:s30+$0x4770];
	v53 =	vadd.f32 v15, v55;
	s1 =	simm.s32 $0xFFFFD200;
	v4 =	vimm.f32 $0.0e+00;
	v12 =	vadd.f32 v13, v12  }
.LBB2_11:
0x46e: {  	p0 =	sne.s32 s1, $0xFFFFFE00;
	v13 =	vld [tilespmem:s0+$0xB7C0]  }
0x46f: {  	v14 =	vld [tilespmem:s0+$0xAAD0];
	v55 =	vadd.f32 v12, v55;
	v5 =	vadd.f32 v57, v5  }
0x470: {  	v12 =	vld [tilespmem:s0+$0xAB10]  }
0x471: {  	v15 =	vld [tilespmem:s0+$0xAAE0];
	v56 =	vadd.f32 v5, v56;
	v5 =	vadd.f32 v59, v11  }
0x472: {  	v11 =	vld [tilespmem:s0+$0xAB20]  }
0x473: {  	v16 =	vld [tilespmem:s0+$0xAAF0];
	v13 =	vadd.f32 v13, v58;
	v4 =	vadd.f32 v5, v4  }
0x474: {  	v5 =	vld [tilespmem:s0+$0xAB30]  }
0x475: {  	v12 =	vadd.f32 v12, v14;
	v14 =	vld [tilespmem:s0+$0xAB00];
	v46 =	vadd.f32 v13, v46  }
0x476: {  	v13 =	vld [tilespmem:s0+$0xAB40]  }
0x477: {  	v54 =	vadd.f32 v12, v54;
	v11 =	vadd.f32 v11, v15;
	v12 =	vld [tilespmem:s0+$0xB750]  }
0x478: {  	v15 =	vld [tilespmem:s0+$0xB790]  }
.Ltmp4:
0x479: {  	v52 =	vadd.f32 v11, v52;
	v11 =	vadd.f32 v5, v16;
	v5 =	vld [tilespmem:s0+$0xB760];
	(pc) =	sbr.rel @p0 .LBB2_11-.Ltmp4, $4  }
0x47a: {  	v57 =	vld [tilespmem:s0+$0xB7A0]  }
0x47b: {  	v51 =	vadd.f32 v11, v51;
	v13 =	vadd.f32 v13, v14;
	v11 =	vld [tilespmem:s0+$0xB770]  }
0x47c: {  	v59 =	vld [tilespmem:s0+$0xB7B0];
	s0 =	sshra.s32 s1, $0x2  }
0x47d: {  	s1 =	sadd.s32 $0x200, s1;
	v58 =	vld [tilespmem:s0+$0xB780];
	v53 =	vadd.f32 v13, v53;
	v12 =	vadd.f32 v15, v12  }
0x47e: {  	v13 =	vld [tilespmem:s0+$0xB7C0]  }
0x47f: {  	v14 =	vld [tilespmem:s0+$0xAAD0]  }
0x480: {  	v15 =	vld [tilespmem:s0+$0xAB10]  }
0x481: {  	v16 =	vld [tilespmem:s0+$0xAAE0]  }
0x482: {  	v17 =	vld [tilespmem:s0+$0xAB20]  }
0x483: {  	v60 =	vld [tilespmem:s0+$0xAAF0]  }
0x484: {  	v61 =	vld [tilespmem:s0+$0xAB30]  }
0x485: {  	v62 =	vld [tilespmem:s0+$0xAB00]  }
0x486: {  	v63 =	vld [tilespmem:s0+$0xAB40]  }
0x487: {  	v18 =	vld [tilespmem:s0+$0xB750]  }
0x488: {  	v19 =	vld [tilespmem:s0+$0xB790]  }
0x489: {  	v20 =	vld [tilespmem:s0+$0xB760]  }
0x48a: {  	v21 =	vld [tilespmem:s0+$0xB7A0]  }
0x48b: {  	v22 =	vld [tilespmem:s0+$0xB770]  }
0x48c: {  	v23 =	vld [tilespmem:s0+$0xB7B0]  }
0x48d: {  	v50 =	vld [tilespmem:s30+$0x4780]  }
0x48e: {  	v49 =	vld [tilespmem:s30+$0x4790]  }
0x48f: {  	v47 =	vld [tilespmem:s30+$0x47A0]  }
0x490: {  	v44 =	vld [tilespmem:s30+$0x47B0]  }
0x491: {  	v48 =	vld [tilespmem:s30+$0x47C0]  }
0x492: {  	v45 =	vld [tilespmem:s30+$0x47D0]  }
0x493: {  	v43 =	vld [tilespmem:s30+$0x47E0];
	s1 =	simm.s32 $0x0  }
0x494: {  	v24 =	vld [tilespmem:s1+$0xC400]  }
0x495: {  	v5 =	vadd.f32 v57, v5;
	v25 =	vld [tilespmem:s1+$0xC440]  }
0x496: {  	v12 =	vadd.f32 v12, v55;
	v26 =	vld [tilespmem:s1+$0xB790];
	v11 =	vadd.f32 v59, v11  }
0x497: {  	v59 =	vld [tilespmem:s1+$0xB750];
	v5 =	vadd.f32 v5, v56;
	v13 =	vadd.f32 v13, v58  }
0x498: {  	v4 =	vadd.f32 v11, v4;
	v11 =	vadd.f32 v15, v14;
	v14 =	vld [tilespmem:s1+$0xB760]  }
0x499: {  	v15 =	vld [tilespmem:s1+$0xB7A0];
	v46 =	vadd.f32 v13, v46;
	v13 =	vadd.f32 v17, v16  }
0x49a: {  	v57 =	vadd.f32 v11, v54;
	v11 =	vadd.f32 v61, v60;
	v16 =	vld [tilespmem:s1+$0xB770]  }
0x49b: {  	v17 =	vld [tilespmem:s1+$0xB7B0];
	v54 =	vadd.f32 v13, v52;
	v13 =	vadd.f32 v63, v62  }
0x49c: {  	v52 =	vadd.f32 v11, v51;
	v11 =	vadd.f32 v19, v18;
	v18 =	vld [tilespmem:s1+$0xB780]  }
0x49d: {  	v19 =	vld [tilespmem:s1+$0xB7C0];
	v53 =	vadd.f32 v13, v53;
	v13 =	vadd.f32 v21, v20  }
0x49e: {  	v51 =	vld [tilespmem:s30+$0x47F0];
	v58 =	vadd.f32 v11, v12;
	v11 =	vadd.f32 v23, v22  }
0x49f: {  	v20 =	vld [tilespmem:s1+$0xC3D0];
	v55 =	vadd.f32 v13, v5;
	v5 =	vadd.f32 v25, v24  }
0x4a0: {  	v63 =	vimm.f32 $0.0e+00;
	v56 =	vadd.f32 v11, v4;
	v4 =	vadd.f32 v26, v59;
	v11 =	vld [tilespmem:s1+$0xC410]  }
0x4a1: {  	v12 =	vld [tilespmem:s1+$0xC3E0];
	v59 =	vadd.f32 v5, v63;
	v5 =	vadd.f32 v15, v14  }
0x4a2: {  	v15 =	vadd.f32 v17, v16;
	v14 =	vld [tilespmem:s1+$0xC420];
	v17 =	vadd.f32 v19, v18  }
0x4a3: {  	v13 =	vld [tilespmem:s1+$0xC3F0];
	v4 =	vadd.f32 v4, v63;
	v61 =	vadd.f32 v5, v63  }
0x4a4: {  	s0 =	simm.s32 $0x80;
	v16 =	vld [tilespmem:s1+$0xC430];
	v60 =	vadd.f32 v15, v63;
	v62 =	vadd.f32 v17, v63  }
0x4a5: {  	s1 =	simm.s32 $0x400;
	v15 =	vld [tilespmem:s0+$0xC400];
	v5 =	vimm.f32 $0.0e+00;
	v17 =	vadd.f32 v11, v20;
	v11 =	vimm.f32 $0.0e+00  }
.LBB2_13:
0x4a6: {  	p0 =	sne.s32 s1, $0x3000;
	v18 =	vld [tilespmem:s0+$0xC440]  }
0x4a7: {  	v19 =	vld [tilespmem:s0+$0xB750];
	v63 =	vadd.f32 v17, v63;
	v12 =	vadd.f32 v14, v12  }
0x4a8: {  	v14 =	vld [tilespmem:s0+$0xB790]  }
0x4a9: {  	v17 =	vld [tilespmem:s0+$0xB760];
	v11 =	vadd.f32 v12, v11;
	v12 =	vadd.f32 v16, v13  }
0x4aa: {  	v13 =	vld [tilespmem:s0+$0xB7A0]  }
0x4ab: {  	v16 =	vld [tilespmem:s0+$0xB770];
	v15 =	vadd.f32 v18, v15;
	v5 =	vadd.f32 v12, v5  }
0x4ac: {  	v12 =	vld [tilespmem:s0+$0xB7B0]  }
0x4ad: {  	v14 =	vadd.f32 v14, v19;
	v18 =	vld [tilespmem:s0+$0xB780];
	v59 =	vadd.f32 v15, v59  }
0x4ae: {  	v15 =	vld [tilespmem:s0+$0xB7C0]  }
0x4af: {  	v4 =	vadd.f32 v14, v4;
	v13 =	vadd.f32 v13, v17;
	v17 =	vld [tilespmem:s0+$0xC3D0]  }
0x4b0: {  	v19 =	vld [tilespmem:s0+$0xC410]  }
.Ltmp5:
0x4b1: {  	v61 =	vadd.f32 v13, v61;
	v13 =	vadd.f32 v12, v16;
	v12 =	vld [tilespmem:s0+$0xC3E0];
	(pc) =	sbr.rel @p0 .LBB2_13-.Ltmp5, $4  }
0x4b2: {  	v14 =	vld [tilespmem:s0+$0xC420]  }
0x4b3: {  	v60 =	vadd.f32 v13, v60;
	v18 =	vadd.f32 v15, v18;
	v13 =	vld [tilespmem:s0+$0xC3F0]  }
0x4b4: {  	v16 =	vld [tilespmem:s0+$0xC430];
	s0 =	sshra.s32 s1, $0x2  }
0x4b5: {  	s1 =	sadd.s32 $0x200, s1;
	v15 =	vld [tilespmem:s0+$0xC400];
	v62 =	vadd.f32 v18, v62;
	v17 =	vadd.f32 v19, v17  }
0x4b6: {  	v18 =	vld [tilespmem:s0+$0xC440]  }
0x4b7: {  	v19 =	vld [tilespmem:s0+$0xB750]  }
0x4b8: {  	v20 =	vld [tilespmem:s0+$0xB790]  }
0x4b9: {  	v21 =	vld [tilespmem:s0+$0xB760]  }
0x4ba: {  	v22 =	vld [tilespmem:s0+$0xB7A0]  }
0x4bb: {  	v23 =	vld [tilespmem:s0+$0xB770]  }
0x4bc: {  	v24 =	vld [tilespmem:s0+$0xB7B0]  }
0x4bd: {  	v12 =	vadd.f32 v14, v12;
	v14 =	vld [tilespmem:s0+$0xB780];
	v13 =	vadd.f32 v16, v13  }
0x4be: {  	v16 =	vld [tilespmem:s0+$0xB7C0]  }
0x4bf: {  	v5 =	vadd.f32 v13, v5;
	v13 =	vadd.f32 v20, v19  }
0x4c0: {  	v11 =	vadd.f32 v12, v11;
	v12 =	vadd.f32 v18, v15;
	v15 =	vld [tilespmem:s0+$0xC3D0]  }
0x4c1: {  	v4 =	vadd.f32 v13, v4;
	v13 =	vadd.f32 v24, v23;
	v23 =	vld [tilespmem:$0x1FF50]  }
0x4c2: {  	v19 =	vbroadcast v10, $0x0;
	v20 =	vld [tilespmem:s0+$0xC3E0];
	v59 =	vadd.f32 v12, v59  }
0x4c3: {  	v12 =	vadd.f32 v22, v21;
	v21 =	vld [tilespmem:s0+$0xC420];
	v14 =	vadd.f32 v16, v14  }
0x4c4: {  	v18 =	vld [tilespmem:s0+$0xC410];
	v22 =	vmul.f32 v9, v19  }
0x4c5: {  	v25 =	vadd.f32 v14, v62;
	v14 =	vld [tilespmem:$0x1FF60]  }
0x4c6: {  	v22 =	vsub.f32 v23, v22;
	v23 =	vld [tilespmem:$0x1FED0];
	_ =	sdelay $0x1  }
0x4c7: {  	v20 =	vadd.f32 v21, v20;
	v21 =	vld [tilespmem:$0x1FEE0]  }
0x4c8: {  	v16 =	vmul.f32 v8, v19  }
0x4c9: {  	v24 =	vld [tilespmem:$0x1FF70]  }
0x4ca: {  	v15 =	vadd.f32 v18, v15;
	v18 =	vld [tilespmem:s0+$0xC430];
	v14 =	vsub.f32 v14, v16;
	v22 =	vmul.f32 v23, v22  }
0x4cb: {  	v11 =	vadd.f32 v20, v11;
	v20 =	vld [tilespmem:$0x1FEF0]  }
0x4cc: {  	v16 =	vld [tilespmem:s0+$0xC3F0];
	v23 =	vmul.f32 v7, v19;
	v14 =	vmul.f32 v21, v14;
	v22 =	vadd.f32 $0.0e+00, v22;
	_ =	sdelay $0x1  }
0x4cd: {  	v23 =	vsub.f32 v24, v23;
	v14 =	vadd.f32 v14, v22;
	v22 =	vld [tilespmem:$0x1FF80];
	_ =	sdelay $0x1  }
0x4ce: {  	v20 =	vmul.f32 v20, v23  }
0x4cf: {  	v19 =	vmul.f32 v6, v19;
	v16 =	vadd.f32 v18, v16;
	v18 =	vld [tilespmem:$0x1FF90]  }
0x4d0: {  	v17 =	vadd.f32 v17, v63;
	v21 =	vbroadcast v10, $0x1;
	v14 =	vadd.f32 v20, v14;
	v20 =	vld [tilespmem:$0x1FF00]  }
0x4d1: {  	v19 =	vsub.f32 v22, v19;
	v22 =	vld [tilespmem:$0x1FF10]  }
0x4d2: {  	v15 =	vadd.f32 v15, v17;
	v17 =	vmul.f32 v9, v21;
	_ =	sdelay $0x1  }
0x4d3: {  	v17 =	vsub.f32 v18, v17;
	_ =	sdelay $0x1  }
0x4d4: {  	v19 =	vmul.f32 v20, v19;
	v17 =	vmul.f32 v22, v17;
	v22 =	vld [tilespmem:$0x1FFB0];
	_ =	sdelay $0x1  }
0x4d5: {  	v14 =	vadd.f32 v19, v14;
	v19 =	vld [tilespmem:$0x1FF20]  }
0x4d6: {  	v18 =	vmul.f32 v8, v21;
	_ =	sdelay $0x1  }
0x4d7: {  	v18 =	vsub.f32 v22, v18;
	_ =	sdelay $0x1  }
0x4d8: {  	v17 =	vadd.f32 $0.0e+00, v17;
	v18 =	vmul.f32 v19, v18;
	v19 =	vld [tilespmem:$0x1FFC0];
	_ =	sdelay $0x1  }
0x4d9: {  	v17 =	vadd.f32 v18, v17;
	v18 =	vld [tilespmem:$0x1FF30]  }
0x4da: {  	v20 =	vbroadcast v10, $0x2;
	v22 =	vmul.f32 v7, v21;
	_ =	sdelay $0x1  }
0x4db: {  	v5 =	vadd.f32 v16, v5;
	v16 =	vmul.f32 v9, v20;
	v19 =	vsub.f32 v19, v22;
	_ =	sdelay $0x1  }
0x4dc: {  	v16 =	vsub.f32 v42, v16;
	v18 =	vmul.f32 v18, v19  }
0x4dd: {  	v23 =	vbroadcast v10, $0x3;
	v22 =	vmul.f32 v8, v20  }
0x4de: {  	v16 =	vmul.f32 v34, v16;
	v17 =	vadd.f32 v18, v17;
	v18 =	vld [tilespmem:$0x1FF40]  }
0x4df: {  	v19 =	vmul.f32 v6, v21;
	v21 =	vsub.f32 v39, v22;
	v22 =	vmul.f32 v9, v23  }
0x4e0: {  	v24 =	vld [tilespmem:$0x1FFA0]  }
0x4e1: {  	v16 =	vadd.f32 $0.0e+00, v16;
	v21 =	vmul.f32 v33, v21;
	v22 =	vsub.f32 v40, v22;
	_ =	sdelay $0x1  }
0x4e2: {  	v16 =	vadd.f32 v21, v16;
	v21 =	vmul.f32 v31, v22;
	v18 =	vsub.f32 v18, v19  }
0x4e3: {  	v22 =	vmul.f32 v7, v23;
	v19 =	vmul.f32 v8, v23  }
0x4e4: {  	v18 =	vmul.f32 v24, v18;
	v24 =	vmul.f32 v7, v20  }
0x4e5: {  	v26 =	vbroadcast v10, $0x4;
	v12 =	vadd.f32 v12, v61;
	v19 =	vsub.f32 v41, v19  }
0x4e6: {  	v22 =	vsub.f32 v38, v22;
	v20 =	vmul.f32 v6, v20;
	v24 =	vsub.f32 v37, v24  }
0x4e7: {  	v21 =	vadd.f32 $0.0e+00, v21;
	v23 =	vmul.f32 v6, v23;
	v19 =	vmul.f32 v30, v19  }
0x4e8: {  	v13 =	vadd.f32 v13, v60;
	v20 =	vsub.f32 v36, v20;
	v24 =	vmul.f32 v28, v24  }
0x4e9: {  	v19 =	vadd.f32 v19, v21;
	v21 =	vmul.f32 v29, v22;
	v22 =	vsub.f32 v32, v23  }
0x4ea: {  	v20 =	vmul.f32 v27, v20;
	v23 =	vmul.f32 v9, v26;
	v16 =	vadd.f32 v24, v16  }
0x4eb: {  	v19 =	vadd.f32 v21, v19;
	v21 =	vmul.f32 v35, v22;
	v22 =	vbroadcast v10, $0x5  }
0x4ec: {  	v17 =	vadd.f32 v18, v17;
	v18 =	vsub.f32 v57, v23;
	v23 =	vmul.f32 v8, v26  }
0x4ed: {  	v29 =	vbroadcast v10, $0x7;
	v16 =	vadd.f32 v20, v16;
	v20 =	vmul.f32 v9, v22  }
0x4ee: {  	v24 =	vmul.f32 v6, v26;
	v19 =	vadd.f32 v21, v19;
	v21 =	vsub.f32 v54, v23  }
0x4ef: {  	v23 =	vmul.f32 v7, v26;
	v26 =	vmul.f32 v8, v22;
	v20 =	vsub.f32 v58, v20  }
0x4f0: {  	v18 =	vmul.f32 v50, v18;
	v27 =	vmul.f32 v7, v22;
	v24 =	vsub.f32 v53, v24  }
0x4f1: {  	v23 =	vsub.f32 v52, v23;
	v26 =	vsub.f32 v55, v26;
	v20 =	vmul.f32 v48, v20  }
0x4f2: {  	v21 =	vmul.f32 v49, v21;
	v18 =	vadd.f32 $0.0e+00, v18;
	v27 =	vsub.f32 v56, v27  }
0x4f3: {  	v23 =	vmul.f32 v47, v23;
	v26 =	vmul.f32 v45, v26;
	v20 =	vadd.f32 $0.0e+00, v20  }
0x4f4: {  	v60 =	vld [tilespmem:s30+$0x4840];
	v18 =	vadd.f32 v21, v18;
	v21 =	vmul.f32 v43, v27;
	v27 =	vbroadcast v10, $0x6  }
0x4f5: {  	v28 =	vld [tilespmem:s30+$0x4800];
	v22 =	vmul.f32 v6, v22;
	v24 =	vmul.f32 v44, v24;
	v20 =	vadd.f32 v26, v20  }
0x4f6: {  	v18 =	vadd.f32 v23, v18;
	v23 =	vmul.f32 v9, v27;
	v58 =	vmul.f32 v8, v27;
	v26 =	vld [tilespmem:s30+$0x4810]  }
0x4f7: {  	v61 =	vld [tilespmem:s30+$0x4850];
	v20 =	vadd.f32 v21, v20;
	v21 =	vsub.f32 v46, v22;
	v22 =	vmul.f32 v9, v29  }
0x4f8: {  	v62 =	vmul.f32 v7, v27;
	v4 =	vsub.f32 v4, v23;
	v23 =	vmul.f32 v8, v29  }
0x4f9: {  	v27 =	vmul.f32 v6, v27;
	v12 =	vsub.f32 v12, v58;
	v15 =	vsub.f32 v15, v22;
	v22 =	vld [tilespmem:s30+$0x4820]  }
0x4fa: {  	v4 =	vmul.f32 v28, v4;
	v11 =	vsub.f32 v11, v23;
	v23 =	vld [tilespmem:s30+$0x4860];
	v28 =	vmul.f32 v7, v29  }
0x4fb: {  	v13 =	vsub.f32 v13, v62;
	v12 =	vmul.f32 v26, v12;
	v26 =	vld [tilespmem:s30+$0x4830];
	v15 =	vmul.f32 v60, v15  }
0x4fc: {  	v63 =	vld [tilespmem:s30+$0x4870];
	v21 =	vmul.f32 v51, v21;
	v4 =	vadd.f32 $0.0e+00, v4;
	v11 =	vmul.f32 v61, v11  }
0x4fd: {  	v5 =	vsub.f32 v5, v28;
	v28 =	vmul.f32 v6, v29;
	v15 =	vadd.f32 $0.0e+00, v15  }
0x4fe: {  	(xrf2) =	vadd.scan.msk.f32 $0xffff, v14;
	v4 =	vadd.f32 v12, v4;
	v12 =	vmul.f32 v22, v13;
	v13 =	vsub.f32 v25, v27  }
0x4ff: {  	(xrf2) =	vadd.scan.msk.f32 $0xffff, v17;
	v14 =	vsub.f32 v59, v28;
	v5 =	vmul.f32 v23, v5;
	v11 =	vadd.f32 v11, v15  }
0x500: {  	(xrf2) =	vadd.scan.msk.f32 $0xffff, v16;
	v15 =	vadd.f32 v24, v18;
	v4 =	vadd.f32 v12, v4;
	v12 =	vmul.f32 v26, v13  }
0x501: {  	(xrf2) =	vadd.scan.msk.f32 $0xffff, v19;
	v13 =	vadd.f32 v21, v20;
	v5 =	vadd.f32 v5, v11;
	v11 =	vmul.f32 v63, v14  }
0x502: {  	(xrf2) =	vadd.scan.msk.f32 $0xffff, v15;
	v4 =	vadd.f32 v12, v4  }
0x503: {  	(xrf2) =	vadd.scan.msk.f32 $0xffff, v13;
	v5 =	vadd.f32 v11, v5  }
0x504: {  	p0 =	seq.s32 s28, $0x7;
	(xrf2) =	vadd.scan.msk.f32 $0xffff, v4  }
0x505: {  	s0 =	smul.u32 @!p0 $0xD00, s28;
	(xrf2) =	vadd.scan.msk.f32 $0xffff, v5;
	_ =	sdelay $0x1  }
0x506: {  	s31 =	sshra.s32 @!p0 s0, $0x2  }
0x507: {  	s1 =	simm.s32 @!p0 $0x64;
	s2 =	simm.s32 @!p0 $0x6C50;
	s0 =	sadd.s32 @!p0 $0x340, s31;
	v4, _, _ =	vpop (xrf2)  }
0x508: {  	[tilespmem:s2], [sflag:$0x2] =	stream.indirect.gather @!p0 [hbm4b:s4+s1], $0x40, s0, s1, $0xb8;
	v5, _, _ =	vpop (xrf2);
	[tilespmem:$0x13450] =	vst v63  }
0x509: {  	s0 =	sadd.s32 @!p0 $0x3A8, s31;
	s2 =	simm.s32 @!p0 $0x8550;
	v11, _, _ =	vpop (xrf2)  }
0x50a: {  	[tilespmem:s2], [sflag:$0x2] =	stream.indirect.gather @!p0 [hbm4b:s4+s1], $0x40, s0, s1, $0xb8;
	v22 =	vimm.f32 $0.0e+00;
	v4 =	vbroadcast v4, $0xF;
	v12, _, _ =	vpop (xrf2);
	[tilespmem:$0x13450] =	vst v63  }
0x50b: {  	s0 =	sadd.s32 @!p0 $0x410, s31;
	s2 =	simm.s32 @!p0 $0x9E50;
	v16 =	vsel vm3, $0x3F800000, v22;
	v13, _, _ =	vpop (xrf2)  }
0x50c: {  	[tilespmem:s2], [sflag:$0x2] =	stream.indirect.gather @!p0 [hbm4b:s4+s1], $0x40, s0, s1, $0xb8;
	v5 =	vbroadcast v5, $0xF;
	v4 =	vmul.f32 v16, v4;
	v14, _, _ =	vpop (xrf2);
	[tilespmem:$0x13450] =	vst v63  }
0x50d: {  	s0 =	sadd.s32 @!p0 $0x478, s31;
	s2 =	simm.s32 @!p0 $0xB750;
	v17 =	vsel vm12, $0x3F800000, v22;
	v15, _, _ =	vpop (xrf2)  }
0x50e: {  	[tilespmem:s2], [sflag:$0x2] =	stream.indirect.gather @!p0 [hbm4b:s4+s1], $0x40, s0, s1, $0xb8;
	v11 =	vbroadcast v11, $0xF;
	v5 =	vmul.f32 v17, v5;
	v4 =	vadd.f32 $0.0e+00, v4;
	v16, _, _ =	vpop (xrf2);
	[tilespmem:$0x13450] =	vst v63  }
0x50f: {  	v17 =	vsel vm0, $0x3F800000, v22;
	_ =	swait.ge [sflag:s9], $0x6400  }
0x510: {  	v4 =	vadd.f32 v5, v4;
	v5 =	vmul.f32 v17, v11;
	v11 =	vbroadcast v12, $0xF;
	[sflag:s9] =	ssyncset.done $0x0  }
0x511: {  	s26 =	simm.s32 $0x40;
	v17 =	vsel vm10, $0x3F800000, v22;
	[sflag:s9] =	ssyncadd.s32 $0xFFFF9C00  }
0x512: {  	v4 =	vadd.f32 v5, v4;
	v5 =	vmul.f32 v17, v11;
	v11 =	vbroadcast v13, $0xF;
	v12 =	vld [tilespmem:s26+$0xDCC0]  }
0x513: {  	v17 =	vsel vm1, $0x3F800000, v22;
	v18 =	vld [tilespmem:s26+$0xDD00]  }
0x514: {  	v4 =	vadd.f32 v5, v4;
	v5 =	vmul.f32 v17, v11;
	v11 =	vbroadcast v14, $0xF;
	v13 =	vld [tilespmem:s26+$0xD010]  }
0x515: {  	v17 =	vsel vm9, $0x3F800000, v22;
	v19 =	vld [tilespmem:s26+$0xD050]  }
0x516: {  	v14 =	vld [tilespmem:s26+$0xD020];
	v4 =	vadd.f32 v5, v4;
	v5 =	vmul.f32 v17, v11;
	v11 =	vbroadcast v15, $0xF  }
0x517: {  	v20 =	vld [tilespmem:s26+$0xD060];
	v17 =	vsel vm2, $0x3F800000, v22  }
0x518: {  	v15 =	vld [tilespmem:s26+$0xD030];
	v4 =	vadd.f32 v5, v4;
	v5 =	vmul.f32 v17, v11;
	v11 =	vbroadcast v16, $0xF  }
0x519: {  	v21 =	vld [tilespmem:s26+$0xD070];
	v16 =	vsel vm15, $0x3F800000, v22  }
0x51a: {  	v17 =	vld [tilespmem:s26+$0xD040];
	v4 =	vadd.f32 v5, v4;
	v5 =	vmul.f32 v16, v11  }
0x51b: {  	v22 =	vld [tilespmem:s26+$0xD080]  }
0x51c: {  	v4 =	vadd.f32 v5, v4  }
0x51d: {  	v11 =	vadd.f32 v18, v12;
	v18 =	vld [tilespmem:s26+$0xDC90]  }
0x51e: {  	v24 =	vimm.f32 $0.0e+00;
	[tilespmem:$0x1FEC0] =	vst v4;
	v4 =	vadd.f32 v19, v13;
	v13 =	vld [tilespmem:s26+$0xDCD0]  }
0x51f: {  	v12 =	vld [tilespmem:s26+$0xDCE0];
	v16 =	vadd.f32 v11, v24;
	v11 =	vadd.f32 v20, v14  }
0x520: {  	v5 =	vld [tilespmem:s26+$0xDCA0];
	v14 =	vadd.f32 v21, v15;
	v15 =	vadd.f32 v22, v17  }
0x521: {  	v27 =	vld [tilespmem:s26+$0xDCF0];
	v22 =	vadd.f32 v11, v24  }
0x522: {  	v25 =	vimm.f32 $0.0e+00;
	s0 =	simm.s32 $0xC0;
	v11 =	vld [tilespmem:s26+$0xDCB0];
	v19 =	vadd.f32 v14, v24;
	v21 =	vadd.f32 v15, v24  }
0x523: {  	s1 =	simm.s32 $0x500;
	v26 =	vld [tilespmem:s0+$0xDCC0];
	v23 =	vadd.f32 v4, v24;
	v4 =	vimm.f32 $0.0e+00;
	v13 =	vadd.f32 v13, v18  }
.LBB2_15:
0x524: {  	p1 =	sne.s32 s1, $0x3100;
	v14 =	vld [tilespmem:s0+$0xDD00]  }
0x525: {  	v15 =	vld [tilespmem:s0+$0xD010];
	v24 =	vadd.f32 v13, v24;
	v5 =	vadd.f32 v12, v5  }
0x526: {  	v12 =	vld [tilespmem:s0+$0xD050]  }
0x527: {  	v13 =	vld [tilespmem:s0+$0xD020];
	v25 =	vadd.f32 v5, v25;
	v5 =	vadd.f32 v27, v11  }
0x528: {  	v11 =	vld [tilespmem:s0+$0xD060]  }
0x529: {  	v17 =	vld [tilespmem:s0+$0xD030];
	v14 =	vadd.f32 v14, v26;
	v4 =	vadd.f32 v5, v4  }
0x52a: {  	v5 =	vld [tilespmem:s0+$0xD070]  }
0x52b: {  	v12 =	vadd.f32 v12, v15;
	v15 =	vld [tilespmem:s0+$0xD040];
	v16 =	vadd.f32 v14, v16  }
0x52c: {  	v14 =	vld [tilespmem:s0+$0xD080]  }
0x52d: {  	v23 =	vadd.f32 v12, v23;
	v11 =	vadd.f32 v11, v13;
	v13 =	vld [tilespmem:s0+$0xDC90]  }
0x52e: {  	v18 =	vld [tilespmem:s0+$0xDCD0]  }
.Ltmp6:
0x52f: {  	v22 =	vadd.f32 v11, v22;
	v11 =	vadd.f32 v5, v17;
	v5 =	vld [tilespmem:s0+$0xDCA0];
	(pc) =	sbr.rel @p1 .LBB2_15-.Ltmp6, $4  }
0x530: {  	v12 =	vld [tilespmem:s0+$0xDCE0]  }
0x531: {  	v19 =	vadd.f32 v11, v19;
	v14 =	vadd.f32 v14, v15;
	v11 =	vld [tilespmem:s0+$0xDCB0]  }
0x532: {  	v27 =	vld [tilespmem:s0+$0xDCF0];
	s0 =	sshra.s32 s1, $0x2  }
0x533: {  	s1 =	sadd.s32 $0x200, s1;
	v26 =	vld [tilespmem:s0+$0xDCC0];
	v21 =	vadd.f32 v14, v21;
	v13 =	vadd.f32 v18, v13  }
0x534: {  	v14 =	vld [tilespmem:s0+$0xDD00]  }
0x535: {  	v15 =	vld [tilespmem:s0+$0xD010]  }
0x536: {  	v17 =	vld [tilespmem:s0+$0xD050]  }
0x537: {  	v18 =	vld [tilespmem:s0+$0xD020]  }
0x538: {  	v28 =	vld [tilespmem:s0+$0xD060]  }
0x539: {  	v29 =	vld [tilespmem:s0+$0xD030]  }
0x53a: {  	v30 =	vld [tilespmem:s0+$0xD070]  }
0x53b: {  	v31 =	vld [tilespmem:s0+$0xD040]  }
0x53c: {  	v32 =	vld [tilespmem:s0+$0xD080]  }
0x53d: {  	v33 =	vld [tilespmem:s0+$0xDC90]  }
0x53e: {  	v34 =	vld [tilespmem:s0+$0xDCD0]  }
0x53f: {  	v35 =	vld [tilespmem:s0+$0xDCA0]  }
0x540: {  	v36 =	vld [tilespmem:s0+$0xDCE0]  }
0x541: {  	v37 =	vld [tilespmem:s0+$0xDCB0]  }
0x542: {  	v38 =	vld [tilespmem:s0+$0xDCF0]  }
0x543: {  	v20 =	vld [tilespmem:s30+$0x4880]  }
0x544: {  	v52 =	vld [tilespmem:s30+$0x4890];
	v11 =	vadd.f32 v27, v11  }
0x545: {  	v53 =	vld [tilespmem:s30+$0x48A0];
	v14 =	vadd.f32 v14, v26  }
0x546: {  	v54 =	vld [tilespmem:s30+$0x48B0];
	v4 =	vadd.f32 v11, v4;
	v11 =	vadd.f32 v17, v15  }
0x547: {  	v55 =	vld [tilespmem:s30+$0x48C0];
	v14 =	vadd.f32 v14, v16  }
0x548: {  	v56 =	vld [tilespmem:s30+$0x48D0];
	v11 =	vadd.f32 v11, v23  }
0x549: {  	v57 =	vld [tilespmem:s30+$0x48E0];
	s1 =	simm.s32 $0xFFFFF380;
	[tilespmem:$0x1FE30] =	vst v14;
	v14 =	vadd.f32 v28, v18  }
0x54a: {  	v39 =	vld [tilespmem:s1+$0x10280];
	[tilespmem:$0x1FE40] =	vst v11;
	v11 =	vadd.f32 v30, v29  }
0x54b: {  	v5 =	vadd.f32 v12, v5;
	v12 =	vld [tilespmem:s1+$0x102C0];
	v14 =	vadd.f32 v14, v22  }
0x54c: {  	v41 =	vld [tilespmem:s1+$0xF5D0];
	v11 =	vadd.f32 v11, v19  }
0x54d: {  	v13 =	vadd.f32 v13, v24;
	v58 =	vld [tilespmem:s1+$0xF620];
	[tilespmem:$0x1FE50] =	vst v14  }
0x54e: {  	v59 =	vld [tilespmem:s1+$0xF5F0];
	v14 =	vadd.f32 v32, v31;
	[tilespmem:$0x1FE60] =	vst v11;
	v11 =	vadd.f32 v34, v33  }
0x54f: {  	v61 =	vld [tilespmem:s1+$0xF600]  }
0x550: {  	[tilespmem:$0x1FDC0] =	vst v20;
	v14 =	vadd.f32 v14, v21;
	v11 =	vadd.f32 v11, v13;
	v13 =	vld [tilespmem:s30+$0x48F0]  }
0x551: {  	v62 =	vld [tilespmem:s1+$0xF640];
	[tilespmem:$0x1FDD0] =	vst v52  }
0x552: {  	v5 =	vadd.f32 v5, v25;
	v15 =	vld [tilespmem:s1+$0xF5E0];
	[tilespmem:$0x1FE70] =	vst v14;
	v14 =	vadd.f32 v36, v35  }
0x553: {  	v60 =	vld [tilespmem:s1+$0xF630];
	[tilespmem:$0x1FDE0] =	vst v53  }
0x554: {  	v42 =	vld [tilespmem:s1+$0xF610];
	[tilespmem:$0x1FE80] =	vst v11;
	v5 =	vadd.f32 v14, v5  }
0x555: {  	v11 =	vadd.f32 v38, v37;
	v14 =	vld [tilespmem:s1+$0x10290];
	[tilespmem:$0x1FE90] =	vst v13  }
0x556: {  	v63 =	vadd.f32 v62, v61;
	v13 =	vld [tilespmem:s1+$0x10250];
	[tilespmem:$0x1FEA0] =	vst v5;
	v5 =	vadd.f32 v12, v39  }
0x557: {  	v40 =	vimm.f32 $0.0e+00;
	[tilespmem:$0x1FDF0] =	vst v54;
	v4 =	vadd.f32 v11, v4;
	v11 =	vadd.f32 v58, v15;
	v12 =	vld [tilespmem:s1+$0x102A0]  }
0x558: {  	[tilespmem:$0x1FE00] =	vst v55;
	v15 =	vadd.f32 v60, v59;
	v33 =	vadd.f32 v5, v40;
	v5 =	vld [tilespmem:s1+$0x10260]  }
0x559: {  	v43 =	vld [tilespmem:s1+$0x102B0];
	v37 =	vadd.f32 v63, v40;
	[tilespmem:$0x1FEB0] =	vst v4;
	v4 =	vadd.f32 v42, v41  }
0x55a: {  	s0 =	simm.s32 $0xFFFFF400;
	[tilespmem:$0x1FE10] =	vst v56;
	v38 =	vadd.f32 v11, v40;
	v11 =	vld [tilespmem:s1+$0x10270];
	v36 =	vadd.f32 v15, v40;
	v41 =	vimm.f32 $0.0e+00  }
0x55b: {  	[tilespmem:$0x1FE20] =	vst v57;
	v42 =	vld [tilespmem:s0+$0x10280];
	v39 =	vadd.f32 v4, v40;
	s1 =	simm.s32 $0xFFFFD200;
	v4 =	vimm.f32 $0.0e+00;
	v13 =	vadd.f32 v14, v13  }
.LBB2_17:
0x55c: {  	p1 =	sne.s32 s1, $0xFFFFFE00;
	v14 =	vld [tilespmem:s0+$0x102C0]  }
0x55d: {  	v15 =	vld [tilespmem:s0+$0xF5D0];
	v40 =	vadd.f32 v13, v40;
	v5 =	vadd.f32 v12, v5  }
0x55e: {  	v12 =	vld [tilespmem:s0+$0xF610]  }
0x55f: {  	v13 =	vld [tilespmem:s0+$0xF5E0];
	v41 =	vadd.f32 v5, v41;
	v5 =	vadd.f32 v43, v11  }
0x560: {  	v11 =	vld [tilespmem:s0+$0xF620]  }
0x561: {  	v16 =	vld [tilespmem:s0+$0xF5F0];
	v14 =	vadd.f32 v14, v42;
	v4 =	vadd.f32 v5, v4  }
0x562: {  	v5 =	vld [tilespmem:s0+$0xF630]  }
0x563: {  	v12 =	vadd.f32 v12, v15;
	v15 =	vld [tilespmem:s0+$0xF600];
	v33 =	vadd.f32 v14, v33  }
0x564: {  	v14 =	vld [tilespmem:s0+$0xF640]  }
0x565: {  	v39 =	vadd.f32 v12, v39;
	v11 =	vadd.f32 v11, v13;
	v13 =	vld [tilespmem:s0+$0x10250]  }
0x566: {  	v17 =	vld [tilespmem:s0+$0x10290]  }
.Ltmp7:
0x567: {  	v38 =	vadd.f32 v11, v38;
	v11 =	vadd.f32 v5, v16;
	v5 =	vld [tilespmem:s0+$0x10260];
	(pc) =	sbr.rel @p1 .LBB2_17-.Ltmp7, $4  }
0x568: {  	v12 =	vld [tilespmem:s0+$0x102A0]  }
0x569: {  	v36 =	vadd.f32 v11, v36;
	v14 =	vadd.f32 v14, v15;
	v11 =	vld [tilespmem:s0+$0x10270]  }
0x56a: {  	v43 =	vld [tilespmem:s0+$0x102B0];
	s0 =	sshra.s32 s1, $0x2  }
0x56b: {  	s1 =	sadd.s32 $0x200, s1;
	v42 =	vld [tilespmem:s0+$0x10280];
	v37 =	vadd.f32 v14, v37;
	v13 =	vadd.f32 v17, v13  }
0x56c: {  	v14 =	vld [tilespmem:s0+$0x102C0]  }
0x56d: {  	v15 =	vld [tilespmem:s0+$0xF5D0]  }
0x56e: {  	v16 =	vld [tilespmem:s0+$0xF610]  }
0x56f: {  	v17 =	vld [tilespmem:s0+$0xF5E0]  }
0x570: {  	v18 =	vld [tilespmem:s0+$0xF620]  }
0x571: {  	v44 =	vld [tilespmem:s0+$0xF5F0]  }
0x572: {  	v45 =	vld [tilespmem:s0+$0xF630]  }
0x573: {  	v46 =	vld [tilespmem:s0+$0xF600]  }
0x574: {  	v47 =	vld [tilespmem:s0+$0xF640]  }
0x575: {  	v48 =	vld [tilespmem:s0+$0x10250]  }
0x576: {  	v49 =	vld [tilespmem:s0+$0x10290]  }
0x577: {  	v50 =	vld [tilespmem:s0+$0x10260]  }
0x578: {  	v51 =	vld [tilespmem:s0+$0x102A0]  }
0x579: {  	v52 =	vld [tilespmem:s0+$0x10270]  }
0x57a: {  	v53 =	vld [tilespmem:s0+$0x102B0]  }
0x57b: {  	v35 =	vld [tilespmem:s30+$0x4900]  }
0x57c: {  	v34 =	vld [tilespmem:s30+$0x4910]  }
0x57d: {  	v32 =	vld [tilespmem:s30+$0x4920]  }
0x57e: {  	v29 =	vld [tilespmem:s30+$0x4930]  }
0x57f: {  	v31 =	vld [tilespmem:s30+$0x4940]  }
0x580: {  	v30 =	vld [tilespmem:s30+$0x4950];
	s1 =	simm.s32 $0xFFFFF380  }
0x581: {  	v61 =	vld [tilespmem:s1+$0x10F00]  }
0x582: {  	v62 =	vld [tilespmem:s1+$0x10F40]  }
0x583: {  	v28 =	vld [tilespmem:s30+$0x4960];
	v5 =	vadd.f32 v12, v5  }
0x584: {  	v54 =	vld [tilespmem:s1+$0x11B80];
	v11 =	vadd.f32 v43, v11  }
0x585: {  	v12 =	vld [tilespmem:s1+$0x11BC0];
	v13 =	vadd.f32 v13, v40;
	v5 =	vadd.f32 v5, v41  }
0x586: {  	v55 =	vld [tilespmem:s1+$0x10ED0];
	v14 =	vadd.f32 v14, v42;
	v4 =	vadd.f32 v11, v4  }
0x587: {  	v57 =	vld [tilespmem:s1+$0x10F10];
	v11 =	vadd.f32 v16, v15;
	v63 =	vadd.f32 v62, v61  }
0x588: {  	v25 =	vld [tilespmem:s1+$0x10F20];
	v33 =	vadd.f32 v14, v33;
	v14 =	vadd.f32 v18, v17  }
0x589: {  	v26 =	vld [tilespmem:s1+$0x10EF0];
	v43 =	vadd.f32 v11, v39;
	v11 =	vadd.f32 v45, v44  }
0x58a: {  	v60 =	vld [tilespmem:s1+$0x10F30];
	v42 =	vadd.f32 v14, v38;
	v14 =	vadd.f32 v47, v46  }
0x58b: {  	v15 =	vld [tilespmem:s1+$0x10EE0];
	v41 =	vadd.f32 v11, v36;
	v11 =	vadd.f32 v49, v48  }
0x58c: {  	v59 =	vld [tilespmem:s1+$0x11BB0];
	v37 =	vadd.f32 v14, v37;
	v14 =	vadd.f32 v51, v50  }
0x58d: {  	v40 =	vadd.f32 v11, v13;
	v11 =	vadd.f32 v53, v52;
	v13 =	vld [tilespmem:s1+$0x11B50]  }
0x58e: {  	v38 =	vadd.f32 v14, v5;
	v5 =	vadd.f32 v12, v54;
	v14 =	vld [tilespmem:s1+$0x11B90]  }
0x58f: {  	v56 =	vimm.f32 $0.0e+00;
	v39 =	vadd.f32 v11, v4;
	v4 =	vadd.f32 v57, v55;
	v12 =	vld [tilespmem:s1+$0x11BA0]  }
0x590: {  	s0 =	simm.s32 $0xFFFFF400;
	v11 =	vadd.f32 v25, v15;
	v49 =	vadd.f32 v5, v56;
	v5 =	vld [tilespmem:s1+$0x11B60]  }
0x591: {  	v58 =	vld [tilespmem:s0+$0x11B80];
	v53 =	vadd.f32 v63, v56;
	v15 =	vadd.f32 v60, v26  }
0x592: {  	v57 =	vimm.f32 $0.0e+00;
	v55 =	vadd.f32 v4, v56;
	v54 =	vadd.f32 v11, v56;
	v11 =	vld [tilespmem:s1+$0x11B70]  }
0x593: {  	v36 =	vld [tilespmem:s30+$0x4970];
	v51 =	vadd.f32 v15, v56;
	s1 =	simm.s32 $0xFFFFD200;
	v4 =	vimm.f32 $0.0e+00;
	v13 =	vadd.f32 v14, v13  }
.LBB2_19:
0x594: {  	p1 =	sne.s32 s1, $0xFFFFFE00;
	v14 =	vld [tilespmem:s0+$0x11BC0]  }
0x595: {  	v15 =	vld [tilespmem:s0+$0x10ED0];
	v56 =	vadd.f32 v13, v56;
	v5 =	vadd.f32 v12, v5  }
0x596: {  	v12 =	vld [tilespmem:s0+$0x10F10]  }
0x597: {  	v13 =	vld [tilespmem:s0+$0x10EE0];
	v57 =	vadd.f32 v5, v57;
	v5 =	vadd.f32 v59, v11  }
0x598: {  	v11 =	vld [tilespmem:s0+$0x10F20]  }
0x599: {  	v16 =	vld [tilespmem:s0+$0x10EF0];
	v14 =	vadd.f32 v14, v58;
	v4 =	vadd.f32 v5, v4  }
0x59a: {  	v5 =	vld [tilespmem:s0+$0x10F30]  }
0x59b: {  	v12 =	vadd.f32 v12, v15;
	v15 =	vld [tilespmem:s0+$0x10F00];
	v49 =	vadd.f32 v14, v49  }
0x59c: {  	v14 =	vld [tilespmem:s0+$0x10F40]  }
0x59d: {  	v55 =	vadd.f32 v12, v55;
	v11 =	vadd.f32 v11, v13;
	v13 =	vld [tilespmem:s0+$0x11B50]  }
0x59e: {  	v17 =	vld [tilespmem:s0+$0x11B90]  }
.Ltmp8:
0x59f: {  	v54 =	vadd.f32 v11, v54;
	v11 =	vadd.f32 v5, v16;
	v5 =	vld [tilespmem:s0+$0x11B60];
	(pc) =	sbr.rel @p1 .LBB2_19-.Ltmp8, $4  }
0x5a0: {  	v12 =	vld [tilespmem:s0+$0x11BA0]  }
0x5a1: {  	v51 =	vadd.f32 v11, v51;
	v14 =	vadd.f32 v14, v15;
	v11 =	vld [tilespmem:s0+$0x11B70]  }
0x5a2: {  	v59 =	vld [tilespmem:s0+$0x11BB0];
	s0 =	sshra.s32 s1, $0x2  }
0x5a3: {  	s1 =	sadd.s32 $0x200, s1;
	v58 =	vld [tilespmem:s0+$0x11B80];
	v53 =	vadd.f32 v14, v53;
	v13 =	vadd.f32 v17, v13  }
0x5a4: {  	v14 =	vld [tilespmem:s0+$0x11BC0]  }
0x5a5: {  	v15 =	vld [tilespmem:s0+$0x10ED0]  }
0x5a6: {  	v16 =	vld [tilespmem:s0+$0x10F10]  }
0x5a7: {  	v17 =	vld [tilespmem:s0+$0x10EE0]  }
0x5a8: {  	v18 =	vld [tilespmem:s0+$0x10F20]  }
0x5a9: {  	v60 =	vld [tilespmem:s0+$0x10EF0]  }
0x5aa: {  	v61 =	vld [tilespmem:s0+$0x10F30]  }
0x5ab: {  	v62 =	vld [tilespmem:s0+$0x10F00]  }
0x5ac: {  	v63 =	vld [tilespmem:s0+$0x10F40]  }
0x5ad: {  	v19 =	vld [tilespmem:s0+$0x11B50]  }
0x5ae: {  	v20 =	vld [tilespmem:s0+$0x11B90]  }
0x5af: {  	v21 =	vld [tilespmem:s0+$0x11B60]  }
0x5b0: {  	v22 =	vld [tilespmem:s0+$0x11BA0]  }
0x5b1: {  	v23 =	vld [tilespmem:s0+$0x11B70]  }
0x5b2: {  	v24 =	vld [tilespmem:s0+$0x11BB0]  }
0x5b3: {  	v52 =	vld [tilespmem:s30+$0x4980]  }
0x5b4: {  	v50 =	vld [tilespmem:s30+$0x4990]  }
0x5b5: {  	v47 =	vld [tilespmem:s30+$0x49A0]  }
0x5b6: {  	v48 =	vld [tilespmem:s30+$0x49B0]  }
0x5b7: {  	v46 =	vld [tilespmem:s30+$0x49C0];
	s1 =	simm.s32 $0x0  }
0x5b8: {  	v25 =	vld [tilespmem:s1+$0x12800]  }
0x5b9: {  	v5 =	vadd.f32 v12, v5;
	v12 =	vld [tilespmem:s1+$0x12840]  }
0x5ba: {  	v45 =	vld [tilespmem:s30+$0x49D0]  }
0x5bb: {  	v44 =	vld [tilespmem:s30+$0x49E0];
	v11 =	vadd.f32 v59, v11  }
0x5bc: {  	v13 =	vadd.f32 v13, v56;
	v26 =	vld [tilespmem:s1+$0x11B50];
	v5 =	vadd.f32 v5, v57  }
0x5bd: {  	v27 =	vld [tilespmem:s1+$0x11B90];
	v14 =	vadd.f32 v14, v58;
	v4 =	vadd.f32 v11, v4  }
0x5be: {  	v11 =	vadd.f32 v16, v15;
	v15 =	vld [tilespmem:s1+$0x11B60];
	v12 =	vadd.f32 v12, v25  }
0x5bf: {  	v16 =	vld [tilespmem:s1+$0x11BA0];
	v49 =	vadd.f32 v14, v49;
	v14 =	vadd.f32 v18, v17  }
0x5c0: {  	v59 =	vadd.f32 v11, v55;
	v11 =	vadd.f32 v61, v60;
	v17 =	vld [tilespmem:s1+$0x11B70]  }
0x5c1: {  	v18 =	vld [tilespmem:s1+$0x11BB0];
	v58 =	vadd.f32 v14, v54;
	v14 =	vadd.f32 v63, v62  }
0x5c2: {  	v56 =	vadd.f32 v11, v51;
	v11 =	vadd.f32 v20, v19;
	v19 =	vld [tilespmem:s1+$0x11B80]  }
0x5c3: {  	v20 =	vld [tilespmem:s1+$0x11BC0];
	v57 =	vadd.f32 v14, v53;
	v14 =	vadd.f32 v22, v21  }
0x5c4: {  	v25 =	vld [tilespmem:s1+$0x127D0];
	v55 =	vadd.f32 v11, v13;
	v11 =	vadd.f32 v24, v23  }
0x5c5: {  	v51 =	vld [tilespmem:s30+$0x49F0];
	v54 =	vadd.f32 v14, v5  }
0x5c6: {  	v53 =	vadd.f32 v11, v4;
	v5 =	vimm.f32 $0.0e+00;
	v4 =	vadd.f32 v27, v26;
	v11 =	vld [tilespmem:s1+$0x12810]  }
0x5c7: {  	v13 =	vld [tilespmem:s1+$0x127E0];
	v60 =	vadd.f32 v12, v5;
	v12 =	vadd.f32 v16, v15  }
0x5c8: {  	v16 =	vadd.f32 v18, v17;
	v15 =	vld [tilespmem:s1+$0x12820];
	v18 =	vadd.f32 v20, v19  }
0x5c9: {  	v14 =	vld [tilespmem:s1+$0x127F0];
	v4 =	vadd.f32 v4, v5;
	v63 =	vadd.f32 v12, v5  }
0x5ca: {  	s0 =	simm.s32 $0x80;
	v17 =	vld [tilespmem:s1+$0x12830];
	v62 =	vadd.f32 v16, v5;
	v61 =	vadd.f32 v18, v5  }
0x5cb: {  	s1 =	simm.s32 $0x400;
	v16 =	vld [tilespmem:s0+$0x12800];
	v12 =	vimm.f32 $0.0e+00;
	v18 =	vadd.f32 v11, v25;
	v11 =	vimm.f32 $0.0e+00  }
.LBB2_21:
0x5cc: {  	p1 =	sne.s32 s1, $0x3000;
	v19 =	vld [tilespmem:s0+$0x12840]  }
0x5cd: {  	v20 =	vld [tilespmem:s0+$0x11B50];
	v5 =	vadd.f32 v18, v5;
	v13 =	vadd.f32 v15, v13  }
0x5ce: {  	v15 =	vld [tilespmem:s0+$0x11B90]  }
0x5cf: {  	v18 =	vld [tilespmem:s0+$0x11B60];
	v12 =	vadd.f32 v13, v12;
	v13 =	vadd.f32 v17, v14  }
0x5d0: {  	v14 =	vld [tilespmem:s0+$0x11BA0]  }
0x5d1: {  	v17 =	vld [tilespmem:s0+$0x11B70];
	v16 =	vadd.f32 v19, v16;
	v11 =	vadd.f32 v13, v11  }
0x5d2: {  	v13 =	vld [tilespmem:s0+$0x11BB0]  }
0x5d3: {  	v15 =	vadd.f32 v15, v20;
	v19 =	vld [tilespmem:s0+$0x11B80];
	v60 =	vadd.f32 v16, v60  }
0x5d4: {  	v16 =	vld [tilespmem:s0+$0x11BC0]  }
0x5d5: {  	v4 =	vadd.f32 v15, v4;
	v14 =	vadd.f32 v14, v18;
	v18 =	vld [tilespmem:s0+$0x127D0]  }
0x5d6: {  	v20 =	vld [tilespmem:s0+$0x12810]  }
.Ltmp9:
0x5d7: {  	v63 =	vadd.f32 v14, v63;
	v14 =	vadd.f32 v13, v17;
	v13 =	vld [tilespmem:s0+$0x127E0];
	(pc) =	sbr.rel @p1 .LBB2_21-.Ltmp9, $4  }
0x5d8: {  	v15 =	vld [tilespmem:s0+$0x12820]  }
0x5d9: {  	v62 =	vadd.f32 v14, v62;
	v19 =	vadd.f32 v16, v19;
	v14 =	vld [tilespmem:s0+$0x127F0]  }
0x5da: {  	v17 =	vld [tilespmem:s0+$0x12830];
	s0 =	sshra.s32 s1, $0x2  }
0x5db: {  	s1 =	sadd.s32 $0x200, s1;
	v16 =	vld [tilespmem:s0+$0x12800];
	v61 =	vadd.f32 v19, v61;
	v18 =	vadd.f32 v20, v18  }
0x5dc: {  	v19 =	vld [tilespmem:s0+$0x12840]  }
0x5dd: {  	v20 =	vld [tilespmem:s0+$0x11B50]  }
0x5de: {  	v22 =	vld [tilespmem:s0+$0x11B60]  }
0x5df: {  	v23 =	vld [tilespmem:s0+$0x11BA0]  }
0x5e0: {  	v21 =	vld [tilespmem:s0+$0x11B90]  }
0x5e1: {  	v24 =	vld [tilespmem:s0+$0x11B70]  }
0x5e2: {  	v25 =	vld [tilespmem:s0+$0x11BB0]  }
0x5e3: {  	v13 =	vadd.f32 v15, v13;
	v15 =	vld [tilespmem:s0+$0x11B80]  }
0x5e4: {  	v14 =	vadd.f32 v17, v14;
	v17 =	vld [tilespmem:s0+$0x11BC0];
	v27 =	vadd.f32 v23, v22  }
0x5e5: {  	v5 =	vadd.f32 v18, v5;
	v26 =	vadd.f32 v19, v16;
	v16 =	vld [tilespmem:s0+$0x127D0]  }
0x5e6: {  	v12 =	vadd.f32 v13, v12;
	v13 =	vadd.f32 v27, v63;
	v27 =	vld [tilespmem:$0x1FE40]  }
0x5e7: {  	v18 =	vbroadcast v10, $0x8;
	v11 =	vadd.f32 v14, v11;
	v14 =	vadd.f32 v21, v20;
	v21 =	vld [tilespmem:s0+$0x127E0]  }
0x5e8: {  	v22 =	vld [tilespmem:s0+$0x12820];
	v60 =	vadd.f32 v26, v60  }
0x5e9: {  	v26 =	vmul.f32 v9, v18;
	v4 =	vadd.f32 v14, v4;
	v14 =	vadd.f32 v25, v24;
	v25 =	vld [tilespmem:$0x1FDC0]  }
0x5ea: {  	v19 =	vld [tilespmem:s0+$0x12810]  }
0x5eb: {  	v20 =	vsub.f32 v27, v26;
	v26 =	vld [tilespmem:$0x1FE50]  }
0x5ec: {  	v63 =	vadd.f32 v17, v15  }
0x5ed: {  	v24 =	vmul.f32 v8, v18;
	v27 =	vadd.f32 v14, v62;
	v62 =	vld [tilespmem:$0x1FDD0]  }
0x5ee: {  	v17 =	vmul.f32 v25, v20;
	v20 =	vadd.f32 v63, v61;
	v61 =	vadd.f32 v22, v21;
	v63 =	vld [tilespmem:$0x1FE60]  }
0x5ef: {  	v16 =	vadd.f32 v19, v16  }
0x5f0: {  	v12 =	vadd.f32 v61, v12;
	v61 =	vld [tilespmem:$0x1FDE0];
	v19 =	vsub.f32 v26, v24  }
0x5f1: {  	v14 =	vmul.f32 v7, v18  }
0x5f2: {  	v19 =	vmul.f32 v62, v19;
	v62 =	vld [tilespmem:$0x1FE80]  }
0x5f3: {  	v24 =	vbroadcast v10, $0x9;
	v14 =	vsub.f32 v63, v14  }
0x5f4: {  	v63 =	vld [tilespmem:$0x1FEA0]  }
0x5f5: {  	v17 =	vadd.f32 $0.0e+00, v17;
	v25 =	vmul.f32 v9, v24;
	v14 =	vmul.f32 v61, v14;
	v61 =	vld [tilespmem:$0x1FE70]  }
0x5f6: {  	v23 =	vld [tilespmem:s0+$0x127F0]  }
0x5f7: {  	v18 =	vmul.f32 v6, v18;
	v17 =	vadd.f32 v19, v17;
	v19 =	vsub.f32 v62, v25;
	v25 =	vld [tilespmem:$0x1FE00]  }
0x5f8: {  	v21 =	vbroadcast v10, $0xA;
	v26 =	vmul.f32 v8, v24;
	v62 =	vld [tilespmem:$0x1FE10]  }
0x5f9: {  	v15 =	vld [tilespmem:s0+$0x12830];
	v5 =	vadd.f32 v16, v5  }
0x5fa: {  	v16 =	vsub.f32 v63, v26;
	v63 =	vmul.f32 v9, v21;
	v18 =	vsub.f32 v61, v18;
	v61 =	vld [tilespmem:$0x1FEB0];
	_ =	sdelay $0x1  }
0x5fb: {  	v26 =	vmul.f32 v7, v24;
	v22 =	vsub.f32 v43, v63;
	v43 =	vld [tilespmem:$0x1FE20]  }
0x5fc: {  	v14 =	vadd.f32 v14, v17;
	v17 =	vmul.f32 v25, v19;
	v16 =	vmul.f32 v62, v16;
	v62 =	vld [tilespmem:$0x1FDF0]  }
0x5fd: {  	v15 =	vadd.f32 v15, v23  }
0x5fe: {  	v19 =	vsub.f32 v61, v26;
	v17 =	vadd.f32 $0.0e+00, v17;
	v61 =	vld [tilespmem:$0x1FE30]  }
0x5ff: {  	v11 =	vadd.f32 v15, v11;
	v23 =	vmul.f32 v6, v24;
	v63 =	vmul.f32 v8, v21  }
0x600: {  	v22 =	vmul.f32 v35, v22;
	v35 =	vbroadcast v10, $0xB;
	v16 =	vadd.f32 v16, v17  }
0x601: {  	v26 =	vld [tilespmem:$0x1FE90];
	v17 =	vmul.f32 v43, v19;
	v18 =	vmul.f32 v62, v18;
	v62 =	vsub.f32 v42, v63  }
0x602: {  	v22 =	vadd.f32 $0.0e+00, v22;
	v63 =	vmul.f32 v7, v21;
	v21 =	vmul.f32 v6, v21  }
0x603: {  	v16 =	vadd.f32 v17, v16;
	v19 =	vsub.f32 v61, v23;
	v23 =	vmul.f32 v34, v62  }
0x604: {  	v24 =	vsub.f32 v41, v63;
	v41 =	vmul.f32 v9, v35;
	v61 =	vmul.f32 v8, v35  }
0x605: {  	v14 =	vadd.f32 v18, v14;
	v62 =	vmul.f32 v7, v35;
	v63 =	vbroadcast v10, $0xC  }
0x606: {  	v21 =	vsub.f32 v37, v21;
	v37 =	vbroadcast v10, $0xD;
	v17 =	vmul.f32 v26, v19  }
0x607: {  	v42 =	vadd.f32 v23, v22;
	v43 =	vmul.f32 v32, v24;
	v19 =	vmul.f32 v6, v35  }
0x608: {  	v15 =	vsub.f32 v40, v41;
	v21 =	vmul.f32 v29, v21;
	v32 =	vmul.f32 v8, v63  }
0x609: {  	v22 =	vsub.f32 v38, v61;
	v35 =	vmul.f32 v7, v63;
	v38 =	vmul.f32 v9, v37  }
0x60a: {  	v18 =	vsub.f32 v39, v62;
	v41 =	vmul.f32 v8, v37;
	v23 =	vmul.f32 v6, v37  }
0x60b: {  	v16 =	vadd.f32 v17, v16;
	v17 =	vadd.f32 v43, v42;
	v15 =	vmul.f32 v31, v15  }
0x60c: {  	v31 =	vmul.f32 v9, v63;
	v22 =	vmul.f32 v30, v22;
	v19 =	vsub.f32 v33, v19  }
0x60d: {  	v18 =	vmul.f32 v28, v18;
	v34 =	vsub.f32 v58, v32;
	v25 =	vsub.f32 v56, v35  }
0x60e: {  	v42 =	vmul.f32 v7, v37;
	v43 =	vbroadcast v10, $0xE;
	v23 =	vsub.f32 v49, v23  }
0x60f: {  	v15 =	vadd.f32 $0.0e+00, v15;
	v24 =	vsub.f32 v59, v31;
	v19 =	vmul.f32 v36, v19  }
0x610: {  	v36 =	vmul.f32 v6, v63;
	v40 =	vmul.f32 v47, v25;
	v47 =	vsub.f32 v53, v42;
	v53 =	vld [tilespmem:s30+$0x4A20]  }
0x611: {  	v17 =	vadd.f32 v21, v17;
	v59 =	vmul.f32 v7, v43;
	v15 =	vadd.f32 v22, v15  }
0x612: {  	v21 =	vsub.f32 v55, v38;
	v33 =	vmul.f32 v52, v24;
	v24 =	vmul.f32 v50, v34  }
0x613: {  	v50 =	vld [tilespmem:s30+$0x4A10];
	v52 =	vmul.f32 v8, v43;
	v63 =	vsub.f32 v27, v59;
	v15 =	vadd.f32 v18, v15  }
0x614: {  	v23 =	vmul.f32 v51, v23;
	v22 =	vadd.f32 $0.0e+00, v33;
	v18 =	vsub.f32 v57, v36  }
0x615: {  	v26 =	vld [tilespmem:s30+$0x4A00];
	v21 =	vmul.f32 v46, v21;
	v13 =	vsub.f32 v13, v52;
	v27 =	vmul.f32 v53, v63  }
0x616: {  	v39 =	vadd.f32 v24, v22;
	v18 =	vmul.f32 v48, v18;
	v48 =	vmul.f32 v9, v43  }
0x617: {  	v15 =	vadd.f32 v19, v15;
	v24 =	vsub.f32 v54, v41;
	v54 =	vbroadcast v10, $0xF  }
0x618: {  	v55 =	vld [tilespmem:s30+$0x4A40];
	v13 =	vmul.f32 v50, v13;
	v19 =	vadd.f32 v40, v39;
	v4 =	vsub.f32 v4, v48  }
0x619: {  	(xrf2) =	vadd.scan.msk.f32 $0xffff, v14;
	v62 =	vld [tilespmem:s30+$0x4A30];
	v21 =	vadd.f32 $0.0e+00, v21;
	v24 =	vmul.f32 v45, v24;
	v56 =	vmul.f32 v9, v54  }
0x61a: {  	v57 =	vld [tilespmem:s30+$0x4A50];
	v61 =	vmul.f32 v8, v54;
	v18 =	vadd.f32 v18, v19;
	v4 =	vmul.f32 v26, v4  }
0x61b: {  	s1 =	simm.s32 @!p0 $0x64;
	s2 =	simm.s32 @!p0 $0xD050;
	s0 =	sadd.s32 @!p0 $0x4E0, s31;
	(xrf2) =	vadd.scan.msk.f32 $0xffff, v16;
	v25 =	vld [tilespmem:s30+$0x4A60];
	v21 =	vadd.f32 v24, v21;
	v19 =	vmul.f32 v44, v47;
	v5 =	vsub.f32 v5, v56  }
0x61c: {  	(xrf2) =	vadd.scan.msk.f32 $0xffff, v17;
	v29 =	vld [tilespmem:s30+$0x4A70];
	[tilespmem:s2], [sflag:$0x3] =	stream.indirect.gather @!p0 [hbm4b:s4+s1], $0x40, s0, s1, $0xb8;
	v8 =	vsub.f32 v12, v61;
	v26 =	vmul.f32 v7, v54;
	v4 =	vadd.f32 $0.0e+00, v4  }
0x61d: {  	s0 =	sadd.s32 @!p0 $0x548, s31;
	s2 =	simm.s32 @!p0 $0xE950;
	v58 =	vadd.f32 v19, v21;
	v21 =	vmul.f32 v6, v43;
	v5 =	vmul.f32 v55, v5  }
0x61e: {  	[tilespmem:s2], [sflag:$0x3] =	stream.indirect.gather @!p0 [hbm4b:s4+s1], $0x40, s0, s1, $0xb8;
	v30 =	vmul.f32 v6, v54;
	v7 =	vsub.f32 v11, v26;
	v4 =	vadd.f32 v13, v4;
	[tilespmem:$0x13450] =	vst v63  }
0x61f: {  	(xrf2) =	vadd.scan.msk.f32 $0xffff, v15;
	v8 =	vmul.f32 v57, v8;
	v28 =	vsub.f32 v20, v21;
	v5 =	vadd.f32 $0.0e+00, v5  }
0x620: {  	(xrf2) =	vadd.scan.msk.f32 $0xffff, v18;
	v6 =	vsub.f32 v60, v30;
	v31 =	vadd.f32 v23, v58;
	v7 =	vmul.f32 v25, v7  }
0x621: {  	s0 =	sadd.s32 @!p0 $0x5B0, s31;
	s2 =	simm.s32 @!p0 $0x10250;
	v4 =	vadd.f32 v27, v4;
	v9 =	vmul.f32 v62, v28;
	v5 =	vadd.f32 v8, v5  }
0x622: {  	[tilespmem:s2], [sflag:$0x3] =	stream.indirect.gather @!p0 [hbm4b:s4+s1], $0x40, s0, s1, $0xb8;
	[tilespmem:$0x13450] =	vst v63  }
0x623: {  	v38 =	vld [tilespmem:$0x1FEC0];
	v32, _, _ =	vpop (xrf2);
	s0 =	sadd.s32 @!p0 $0x618, s31;
	s2 =	simm.s32 @!p0 $0x11B50;
	v6 =	vmul.f32 v29, v6;
	(xrf2) =	vadd.scan.msk.f32 $0xffff, v31;
	v4 =	vadd.f32 v9, v4;
	v5 =	vadd.f32 v7, v5  }
0x624: {  	v33 =	vimm.f32 $0.0e+00;
	[tilespmem:s2], [sflag:$0x3] =	stream.indirect.gather @!p0 [hbm4b:s4+s1], $0x40, s0, s1, $0xb8;
	v8 =	vbroadcast v32, $0xF;
	[tilespmem:$0x13450] =	vst v63  }
0x625: {  	v34 =	vsel vm4, $0x3F800000, v33;
	v35, _, _ =	vpop (xrf2);
	(xrf2) =	vadd.scan.msk.f32 $0xffff, v4;
	v5 =	vadd.f32 v6, v5  }
0x626: {  	v46 =	vmul.u32 $0x10, v2;
	v36 =	vbroadcast v35, $0xF;
	v40 =	vld [tilespmem:s29+$0x3300];
	v37, _, _ =	vpop (xrf2);
	v7 =	vmul.f32 v34, v8  }
0x627: {  	v41 =	vsel vm5, $0x3F800000, v33;
	v39 =	vbroadcast v37, $0xF;
	v4 =	vsel vm11, $0x3F800000, v33;
	(xrf2) =	vadd.scan.msk.f32 $0xffff, v5  }
0x628: {  	v50 =	vsel vm6, $0x3F800000, v33;
	v6 =	vadd.f32 v7, v38;
	v4 =	vmul.f32 v4, v36;
	v5 =	vld [tilespmem:s29+$0x3380]  }
0x629: {  	v45 =	vmov s29;
	v47 =	vsel vm13, $0x3F800000, v33;
	v43 =	vmul.f32 v41, v39;
	v42, _, _ =	vpop (xrf2)  }
0x62a: {  	v9 =	vshll.u32 v45, $0x4;
	v44 =	vbroadcast v42, $0xF;
	v48, _, _ =	vpop (xrf2);
	v4 =	vadd.f32 v4, v6  }
0x62b: {  	v8 =	vand.u32 $0xF, v40;
	v9 =	vor.u32 v46, v9;
	v7 =	vbroadcast v48, $0xF  }
0x62c: {  	v8 =	vor.u32 v9, v8;
	v6 =	vmul.f32 v47, v44;
	v4 =	vadd.f32 v43, v4  }
0x62d: {  	v51 =	vmul.f32 v50, v7;
	v49, _, _ =	vpop (xrf2);
	v5 =	vand.u32 $0xF, v5  }
0x62e: {  	v4 =	vadd.f32 v6, v4;
	v52 =	vbroadcast v49, $0xF;
	v5 =	vor.u32 v9, v5  }
0x62f: {  	v54 =	vsel vm14, $0x3F800000, v33;
	v62 =	vld [tilespmem:$0x1FFE0];
	v53, _, _ =	vpop (xrf2)  }
0x630: {  	v4 =	vadd.f32 v51, v4;
	v55 =	vmul.f32 v54, v52;
	v56 =	vbroadcast v53, $0xF  }
0x631: {  	v57 =	vsel vm7, $0x3F800000, v33;
	v8 =	vld.idx.msk [tilespmem:v8+s6+$0x0], $0xffff;
	v58, _, _ =	vpop (xrf2)  }
0x632: {  	v61 =	vld [tilespmem:s29+$0x6B50];
	v4 =	vadd.f32 v55, v4;
	v59 =	vmul.f32 v57, v56;
	v60 =	vbroadcast v58, $0xF  }
0x633: {  	v5 =	vld.idx.msk [tilespmem:v5+s7+$0x0], $0xffff  }
0x634: {  	v4 =	vadd.f32 v59, v4;
	v6 =	vmul.f32 v62, v60;
	_ =	sdelay $0x1  }
0x635: {  	s28 =	sadd.s32 $0x1, s28;
	v63 =	vadd.f32 $3.500000000e+00, v8;
	v4 =	vadd.f32 v6, v4  }
0x636: {  	p0 =	sne.s32 s28, $0x8  }
.Ltmp10:
0x637: {  	v6 =	vadd.f32 v5, v63;
	v4 =	vmul.f32 v61, v4;
	(pc) =	sbr.rel @p0 .LBB2_6-.Ltmp10, $4  }
0x638: {  	_ = 	snop  }
0x639: {  	[tilespmem:s29+$0x4580] =	vst v8;
	v4 =	vadd.f32 v4, v6  }
0x63a: {  	[tilespmem:s29+$0x4600] =	vst v5  }
0x63b: {  	[tilespmem:s29+$0x6BD0] =	vst v4  }
0x63c: {  	s0 =	rddreg [dreg:$0x10];
	s1 =	simm.s32 $0x6BD0  }
0x63d: {  	[hbm4b:s0+s17] =	stream.linear.scatter [tilespmem:s1], [sflag:$0x4], $0x80, $0x38;
	[tilespmem:$0x13450] =	vst v63  }
0x63e: {  	_ =	swait.ge [sflag:s3], $0x80  }
0x63f: {  	[sflag:s3] =	ssyncset.done $0x0  }
0x640: {  	s26 =	simm.s32 $0x4580;
	s25 =	rddreg [dreg:$0x11];
	[sflag:s3] =	ssyncadd.s32 $0xFFFFFF80  }
0x641: {  	[hbm4b:s25+s17] =	stream.linear.scatter [tilespmem:s26], [sflag:$0x4], $0x80, $0x38;
	[tilespmem:$0x13450] =	vst v63  }
0x642: {  	_ =	swait.ge [sflag:s3], $0x80  }
0x643: {  	[sflag:s3] =	ssyncset.done $0x0  }
0x644: {  	s29 =	simm.s32 $0x4600;
	s28 =	rddreg [dreg:$0x12];
	[sflag:s3] =	ssyncadd.s32 $0xFFFFFF80  }
0x645: {  	[hbm4b:s28+s17] =	stream.linear.scatter [tilespmem:s29], [sflag:$0x4], $0x80, $0x38;
	[tilespmem:$0x13450] =	vst v63  }
0x646: {  	_ =	swait.ge [sflag:s3], $0x80  }
0x647: {  	s30 =	rddreg [dreg:$0x14]  }
0x648: {  	s31 =	rddreg [dreg:$0x13];
	s1 =	sadd.s32 $0x1, s30  }
0x649: {  	p0 =	sne.s32 s1, s31  }
.Ltmp11:
0x64a: {  	_ = 	snop;
	(pc) =	sbr.rel @p0 .LBB2_1-.Ltmp11, $3  }
0x64b: {  	_ =	sdelay $0x1  }
0x64c: {  	[sflag:s3] =	ssyncset.done $0x0  }
0x64d: {  	[sflag:s3] =	ssyncadd.s32 $0xFFFFFF80  }
0x64e: {  	_ =	sfence.sel $0x180000  }
0x64f: {  	[bflag:$0x0] =	sbarrier.arrive $0xFFFF  }
0x650: {  	_ =	strace $0x90000047  }
0x651: {  	s0 =	stileid.u32;
	[bflag:$0x2] =	sbarrier.arrive $0xFFFF  }
0x652: {  	p0 =	sne.s32 s0, $0x0;
	s0 =	rddreg [dreg:$0x8]  }
0x653: {  	s0 =	sadd.s32 @!p0 $0x100000, s0  }
0x654: {  	[sflag:s0] =	ssyncadd.tile.s32 @!p0 $0x1;
	_ =	shalt  }
.Lfunc_end2:
_tile_overlayer_lowered:
.L_overlay_start_2:
0x655: {  	(tag) =	ssettag $0x2  }
0x656: {  	s0 =	rddreg [dreg:$0x0];
	s2 =	stileid.u32  }
0x657: {  	s1 =	rddreg [dreg:$0x1];
	p0 =	sne.s32 s2, $0x0  }
0x658: {  	s3 =	rddreg [dreg:$0x2];
	[bflag:$0x3] =	sbarrier.arrive $0xFFFF;
	s2 =	simm.s32 @!p0 $0x1C04  }
0x659: {  	[timem:s3], [sflag:s2] =	dma.local @!p0 [hbm:s0], s1  }
0x65a: {  	s0 =	simm.s32 @!p0 $0x4  }
0x65b: {  	_ =	swait.ge @!p0 [sflag:s0], s1  }
0x65c: {  	s1 =	ssub.s32 @!p0 $0x0, s1;
	[sflag:s0] =	ssyncset.done @!p0 $0x0  }
0x65d: {  	[sflag:s0] =	ssyncadd.s32 @!p0 s1  }
0x65e: {  	[bflag:$0x3] =	sbarrier.arrive $0xFFFF  }
0x65f: {  	_ =	shalt  }

</sc_bundles>
